<compile_context>
chip_gen: v7x
topology: tpu7x:2x2x1
jax: 0.10.2.dev20260603
libtpu: 0.0.44.dev20260713+nightly
codegen_flags: <defaults>
</compile_context>

<pallas_src>
import functools

import jax
import jax.numpy as jnp
from jax import lax
from jax.experimental import pallas as pl
from jax.experimental.pallas import tpu as pltpu
from jax.experimental.pallas import tpu_sc as plsc

BN = 256
EBN = 1024
KNN = 20
_UNROLL = False
_INTERPRET = False

_NEG = float("-inf")
_HI = lax.Precision.HIGHEST


_SC_W = 128


def _sc_mesh():
  return plsc.VectorSubcoreMesh(core_axis_name="c", subcore_axis_name="s")


def _sc_gather_rows(idxF, table, nidx):
  f32 = jnp.float32

  @functools.partial(
      pl.kernel,
      out_type=jax.ShapeDtypeStruct((nidx, 128), f32),
      mesh=_sc_mesh(),
  )
  def k(i_hbm, t_hbm, o_hbm):
    def body(i_v, o_v):
      pltpu.sync_copy(t_hbm.at[i_v.at[0]], o_v)

    pltpu.emit_pipeline(
        body,
        grid=(nidx // _SC_W,),
        in_specs=[pl.BlockSpec((1, _SC_W), lambda i: (0, i))],
        out_specs=[pl.BlockSpec((_SC_W, 128), lambda i: (i, 0))],
        core_axis_name=("c", "s"),
        dimension_semantics=(pltpu.PARALLEL,),
    )(i_hbm, o_hbm)

  return k(idxF, table)


def _sc_gather_scalar(levF, octF, tsc, nidx):
  f32 = jnp.float32

  @functools.partial(
      pl.kernel,
      out_type=jax.ShapeDtypeStruct((nidx, 128), f32),
      mesh=_sc_mesh(),
      scratch_types=[pltpu.VMEM((1, _SC_W), jnp.int32)],
  )
  def k(lev_hbm, oct_hbm, t_hbm, o_hbm, idx_s):
    def body(lev_v, oct_v, o_v):
      @pl.loop(0, _SC_W, step=16)
      def _(j):
        sl = (0, pl.ds(j, 16))
        idx_s[sl] = lev_v[sl] * 9 + oct_v[sl]

      pltpu.sync_copy(t_hbm.at[idx_s.at[0]], o_v)

    pltpu.emit_pipeline(
        body,
        grid=(nidx // _SC_W,),
        in_specs=[pl.BlockSpec((1, _SC_W), lambda i: (0, i))] * 2,
        out_specs=[pl.BlockSpec((_SC_W, 128), lambda i: (i, 0))],
        core_axis_name=("c", "s"),
        dimension_semantics=(pltpu.PARALLEL,),
    )(lev_hbm, oct_hbm, o_hbm)

  return k(levF, octF, tsc)


def _pairwise_block(x_ref, i, L, bn):
  f32 = jnp.float32
  x = x_ref[0]
  xblk = x_ref[0, pl.ds(i * bn, bn), :]
  g = lax.dot_general(xblk, x, (((1,), (1,)), ((), ())),
                      preferred_element_type=f32)
  xxall = jnp.sum(x * x, axis=1)
  xxblk = jnp.sum(xblk * xblk, axis=1)
  inner = -2.0 * g
  return (-xxblk[:, None]) - inner - xxall[None, :]


def _topk_passes(pd_s, body_fn, L, bn):
  iota = lax.broadcasted_iota(jnp.int32, (bn, L), 1)

  def one_pass(t, carry):
    pdv = pd_s[...]
    vmax = jnp.max(pdv, axis=1, keepdims=True)
    eq = pdv == vmax
    cand = jnp.where(eq, iota, L)
    pos = jnp.min(cand, axis=1, keepdims=True)
    h = iota == pos
    pd_s[...] = jnp.where(h, _NEG, pdv)
    body_fn(h.astype(jnp.bfloat16))
    return carry

  if _UNROLL:
    for t in range(KNN):
      one_pass(t, 0)
  else:
    lax.fori_loop(0, KNN, one_pass, 0, unroll=False)


def _edge_exact_kernel(x_ref, wt_ref, ymax_ref, part_ref,
                       pd_s, s_s, q_s, m_s, *, L, O, C, bn):
  f32 = jnp.float32
  i = pl.program_id(1)

  @pl.when(i == 0)
  def _():
    part_ref[...] = jnp.zeros(part_ref.shape, f32)

  bf16 = jnp.bfloat16
  x = x_ref[0]
  xblk = x_ref[0, pl.ds(i * bn, bn), :]
  pd_s[...] = _pairwise_block(x_ref, i, L, bn)
  s_s[...] = jnp.zeros((bn, O), f32)
  q_s[...] = jnp.zeros((bn, O), f32)
  m_s[...] = jnp.full((bn, O), _NEG, f32)

  xh = x.astype(bf16)
  r1 = x - xh.astype(f32)
  xl = r1.astype(bf16)
  xll = (r1 - xl.astype(f32)).astype(bf16)

  def body(hb):
    feat = (jnp.dot(hb, xh, preferred_element_type=f32)
            + jnp.dot(hb, xl, preferred_element_type=f32)) \
        + jnp.dot(hb, xll, preferred_element_type=f32)
    v = jnp.concatenate([feat - xblk, xblk], axis=1)
    y = jnp.dot(v, wt_ref[...], preferred_element_type=f32)
    s_s[...] += y
    q_s[...] += y * y
    m_s[...] = jnp.maximum(m_s[...], y)

  _topk_passes(pd_s, body, L, bn)

  ymax_ref[0] = m_s[...]
  zrow = jnp.zeros((1, O), f32)
  upd = jnp.concatenate([
      jnp.sum(s_s[...], axis=0)[None, :],
      jnp.sum(q_s[...], axis=0)[None, :],
      zrow, zrow, zrow, zrow, zrow, zrow], axis=0)
  part_ref[0] += upd


def _edge_fact_kernel(x_ref, wat_ref, wdt_ref, ymax_ref, part_ref,
                      z_s, w_s, pd_s, s_s, q_s, m_s, *, L, O):
  f32 = jnp.float32
  i = pl.program_id(1)

  @pl.when(i == 0)
  def _():
    x0 = x_ref[0]
    z_s[...] = jnp.dot(
        x0, wat_ref[...], preferred_element_type=f32).astype(jnp.bfloat16)
    w_s[...] = jnp.dot(x0, wdt_ref[...], preferred_element_type=f32)
    part_ref[...] = jnp.zeros(part_ref.shape, f32)

  pd_s[...] = _pairwise_block(x_ref, i, L, EBN)
  s_s[...] = jnp.zeros((EBN, O), f32)
  q_s[...] = jnp.zeros((EBN, O), f32)
  m_s[...] = jnp.full((EBN, O), _NEG, f32)

  def body(hb):
    gi = jnp.dot(hb, z_s[...], preferred_element_type=f32)
    s_s[...] += gi
    q_s[...] += gi * gi
    m_s[...] = jnp.maximum(m_s[...], gi)

  _topk_passes(pd_s, body, L, EBN)

  wblk = w_s[pl.ds(i * EBN, EBN), :]
  sv = s_s[...]
  ymax_ref[0] = m_s[...] + wblk
  zrow = jnp.zeros((1, O), f32)
  upd = jnp.concatenate([
      jnp.sum(sv, axis=0)[None, :],
      jnp.sum(q_s[...], axis=0)[None, :],
      jnp.sum(wblk * sv, axis=0)[None, :],
      jnp.sum(wblk, axis=0)[None, :],
      jnp.sum(wblk * wblk, axis=0)[None, :],
      zrow, zrow, zrow], axis=0)
  part_ref[0] += upd


def _finalize_kernel(ymax_ref, part_ref, gb_ref, emb_ref, xcat_ref, *,
                     cnt, O, fact):
  ps = part_ref[0] + part_ref[1]
  if fact:
    mu = (ps[0] + float(KNN) * ps[3]) / cnt
    e2 = (ps[1] + 2.0 * ps[2] + float(KNN) * ps[4]) / cnt
  else:
    mu = ps[0] / cnt
    e2 = ps[1] / cnt
  var = e2 - mu * mu
  sq = jnp.sqrt(var + 1e-5)
  v = (ymax_ref[0] - mu[None, :]) / sq[None, :] * gb_ref[0][None, :] \
      + gb_ref[1][None, :]
  v = jnp.where(v >= 0, v, 0.2 * v)
  xcat_ref[0, :, :O] = v
  xcat_ref[0, :, O:] = emb_ref[0]


def _head_kernel(x1_ref, x3_ref, x5_ref, wct_ref, y_ref, part_ref):
  f32 = jnp.float32
  i = pl.program_id(1)

  @pl.when(i == 0)
  def _():
    part_ref[...] = jnp.zeros(part_ref.shape, f32)

  xcat = jnp.concatenate([x1_ref[0], x3_ref[0], x5_ref[0]], axis=1)
  y = jnp.dot(xcat, wct_ref[...], preferred_element_type=f32)
  y_ref[0] = y
  zrow = jnp.zeros((1, 512), f32)
  upd = jnp.concatenate([
      jnp.sum(y, axis=0)[None, :],
      jnp.sum(y * y, axis=0)[None, :],
      zrow, zrow, zrow, zrow, zrow, zrow], axis=0)
  part_ref[0] += upd


def _pool_kernel(y_ref, part_ref, gb_ref, pool_ref, *, cnt):
  i = pl.program_id(1)
  ps = part_ref[0] + part_ref[1]
  mu = ps[0] / cnt
  var = ps[1] / cnt - mu * mu
  sq = jnp.sqrt(var + 1e-5)
  yn = (y_ref[0] - mu[None, :]) / sq[None, :] * gb_ref[0][None, :] \
      + gb_ref[1][None, :]
  yn = jnp.where(yn >= 0, yn, 0.2 * yn)

  @pl.when(i == 0)
  def _():
    pool_ref[...] = jnp.full(pool_ref.shape, _NEG, jnp.float32)
    pool_ref[0, 0, :] = jnp.zeros((512,), jnp.float32)

  pool_ref[0, 0, :] += jnp.sum(yn, axis=0)
  pool_ref[0, 1, :] = jnp.maximum(pool_ref[0, 1, :], jnp.max(yn, axis=0))


def _out_kernel(x5_ref, pool_ref, wmt_ref, bm_ref, o_ref, *, L):
  f32 = jnp.float32
  avg = pool_ref[0, 0, :] / float(L)
  mx = pool_ref[0, 1, :]
  big = jnp.concatenate([
      x5_ref[0],
      jnp.broadcast_to(avg[None, :], (BN, 512)),
      jnp.broadcast_to(mx[None, :], (BN, 512))], axis=1)
  o_ref[0] = jnp.dot(big, wmt_ref[...], preferred_element_type=f32) \
      + bm_ref[...]


_CP = pltpu.CompilerParams(dimension_semantics=("parallel", "arbitrary"))


def _edge_layer_exact(x, wt, B, L, O, bn):
  C = x.shape[-1]
  return pl.pallas_call(
      functools.partial(_edge_exact_kernel, L=L, O=O, C=C, bn=bn),
      grid=(B, L // bn),
      in_specs=[
          pl.BlockSpec((1, L, C), lambda b, i: (b, 0, 0)),
          pl.BlockSpec((2 * C, O), lambda b, i: (0, 0)),
      ],
      out_specs=[
          pl.BlockSpec((1, bn, O), lambda b, i: (b, i, 0)),
          pl.BlockSpec((1, 8, O), lambda b, i: (b, 0, 0)),
      ],
      out_shape=[
          jax.ShapeDtypeStruct((B, L, O), jnp.float32),
          jax.ShapeDtypeStruct((B, 8, O), jnp.float32),
      ],
      scratch_shapes=[
          pltpu.VMEM((bn, L), jnp.float32),
          pltpu.VMEM((bn, O), jnp.float32),
          pltpu.VMEM((bn, O), jnp.float32),
          pltpu.VMEM((bn, O), jnp.float32),
      ],
      compiler_params=_CP,
      interpret=_INTERPRET,
  )(x, wt)


def _edge_layer_fact(x, wat, wdt, B, L, O):
  C = x.shape[-1]
  return pl.pallas_call(
      functools.partial(_edge_fact_kernel, L=L, O=O),
      grid=(B, L // EBN),
      in_specs=[
          pl.BlockSpec((1, L, C), lambda b, i: (b, 0, 0)),
          pl.BlockSpec((C, O), lambda b, i: (0, 0)),
          pl.BlockSpec((C, O), lambda b, i: (0, 0)),
      ],
      out_specs=[
          pl.BlockSpec((1, EBN, O), lambda b, i: (b, i, 0)),
          pl.BlockSpec((1, 8, O), lambda b, i: (b, 0, 0)),
      ],
      out_shape=[
          jax.ShapeDtypeStruct((B, L, O), jnp.float32),
          jax.ShapeDtypeStruct((B, 8, O), jnp.float32),
      ],
      scratch_shapes=[
          pltpu.VMEM((L, O), jnp.bfloat16),
          pltpu.VMEM((L, O), jnp.float32),
          pltpu.VMEM((EBN, L), jnp.float32),
          pltpu.VMEM((EBN, O), jnp.float32),
          pltpu.VMEM((EBN, O), jnp.float32),
          pltpu.VMEM((EBN, O), jnp.float32),
      ],
      compiler_params=_CP,
      interpret=_INTERPRET,
  )(x, wat, wdt)


def _finalize_layer(ymax, part, gb, emb, B, L, O, E, fact):
  cnt = float(B * L * KNN)
  return pl.pallas_call(
      functools.partial(_finalize_kernel, cnt=cnt, O=O, fact=fact),
      grid=(B, L // BN),
      in_specs=[
          pl.BlockSpec((1, BN, O), lambda b, i: (b, i, 0)),
          pl.BlockSpec((B, 8, O), lambda b, i: (0, 0, 0)),
          pl.BlockSpec((2, O), lambda b, i: (0, 0)),
          pl.BlockSpec((1, BN, E), lambda b, i: (b, i, 0)),
      ],
      out_specs=pl.BlockSpec((1, BN, O + E), lambda b, i: (b, i, 0)),
      out_shape=jax.ShapeDtypeStruct((B, L, O + E), jnp.float32),
      compiler_params=_CP,
      interpret=_INTERPRET,
  )(ymax, part, gb, emb)


def kernel(occupy, level, octant, pos, e0_32, e1_32, e2_32, e0_128, e1_128,
           e2_128, e0_512, e1_512, e2_512, W1, g1, b1, W3, g3, b3, W5, g5,
           b5, Wc, gc, bc, Wm, bm):
  L, B, _ = pos.shape
  nb = L // BN
  f32 = jnp.float32

  occT = jnp.transpose(occupy, (1, 0, 2)).astype(jnp.int32)
  levT = jnp.transpose(level, (1, 0, 2)).astype(jnp.int32)
  octT = jnp.transpose(octant, (1, 0, 2)).astype(jnp.int32)
  xpos = jnp.transpose(pos, (1, 0, 2))

  wa5 = W5[:, :256]
  wat5, wdt5 = wa5.T, (W5[:, 256:] - wa5).T
  gb1 = jnp.stack([g1, b1])
  gb3 = jnp.stack([g3, b3])
  gb5 = jnp.stack([g5, b5])
  gbc = jnp.stack([gc, bc])
  bm2 = bm[None, :]

  nidx = B * L * 4
  occF = occT.reshape(1, nidx)
  levF = levT.reshape(1, nidx)
  octF = octT.reshape(1, nidx)
  t032 = jnp.pad(e0_32, ((0, 0), (0, 122)))
  t0128 = jnp.pad(e0_128, ((0, 0), (0, 98)))
  t0512 = jnp.pad(e0_512, ((0, 0), (0, 2)))
  tsc = jnp.pad(
      jnp.concatenate([
          jnp.repeat(e1_32, 9, axis=0), jnp.tile(e2_32, (19, 1)),
          jnp.repeat(e1_128, 9, axis=0), jnp.tile(e2_128, (19, 1)),
          jnp.repeat(e1_512, 9, axis=0), jnp.tile(e2_512, (19, 1)),
      ], axis=1), ((0, 0), (0, 122)))
  g32 = _sc_gather_rows(occF, t032, nidx)
  g128 = _sc_gather_rows(occF, t0128, nidx)
  g512 = _sc_gather_rows(occF, t0512, nidx)
  gsc = _sc_gather_scalar(levF, octF, tsc, nidx)
  emb32 = jnp.concatenate(
      [g32[:, :6].reshape(B, L, 4, 6), gsc[:, 0:2].reshape(B, L, 4, 2)],
      axis=-1).reshape(B, L, 32)
  emb128 = jnp.concatenate(
      [g128[:, :30].reshape(B, L, 4, 30), gsc[:, 2:4].reshape(B, L, 4, 2)],
      axis=-1).reshape(B, L, 128)
  emb512 = jnp.concatenate(
      [g512[:, :126].reshape(B, L, 4, 126), gsc[:, 4:6].reshape(B, L, 4, 2)],
      axis=-1).reshape(B, L, 512)

  ymax1, part1 = _edge_layer_exact(xpos, W1.T, B, L, 32, EBN)
  x1cat = _finalize_layer(ymax1, part1, gb1, emb32, B, L, 32, 32, False)

  ymax3, part3 = _edge_layer_exact(x1cat, W3.T, B, L, 128, EBN)
  x3cat = _finalize_layer(ymax3, part3, gb3, emb128, B, L, 128, 128, False)

  ymax5, part5 = _edge_layer_fact(x3cat, wat5, wdt5, B, L, 512)
  x5cat = _finalize_layer(ymax5, part5, gb5, emb512, B, L, 512, 512, True)

  ycat, partc = pl.pallas_call(
      _head_kernel,
      grid=(B, nb),
      in_specs=[
          pl.BlockSpec((1, BN, 64), lambda b, i: (b, i, 0)),
          pl.BlockSpec((1, BN, 256), lambda b, i: (b, i, 0)),
          pl.BlockSpec((1, BN, 1024), lambda b, i: (b, i, 0)),
          pl.BlockSpec((1344, 512), lambda b, i: (0, 0)),
      ],
      out_specs=[
          pl.BlockSpec((1, BN, 512), lambda b, i: (b, i, 0)),
          pl.BlockSpec((1, 8, 512), lambda b, i: (b, 0, 0)),
      ],
      out_shape=[
          jax.ShapeDtypeStruct((B, L, 512), f32),
          jax.ShapeDtypeStruct((B, 8, 512), f32),
      ],
      compiler_params=_CP,
      interpret=_INTERPRET,
  )(x1cat, x3cat, x5cat, Wc.T)

  pool = pl.pallas_call(
      functools.partial(_pool_kernel, cnt=float(B * L)),
      grid=(B, nb),
      in_specs=[
          pl.BlockSpec((1, BN, 512), lambda b, i: (b, i, 0)),
          pl.BlockSpec((B, 8, 512), lambda b, i: (0, 0, 0)),
          pl.BlockSpec((2, 512), lambda b, i: (0, 0)),
      ],
      out_specs=pl.BlockSpec((1, 8, 512), lambda b, i: (b, 0, 0)),
      out_shape=jax.ShapeDtypeStruct((B, 8, 512), f32),
      compiler_params=_CP,
      interpret=_INTERPRET,
  )(ycat, partc, gbc)

  outb = pl.pallas_call(
      functools.partial(_out_kernel, L=L),
      grid=(B, nb),
      in_specs=[
          pl.BlockSpec((1, BN, 1024), lambda b, i: (b, i, 0)),
          pl.BlockSpec((1, 8, 512), lambda b, i: (b, 0, 0)),
          pl.BlockSpec((2048, 512), lambda b, i: (0, 0)),
          pl.BlockSpec((1, 512), lambda b, i: (0, 0)),
      ],
      out_specs=pl.BlockSpec((1, BN, 512), lambda b, i: (b, i, 0)),
      out_shape=jax.ShapeDtypeStruct((B, L, 512), f32),
      compiler_params=_CP,
      interpret=_INTERPRET,
  )(x5cat, pool, Wm.T, bm2)

  return jnp.transpose(outb, (1, 0, 2))

# --- scband reference (transcript-rebuilt; emitter-appended) ---
"""Pipeline reference for scband-edge-conv-2980707303532 (READ-ONLY COPY).

The authoritative reference and input builder live on the scoring server;
editing this copy changes nothing except your own understanding.
"""

import jax, jax.numpy as jnp
import numpy as np

K = 20

def _knn_idx(x, k):
    # x: (B, C, N)
    inner = -2.0 * jnp.einsum('bcn,bcm->bnm', x, x)
    xx = jnp.sum(x * x, axis=1)
    pd = -xx[:, :, None] - inner - xx[:, None, :]
    return jax.lax.top_k(pd, k)[1]

def _graph_feature(x, k):
    B, C, N = x.shape
    idx = _knn_idx(x, k)  # (B, N, k)
    xt = jnp.transpose(x, (0, 2, 1))  # (B, N, C)
    feat = jax.vmap(lambda f, i: f[i])(xt, idx)  # (B, N, k, C)
    xc = jnp.broadcast_to(xt[:, :, None, :], (B, N, k, C))
    out = jnp.concatenate([feat - xc, xc], axis=3)
    return jnp.transpose(out, (0, 3, 1, 2))  # (B, 2C, N, k)

def _bn(x, g, b, axes):
    m = jnp.mean(x, axis=axes, keepdims=True)
    v = jnp.var(x, axis=axes, keepdims=True)
    sh = [1] * x.ndim
    sh[1] = -1
    return (x - m) / jnp.sqrt(v + 1e-5) * g.reshape(sh) + b.reshape(sh)

def _base_conv(x, W, g, b):
    y = jnp.einsum('oc,bcnk->bonk', W, x)
    y = _bn(y, g, b, (0, 2, 3))
    return jax.nn.leaky_relu(y, 0.2)

def setup_inputs(seed: int = 0):
    key = jax.random.key(seed)
    ks = jax.random.split(key, 24)
    L, B, NK = 2048, 2, 4
    def nrm(k, shape, s):
        return jax.random.normal(k, shape, dtype=jnp.float32) * s
    inp = {}
    inp['occupy'] = jax.random.randint(ks[0], (L, B, NK), 0, 257)
    inp['level'] = jax.random.randint(ks[1], (L, B, NK), 0, 19)
    inp['octant'] = jax.random.randint(ks[2], (L, B, NK), 0, 9)
    inp['pos'] = nrm(ks[3], (L, B, 3), 1.0)
    inp['e0_32'] = nrm(ks[4], (257, 6), 1.0).at[0].set(0.0)
    inp['e1_32'] = nrm(ks[5], (19, 1), 1.0)
    inp['e2_32'] = nrm(ks[6], (9, 1), 1.0)
    inp['e0_128'] = nrm(ks[7], (257, 30), 1.0).at[0].set(0.0)
    inp['e1_128'] = nrm(ks[8], (19, 1), 1.0)
    inp['e2_128'] = nrm(ks[9], (9, 1), 1.0)
    inp['e0_512'] = nrm(ks[10], (257, 126), 1.0).at[0].set(0.0)
    inp['e1_512'] = nrm(ks[11], (19, 1), 1.0)
    inp['e2_512'] = nrm(ks[12], (9, 1), 1.0)
    inp['W1'] = nrm(ks[13], (32, 6), 0.3)
    inp['g1'] = jnp.ones((32,), jnp.float32)
    inp['b1'] = jnp.zeros((32,), jnp.float32)
    inp['W3'] = nrm(ks[14], (128, 128), 0.08)
    inp['g3'] = jnp.ones((128,), jnp.float32)
    inp['b3'] = jnp.zeros((128,), jnp.float32)
    inp['W5'] = nrm(ks[15], (512, 512), 0.04)
    inp['g5'] = jnp.ones((512,), jnp.float32)
    inp['b5'] = jnp.zeros((512,), jnp.float32)
    inp['Wc'] = nrm(ks[16], (512, 1344), 0.03)
    inp['gc'] = jnp.ones((512,), jnp.float32)
    inp['bc'] = jnp.zeros((512,), jnp.float32)
    inp['Wm'] = nrm(ks[17], (512, 2048), 0.02)
    inp['bm'] = jnp.zeros((512,), jnp.float32)
    return inp

def reference(occupy, level, octant, pos, e0_32, e1_32, e2_32, e0_128, e1_128, e2_128, e0_512, e1_512, e2_512, W1, g1, b1, W3, g3, b3, W5, g5, b5, Wc, gc, bc, Wm, bm):
    L, B, _ = pos.shape
    k = min(K, L)
    def emb(t0, t1, t2):
        e = jnp.concatenate([t0[occupy], t1[level], t2[octant]], axis=-1)
        return e.reshape(e.shape[0], e.shape[1], -1)
    emb32 = emb(e0_32, e1_32, e2_32)    # (L, B, 32)
    emb128 = emb(e0_128, e1_128, e2_128)  # (L, B, 128)
    emb512 = emb(e0_512, e1_512, e2_512)  # (L, B, 512)
    x = jnp.transpose(pos, (1, 2, 0))   # (B, 3, L)
    x1 = _base_conv(_graph_feature(x, k), W1, g1, b1)
    x1 = jnp.transpose(jnp.max(x1, axis=-1), (2, 0, 1))
    x1 = jnp.transpose(jnp.concatenate([x1, emb32], axis=-1), (1, 2, 0))  # (B, 64, L)
    x3 = _base_conv(_graph_feature(x1, k), W3, g3, b3)
    x3 = jnp.transpose(jnp.max(x3, axis=-1), (2, 0, 1))
    x3 = jnp.transpose(jnp.concatenate([x3, emb128], axis=-1), (1, 2, 0))  # (B, 256, L)
    x5 = _base_conv(_graph_feature(x3, k), W5, g5, b5)
    x5 = jnp.transpose(jnp.max(x5, axis=-1), (2, 0, 1))
    x5 = jnp.transpose(jnp.concatenate([x5, emb512], axis=-1), (1, 2, 0))  # (B, 1024, L)
    xcat = jnp.concatenate([x1, x3, x5], axis=1)  # (B, 1344, L)
    y = jnp.einsum('oc,bcl->bol', Wc, xcat)
    y = _bn(y, gc, bc, (0, 2))
    y = jax.nn.leaky_relu(y, 0.2)  # (B, 512, L)
    x_avg = jnp.broadcast_to(jnp.mean(y, axis=-1)[None], (L, B, 512))
    x_max = jnp.broadcast_to(jnp.max(y, axis=-1)[None], (L, B, 512))
    out = jnp.concatenate([jnp.transpose(x5, (2, 0, 1)), x_avg, x_max], axis=-1)  # (L, B, 2048)
    out = jnp.einsum('lbi,oi->lbo', out, Wm) + bm
    return out

if __name__ == "__main__":
    import jax
    _d = setup_inputs()
    print(jax.jit(kernel)(*tuple(_d.values())))

</pallas_src>

<mosaic_0001>
#map = affine_map<(d0, d1) -> (0, 0)>
module attributes {stable_mosaic.version = 14 : i64} {
  func.func @k(%arg0: i32, %arg1: i32, %arg2: memref<1x16384xi32, #tpu.memory_space<hbm>>, %arg3: memref<257x128xf32, #tpu.memory_space<hbm>>, %arg4: memref<16384x128xf32, #tpu.memory_space<hbm>>) attributes {dimension_semantics = [#tpu.dimension_semantics<core_parallel>, #tpu.dimension_semantics<subcore_parallel>], iteration_bounds = array<i64: 2, 16>, scalar_prefetch = 0 : i64, scratch_operands = 0 : i64, tpu.core_type = #tpu.core_type<sc_vector_subcore>, window_params = [{transform_indices = #map}, {transform_indices = #map}, {transform_indices = #map}]} {
    %mul3A = arith.constant 1 : i32
    %mul3A_0 = arith.muli %arg1, %mul3A : i32
    %add3A = arith.constant 0 : i32
    %add3A_1 = arith.addi %add3A, %mul3A_0 : i32
    %mul3A_2 = arith.constant 16 : i32
    %mul3A_3 = arith.muli %arg0, %mul3A_2 : i32
    %add3A_4 = arith.addi %add3A_1, %mul3A_3 : i32
    %mul3A_5 = arith.constant 4 : i32
    %mul3A_6 = arith.muli %add3A_4, %mul3A_5 : i32
    "tpu.region"() ({
      %run_scoped3A = memref.alloca() : memref<2x1x128xi32, #tpu.memory_space<vmem>>
      %run_scoped3A_7 = tpu.sem_alloc : memref<2x!tpu.dma_semaphore, #tpu.memory_space<semaphore_mem>>
      %run_scoped3A_8 = memref.alloca() : memref<2x128x128xf32, #tpu.memory_space<vmem>>
      %run_scoped3A_9 = tpu.sem_alloc : memref<2x!tpu.dma_semaphore, #tpu.memory_space<semaphore_mem>>
      %add3A_10 = arith.constant 0 : i32
      %add3A_11 = arith.addi %add3A_10, %mul3A_6 : i32
      %select_n3A = arith.constant true
      %select_n3A_12 = arith.constant 0 : i32
      %select_n3A_13 = arith.constant -1 : i32
      %select_n3A_14 = arith.select %select_n3A, %select_n3A_13, %select_n3A_12 : i32
      %eq3A = arith.constant -1 : i32
      %eq3A_15 = arith.cmpi eq, %select_n3A_14, %eq3A : i32
      %select_n3A_16 = arith.constant 3 : i32
      %select_n3A_17 = arith.select %eq3A_15, %select_n3A_16, %select_n3A_14 : i32
      %add3A_18 = arith.addi %select_n3A_17, %mul3A_6 : i32
      %select_n3A_19 = arith.constant true
      %select_n3A_20 = arith.constant 0 : i32
      %select_n3A_21 = arith.constant 1 : i32
      %select_n3A_22 = arith.select %select_n3A_19, %select_n3A_21, %select_n3A_20 : i32
      %eq3A_23 = arith.constant 4 : i32
      %eq3A_24 = arith.cmpi eq, %select_n3A_22, %eq3A_23 : i32
      %select_n3A_25 = arith.constant 0 : i32
      %select_n3A_26 = arith.select %eq3A_24, %select_n3A_25, %select_n3A_22 : i32
      %add3A_27 = arith.addi %select_n3A_26, %mul3A_6 : i32
      %add3A_28 = arith.constant 1 : i32
      %add3A_29 = arith.addi %select_n3A_26, %add3A_28 : i32
      %select_n3A_30 = arith.constant true
      %select_n3A_31 = arith.select %select_n3A_30, %add3A_29, %select_n3A_26 : i32
      %eq3A_32 = arith.constant 4 : i32
      %eq3A_33 = arith.cmpi eq, %select_n3A_31, %eq3A_32 : i32
      %select_n3A_34 = arith.constant 0 : i32
      %select_n3A_35 = arith.select %eq3A_33, %select_n3A_34, %select_n3A_31 : i32
      %add3A_36 = arith.addi %select_n3A_35, %mul3A_6 : i32
      "tpu.trace_start"() <{level = 10 : i32, message = "ep_initialize_0"}> : () -> ()
      %rem3A = arith.constant 0 : i32
      %rem3A_37 = arith.constant 2 : i32
      %rem3A_38 = arith.remui %rem3A, %rem3A_37 : i32
      %mul3A_39 = arith.constant 128 : i32
      %mul3A_40 = arith.muli %mul3A_39, %add3A_11 : i32
      %dma_start3A = arith.constant 0 : i32
      %dma_start3A_41 = arith.constant 0 : i32
      %dma_start3A_42 = tpu.memref_slice %run_scoped3A[%rem3A_38, %dma_start3A, %dma_start3A_41] : memref<2x1x128xi32, #tpu.memory_space<vmem>> -> memref<1x1x128xi32, #tpu.memory_space<vmem>>
      %dma_start3A_43 = tpu.memref_squeeze %dma_start3A_42 : memref<1x1x128xi32, #tpu.memory_space<vmem>> -> memref<1x128xi32, #tpu.memory_space<vmem>>
      %dma_start3A_44 = arith.constant 0 : i32
      %dma_start3A_45 = tpu.memref_slice %arg2[%dma_start3A_44, %mul3A_40] : memref<1x16384xi32, #tpu.memory_space<hbm>> -> memref<1x128xi32, #tpu.memory_space<hbm>>
      %dma_start3A_46 = tpu.memref_slice %run_scoped3A_7[%rem3A_38] : memref<2x!tpu.dma_semaphore, #tpu.memory_space<semaphore_mem>> -> memref<1x!tpu.dma_semaphore, #tpu.memory_space<semaphore_mem>>
      %dma_start3A_47 = tpu.memref_squeeze %dma_start3A_46 : memref<1x!tpu.dma_semaphore, #tpu.memory_space<semaphore_mem>> -> memref<!tpu.dma_semaphore, #tpu.memory_space<semaphore_mem>>
      %dma_start3A_48 = arith.constant 0 : i32
      %dma_start3A_49 = arith.constant 0 : i32
      %dma_start3A_50 = tpu.memref_slice %run_scoped3A[%rem3A_38, %dma_start3A_48, %dma_start3A_49] : memref<2x1x128xi32, #tpu.memory_space<vmem>> -> memref<1x1x128xi32, #tpu.memory_space<vmem>>
      %dma_start3A_51 = tpu.memref_squeeze %dma_start3A_50 : memref<1x1x128xi32, #tpu.memory_space<vmem>> -> memref<1x128xi32, #tpu.memory_space<vmem>>
      %dma_start3A_52 = arith.constant 0 : i32
      %dma_start3A_53 = tpu.memref_slice %arg2[%dma_start3A_52, %mul3A_40] : memref<1x16384xi32, #tpu.memory_space<hbm>> -> memref<1x128xi32, #tpu.memory_space<hbm>>
      tpu.enqueue_dma source(%dma_start3A_53 : memref<1x128xi32, #tpu.memory_space<hbm>>) target(%dma_start3A_51 : memref<1x128xi32, #tpu.memory_space<vmem>>) target_semaphore(%dma_start3A_47 : memref<!tpu.dma_semaphore, #tpu.memory_space<semaphore_mem>>)
      %add3A_54 = arith.constant 0 : i32
      %add3A_55 = arith.constant 1 : i32
      %add3A_56 = arith.addi %add3A_54, %add3A_55 : i32
      %select_n3A_57 = arith.constant true
      %select_n3A_58 = arith.constant 0 : i32
      %select_n3A_59 = arith.select %select_n3A_57, %add3A_56, %select_n3A_58 : i32
      "tpu.trace_stop"() : () -> ()
      %scan3A = arith.constant 0 : i32
      %scan3A_60 = arith.constant 0 : i32
      %scan3A_61 = arith.constant 0 : i32
      %scan3A_62 = arith.constant 0 : i32
      %scan3A_63 = arith.constant 0 : i32
      %scan3A_64 = arith.constant 4 : i32
      %scan3A_65 = arith.addi %scan3A_63, %scan3A_64 : i32
      %scan3A_66 = arith.constant 1 : i32
      %scan3A_67:5 = scf.for %scan3A_121 = %scan3A_63 to %scan3A_65 step %scan3A_66 iter_args(%scan3A_122 = %select_n3A_59, %scan3A_123 = %scan3A, %scan3A_124 = %scan3A_60, %scan3A_125 = %scan3A_61, %scan3A_126 = %scan3A_62) -> (i32, i32, i32, i32, i32)  : i32 {
        %eq3A_127 = arith.constant 0 : i32
        %eq3A_128 = arith.cmpi eq, %scan3A_121, %eq3A_127 : i32
        %eq3A_129 = arith.constant 3 : i32
        %eq3A_130 = arith.cmpi eq, %scan3A_121, %eq3A_129 : i32
        %add3A_131 = arith.addi %scan3A_126, %mul3A_6 : i32
        %sub3A_132 = arith.constant 1 : i32
        %sub3A_133 = arith.subi %scan3A_126, %sub3A_132 : i32
        %select_n3A_134 = arith.constant true
        %select_n3A_135 = arith.select %select_n3A_134, %sub3A_133, %scan3A_126 : i32
        %eq3A_136 = arith.constant -1 : i32
        %eq3A_137 = arith.cmpi eq, %select_n3A_135, %eq3A_136 : i32
        %select_n3A_138 = arith.constant 3 : i32
        %select_n3A_139 = arith.select %eq3A_137, %select_n3A_138, %select_n3A_135 : i32
        %add3A_140 = arith.addi %select_n3A_139, %mul3A_6 : i32
        %add3A_141 = arith.constant 1 : i32
        %add3A_142 = arith.addi %scan3A_126, %add3A_141 : i32
        %select_n3A_143 = arith.constant true
        %select_n3A_144 = arith.select %select_n3A_143, %add3A_142, %scan3A_126 : i32
        %eq3A_145 = arith.constant 4 : i32
        %eq3A_146 = arith.cmpi eq, %select_n3A_144, %eq3A_145 : i32
        %select_n3A_147 = arith.constant 0 : i32
        %select_n3A_148 = arith.select %eq3A_146, %select_n3A_147, %select_n3A_144 : i32
        %add3A_149 = arith.addi %select_n3A_148, %mul3A_6 : i32
        %add3A_150 = arith.constant 1 : i32
        %add3A_151 = arith.addi %select_n3A_148, %add3A_150 : i32
        %select_n3A_152 = arith.constant true
        %select_n3A_153 = arith.select %select_n3A_152, %add3A_151, %select_n3A_148 : i32
        %eq3A_154 = arith.constant 4 : i32
        %eq3A_155 = arith.cmpi eq, %select_n3A_153, %eq3A_154 : i32
        %select_n3A_156 = arith.constant 0 : i32
        %select_n3A_157 = arith.select %eq3A_155, %select_n3A_156, %select_n3A_153 : i32
        %add3A_158 = arith.addi %select_n3A_157, %mul3A_6 : i32
        %ne3A = arith.cmpi ne, %add3A_131, %add3A_149 : i32
        %or3A = arith.constant false
        %or3A_159 = arith.ori %or3A, %ne3A : i1
        %ge3A = arith.constant 3 : i32
        %ge3A_160 = arith.cmpi sge, %scan3A_121, %ge3A : i32
        %not3A = arith.constant true
        %not3A_161 = arith.xori %ge3A_160, %not3A : i1
        %and3A = arith.andi %or3A_159, %not3A_161 : i1
        %convert_element_type3A = arith.extui %and3A : i1 to i32
        %cond3A = arith.constant 0 : i32
        %cond3A_162 = arith.cmpi ne, %convert_element_type3A, %cond3A : i32
        scf.if %cond3A_162 {
          "tpu.trace_start"() <{level = 10 : i32, message = "ep_copy_in"}> : () -> ()
          %rem3A_264 = arith.constant 2 : i32
          %rem3A_265 = arith.remui %scan3A_122, %rem3A_264 : i32
          %mul3A_266 = arith.constant 128 : i32
          %mul3A_267 = arith.muli %mul3A_266, %add3A_149 : i32
          %dma_start3A_268 = arith.constant 0 : i32
          %dma_start3A_269 = arith.constant 0 : i32
          %dma_start3A_270 = tpu.memref_slice %run_scoped3A[%rem3A_265, %dma_start3A_268, %dma_start3A_269] : memref<2x1x128xi32, #tpu.memory_space<vmem>> -> memref<1x1x128xi32, #tpu.memory_space<vmem>>
          %dma_start3A_271 = tpu.memref_squeeze %dma_start3A_270 : memref<1x1x128xi32, #tpu.memory_space<vmem>> -> memref<1x128xi32, #tpu.memory_space<vmem>>
          %dma_start3A_272 = arith.constant 0 : i32
          %dma_start3A_273 = tpu.memref_slice %arg2[%dma_start3A_272, %mul3A_267] : memref<1x16384xi32, #tpu.memory_space<hbm>> -> memref<1x128xi32, #tpu.memory_space<hbm>>
          %dma_start3A_274 = tpu.memref_slice %run_scoped3A_7[%rem3A_265] : memref<2x!tpu.dma_semaphore, #tpu.memory_space<semaphore_mem>> -> memref<1x!tpu.dma_semaphore, #tpu.memory_space<semaphore_mem>>
          %dma_start3A_275 = tpu.memref_squeeze %dma_start3A_274 : memref<1x!tpu.dma_semaphore, #tpu.memory_space<semaphore_mem>> -> memref<!tpu.dma_semaphore, #tpu.memory_space<semaphore_mem>>
          %dma_start3A_276 = arith.constant 0 : i32
          %dma_start3A_277 = arith.constant 0 : i32
          %dma_start3A_278 = tpu.memref_slice %run_scoped3A[%rem3A_265, %dma_start3A_276, %dma_start3A_277] : memref<2x1x128xi32, #tpu.memory_space<vmem>> -> memref<1x1x128xi32, #tpu.memory_space<vmem>>
          %dma_start3A_279 = tpu.memref_squeeze %dma_start3A_278 : memref<1x1x128xi32, #tpu.memory_space<vmem>> -> memref<1x128xi32, #tpu.memory_space<vmem>>
          %dma_start3A_280 = arith.constant 0 : i32
          %dma_start3A_281 = tpu.memref_slice %arg2[%dma_start3A_280, %mul3A_267] : memref<1x16384xi32, #tpu.memory_space<hbm>> -> memref<1x128xi32, #tpu.memory_space<hbm>>
          tpu.enqueue_dma source(%dma_start3A_281 : memref<1x128xi32, #tpu.memory_space<hbm>>) target(%dma_start3A_279 : memref<1x128xi32, #tpu.memory_space<vmem>>) target_semaphore(%dma_start3A_275 : memref<!tpu.dma_semaphore, #tpu.memory_space<semaphore_mem>>)
          "tpu.trace_stop"() : () -> ()
        } else {
        }
        %and3A_163 = arith.constant true
        %and3A_164 = arith.andi %and3A, %and3A_163 : i1
        %add3A_165 = arith.constant 1 : i32
        %add3A_166 = arith.addi %scan3A_122, %add3A_165 : i32
        %select_n3A_167 = arith.select %and3A_164, %add3A_166, %scan3A_122 : i32
        %ne3A_168 = arith.cmpi ne, %add3A_131, %add3A_149 : i32
        %or3A_169 = arith.constant false
        %or3A_170 = arith.ori %or3A_169, %ne3A_168 : i1
        %or3A_171 = arith.constant false
        %or3A_172 = arith.ori %or3A_170, %or3A_171 : i1
        %ge3A_173 = arith.constant 3 : i32
        %ge3A_174 = arith.cmpi sge, %scan3A_121, %ge3A_173 : i32
        %not3A_175 = arith.constant true
        %not3A_176 = arith.xori %ge3A_174, %not3A_175 : i1
        %and3A_177 = arith.andi %or3A_172, %not3A_176 : i1
        %ne3A_178 = arith.cmpi ne, %add3A_131, %add3A_140 : i32
        %or3A_179 = arith.constant false
        %or3A_180 = arith.ori %or3A_179, %ne3A_178 : i1
        %or3A_181 = arith.ori %or3A_180, %eq3A_128 : i1
        %convert_element_type3A_182 = arith.extui %or3A_181 : i1 to i32
        %cond3A_183 = arith.constant 0 : i32
        %cond3A_184 = arith.cmpi ne, %convert_element_type3A_182, %cond3A_183 : i32
        scf.if %cond3A_184 {
          "tpu.trace_start"() <{level = 10 : i32, message = "ep_wait_in"}> : () -> ()
          %mul3A_264 = arith.constant 128 : i32
          %mul3A_265 = arith.muli %mul3A_264, %add3A_131 : i32
          %rem3A_266 = arith.constant 2 : i32
          %rem3A_267 = arith.remui %scan3A_123, %rem3A_266 : i32
          %dma_wait3A_268 = arith.constant 0 : i32
          %dma_wait3A_269 = arith.constant 0 : i32
          %dma_wait3A_270 = tpu.memref_slice %run_scoped3A[%rem3A_267, %dma_wait3A_268, %dma_wait3A_269] : memref<2x1x128xi32, #tpu.memory_space<vmem>> -> memref<1x1x128xi32, #tpu.memory_space<vmem>>
          %dma_wait3A_271 = tpu.memref_squeeze %dma_wait3A_270 : memref<1x1x128xi32, #tpu.memory_space<vmem>> -> memref<1x128xi32, #tpu.memory_space<vmem>>
          %dma_wait3A_272 = arith.constant 0 : i32
          %dma_wait3A_273 = tpu.memref_slice %arg2[%dma_wait3A_272, %mul3A_265] : memref<1x16384xi32, #tpu.memory_space<hbm>> -> memref<1x128xi32, #tpu.memory_space<hbm>>
          %dma_wait3A_274 = tpu.memref_slice %run_scoped3A_7[%rem3A_267] : memref<2x!tpu.dma_semaphore, #tpu.memory_space<semaphore_mem>> -> memref<1x!tpu.dma_semaphore, #tpu.memory_space<semaphore_mem>>
          %dma_wait3A_275 = tpu.memref_squeeze %dma_wait3A_274 : memref<1x!tpu.dma_semaphore, #tpu.memory_space<semaphore_mem>> -> memref<!tpu.dma_semaphore, #tpu.memory_space<semaphore_mem>>
          %dma_wait3A_276 = arith.constant 0 : i32
          %dma_wait3A_277 = arith.constant 0 : i32
          %dma_wait3A_278 = tpu.memref_slice %run_scoped3A[%rem3A_267, %dma_wait3A_276, %dma_wait3A_277] : memref<2x1x128xi32, #tpu.memory_space<vmem>> -> memref<1x1x128xi32, #tpu.memory_space<vmem>>
          %dma_wait3A_279 = tpu.memref_squeeze %dma_wait3A_278 : memref<1x1x128xi32, #tpu.memory_space<vmem>> -> memref<1x128xi32, #tpu.memory_space<vmem>>
          %dma_wait3A_280 = arith.constant 0 : i32
          %dma_wait3A_281 = tpu.memref_slice %arg2[%dma_wait3A_280, %mul3A_265] : memref<1x16384xi32, #tpu.memory_space<hbm>> -> memref<1x128xi32, #tpu.memory_space<hbm>>
          tpu.wait_dma2 semaphore(%dma_wait3A_275 : memref<!tpu.dma_semaphore, #tpu.memory_space<semaphore_mem>>) src(%dma_wait3A_281 : memref<1x128xi32, #tpu.memory_space<hbm>>) dst(%dma_wait3A_279 : memref<1x128xi32, #tpu.memory_space<vmem>>)
          "tpu.trace_stop"() : () -> ()
        } else {
        }
        %ne3A_185 = arith.cmpi ne, %add3A_131, %add3A_140 : i32
        %or3A_186 = arith.constant false
        %or3A_187 = arith.ori %or3A_186, %ne3A_185 : i1
        %or3A_188 = arith.constant false
        %or3A_189 = arith.ori %or3A_187, %or3A_188 : i1
        %or3A_190 = arith.ori %or3A_189, %eq3A_128 : i1
        %convert_element_type3A_191 = arith.extui %or3A_190 : i1 to i32
        %cond3A_192 = arith.constant 0 : i32
        %cond3A_193 = arith.cmpi ne, %convert_element_type3A_191, %cond3A_192 : i32
        scf.if %cond3A_193 {
        } else {
        }
        %rem3A_194 = arith.constant 2 : i32
        %rem3A_195 = arith.remui %scan3A_123, %rem3A_194 : i32
        %rem3A_196 = arith.constant 2 : i32
        %rem3A_197 = arith.remui %scan3A_124, %rem3A_196 : i32
        %run_scoped3A_198 = arith.constant 0 : i32
        "tpu.trace_start"() <{level = 10 : i32, message = "ep_run_kernel"}> : () -> ()
        "tpu.region"() ({
          %run_scoped3A_264 = tpu.sem_alloc : memref<!tpu.dma_semaphore, #tpu.memory_space<semaphore_mem>>
          %dma_start3A_265 = arith.constant 0 : i32
          %dma_start3A_266 = arith.constant 0 : i32
          %dma_start3A_267 = tpu.memref_slice %run_scoped3A_8[%rem3A_197, %dma_start3A_265, %dma_start3A_266] : memref<2x128x128xf32, #tpu.memory_space<vmem>> -> memref<1x128x128xf32, #tpu.memory_space<vmem>>
          %dma_start3A_268 = tpu.memref_squeeze %dma_start3A_267 : memref<1x128x128xf32, #tpu.memory_space<vmem>> -> memref<128x128xf32, #tpu.memory_space<vmem>>
          %dma_start3A_269 = arith.constant 0 : i32
          %dma_start3A_270 = arith.constant 0 : i32
          %dma_start3A_271 = tpu.memref_slice %run_scoped3A[%rem3A_195, %dma_start3A_269, %dma_start3A_270] : memref<2x1x128xi32, #tpu.memory_space<vmem>> -> memref<1x1x128xi32, #tpu.memory_space<vmem>>
          %dma_start3A_272 = tpu.memref_squeeze %dma_start3A_271 : memref<1x1x128xi32, #tpu.memory_space<vmem>> -> memref<1x128xi32, #tpu.memory_space<vmem>>
          %dma_start3A_273 = arith.constant 0 : i32
          %dma_start3A_274 = tpu.memref_slice %dma_start3A_272[%run_scoped3A_198, %dma_start3A_273] : memref<1x128xi32, #tpu.memory_space<vmem>> -> memref<1x128xi32, #tpu.memory_space<vmem>>
          %dma_start3A_275 = tpu.memref_squeeze %dma_start3A_274 : memref<1x128xi32, #tpu.memory_space<vmem>> -> memref<128xi32, #tpu.memory_space<vmem>>
          %dma_start3A_276 = arith.constant 0 : i32
          %dma_start3A_277 = arith.constant 0 : i32
          %dma_start3A_278 = tpu.memref_slice %arg3[%dma_start3A_276, %dma_start3A_277] : memref<257x128xf32, #tpu.memory_space<hbm>> -> memref<257x128xf32, #tpu.memory_space<hbm>>
          tpu.enqueue_indirect_dma source(%dma_start3A_278 : memref<257x128xf32, #tpu.memory_space<hbm>>) target(%dma_start3A_268 : memref<128x128xf32, #tpu.memory_space<vmem>>) offsets(%dma_start3A_275 : memref<128xi32, #tpu.memory_space<vmem>>) semaphore(%run_scoped3A_264 : memref<!tpu.dma_semaphore, #tpu.memory_space<semaphore_mem>>)
          %dma_wait3A_279 = arith.constant 0 : i32
          %dma_wait3A_280 = arith.constant 0 : i32
          %dma_wait3A_281 = tpu.memref_slice %run_scoped3A_8[%rem3A_197, %dma_wait3A_279, %dma_wait3A_280] : memref<2x128x128xf32, #tpu.memory_space<vmem>> -> memref<1x128x128xf32, #tpu.memory_space<vmem>>
          %dma_wait3A_282 = tpu.memref_squeeze %dma_wait3A_281 : memref<1x128x128xf32, #tpu.memory_space<vmem>> -> memref<128x128xf32, #tpu.memory_space<vmem>>
          %dma_wait3A_283 = arith.constant 0 : i32
          %dma_wait3A_284 = arith.constant 0 : i32
          %dma_wait3A_285 = tpu.memref_slice %run_scoped3A[%rem3A_195, %dma_wait3A_283, %dma_wait3A_284] : memref<2x1x128xi32, #tpu.memory_space<vmem>> -> memref<1x1x128xi32, #tpu.memory_space<vmem>>
          %dma_wait3A_286 = tpu.memref_squeeze %dma_wait3A_285 : memref<1x1x128xi32, #tpu.memory_space<vmem>> -> memref<1x128xi32, #tpu.memory_space<vmem>>
          %dma_wait3A_287 = arith.constant 0 : i32
          %dma_wait3A_288 = tpu.memref_slice %dma_wait3A_286[%run_scoped3A_198, %dma_wait3A_287] : memref<1x128xi32, #tpu.memory_space<vmem>> -> memref<1x128xi32, #tpu.memory_space<vmem>>
          %dma_wait3A_289 = tpu.memref_squeeze %dma_wait3A_288 : memref<1x128xi32, #tpu.memory_space<vmem>> -> memref<128xi32, #tpu.memory_space<vmem>>
          %dma_wait3A_290 = arith.constant 0 : i32
          %dma_wait3A_291 = arith.constant 0 : i32
          %dma_wait3A_292 = tpu.memref_slice %arg3[%dma_wait3A_290, %dma_wait3A_291] : memref<257x128xf32, #tpu.memory_space<hbm>> -> memref<257x128xf32, #tpu.memory_space<hbm>>
          tpu.wait_indirect_dma semaphore(%run_scoped3A_264 : memref<!tpu.dma_semaphore, #tpu.memory_space<semaphore_mem>>) src(%dma_wait3A_292 : memref<257x128xf32, #tpu.memory_space<hbm>>) dst(%dma_wait3A_282 : memref<128x128xf32, #tpu.memory_space<vmem>>)
          tpu.yield
        }) : () -> ()
        "tpu.trace_stop"() : () -> ()
        %ne3A_199 = arith.cmpi ne, %add3A_131, %add3A_149 : i32
        %or3A_200 = arith.constant false
        %or3A_201 = arith.ori %or3A_200, %ne3A_199 : i1
        %or3A_202 = arith.ori %or3A_201, %eq3A_130 : i1
        %convert_element_type3A_203 = arith.extui %or3A_202 : i1 to i32
        %cond3A_204 = arith.constant 0 : i32
        %cond3A_205 = arith.cmpi ne, %convert_element_type3A_203, %cond3A_204 : i32
        scf.if %cond3A_205 {
        } else {
        }
        %and3A_206 = arith.constant false
        %and3A_207 = arith.andi %or3A_202, %and3A_206 : i1
        %ne3A_208 = arith.cmpi ne, %add3A_131, %add3A_149 : i32
        %or3A_209 = arith.constant false
        %or3A_210 = arith.ori %or3A_209, %ne3A_208 : i1
        %or3A_211 = arith.constant false
        %or3A_212 = arith.ori %or3A_210, %or3A_211 : i1
        %or3A_213 = arith.ori %or3A_212, %eq3A_130 : i1
        %convert_element_type3A_214 = arith.extui %or3A_213 : i1 to i32
        %cond3A_215 = arith.constant 0 : i32
        %cond3A_216 = arith.cmpi ne, %convert_element_type3A_214, %cond3A_215 : i32
        scf.if %cond3A_216 {
          "tpu.trace_start"() <{level = 10 : i32, message = "ep_copy_out"}> : () -> ()
          %rem3A_264 = arith.constant 2 : i32
          %rem3A_265 = arith.remui %scan3A_124, %rem3A_264 : i32
          %mul3A_266 = arith.constant 128 : i32
          %mul3A_267 = arith.muli %mul3A_266, %add3A_131 : i32
          %dma_start3A_268 = arith.constant 0 : i32
          %dma_start3A_269 = arith.constant 0 : i32
          %dma_start3A_270 = tpu.memref_slice %run_scoped3A_8[%rem3A_265, %dma_start3A_268, %dma_start3A_269] : memref<2x128x128xf32, #tpu.memory_space<vmem>> -> memref<1x128x128xf32, #tpu.memory_space<vmem>>
          %dma_start3A_271 = tpu.memref_squeeze %dma_start3A_270 : memref<1x128x128xf32, #tpu.memory_space<vmem>> -> memref<128x128xf32, #tpu.memory_space<vmem>>
          %dma_start3A_272 = arith.constant 0 : i32
          %dma_start3A_273 = tpu.memref_slice %arg4[%mul3A_267, %dma_start3A_272] : memref<16384x128xf32, #tpu.memory_space<hbm>> -> memref<128x128xf32, #tpu.memory_space<hbm>>
          %dma_start3A_274 = tpu.memref_slice %run_scoped3A_9[%rem3A_265] : memref<2x!tpu.dma_semaphore, #tpu.memory_space<semaphore_mem>> -> memref<1x!tpu.dma_semaphore, #tpu.memory_space<semaphore_mem>>
          %dma_start3A_275 = tpu.memref_squeeze %dma_start3A_274 : memref<1x!tpu.dma_semaphore, #tpu.memory_space<semaphore_mem>> -> memref<!tpu.dma_semaphore, #tpu.memory_space<semaphore_mem>>
          %dma_start3A_276 = arith.constant 0 : i32
          %dma_start3A_277 = tpu.memref_slice %arg4[%mul3A_267, %dma_start3A_276] : memref<16384x128xf32, #tpu.memory_space<hbm>> -> memref<128x128xf32, #tpu.memory_space<hbm>>
          %dma_start3A_278 = arith.constant 0 : i32
          %dma_start3A_279 = arith.constant 0 : i32
          %dma_start3A_280 = tpu.memref_slice %run_scoped3A_8[%rem3A_265, %dma_start3A_278, %dma_start3A_279] : memref<2x128x128xf32, #tpu.memory_space<vmem>> -> memref<1x128x128xf32, #tpu.memory_space<vmem>>
          %dma_start3A_281 = tpu.memref_squeeze %dma_start3A_280 : memref<1x128x128xf32, #tpu.memory_space<vmem>> -> memref<128x128xf32, #tpu.memory_space<vmem>>
          tpu.enqueue_dma source(%dma_start3A_281 : memref<128x128xf32, #tpu.memory_space<vmem>>) target(%dma_start3A_277 : memref<128x128xf32, #tpu.memory_space<hbm>>) target_semaphore(%dma_start3A_275 : memref<!tpu.dma_semaphore, #tpu.memory_space<semaphore_mem>>)
          "tpu.trace_stop"() : () -> ()
        } else {
        }
        %and3A_217 = arith.constant true
        %and3A_218 = arith.andi %or3A_213, %and3A_217 : i1
        %add3A_219 = arith.constant 1 : i32
        %add3A_220 = arith.addi %scan3A_124, %add3A_219 : i32
        %select_n3A_221 = arith.select %and3A_218, %add3A_220, %scan3A_124 : i32
        %ne3A_222 = arith.cmpi ne, %add3A_131, %add3A_140 : i32
        %or3A_223 = arith.constant false
        %or3A_224 = arith.ori %or3A_223, %ne3A_222 : i1
        %not3A_225 = arith.constant true
        %not3A_226 = arith.xori %eq3A_128, %not3A_225 : i1
        %and3A_227 = arith.andi %or3A_224, %not3A_226 : i1
        %convert_element_type3A_228 = arith.extui %and3A_227 : i1 to i32
        %cond3A_229 = arith.constant 0 : i32
        %cond3A_230 = arith.cmpi ne, %convert_element_type3A_228, %cond3A_229 : i32
        scf.if %cond3A_230 {
        } else {
        }
        %and3A_231 = arith.constant false
        %and3A_232 = arith.andi %and3A_227, %and3A_231 : i1
        %ne3A_233 = arith.cmpi ne, %add3A_131, %add3A_140 : i32
        %or3A_234 = arith.constant false
        %or3A_235 = arith.ori %or3A_234, %ne3A_233 : i1
        %or3A_236 = arith.constant false
        %or3A_237 = arith.ori %or3A_235, %or3A_236 : i1
        %not3A_238 = arith.constant true
        %not3A_239 = arith.xori %eq3A_128, %not3A_238 : i1
        %and3A_240 = arith.andi %or3A_237, %not3A_239 : i1
        %convert_element_type3A_241 = arith.extui %and3A_240 : i1 to i32
        %cond3A_242 = arith.constant 0 : i32
        %cond3A_243 = arith.cmpi ne, %convert_element_type3A_241, %cond3A_242 : i32
        scf.if %cond3A_243 {
          "tpu.trace_start"() <{level = 10 : i32, message = "ep_wait_out"}> : () -> ()
          %rem3A_264 = arith.constant 2 : i32
          %rem3A_265 = arith.remui %scan3A_125, %rem3A_264 : i32
          %mul3A_266 = arith.constant 128 : i32
          %mul3A_267 = arith.muli %mul3A_266, %add3A_140 : i32
          %dma_wait3A_268 = arith.constant 0 : i32
          %dma_wait3A_269 = arith.constant 0 : i32
          %dma_wait3A_270 = tpu.memref_slice %run_scoped3A_8[%rem3A_265, %dma_wait3A_268, %dma_wait3A_269] : memref<2x128x128xf32, #tpu.memory_space<vmem>> -> memref<1x128x128xf32, #tpu.memory_space<vmem>>
          %dma_wait3A_271 = tpu.memref_squeeze %dma_wait3A_270 : memref<1x128x128xf32, #tpu.memory_space<vmem>> -> memref<128x128xf32, #tpu.memory_space<vmem>>
          %dma_wait3A_272 = arith.constant 0 : i32
          %dma_wait3A_273 = tpu.memref_slice %arg4[%mul3A_267, %dma_wait3A_272] : memref<16384x128xf32, #tpu.memory_space<hbm>> -> memref<128x128xf32, #tpu.memory_space<hbm>>
          %dma_wait3A_274 = tpu.memref_slice %run_scoped3A_9[%rem3A_265] : memref<2x!tpu.dma_semaphore, #tpu.memory_space<semaphore_mem>> -> memref<1x!tpu.dma_semaphore, #tpu.memory_space<semaphore_mem>>
          %dma_wait3A_275 = tpu.memref_squeeze %dma_wait3A_274 : memref<1x!tpu.dma_semaphore, #tpu.memory_space<semaphore_mem>> -> memref<!tpu.dma_semaphore, #tpu.memory_space<semaphore_mem>>
          %dma_wait3A_276 = arith.constant 0 : i32
          %dma_wait3A_277 = tpu.memref_slice %arg4[%mul3A_267, %dma_wait3A_276] : memref<16384x128xf32, #tpu.memory_space<hbm>> -> memref<128x128xf32, #tpu.memory_space<hbm>>
          %dma_wait3A_278 = arith.constant 0 : i32
          %dma_wait3A_279 = arith.constant 0 : i32
          %dma_wait3A_280 = tpu.memref_slice %run_scoped3A_8[%rem3A_265, %dma_wait3A_278, %dma_wait3A_279] : memref<2x128x128xf32, #tpu.memory_space<vmem>> -> memref<1x128x128xf32, #tpu.memory_space<vmem>>
          %dma_wait3A_281 = tpu.memref_squeeze %dma_wait3A_280 : memref<1x128x128xf32, #tpu.memory_space<vmem>> -> memref<128x128xf32, #tpu.memory_space<vmem>>
          tpu.wait_dma2 semaphore(%dma_wait3A_275 : memref<!tpu.dma_semaphore, #tpu.memory_space<semaphore_mem>>) src(%dma_wait3A_281 : memref<128x128xf32, #tpu.memory_space<vmem>>) dst(%dma_wait3A_277 : memref<128x128xf32, #tpu.memory_space<hbm>>)
          "tpu.trace_stop"() : () -> ()
        } else {
        }
        %and3A_244 = arith.constant true
        %and3A_245 = arith.andi %and3A_240, %and3A_244 : i1
        %add3A_246 = arith.constant 1 : i32
        %add3A_247 = arith.addi %scan3A_125, %add3A_246 : i32
        %select_n3A_248 = arith.select %and3A_245, %add3A_247, %scan3A_125 : i32
        %ne3A_249 = arith.cmpi ne, %add3A_131, %add3A_149 : i32
        %or3A_250 = arith.constant false
        %or3A_251 = arith.ori %or3A_250, %ne3A_249 : i1
        %or3A_252 = arith.ori %or3A_251, %eq3A_130 : i1
        %add3A_253 = arith.constant 1 : i32
        %add3A_254 = arith.addi %scan3A_123, %add3A_253 : i32
        %select_n3A_255 = arith.select %or3A_252, %add3A_254, %scan3A_123 : i32
        %add3A_256 = arith.constant 1 : i32
        %add3A_257 = arith.addi %scan3A_126, %add3A_256 : i32
        %select_n3A_258 = arith.constant true
        %select_n3A_259 = arith.select %select_n3A_258, %add3A_257, %scan3A_126 : i32
        %eq3A_260 = arith.constant 4 : i32
        %eq3A_261 = arith.cmpi eq, %select_n3A_259, %eq3A_260 : i32
        %select_n3A_262 = arith.constant 0 : i32
        %select_n3A_263 = arith.select %eq3A_261, %select_n3A_262, %select_n3A_259 : i32
        scf.yield %select_n3A_167, %select_n3A_255, %select_n3A_221, %select_n3A_248, %select_n3A_263 : i32, i32, i32, i32, i32
      }
      %scan3A_68 = arith.constant 4 : i32
      %sub3A = arith.constant 1 : i32
      %sub3A_69 = arith.subi %scan3A_67#4, %sub3A : i32
      %select_n3A_70 = arith.constant true
      %select_n3A_71 = arith.select %select_n3A_70, %sub3A_69, %scan3A_67#4 : i32
      %eq3A_72 = arith.constant -1 : i32
      %eq3A_73 = arith.cmpi eq, %select_n3A_71, %eq3A_72 : i32
      %select_n3A_74 = arith.constant 3 : i32
      %select_n3A_75 = arith.select %eq3A_73, %select_n3A_74, %select_n3A_71 : i32
      %add3A_76 = arith.addi %select_n3A_75, %mul3A_6 : i32
      %sub3A_77 = arith.constant 1 : i32
      %sub3A_78 = arith.subi %select_n3A_75, %sub3A_77 : i32
      %select_n3A_79 = arith.constant true
      %select_n3A_80 = arith.select %select_n3A_79, %sub3A_78, %select_n3A_75 : i32
      %eq3A_81 = arith.constant -1 : i32
      %eq3A_82 = arith.cmpi eq, %select_n3A_80, %eq3A_81 : i32
      %select_n3A_83 = arith.constant 3 : i32
      %select_n3A_84 = arith.select %eq3A_82, %select_n3A_83, %select_n3A_80 : i32
      %add3A_85 = arith.addi %select_n3A_84, %mul3A_6 : i32
      %add3A_86 = arith.constant 1 : i32
      %add3A_87 = arith.addi %select_n3A_75, %add3A_86 : i32
      %select_n3A_88 = arith.constant true
      %select_n3A_89 = arith.select %select_n3A_88, %add3A_87, %select_n3A_75 : i32
      %eq3A_90 = arith.constant 4 : i32
      %eq3A_91 = arith.cmpi eq, %select_n3A_89, %eq3A_90 : i32
      %select_n3A_92 = arith.constant 0 : i32
      %select_n3A_93 = arith.select %eq3A_91, %select_n3A_92, %select_n3A_89 : i32
      %add3A_94 = arith.addi %select_n3A_93, %mul3A_6 : i32
      %add3A_95 = arith.constant 1 : i32
      %add3A_96 = arith.addi %select_n3A_93, %add3A_95 : i32
      %select_n3A_97 = arith.constant true
      %select_n3A_98 = arith.select %select_n3A_97, %add3A_96, %select_n3A_93 : i32
      %eq3A_99 = arith.constant 4 : i32
      %eq3A_100 = arith.cmpi eq, %select_n3A_98, %eq3A_99 : i32
      %select_n3A_101 = arith.constant 0 : i32
      %select_n3A_102 = arith.select %eq3A_100, %select_n3A_101, %select_n3A_98 : i32
      %add3A_103 = arith.addi %select_n3A_102, %mul3A_6 : i32
      "tpu.trace_start"() <{level = 10 : i32, message = "ep_finalize"}> : () -> ()
      %rem3A_104 = arith.constant 2 : i32
      %rem3A_105 = arith.remui %scan3A_67#3, %rem3A_104 : i32
      %mul3A_106 = arith.constant 128 : i32
      %mul3A_107 = arith.muli %mul3A_106, %add3A_76 : i32
      %dma_wait3A = arith.constant 0 : i32
      %dma_wait3A_108 = arith.constant 0 : i32
      %dma_wait3A_109 = tpu.memref_slice %run_scoped3A_8[%rem3A_105, %dma_wait3A, %dma_wait3A_108] : memref<2x128x128xf32, #tpu.memory_space<vmem>> -> memref<1x128x128xf32, #tpu.memory_space<vmem>>
      %dma_wait3A_110 = tpu.memref_squeeze %dma_wait3A_109 : memref<1x128x128xf32, #tpu.memory_space<vmem>> -> memref<128x128xf32, #tpu.memory_space<vmem>>
      %dma_wait3A_111 = arith.constant 0 : i32
      %dma_wait3A_112 = tpu.memref_slice %arg4[%mul3A_107, %dma_wait3A_111] : memref<16384x128xf32, #tpu.memory_space<hbm>> -> memref<128x128xf32, #tpu.memory_space<hbm>>
      %dma_wait3A_113 = tpu.memref_slice %run_scoped3A_9[%rem3A_105] : memref<2x!tpu.dma_semaphore, #tpu.memory_space<semaphore_mem>> -> memref<1x!tpu.dma_semaphore, #tpu.memory_space<semaphore_mem>>
      %dma_wait3A_114 = tpu.memref_squeeze %dma_wait3A_113 : memref<1x!tpu.dma_semaphore, #tpu.memory_space<semaphore_mem>> -> memref<!tpu.dma_semaphore, #tpu.memory_space<semaphore_mem>>
      %dma_wait3A_115 = arith.constant 0 : i32
      %dma_wait3A_116 = tpu.memref_slice %arg4[%mul3A_107, %dma_wait3A_115] : memref<16384x128xf32, #tpu.memory_space<hbm>> -> memref<128x128xf32, #tpu.memory_space<hbm>>
      %dma_wait3A_117 = arith.constant 0 : i32
      %dma_wait3A_118 = arith.constant 0 : i32
      %dma_wait3A_119 = tpu.memref_slice %run_scoped3A_8[%rem3A_105, %dma_wait3A_117, %dma_wait3A_118] : memref<2x128x128xf32, #tpu.memory_space<vmem>> -> memref<1x128x128xf32, #tpu.memory_space<vmem>>
      %dma_wait3A_120 = tpu.memref_squeeze %dma_wait3A_119 : memref<1x128x128xf32, #tpu.memory_space<vmem>> -> memref<128x128xf32, #tpu.memory_space<vmem>>
      tpu.wait_dma2 semaphore(%dma_wait3A_114 : memref<!tpu.dma_semaphore, #tpu.memory_space<semaphore_mem>>) src(%dma_wait3A_120 : memref<128x128xf32, #tpu.memory_space<vmem>>) dst(%dma_wait3A_116 : memref<128x128xf32, #tpu.memory_space<hbm>>)
      "tpu.trace_stop"() : () -> ()
      tpu.yield
    }) : () -> ()
    return
  }
}

#map = affine_map<(d0, d1) -> (0, 0)>
module attributes {stable_mosaic.version = 14 : i64} {
  func.func @k(%arg0: i32, %arg1: i32, %arg2: memref<1x16384xi32, #tpu.memory_space<hbm>>, %arg3: memref<1x16384xi32, #tpu.memory_space<hbm>>, %arg4: memref<171x128xf32, #tpu.memory_space<hbm>>, %arg5: memref<16384x128xf32, #tpu.memory_space<hbm>>, %arg6: memref<1x128xi32, #tpu.memory_space<vmem>>) attributes {dimension_semantics = [#tpu.dimension_semantics<core_parallel>, #tpu.dimension_semantics<subcore_parallel>], iteration_bounds = array<i64: 2, 16>, scalar_prefetch = 0 : i64, scratch_operands = 1 : i64, tpu.core_type = #tpu.core_type<sc_vector_subcore>, window_params = [{transform_indices = #map}, {transform_indices = #map}, {transform_indices = #map}, {transform_indices = #map}]} {
    %mul3A = arith.constant 1 : i32
    %mul3A_0 = arith.muli %arg1, %mul3A : i32
    %add3A = arith.constant 0 : i32
    %add3A_1 = arith.addi %add3A, %mul3A_0 : i32
    %mul3A_2 = arith.constant 16 : i32
    %mul3A_3 = arith.muli %arg0, %mul3A_2 : i32
    %add3A_4 = arith.addi %add3A_1, %mul3A_3 : i32
    %mul3A_5 = arith.constant 4 : i32
    %mul3A_6 = arith.muli %add3A_4, %mul3A_5 : i32
    "tpu.region"() ({
      %run_scoped3A = memref.alloca() : memref<2x1x128xi32, #tpu.memory_space<vmem>>
      %run_scoped3A_7 = tpu.sem_alloc : memref<2x!tpu.dma_semaphore, #tpu.memory_space<semaphore_mem>>
      %run_scoped3A_8 = memref.alloca() : memref<2x1x128xi32, #tpu.memory_space<vmem>>
      %run_scoped3A_9 = tpu.sem_alloc : memref<2x!tpu.dma_semaphore, #tpu.memory_space<semaphore_mem>>
      %run_scoped3A_10 = memref.alloca() : memref<2x128x128xf32, #tpu.memory_space<vmem>>
      %run_scoped3A_11 = tpu.sem_alloc : memref<2x!tpu.dma_semaphore, #tpu.memory_space<semaphore_mem>>
      %add3A_12 = arith.constant 0 : i32
      %add3A_13 = arith.addi %add3A_12, %mul3A_6 : i32
      %select_n3A = arith.constant true
      %select_n3A_14 = arith.constant 0 : i32
      %select_n3A_15 = arith.constant -1 : i32
      %select_n3A_16 = arith.select %select_n3A, %select_n3A_15, %select_n3A_14 : i32
      %eq3A = arith.constant -1 : i32
      %eq3A_17 = arith.cmpi eq, %select_n3A_16, %eq3A : i32
      %select_n3A_18 = arith.constant 3 : i32
      %select_n3A_19 = arith.select %eq3A_17, %select_n3A_18, %select_n3A_16 : i32
      %add3A_20 = arith.addi %select_n3A_19, %mul3A_6 : i32
      %select_n3A_21 = arith.constant true
      %select_n3A_22 = arith.constant 0 : i32
      %select_n3A_23 = arith.constant 1 : i32
      %select_n3A_24 = arith.select %select_n3A_21, %select_n3A_23, %select_n3A_22 : i32
      %eq3A_25 = arith.constant 4 : i32
      %eq3A_26 = arith.cmpi eq, %select_n3A_24, %eq3A_25 : i32
      %select_n3A_27 = arith.constant 0 : i32
      %select_n3A_28 = arith.select %eq3A_26, %select_n3A_27, %select_n3A_24 : i32
      %add3A_29 = arith.addi %select_n3A_28, %mul3A_6 : i32
      %add3A_30 = arith.constant 1 : i32
      %add3A_31 = arith.addi %select_n3A_28, %add3A_30 : i32
      %select_n3A_32 = arith.constant true
      %select_n3A_33 = arith.select %select_n3A_32, %add3A_31, %select_n3A_28 : i32
      %eq3A_34 = arith.constant 4 : i32
      %eq3A_35 = arith.cmpi eq, %select_n3A_33, %eq3A_34 : i32
      %select_n3A_36 = arith.constant 0 : i32
      %select_n3A_37 = arith.select %eq3A_35, %select_n3A_36, %select_n3A_33 : i32
      %add3A_38 = arith.addi %select_n3A_37, %mul3A_6 : i32
      "tpu.trace_start"() <{level = 10 : i32, message = "ep_initialize_0"}> : () -> ()
      %rem3A = arith.constant 0 : i32
      %rem3A_39 = arith.constant 2 : i32
      %rem3A_40 = arith.remui %rem3A, %rem3A_39 : i32
      %mul3A_41 = arith.constant 128 : i32
      %mul3A_42 = arith.muli %mul3A_41, %add3A_13 : i32
      %dma_start3A = arith.constant 0 : i32
      %dma_start3A_43 = arith.constant 0 : i32
      %dma_start3A_44 = tpu.memref_slice %run_scoped3A[%rem3A_40, %dma_start3A, %dma_start3A_43] : memref<2x1x128xi32, #tpu.memory_space<vmem>> -> memref<1x1x128xi32, #tpu.memory_space<vmem>>
      %dma_start3A_45 = tpu.memref_squeeze %dma_start3A_44 : memref<1x1x128xi32, #tpu.memory_space<vmem>> -> memref<1x128xi32, #tpu.memory_space<vmem>>
      %dma_start3A_46 = arith.constant 0 : i32
      %dma_start3A_47 = tpu.memref_slice %arg2[%dma_start3A_46, %mul3A_42] : memref<1x16384xi32, #tpu.memory_space<hbm>> -> memref<1x128xi32, #tpu.memory_space<hbm>>
      %dma_start3A_48 = tpu.memref_slice %run_scoped3A_7[%rem3A_40] : memref<2x!tpu.dma_semaphore, #tpu.memory_space<semaphore_mem>> -> memref<1x!tpu.dma_semaphore, #tpu.memory_space<semaphore_mem>>
      %dma_start3A_49 = tpu.memref_squeeze %dma_start3A_48 : memref<1x!tpu.dma_semaphore, #tpu.memory_space<semaphore_mem>> -> memref<!tpu.dma_semaphore, #tpu.memory_space<semaphore_mem>>
      %dma_start3A_50 = arith.constant 0 : i32
      %dma_start3A_51 = arith.constant 0 : i32
      %dma_start3A_52 = tpu.memref_slice %run_scoped3A[%rem3A_40, %dma_start3A_50, %dma_start3A_51] : memref<2x1x128xi32, #tpu.memory_space<vmem>> -> memref<1x1x128xi32, #tpu.memory_space<vmem>>
      %dma_start3A_53 = tpu.memref_squeeze %dma_start3A_52 : memref<1x1x128xi32, #tpu.memory_space<vmem>> -> memref<1x128xi32, #tpu.memory_space<vmem>>
      %dma_start3A_54 = arith.constant 0 : i32
      %dma_start3A_55 = tpu.memref_slice %arg2[%dma_start3A_54, %mul3A_42] : memref<1x16384xi32, #tpu.memory_space<hbm>> -> memref<1x128xi32, #tpu.memory_space<hbm>>
      tpu.enqueue_dma source(%dma_start3A_55 : memref<1x128xi32, #tpu.memory_space<hbm>>) target(%dma_start3A_53 : memref<1x128xi32, #tpu.memory_space<vmem>>) target_semaphore(%dma_start3A_49 : memref<!tpu.dma_semaphore, #tpu.memory_space<semaphore_mem>>)
      %add3A_56 = arith.constant 0 : i32
      %add3A_57 = arith.constant 1 : i32
      %add3A_58 = arith.addi %add3A_56, %add3A_57 : i32
      %select_n3A_59 = arith.constant true
      %select_n3A_60 = arith.constant 0 : i32
      %select_n3A_61 = arith.select %select_n3A_59, %add3A_58, %select_n3A_60 : i32
      %rem3A_62 = arith.constant 0 : i32
      %rem3A_63 = arith.constant 2 : i32
      %rem3A_64 = arith.remui %rem3A_62, %rem3A_63 : i32
      %mul3A_65 = arith.constant 128 : i32
      %mul3A_66 = arith.muli %mul3A_65, %add3A_13 : i32
      %dma_start3A_67 = arith.constant 0 : i32
      %dma_start3A_68 = arith.constant 0 : i32
      %dma_start3A_69 = tpu.memref_slice %run_scoped3A_8[%rem3A_64, %dma_start3A_67, %dma_start3A_68] : memref<2x1x128xi32, #tpu.memory_space<vmem>> -> memref<1x1x128xi32, #tpu.memory_space<vmem>>
      %dma_start3A_70 = tpu.memref_squeeze %dma_start3A_69 : memref<1x1x128xi32, #tpu.memory_space<vmem>> -> memref<1x128xi32, #tpu.memory_space<vmem>>
      %dma_start3A_71 = arith.constant 0 : i32
      %dma_start3A_72 = tpu.memref_slice %arg3[%dma_start3A_71, %mul3A_66] : memref<1x16384xi32, #tpu.memory_space<hbm>> -> memref<1x128xi32, #tpu.memory_space<hbm>>
      %dma_start3A_73 = tpu.memref_slice %run_scoped3A_9[%rem3A_64] : memref<2x!tpu.dma_semaphore, #tpu.memory_space<semaphore_mem>> -> memref<1x!tpu.dma_semaphore, #tpu.memory_space<semaphore_mem>>
      %dma_start3A_74 = tpu.memref_squeeze %dma_start3A_73 : memref<1x!tpu.dma_semaphore, #tpu.memory_space<semaphore_mem>> -> memref<!tpu.dma_semaphore, #tpu.memory_space<semaphore_mem>>
      %dma_start3A_75 = arith.constant 0 : i32
      %dma_start3A_76 = arith.constant 0 : i32
      %dma_start3A_77 = tpu.memref_slice %run_scoped3A_8[%rem3A_64, %dma_start3A_75, %dma_start3A_76] : memref<2x1x128xi32, #tpu.memory_space<vmem>> -> memref<1x1x128xi32, #tpu.memory_space<vmem>>
      %dma_start3A_78 = tpu.memref_squeeze %dma_start3A_77 : memref<1x1x128xi32, #tpu.memory_space<vmem>> -> memref<1x128xi32, #tpu.memory_space<vmem>>
      %dma_start3A_79 = arith.constant 0 : i32
      %dma_start3A_80 = tpu.memref_slice %arg3[%dma_start3A_79, %mul3A_66] : memref<1x16384xi32, #tpu.memory_space<hbm>> -> memref<1x128xi32, #tpu.memory_space<hbm>>
      tpu.enqueue_dma source(%dma_start3A_80 : memref<1x128xi32, #tpu.memory_space<hbm>>) target(%dma_start3A_78 : memref<1x128xi32, #tpu.memory_space<vmem>>) target_semaphore(%dma_start3A_74 : memref<!tpu.dma_semaphore, #tpu.memory_space<semaphore_mem>>)
      %add3A_81 = arith.constant 0 : i32
      %add3A_82 = arith.constant 1 : i32
      %add3A_83 = arith.addi %add3A_81, %add3A_82 : i32
      %select_n3A_84 = arith.constant true
      %select_n3A_85 = arith.constant 0 : i32
      %select_n3A_86 = arith.select %select_n3A_84, %add3A_83, %select_n3A_85 : i32
      "tpu.trace_stop"() : () -> ()
      %scan3A = arith.constant 0 : i32
      %scan3A_87 = arith.constant 0 : i32
      %scan3A_88 = arith.constant 0 : i32
      %scan3A_89 = arith.constant 0 : i32
      %scan3A_90 = arith.constant 0 : i32
      %scan3A_91 = arith.constant 0 : i32
      %scan3A_92 = arith.constant 4 : i32
      %scan3A_93 = arith.addi %scan3A_91, %scan3A_92 : i32
      %scan3A_94 = arith.constant 1 : i32
      %scan3A_95:7 = scf.for %scan3A_149 = %scan3A_91 to %scan3A_93 step %scan3A_94 iter_args(%scan3A_150 = %select_n3A_61, %scan3A_151 = %scan3A, %scan3A_152 = %select_n3A_86, %scan3A_153 = %scan3A_87, %scan3A_154 = %scan3A_88, %scan3A_155 = %scan3A_89, %scan3A_156 = %scan3A_90) -> (i32, i32, i32, i32, i32, i32, i32)  : i32 {
        %eq3A_157 = arith.constant 0 : i32
        %eq3A_158 = arith.cmpi eq, %scan3A_149, %eq3A_157 : i32
        %eq3A_159 = arith.constant 3 : i32
        %eq3A_160 = arith.cmpi eq, %scan3A_149, %eq3A_159 : i32
        %add3A_161 = arith.addi %scan3A_156, %mul3A_6 : i32
        %sub3A_162 = arith.constant 1 : i32
        %sub3A_163 = arith.subi %scan3A_156, %sub3A_162 : i32
        %select_n3A_164 = arith.constant true
        %select_n3A_165 = arith.select %select_n3A_164, %sub3A_163, %scan3A_156 : i32
        %eq3A_166 = arith.constant -1 : i32
        %eq3A_167 = arith.cmpi eq, %select_n3A_165, %eq3A_166 : i32
        %select_n3A_168 = arith.constant 3 : i32
        %select_n3A_169 = arith.select %eq3A_167, %select_n3A_168, %select_n3A_165 : i32
        %add3A_170 = arith.addi %select_n3A_169, %mul3A_6 : i32
        %add3A_171 = arith.constant 1 : i32
        %add3A_172 = arith.addi %scan3A_156, %add3A_171 : i32
        %select_n3A_173 = arith.constant true
        %select_n3A_174 = arith.select %select_n3A_173, %add3A_172, %scan3A_156 : i32
        %eq3A_175 = arith.constant 4 : i32
        %eq3A_176 = arith.cmpi eq, %select_n3A_174, %eq3A_175 : i32
        %select_n3A_177 = arith.constant 0 : i32
        %select_n3A_178 = arith.select %eq3A_176, %select_n3A_177, %select_n3A_174 : i32
        %add3A_179 = arith.addi %select_n3A_178, %mul3A_6 : i32
        %add3A_180 = arith.constant 1 : i32
        %add3A_181 = arith.addi %select_n3A_178, %add3A_180 : i32
        %select_n3A_182 = arith.constant true
        %select_n3A_183 = arith.select %select_n3A_182, %add3A_181, %select_n3A_178 : i32
        %eq3A_184 = arith.constant 4 : i32
        %eq3A_185 = arith.cmpi eq, %select_n3A_183, %eq3A_184 : i32
        %select_n3A_186 = arith.constant 0 : i32
        %select_n3A_187 = arith.select %eq3A_185, %select_n3A_186, %select_n3A_183 : i32
        %add3A_188 = arith.addi %select_n3A_187, %mul3A_6 : i32
        %ne3A = arith.cmpi ne, %add3A_161, %add3A_179 : i32
        %or3A = arith.constant false
        %or3A_189 = arith.ori %or3A, %ne3A : i1
        %ge3A = arith.constant 3 : i32
        %ge3A_190 = arith.cmpi sge, %scan3A_149, %ge3A : i32
        %not3A = arith.constant true
        %not3A_191 = arith.xori %ge3A_190, %not3A : i1
        %and3A = arith.andi %or3A_189, %not3A_191 : i1
        %convert_element_type3A = arith.extui %and3A : i1 to i32
        %cond3A = arith.constant 0 : i32
        %cond3A_192 = arith.cmpi ne, %convert_element_type3A, %cond3A : i32
        scf.if %cond3A_192 {
          "tpu.trace_start"() <{level = 10 : i32, message = "ep_copy_in"}> : () -> ()
          %rem3A_351 = arith.constant 2 : i32
          %rem3A_352 = arith.remui %scan3A_150, %rem3A_351 : i32
          %mul3A_353 = arith.constant 128 : i32
          %mul3A_354 = arith.muli %mul3A_353, %add3A_179 : i32
          %dma_start3A_355 = arith.constant 0 : i32
          %dma_start3A_356 = arith.constant 0 : i32
          %dma_start3A_357 = tpu.memref_slice %run_scoped3A[%rem3A_352, %dma_start3A_355, %dma_start3A_356] : memref<2x1x128xi32, #tpu.memory_space<vmem>> -> memref<1x1x128xi32, #tpu.memory_space<vmem>>
          %dma_start3A_358 = tpu.memref_squeeze %dma_start3A_357 : memref<1x1x128xi32, #tpu.memory_space<vmem>> -> memref<1x128xi32, #tpu.memory_space<vmem>>
          %dma_start3A_359 = arith.constant 0 : i32
          %dma_start3A_360 = tpu.memref_slice %arg2[%dma_start3A_359, %mul3A_354] : memref<1x16384xi32, #tpu.memory_space<hbm>> -> memref<1x128xi32, #tpu.memory_space<hbm>>
          %dma_start3A_361 = tpu.memref_slice %run_scoped3A_7[%rem3A_352] : memref<2x!tpu.dma_semaphore, #tpu.memory_space<semaphore_mem>> -> memref<1x!tpu.dma_semaphore, #tpu.memory_space<semaphore_mem>>
          %dma_start3A_362 = tpu.memref_squeeze %dma_start3A_361 : memref<1x!tpu.dma_semaphore, #tpu.memory_space<semaphore_mem>> -> memref<!tpu.dma_semaphore, #tpu.memory_space<semaphore_mem>>
          %dma_start3A_363 = arith.constant 0 : i32
          %dma_start3A_364 = arith.constant 0 : i32
          %dma_start3A_365 = tpu.memref_slice %run_scoped3A[%rem3A_352, %dma_start3A_363, %dma_start3A_364] : memref<2x1x128xi32, #tpu.memory_space<vmem>> -> memref<1x1x128xi32, #tpu.memory_space<vmem>>
          %dma_start3A_366 = tpu.memref_squeeze %dma_start3A_365 : memref<1x1x128xi32, #tpu.memory_space<vmem>> -> memref<1x128xi32, #tpu.memory_space<vmem>>
          %dma_start3A_367 = arith.constant 0 : i32
          %dma_start3A_368 = tpu.memref_slice %arg2[%dma_start3A_367, %mul3A_354] : memref<1x16384xi32, #tpu.memory_space<hbm>> -> memref<1x128xi32, #tpu.memory_space<hbm>>
          tpu.enqueue_dma source(%dma_start3A_368 : memref<1x128xi32, #tpu.memory_space<hbm>>) target(%dma_start3A_366 : memref<1x128xi32, #tpu.memory_space<vmem>>) target_semaphore(%dma_start3A_362 : memref<!tpu.dma_semaphore, #tpu.memory_space<semaphore_mem>>)
          "tpu.trace_stop"() : () -> ()
        } else {
        }
        %and3A_193 = arith.constant true
        %and3A_194 = arith.andi %and3A, %and3A_193 : i1
        %add3A_195 = arith.constant 1 : i32
        %add3A_196 = arith.addi %scan3A_150, %add3A_195 : i32
        %select_n3A_197 = arith.select %and3A_194, %add3A_196, %scan3A_150 : i32
        %ne3A_198 = arith.cmpi ne, %add3A_161, %add3A_179 : i32
        %or3A_199 = arith.constant false
        %or3A_200 = arith.ori %or3A_199, %ne3A_198 : i1
        %ge3A_201 = arith.constant 3 : i32
        %ge3A_202 = arith.cmpi sge, %scan3A_149, %ge3A_201 : i32
        %not3A_203 = arith.constant true
        %not3A_204 = arith.xori %ge3A_202, %not3A_203 : i1
        %and3A_205 = arith.andi %or3A_200, %not3A_204 : i1
        %convert_element_type3A_206 = arith.extui %and3A_205 : i1 to i32
        %cond3A_207 = arith.constant 0 : i32
        %cond3A_208 = arith.cmpi ne, %convert_element_type3A_206, %cond3A_207 : i32
        scf.if %cond3A_208 {
          "tpu.trace_start"() <{level = 10 : i32, message = "ep_copy_in"}> : () -> ()
          %rem3A_351 = arith.constant 2 : i32
          %rem3A_352 = arith.remui %scan3A_152, %rem3A_351 : i32
          %mul3A_353 = arith.constant 128 : i32
          %mul3A_354 = arith.muli %mul3A_353, %add3A_179 : i32
          %dma_start3A_355 = arith.constant 0 : i32
          %dma_start3A_356 = arith.constant 0 : i32
          %dma_start3A_357 = tpu.memref_slice %run_scoped3A_8[%rem3A_352, %dma_start3A_355, %dma_start3A_356] : memref<2x1x128xi32, #tpu.memory_space<vmem>> -> memref<1x1x128xi32, #tpu.memory_space<vmem>>
          %dma_start3A_358 = tpu.memref_squeeze %dma_start3A_357 : memref<1x1x128xi32, #tpu.memory_space<vmem>> -> memref<1x128xi32, #tpu.memory_space<vmem>>
          %dma_start3A_359 = arith.constant 0 : i32
          %dma_start3A_360 = tpu.memref_slice %arg3[%dma_start3A_359, %mul3A_354] : memref<1x16384xi32, #tpu.memory_space<hbm>> -> memref<1x128xi32, #tpu.memory_space<hbm>>
          %dma_start3A_361 = tpu.memref_slice %run_scoped3A_9[%rem3A_352] : memref<2x!tpu.dma_semaphore, #tpu.memory_space<semaphore_mem>> -> memref<1x!tpu.dma_semaphore, #tpu.memory_space<semaphore_mem>>
          %dma_start3A_362 = tpu.memref_squeeze %dma_start3A_361 : memref<1x!tpu.dma_semaphore, #tpu.memory_space<semaphore_mem>> -> memref<!tpu.dma_semaphore, #tpu.memory_space<semaphore_mem>>
          %dma_start3A_363 = arith.constant 0 : i32
          %dma_start3A_364 = arith.constant 0 : i32
          %dma_start3A_365 = tpu.memref_slice %run_scoped3A_8[%rem3A_352, %dma_start3A_363, %dma_start3A_364] : memref<2x1x128xi32, #tpu.memory_space<vmem>> -> memref<1x1x128xi32, #tpu.memory_space<vmem>>
          %dma_start3A_366 = tpu.memref_squeeze %dma_start3A_365 : memref<1x1x128xi32, #tpu.memory_space<vmem>> -> memref<1x128xi32, #tpu.memory_space<vmem>>
          %dma_start3A_367 = arith.constant 0 : i32
          %dma_start3A_368 = tpu.memref_slice %arg3[%dma_start3A_367, %mul3A_354] : memref<1x16384xi32, #tpu.memory_space<hbm>> -> memref<1x128xi32, #tpu.memory_space<hbm>>
          tpu.enqueue_dma source(%dma_start3A_368 : memref<1x128xi32, #tpu.memory_space<hbm>>) target(%dma_start3A_366 : memref<1x128xi32, #tpu.memory_space<vmem>>) target_semaphore(%dma_start3A_362 : memref<!tpu.dma_semaphore, #tpu.memory_space<semaphore_mem>>)
          "tpu.trace_stop"() : () -> ()
        } else {
        }
        %and3A_209 = arith.constant true
        %and3A_210 = arith.andi %and3A_205, %and3A_209 : i1
        %add3A_211 = arith.constant 1 : i32
        %add3A_212 = arith.addi %scan3A_152, %add3A_211 : i32
        %select_n3A_213 = arith.select %and3A_210, %add3A_212, %scan3A_152 : i32
        %ne3A_214 = arith.cmpi ne, %add3A_161, %add3A_179 : i32
        %or3A_215 = arith.constant false
        %or3A_216 = arith.ori %or3A_215, %ne3A_214 : i1
        %or3A_217 = arith.constant false
        %or3A_218 = arith.ori %or3A_216, %or3A_217 : i1
        %ge3A_219 = arith.constant 3 : i32
        %ge3A_220 = arith.cmpi sge, %scan3A_149, %ge3A_219 : i32
        %not3A_221 = arith.constant true
        %not3A_222 = arith.xori %ge3A_220, %not3A_221 : i1
        %and3A_223 = arith.andi %or3A_218, %not3A_222 : i1
        %ne3A_224 = arith.cmpi ne, %add3A_161, %add3A_170 : i32
        %or3A_225 = arith.constant false
        %or3A_226 = arith.ori %or3A_225, %ne3A_224 : i1
        %or3A_227 = arith.ori %or3A_226, %eq3A_158 : i1
        %convert_element_type3A_228 = arith.extui %or3A_227 : i1 to i32
        %cond3A_229 = arith.constant 0 : i32
        %cond3A_230 = arith.cmpi ne, %convert_element_type3A_228, %cond3A_229 : i32
        scf.if %cond3A_230 {
          "tpu.trace_start"() <{level = 10 : i32, message = "ep_wait_in"}> : () -> ()
          %mul3A_351 = arith.constant 128 : i32
          %mul3A_352 = arith.muli %mul3A_351, %add3A_161 : i32
          %rem3A_353 = arith.constant 2 : i32
          %rem3A_354 = arith.remui %scan3A_151, %rem3A_353 : i32
          %dma_wait3A_355 = arith.constant 0 : i32
          %dma_wait3A_356 = arith.constant 0 : i32
          %dma_wait3A_357 = tpu.memref_slice %run_scoped3A[%rem3A_354, %dma_wait3A_355, %dma_wait3A_356] : memref<2x1x128xi32, #tpu.memory_space<vmem>> -> memref<1x1x128xi32, #tpu.memory_space<vmem>>
          %dma_wait3A_358 = tpu.memref_squeeze %dma_wait3A_357 : memref<1x1x128xi32, #tpu.memory_space<vmem>> -> memref<1x128xi32, #tpu.memory_space<vmem>>
          %dma_wait3A_359 = arith.constant 0 : i32
          %dma_wait3A_360 = tpu.memref_slice %arg2[%dma_wait3A_359, %mul3A_352] : memref<1x16384xi32, #tpu.memory_space<hbm>> -> memref<1x128xi32, #tpu.memory_space<hbm>>
          %dma_wait3A_361 = tpu.memref_slice %run_scoped3A_7[%rem3A_354] : memref<2x!tpu.dma_semaphore, #tpu.memory_space<semaphore_mem>> -> memref<1x!tpu.dma_semaphore, #tpu.memory_space<semaphore_mem>>
          %dma_wait3A_362 = tpu.memref_squeeze %dma_wait3A_361 : memref<1x!tpu.dma_semaphore, #tpu.memory_space<semaphore_mem>> -> memref<!tpu.dma_semaphore, #tpu.memory_space<semaphore_mem>>
          %dma_wait3A_363 = arith.constant 0 : i32
          %dma_wait3A_364 = arith.constant 0 : i32
          %dma_wait3A_365 = tpu.memref_slice %run_scoped3A[%rem3A_354, %dma_wait3A_363, %dma_wait3A_364] : memref<2x1x128xi32, #tpu.memory_space<vmem>> -> memref<1x1x128xi32, #tpu.memory_space<vmem>>
          %dma_wait3A_366 = tpu.memref_squeeze %dma_wait3A_365 : memref<1x1x128xi32, #tpu.memory_space<vmem>> -> memref<1x128xi32, #tpu.memory_space<vmem>>
          %dma_wait3A_367 = arith.constant 0 : i32
          %dma_wait3A_368 = tpu.memref_slice %arg2[%dma_wait3A_367, %mul3A_352] : memref<1x16384xi32, #tpu.memory_space<hbm>> -> memref<1x128xi32, #tpu.memory_space<hbm>>
          tpu.wait_dma2 semaphore(%dma_wait3A_362 : memref<!tpu.dma_semaphore, #tpu.memory_space<semaphore_mem>>) src(%dma_wait3A_368 : memref<1x128xi32, #tpu.memory_space<hbm>>) dst(%dma_wait3A_366 : memref<1x128xi32, #tpu.memory_space<vmem>>)
          "tpu.trace_stop"() : () -> ()
        } else {
        }
        %ne3A_231 = arith.cmpi ne, %add3A_161, %add3A_170 : i32
        %or3A_232 = arith.constant false
        %or3A_233 = arith.ori %or3A_232, %ne3A_231 : i1
        %or3A_234 = arith.ori %or3A_233, %eq3A_158 : i1
        %convert_element_type3A_235 = arith.extui %or3A_234 : i1 to i32
        %cond3A_236 = arith.constant 0 : i32
        %cond3A_237 = arith.cmpi ne, %convert_element_type3A_235, %cond3A_236 : i32
        scf.if %cond3A_237 {
          "tpu.trace_start"() <{level = 10 : i32, message = "ep_wait_in"}> : () -> ()
          %mul3A_351 = arith.constant 128 : i32
          %mul3A_352 = arith.muli %mul3A_351, %add3A_161 : i32
          %rem3A_353 = arith.constant 2 : i32
          %rem3A_354 = arith.remui %scan3A_153, %rem3A_353 : i32
          %dma_wait3A_355 = arith.constant 0 : i32
          %dma_wait3A_356 = arith.constant 0 : i32
          %dma_wait3A_357 = tpu.memref_slice %run_scoped3A_8[%rem3A_354, %dma_wait3A_355, %dma_wait3A_356] : memref<2x1x128xi32, #tpu.memory_space<vmem>> -> memref<1x1x128xi32, #tpu.memory_space<vmem>>
          %dma_wait3A_358 = tpu.memref_squeeze %dma_wait3A_357 : memref<1x1x128xi32, #tpu.memory_space<vmem>> -> memref<1x128xi32, #tpu.memory_space<vmem>>
          %dma_wait3A_359 = arith.constant 0 : i32
          %dma_wait3A_360 = tpu.memref_slice %arg3[%dma_wait3A_359, %mul3A_352] : memref<1x16384xi32, #tpu.memory_space<hbm>> -> memref<1x128xi32, #tpu.memory_space<hbm>>
          %dma_wait3A_361 = tpu.memref_slice %run_scoped3A_9[%rem3A_354] : memref<2x!tpu.dma_semaphore, #tpu.memory_space<semaphore_mem>> -> memref<1x!tpu.dma_semaphore, #tpu.memory_space<semaphore_mem>>
          %dma_wait3A_362 = tpu.memref_squeeze %dma_wait3A_361 : memref<1x!tpu.dma_semaphore, #tpu.memory_space<semaphore_mem>> -> memref<!tpu.dma_semaphore, #tpu.memory_space<semaphore_mem>>
          %dma_wait3A_363 = arith.constant 0 : i32
          %dma_wait3A_364 = arith.constant 0 : i32
          %dma_wait3A_365 = tpu.memref_slice %run_scoped3A_8[%rem3A_354, %dma_wait3A_363, %dma_wait3A_364] : memref<2x1x128xi32, #tpu.memory_space<vmem>> -> memref<1x1x128xi32, #tpu.memory_space<vmem>>
          %dma_wait3A_366 = tpu.memref_squeeze %dma_wait3A_365 : memref<1x1x128xi32, #tpu.memory_space<vmem>> -> memref<1x128xi32, #tpu.memory_space<vmem>>
          %dma_wait3A_367 = arith.constant 0 : i32
          %dma_wait3A_368 = tpu.memref_slice %arg3[%dma_wait3A_367, %mul3A_352] : memref<1x16384xi32, #tpu.memory_space<hbm>> -> memref<1x128xi32, #tpu.memory_space<hbm>>
          tpu.wait_dma2 semaphore(%dma_wait3A_362 : memref<!tpu.dma_semaphore, #tpu.memory_space<semaphore_mem>>) src(%dma_wait3A_368 : memref<1x128xi32, #tpu.memory_space<hbm>>) dst(%dma_wait3A_366 : memref<1x128xi32, #tpu.memory_space<vmem>>)
          "tpu.trace_stop"() : () -> ()
        } else {
        }
        %ne3A_238 = arith.cmpi ne, %add3A_161, %add3A_170 : i32
        %or3A_239 = arith.constant false
        %or3A_240 = arith.ori %or3A_239, %ne3A_238 : i1
        %or3A_241 = arith.constant false
        %or3A_242 = arith.ori %or3A_240, %or3A_241 : i1
        %or3A_243 = arith.ori %or3A_242, %eq3A_158 : i1
        %convert_element_type3A_244 = arith.extui %or3A_243 : i1 to i32
        %cond3A_245 = arith.constant 0 : i32
        %cond3A_246 = arith.cmpi ne, %convert_element_type3A_244, %cond3A_245 : i32
        scf.if %cond3A_246 {
        } else {
        }
        %rem3A_247 = arith.constant 2 : i32
        %rem3A_248 = arith.remui %scan3A_151, %rem3A_247 : i32
        %rem3A_249 = arith.constant 2 : i32
        %rem3A_250 = arith.remui %scan3A_153, %rem3A_249 : i32
        %rem3A_251 = arith.constant 2 : i32
        %rem3A_252 = arith.remui %scan3A_154, %rem3A_251 : i32
        "tpu.trace_start"() <{level = 10 : i32, message = "ep_run_kernel"}> : () -> ()
        %scan3A_253 = arith.constant 0 : i32
        %scan3A_254 = arith.constant 8 : i32
        %scan3A_255 = arith.addi %scan3A_253, %scan3A_254 : i32
        %scan3A_256 = arith.constant 1 : i32
        scf.for %scan3A_351 = %scan3A_253 to %scan3A_255 step %scan3A_256  : i32 {
          %mul3A_352 = arith.constant 16 : i32
          %mul3A_353 = arith.muli %scan3A_351, %mul3A_352 : i32
          %add3A_354 = arith.constant 0 : i32
          %add3A_355 = arith.addi %add3A_354, %mul3A_353 : i32
          %get3A = arith.constant 0 : i32
          %get3A_356 = arith.constant 0 : i32
          %get3A_357 = arith.constant 0 : i32
          %get3A_358 = tpu.memref_slice %run_scoped3A[%rem3A_248, %get3A_356, %get3A_357] : memref<2x1x128xi32, #tpu.memory_space<vmem>> -> memref<1x1x128xi32, #tpu.memory_space<vmem>>
          %get3A_359 = tpu.memref_squeeze %get3A_358 : memref<1x1x128xi32, #tpu.memory_space<vmem>> -> memref<1x128xi32, #tpu.memory_space<vmem>>
          %get3A_360 = arith.index_cast %get3A : i32 to index
          %get3A_361 = arith.index_cast %add3A_355 : i32 to index
          %get3A_362 = tpu.vector_load %get3A_359[%get3A_360, %get3A_361] {strides = array<i32>} : memref<1x128xi32, #tpu.memory_space<vmem>>, vector<1x16xi32>,
          %get3A_363 = vector.shape_cast %get3A_362 : vector<1x16xi32> to vector<16xi32>
          %mul3A_364 = arith.constant 9 : i32
          %mul3A_365 = vector.broadcast %mul3A_364 : i32 to vector<16xi32>
          %mul3A_366 = arith.muli %get3A_363, %mul3A_365 : vector<16xi32>
          %get3A_367 = arith.constant 0 : i32
          %get3A_368 = arith.constant 0 : i32
          %get3A_369 = arith.constant 0 : i32
          %get3A_370 = tpu.memref_slice %run_scoped3A_8[%rem3A_250, %get3A_368, %get3A_369] : memref<2x1x128xi32, #tpu.memory_space<vmem>> -> memref<1x1x128xi32, #tpu.memory_space<vmem>>
          %get3A_371 = tpu.memref_squeeze %get3A_370 : memref<1x1x128xi32, #tpu.memory_space<vmem>> -> memref<1x128xi32, #tpu.memory_space<vmem>>
          %get3A_372 = arith.index_cast %get3A_367 : i32 to index
          %get3A_373 = arith.index_cast %add3A_355 : i32 to index
          %get3A_374 = tpu.vector_load %get3A_371[%get3A_372, %get3A_373] {strides = array<i32>} : memref<1x128xi32, #tpu.memory_space<vmem>>, vector<1x16xi32>,
          %get3A_375 = vector.shape_cast %get3A_374 : vector<1x16xi32> to vector<16xi32>
          %add3A_376 = arith.addi %mul3A_366, %get3A_375 : vector<16xi32>
          %swap3A = arith.constant 0 : i32
          %swap3A_377 = arith.index_cast %swap3A : i32 to index
          %swap3A_378 = arith.index_cast %add3A_355 : i32 to index
          %swap3A_379 = tpu.vector_load %arg6[%swap3A_377, %swap3A_378] {strides = array<i32>} : memref<1x128xi32, #tpu.memory_space<vmem>>, vector<1x16xi32>,
          %swap3A_380 = vector.shape_cast %swap3A_379 : vector<1x16xi32> to vector<16xi32>
          %swap3A_381 = vector.shape_cast %add3A_376 : vector<16xi32> to vector<1x16xi32>
          tpu.vector_store %arg6[%swap3A_377, %swap3A_378], %swap3A_381 {strides = array<i32>} : memref<1x128xi32, #tpu.memory_space<vmem>>, vector<1x16xi32>,
        }
        %scan3A_257 = arith.constant 8 : i32
        %run_scoped3A_258 = arith.constant 0 : i32
        "tpu.region"() ({
          %run_scoped3A_351 = tpu.sem_alloc : memref<!tpu.dma_semaphore, #tpu.memory_space<semaphore_mem>>
          %dma_start3A_352 = arith.constant 0 : i32
          %dma_start3A_353 = arith.constant 0 : i32
          %dma_start3A_354 = tpu.memref_slice %run_scoped3A_10[%rem3A_252, %dma_start3A_352, %dma_start3A_353] : memref<2x128x128xf32, #tpu.memory_space<vmem>> -> memref<1x128x128xf32, #tpu.memory_space<vmem>>
          %dma_start3A_355 = tpu.memref_squeeze %dma_start3A_354 : memref<1x128x128xf32, #tpu.memory_space<vmem>> -> memref<128x128xf32, #tpu.memory_space<vmem>>
          %dma_start3A_356 = arith.constant 0 : i32
          %dma_start3A_357 = tpu.memref_slice %arg6[%run_scoped3A_258, %dma_start3A_356] : memref<1x128xi32, #tpu.memory_space<vmem>> -> memref<1x128xi32, #tpu.memory_space<vmem>>
          %dma_start3A_358 = tpu.memref_squeeze %dma_start3A_357 : memref<1x128xi32, #tpu.memory_space<vmem>> -> memref<128xi32, #tpu.memory_space<vmem>>
          %dma_start3A_359 = arith.constant 0 : i32
          %dma_start3A_360 = arith.constant 0 : i32
          %dma_start3A_361 = tpu.memref_slice %arg4[%dma_start3A_359, %dma_start3A_360] : memref<171x128xf32, #tpu.memory_space<hbm>> -> memref<171x128xf32, #tpu.memory_space<hbm>>
          tpu.enqueue_indirect_dma source(%dma_start3A_361 : memref<171x128xf32, #tpu.memory_space<hbm>>) target(%dma_start3A_355 : memref<128x128xf32, #tpu.memory_space<vmem>>) offsets(%dma_start3A_358 : memref<128xi32, #tpu.memory_space<vmem>>) semaphore(%run_scoped3A_351 : memref<!tpu.dma_semaphore, #tpu.memory_space<semaphore_mem>>)
          %dma_wait3A_362 = arith.constant 0 : i32
          %dma_wait3A_363 = arith.constant 0 : i32
          %dma_wait3A_364 = tpu.memref_slice %run_scoped3A_10[%rem3A_252, %dma_wait3A_362, %dma_wait3A_363] : memref<2x128x128xf32, #tpu.memory_space<vmem>> -> memref<1x128x128xf32, #tpu.memory_space<vmem>>
          %dma_wait3A_365 = tpu.memref_squeeze %dma_wait3A_364 : memref<1x128x128xf32, #tpu.memory_space<vmem>> -> memref<128x128xf32, #tpu.memory_space<vmem>>
          %dma_wait3A_366 = arith.constant 0 : i32
          %dma_wait3A_367 = tpu.memref_slice %arg6[%run_scoped3A_258, %dma_wait3A_366] : memref<1x128xi32, #tpu.memory_space<vmem>> -> memref<1x128xi32, #tpu.memory_space<vmem>>
          %dma_wait3A_368 = tpu.memref_squeeze %dma_wait3A_367 : memref<1x128xi32, #tpu.memory_space<vmem>> -> memref<128xi32, #tpu.memory_space<vmem>>
          %dma_wait3A_369 = arith.constant 0 : i32
          %dma_wait3A_370 = arith.constant 0 : i32
          %dma_wait3A_371 = tpu.memref_slice %arg4[%dma_wait3A_369, %dma_wait3A_370] : memref<171x128xf32, #tpu.memory_space<hbm>> -> memref<171x128xf32, #tpu.memory_space<hbm>>
          tpu.wait_indirect_dma semaphore(%run_scoped3A_351 : memref<!tpu.dma_semaphore, #tpu.memory_space<semaphore_mem>>) src(%dma_wait3A_371 : memref<171x128xf32, #tpu.memory_space<hbm>>) dst(%dma_wait3A_365 : memref<128x128xf32, #tpu.memory_space<vmem>>)
          tpu.yield
        }) : () -> ()
        "tpu.trace_stop"() : () -> ()
        %ne3A_259 = arith.cmpi ne, %add3A_161, %add3A_179 : i32
        %or3A_260 = arith.constant false
        %or3A_261 = arith.ori %or3A_260, %ne3A_259 : i1
        %or3A_262 = arith.ori %or3A_261, %eq3A_160 : i1
        %convert_element_type3A_263 = arith.extui %or3A_262 : i1 to i32
        %cond3A_264 = arith.constant 0 : i32
        %cond3A_265 = arith.cmpi ne, %convert_element_type3A_263, %cond3A_264 : i32
        scf.if %cond3A_265 {
        } else {
        }
        %and3A_266 = arith.constant false
        %and3A_267 = arith.andi %or3A_262, %and3A_266 : i1
        %ne3A_268 = arith.cmpi ne, %add3A_161, %add3A_179 : i32
        %or3A_269 = arith.constant false
        %or3A_270 = arith.ori %or3A_269, %ne3A_268 : i1
        %or3A_271 = arith.ori %or3A_270, %eq3A_160 : i1
        %convert_element_type3A_272 = arith.extui %or3A_271 : i1 to i32
        %cond3A_273 = arith.constant 0 : i32
        %cond3A_274 = arith.cmpi ne, %convert_element_type3A_272, %cond3A_273 : i32
        scf.if %cond3A_274 {
        } else {
        }
        %and3A_275 = arith.constant false
        %and3A_276 = arith.andi %or3A_271, %and3A_275 : i1
        %ne3A_277 = arith.cmpi ne, %add3A_161, %add3A_179 : i32
        %or3A_278 = arith.constant false
        %or3A_279 = arith.ori %or3A_278, %ne3A_277 : i1
        %or3A_280 = arith.constant false
        %or3A_281 = arith.ori %or3A_279, %or3A_280 : i1
        %or3A_282 = arith.ori %or3A_281, %eq3A_160 : i1
        %convert_element_type3A_283 = arith.extui %or3A_282 : i1 to i32
        %cond3A_284 = arith.constant 0 : i32
        %cond3A_285 = arith.cmpi ne, %convert_element_type3A_283, %cond3A_284 : i32
        scf.if %cond3A_285 {
          "tpu.trace_start"() <{level = 10 : i32, message = "ep_copy_out"}> : () -> ()
          %rem3A_351 = arith.constant 2 : i32
          %rem3A_352 = arith.remui %scan3A_154, %rem3A_351 : i32
          %mul3A_353 = arith.constant 128 : i32
          %mul3A_354 = arith.muli %mul3A_353, %add3A_161 : i32
          %dma_start3A_355 = arith.constant 0 : i32
          %dma_start3A_356 = arith.constant 0 : i32
          %dma_start3A_357 = tpu.memref_slice %run_scoped3A_10[%rem3A_352, %dma_start3A_355, %dma_start3A_356] : memref<2x128x128xf32, #tpu.memory_space<vmem>> -> memref<1x128x128xf32, #tpu.memory_space<vmem>>
          %dma_start3A_358 = tpu.memref_squeeze %dma_start3A_357 : memref<1x128x128xf32, #tpu.memory_space<vmem>> -> memref<128x128xf32, #tpu.memory_space<vmem>>
          %dma_start3A_359 = arith.constant 0 : i32
          %dma_start3A_360 = tpu.memref_slice %arg5[%mul3A_354, %dma_start3A_359] : memref<16384x128xf32, #tpu.memory_space<hbm>> -> memref<128x128xf32, #tpu.memory_space<hbm>>
          %dma_start3A_361 = tpu.memref_slice %run_scoped3A_11[%rem3A_352] : memref<2x!tpu.dma_semaphore, #tpu.memory_space<semaphore_mem>> -> memref<1x!tpu.dma_semaphore, #tpu.memory_space<semaphore_mem>>
          %dma_start3A_362 = tpu.memref_squeeze %dma_start3A_361 : memref<1x!tpu.dma_semaphore, #tpu.memory_space<semaphore_mem>> -> memref<!tpu.dma_semaphore, #tpu.memory_space<semaphore_mem>>
          %dma_start3A_363 = arith.constant 0 : i32
          %dma_start3A_364 = tpu.memref_slice %arg5[%mul3A_354, %dma_start3A_363] : memref<16384x128xf32, #tpu.memory_space<hbm>> -> memref<128x128xf32, #tpu.memory_space<hbm>>
          %dma_start3A_365 = arith.constant 0 : i32
          %dma_start3A_366 = arith.constant 0 : i32
          %dma_start3A_367 = tpu.memref_slice %run_scoped3A_10[%rem3A_352, %dma_start3A_365, %dma_start3A_366] : memref<2x128x128xf32, #tpu.memory_space<vmem>> -> memref<1x128x128xf32, #tpu.memory_space<vmem>>
          %dma_start3A_368 = tpu.memref_squeeze %dma_start3A_367 : memref<1x128x128xf32, #tpu.memory_space<vmem>> -> memref<128x128xf32, #tpu.memory_space<vmem>>
          tpu.enqueue_dma source(%dma_start3A_368 : memref<128x128xf32, #tpu.memory_space<vmem>>) target(%dma_start3A_364 : memref<128x128xf32, #tpu.memory_space<hbm>>) target_semaphore(%dma_start3A_362 : memref<!tpu.dma_semaphore, #tpu.memory_space<semaphore_mem>>)
          "tpu.trace_stop"() : () -> ()
        } else {
        }
        %and3A_286 = arith.constant true
        %and3A_287 = arith.andi %or3A_282, %and3A_286 : i1
        %add3A_288 = arith.constant 1 : i32
        %add3A_289 = arith.addi %scan3A_154, %add3A_288 : i32
        %select_n3A_290 = arith.select %and3A_287, %add3A_289, %scan3A_154 : i32
        %ne3A_291 = arith.cmpi ne, %add3A_161, %add3A_170 : i32
        %or3A_292 = arith.constant false
        %or3A_293 = arith.ori %or3A_292, %ne3A_291 : i1
        %not3A_294 = arith.constant true
        %not3A_295 = arith.xori %eq3A_158, %not3A_294 : i1
        %and3A_296 = arith.andi %or3A_293, %not3A_295 : i1
        %convert_element_type3A_297 = arith.extui %and3A_296 : i1 to i32
        %cond3A_298 = arith.constant 0 : i32
        %cond3A_299 = arith.cmpi ne, %convert_element_type3A_297, %cond3A_298 : i32
        scf.if %cond3A_299 {
        } else {
        }
        %and3A_300 = arith.constant false
        %and3A_301 = arith.andi %and3A_296, %and3A_300 : i1
        %ne3A_302 = arith.cmpi ne, %add3A_161, %add3A_170 : i32
        %or3A_303 = arith.constant false
        %or3A_304 = arith.ori %or3A_303, %ne3A_302 : i1
        %not3A_305 = arith.constant true
        %not3A_306 = arith.xori %eq3A_158, %not3A_305 : i1
        %and3A_307 = arith.andi %or3A_304, %not3A_306 : i1
        %convert_element_type3A_308 = arith.extui %and3A_307 : i1 to i32
        %cond3A_309 = arith.constant 0 : i32
        %cond3A_310 = arith.cmpi ne, %convert_element_type3A_308, %cond3A_309 : i32
        scf.if %cond3A_310 {
        } else {
        }
        %and3A_311 = arith.constant false
        %and3A_312 = arith.andi %and3A_307, %and3A_311 : i1
        %ne3A_313 = arith.cmpi ne, %add3A_161, %add3A_170 : i32
        %or3A_314 = arith.constant false
        %or3A_315 = arith.ori %or3A_314, %ne3A_313 : i1
        %or3A_316 = arith.constant false
        %or3A_317 = arith.ori %or3A_315, %or3A_316 : i1
        %not3A_318 = arith.constant true
        %not3A_319 = arith.xori %eq3A_158, %not3A_318 : i1
        %and3A_320 = arith.andi %or3A_317, %not3A_319 : i1
        %convert_element_type3A_321 = arith.extui %and3A_320 : i1 to i32
        %cond3A_322 = arith.constant 0 : i32
        %cond3A_323 = arith.cmpi ne, %convert_element_type3A_321, %cond3A_322 : i32
        scf.if %cond3A_323 {
          "tpu.trace_start"() <{level = 10 : i32, message = "ep_wait_out"}> : () -> ()
          %rem3A_351 = arith.constant 2 : i32
          %rem3A_352 = arith.remui %scan3A_155, %rem3A_351 : i32
          %mul3A_353 = arith.constant 128 : i32
          %mul3A_354 = arith.muli %mul3A_353, %add3A_170 : i32
          %dma_wait3A_355 = arith.constant 0 : i32
          %dma_wait3A_356 = arith.constant 0 : i32
          %dma_wait3A_357 = tpu.memref_slice %run_scoped3A_10[%rem3A_352, %dma_wait3A_355, %dma_wait3A_356] : memref<2x128x128xf32, #tpu.memory_space<vmem>> -> memref<1x128x128xf32, #tpu.memory_space<vmem>>
          %dma_wait3A_358 = tpu.memref_squeeze %dma_wait3A_357 : memref<1x128x128xf32, #tpu.memory_space<vmem>> -> memref<128x128xf32, #tpu.memory_space<vmem>>
          %dma_wait3A_359 = arith.constant 0 : i32
          %dma_wait3A_360 = tpu.memref_slice %arg5[%mul3A_354, %dma_wait3A_359] : memref<16384x128xf32, #tpu.memory_space<hbm>> -> memref<128x128xf32, #tpu.memory_space<hbm>>
          %dma_wait3A_361 = tpu.memref_slice %run_scoped3A_11[%rem3A_352] : memref<2x!tpu.dma_semaphore, #tpu.memory_space<semaphore_mem>> -> memref<1x!tpu.dma_semaphore, #tpu.memory_space<semaphore_mem>>
          %dma_wait3A_362 = tpu.memref_squeeze %dma_wait3A_361 : memref<1x!tpu.dma_semaphore, #tpu.memory_space<semaphore_mem>> -> memref<!tpu.dma_semaphore, #tpu.memory_space<semaphore_mem>>
          %dma_wait3A_363 = arith.constant 0 : i32
          %dma_wait3A_364 = tpu.memref_slice %arg5[%mul3A_354, %dma_wait3A_363] : memref<16384x128xf32, #tpu.memory_space<hbm>> -> memref<128x128xf32, #tpu.memory_space<hbm>>
          %dma_wait3A_365 = arith.constant 0 : i32
          %dma_wait3A_366 = arith.constant 0 : i32
          %dma_wait3A_367 = tpu.memref_slice %run_scoped3A_10[%rem3A_352, %dma_wait3A_365, %dma_wait3A_366] : memref<2x128x128xf32, #tpu.memory_space<vmem>> -> memref<1x128x128xf32, #tpu.memory_space<vmem>>
          %dma_wait3A_368 = tpu.memref_squeeze %dma_wait3A_367 : memref<1x128x128xf32, #tpu.memory_space<vmem>> -> memref<128x128xf32, #tpu.memory_space<vmem>>
          tpu.wait_dma2 semaphore(%dma_wait3A_362 : memref<!tpu.dma_semaphore, #tpu.memory_space<semaphore_mem>>) src(%dma_wait3A_368 : memref<128x128xf32, #tpu.memory_space<vmem>>) dst(%dma_wait3A_364 : memref<128x128xf32, #tpu.memory_space<hbm>>)
          "tpu.trace_stop"() : () -> ()
        } else {
        }
        %and3A_324 = arith.constant true
        %and3A_325 = arith.andi %and3A_320, %and3A_324 : i1
        %add3A_326 = arith.constant 1 : i32
        %add3A_327 = arith.addi %scan3A_155, %add3A_326 : i32
        %select_n3A_328 = arith.select %and3A_325, %add3A_327, %scan3A_155 : i32
        %ne3A_329 = arith.cmpi ne, %add3A_161, %add3A_179 : i32
        %or3A_330 = arith.constant false
        %or3A_331 = arith.ori %or3A_330, %ne3A_329 : i1
        %or3A_332 = arith.ori %or3A_331, %eq3A_160 : i1
        %add3A_333 = arith.constant 1 : i32
        %add3A_334 = arith.addi %scan3A_151, %add3A_333 : i32
        %select_n3A_335 = arith.select %or3A_332, %add3A_334, %scan3A_151 : i32
        %ne3A_336 = arith.cmpi ne, %add3A_161, %add3A_179 : i32
        %or3A_337 = arith.constant false
        %or3A_338 = arith.ori %or3A_337, %ne3A_336 : i1
        %or3A_339 = arith.ori %or3A_338, %eq3A_160 : i1
        %add3A_340 = arith.constant 1 : i32
        %add3A_341 = arith.addi %scan3A_153, %add3A_340 : i32
        %select_n3A_342 = arith.select %or3A_339, %add3A_341, %scan3A_153 : i32
        %add3A_343 = arith.constant 1 : i32
        %add3A_344 = arith.addi %scan3A_156, %add3A_343 : i32
        %select_n3A_345 = arith.constant true
        %select_n3A_346 = arith.select %select_n3A_345, %add3A_344, %scan3A_156 : i32
        %eq3A_347 = arith.constant 4 : i32
        %eq3A_348 = arith.cmpi eq, %select_n3A_346, %eq3A_347 : i32
        %select_n3A_349 = arith.constant 0 : i32
        %select_n3A_350 = arith.select %eq3A_348, %select_n3A_349, %select_n3A_346 : i32
        scf.yield %select_n3A_197, %select_n3A_335, %select_n3A_213, %select_n3A_342, %select_n3A_290, %select_n3A_328, %select_n3A_350 : i32, i32, i32, i32, i32, i32, i32
      }
      %scan3A_96 = arith.constant 4 : i32
      %sub3A = arith.constant 1 : i32
      %sub3A_97 = arith.subi %scan3A_95#6, %sub3A : i32
      %select_n3A_98 = arith.constant true
      %select_n3A_99 = arith.select %select_n3A_98, %sub3A_97, %scan3A_95#6 : i32
      %eq3A_100 = arith.constant -1 : i32
      %eq3A_101 = arith.cmpi eq, %select_n3A_99, %eq3A_100 : i32
      %select_n3A_102 = arith.constant 3 : i32
      %select_n3A_103 = arith.select %eq3A_101, %select_n3A_102, %select_n3A_99 : i32
      %add3A_104 = arith.addi %select_n3A_103, %mul3A_6 : i32
      %sub3A_105 = arith.constant 1 : i32
      %sub3A_106 = arith.subi %select_n3A_103, %sub3A_105 : i32
      %select_n3A_107 = arith.constant true
      %select_n3A_108 = arith.select %select_n3A_107, %sub3A_106, %select_n3A_103 : i32
      %eq3A_109 = arith.constant -1 : i32
      %eq3A_110 = arith.cmpi eq, %select_n3A_108, %eq3A_109 : i32
      %select_n3A_111 = arith.constant 3 : i32
      %select_n3A_112 = arith.select %eq3A_110, %select_n3A_111, %select_n3A_108 : i32
      %add3A_113 = arith.addi %select_n3A_112, %mul3A_6 : i32
      %add3A_114 = arith.constant 1 : i32
      %add3A_115 = arith.addi %select_n3A_103, %add3A_114 : i32
      %select_n3A_116 = arith.constant true
      %select_n3A_117 = arith.select %select_n3A_116, %add3A_115, %select_n3A_103 : i32
      %eq3A_118 = arith.constant 4 : i32
      %eq3A_119 = arith.cmpi eq, %select_n3A_117, %eq3A_118 : i32
      %select_n3A_120 = arith.constant 0 : i32
      %select_n3A_121 = arith.select %eq3A_119, %select_n3A_120, %select_n3A_117 : i32
      %add3A_122 = arith.addi %select_n3A_121, %mul3A_6 : i32
      %add3A_123 = arith.constant 1 : i32
      %add3A_124 = arith.addi %select_n3A_121, %add3A_123 : i32
      %select_n3A_125 = arith.constant true
      %select_n3A_126 = arith.select %select_n3A_125, %add3A_124, %select_n3A_121 : i32
      %eq3A_127 = arith.constant 4 : i32
      %eq3A_128 = arith.cmpi eq, %select_n3A_126, %eq3A_127 : i32
      %select_n3A_129 = arith.constant 0 : i32
      %select_n3A_130 = arith.select %eq3A_128, %select_n3A_129, %select_n3A_126 : i32
      %add3A_131 = arith.addi %select_n3A_130, %mul3A_6 : i32
      "tpu.trace_start"() <{level = 10 : i32, message = "ep_finalize"}> : () -> ()
      %rem3A_132 = arith.constant 2 : i32
      %rem3A_133 = arith.remui %scan3A_95#5, %rem3A_132 : i32
      %mul3A_134 = arith.constant 128 : i32
      %mul3A_135 = arith.muli %mul3A_134, %add3A_104 : i32
      %dma_wait3A = arith.constant 0 : i32
      %dma_wait3A_136 = arith.constant 0 : i32
      %dma_wait3A_137 = tpu.memref_slice %run_scoped3A_10[%rem3A_133, %dma_wait3A, %dma_wait3A_136] : memref<2x128x128xf32, #tpu.memory_space<vmem>> -> memref<1x128x128xf32, #tpu.memory_space<vmem>>
      %dma_wait3A_138 = tpu.memref_squeeze %dma_wait3A_137 : memref<1x128x128xf32, #tpu.memory_space<vmem>> -> memref<128x128xf32, #tpu.memory_space<vmem>>
      %dma_wait3A_139 = arith.constant 0 : i32
      %dma_wait3A_140 = tpu.memref_slice %arg5[%mul3A_135, %dma_wait3A_139] : memref<16384x128xf32, #tpu.memory_space<hbm>> -> memref<128x128xf32, #tpu.memory_space<hbm>>
      %dma_wait3A_141 = tpu.memref_slice %run_scoped3A_11[%rem3A_133] : memref<2x!tpu.dma_semaphore, #tpu.memory_space<semaphore_mem>> -> memref<1x!tpu.dma_semaphore, #tpu.memory_space<semaphore_mem>>
      %dma_wait3A_142 = tpu.memref_squeeze %dma_wait3A_141 : memref<1x!tpu.dma_semaphore, #tpu.memory_space<semaphore_mem>> -> memref<!tpu.dma_semaphore, #tpu.memory_space<semaphore_mem>>
      %dma_wait3A_143 = arith.constant 0 : i32
      %dma_wait3A_144 = tpu.memref_slice %arg5[%mul3A_135, %dma_wait3A_143] : memref<16384x128xf32, #tpu.memory_space<hbm>> -> memref<128x128xf32, #tpu.memory_space<hbm>>
      %dma_wait3A_145 = arith.constant 0 : i32
      %dma_wait3A_146 = arith.constant 0 : i32
      %dma_wait3A_147 = tpu.memref_slice %run_scoped3A_10[%rem3A_133, %dma_wait3A_145, %dma_wait3A_146] : memref<2x128x128xf32, #tpu.memory_space<vmem>> -> memref<1x128x128xf32, #tpu.memory_space<vmem>>
      %dma_wait3A_148 = tpu.memref_squeeze %dma_wait3A_147 : memref<1x128x128xf32, #tpu.memory_space<vmem>> -> memref<128x128xf32, #tpu.memory_space<vmem>>
      tpu.wait_dma2 semaphore(%dma_wait3A_142 : memref<!tpu.dma_semaphore, #tpu.memory_space<semaphore_mem>>) src(%dma_wait3A_148 : memref<128x128xf32, #tpu.memory_space<vmem>>) dst(%dma_wait3A_144 : memref<128x128xf32, #tpu.memory_space<hbm>>)
      "tpu.trace_stop"() : () -> ()
      tpu.yield
    }) : () -> ()
    return
  }
}

#map = affine_map<(d0, d1) -> (0, 0)>
module attributes {stable_mosaic.version = 14 : i64} {
  func.func @k(%arg0: i32, %arg1: i32, %arg2: memref<1x16384xi32, #tpu.memory_space<hbm>>, %arg3: memref<257x128xf32, #tpu.memory_space<hbm>>, %arg4: memref<16384x128xf32, #tpu.memory_space<hbm>>) attributes {dimension_semantics = [#tpu.dimension_semantics<core_parallel>, #tpu.dimension_semantics<subcore_parallel>], iteration_bounds = array<i64: 2, 16>, scalar_prefetch = 0 : i64, scratch_operands = 0 : i64, tpu.core_type = #tpu.core_type<sc_vector_subcore>, window_params = [{transform_indices = #map}, {transform_indices = #map}, {transform_indices = #map}]} {
    %mul3A = arith.constant 1 : i32
    %mul3A_0 = arith.muli %arg1, %mul3A : i32
    %add3A = arith.constant 0 : i32
    %add3A_1 = arith.addi %add3A, %mul3A_0 : i32
    %mul3A_2 = arith.constant 16 : i32
    %mul3A_3 = arith.muli %arg0, %mul3A_2 : i32
    %add3A_4 = arith.addi %add3A_1, %mul3A_3 : i32
    %mul3A_5 = arith.constant 4 : i32
    %mul3A_6 = arith.muli %add3A_4, %mul3A_5 : i32
    "tpu.region"() ({
      %run_scoped3A = memref.alloca() : memref<2x1x128xi32, #tpu.memory_space<vmem>>
      %run_scoped3A_7 = tpu.sem_alloc : memref<2x!tpu.dma_semaphore, #tpu.memory_space<semaphore_mem>>
      %run_scoped3A_8 = memref.alloca() : memref<2x128x128xf32, #tpu.memory_space<vmem>>
      %run_scoped3A_9 = tpu.sem_alloc : memref<2x!tpu.dma_semaphore, #tpu.memory_space<semaphore_mem>>
      %add3A_10 = arith.constant 0 : i32
      %add3A_11 = arith.addi %add3A_10, %mul3A_6 : i32
      %select_n3A = arith.constant true
      %select_n3A_12 = arith.constant 0 : i32
      %select_n3A_13 = arith.constant -1 : i32
      %select_n3A_14 = arith.select %select_n3A, %select_n3A_13, %select_n3A_12 : i32
      %eq3A = arith.constant -1 : i32
      %eq3A_15 = arith.cmpi eq, %select_n3A_14, %eq3A : i32
      %select_n3A_16 = arith.constant 3 : i32
      %select_n3A_17 = arith.select %eq3A_15, %select_n3A_16, %select_n3A_14 : i32
      %add3A_18 = arith.addi %select_n3A_17, %mul3A_6 : i32
      %select_n3A_19 = arith.constant true
      %select_n3A_20 = arith.constant 0 : i32
      %select_n3A_21 = arith.constant 1 : i32
      %select_n3A_22 = arith.select %select_n3A_19, %select_n3A_21, %select_n3A_20 : i32
      %eq3A_23 = arith.constant 4 : i32
      %eq3A_24 = arith.cmpi eq, %select_n3A_22, %eq3A_23 : i32
      %select_n3A_25 = arith.constant 0 : i32
      %select_n3A_26 = arith.select %eq3A_24, %select_n3A_25, %select_n3A_22 : i32
      %add3A_27 = arith.addi %select_n3A_26, %mul3A_6 : i32
      %add3A_28 = arith.constant 1 : i32
      %add3A_29 = arith.addi %select_n3A_26, %add3A_28 : i32
      %select_n3A_30 = arith.constant true
      %select_n3A_31 = arith.select %select_n3A_30, %add3A_29, %select_n3A_26 : i32
      %eq3A_32 = arith.constant 4 : i32
      %eq3A_33 = arith.cmpi eq, %select_n3A_31, %eq3A_32 : i32
      %select_n3A_34 = arith.constant 0 : i32
      %select_n3A_35 = arith.select %eq3A_33, %select_n3A_34, %select_n3A_31 : i32
      %add3A_36 = arith.addi %select_n3A_35, %mul3A_6 : i32
      "tpu.trace_start"() <{level = 10 : i32, message = "ep_initialize_0"}> : () -> ()
      %rem3A = arith.constant 0 : i32
      %rem3A_37 = arith.constant 2 : i32
      %rem3A_38 = arith.remui %rem3A, %rem3A_37 : i32
      %mul3A_39 = arith.constant 128 : i32
      %mul3A_40 = arith.muli %mul3A_39, %add3A_11 : i32
      %dma_start3A = arith.constant 0 : i32
      %dma_start3A_41 = arith.constant 0 : i32
      %dma_start3A_42 = tpu.memref_slice %run_scoped3A[%rem3A_38, %dma_start3A, %dma_start3A_41] : memref<2x1x128xi32, #tpu.memory_space<vmem>> -> memref<1x1x128xi32, #tpu.memory_space<vmem>>
      %dma_start3A_43 = tpu.memref_squeeze %dma_start3A_42 : memref<1x1x128xi32, #tpu.memory_space<vmem>> -> memref<1x128xi32, #tpu.memory_space<vmem>>
      %dma_start3A_44 = arith.constant 0 : i32
      %dma_start3A_45 = tpu.memref_slice %arg2[%dma_start3A_44, %mul3A_40] : memref<1x16384xi32, #tpu.memory_space<hbm>> -> memref<1x128xi32, #tpu.memory_space<hbm>>
      %dma_start3A_46 = tpu.memref_slice %run_scoped3A_7[%rem3A_38] : memref<2x!tpu.dma_semaphore, #tpu.memory_space<semaphore_mem>> -> memref<1x!tpu.dma_semaphore, #tpu.memory_space<semaphore_mem>>
      %dma_start3A_47 = tpu.memref_squeeze %dma_start3A_46 : memref<1x!tpu.dma_semaphore, #tpu.memory_space<semaphore_mem>> -> memref<!tpu.dma_semaphore, #tpu.memory_space<semaphore_mem>>
      %dma_start3A_48 = arith.constant 0 : i32
      %dma_start3A_49 = arith.constant 0 : i32
      %dma_start3A_50 = tpu.memref_slice %run_scoped3A[%rem3A_38, %dma_start3A_48, %dma_start3A_49] : memref<2x1x128xi32, #tpu.memory_space<vmem>> -> memref<1x1x128xi32, #tpu.memory_space<vmem>>
      %dma_start3A_51 = tpu.memref_squeeze %dma_start3A_50 : memref<1x1x128xi32, #tpu.memory_space<vmem>> -> memref<1x128xi32, #tpu.memory_space<vmem>>
      %dma_start3A_52 = arith.constant 0 : i32
      %dma_start3A_53 = tpu.memref_slice %arg2[%dma_start3A_52, %mul3A_40] : memref<1x16384xi32, #tpu.memory_space<hbm>> -> memref<1x128xi32, #tpu.memory_space<hbm>>
      tpu.enqueue_dma source(%dma_start3A_53 : memref<1x128xi32, #tpu.memory_space<hbm>>) target(%dma_start3A_51 : memref<1x128xi32, #tpu.memory_space<vmem>>) target_semaphore(%dma_start3A_47 : memref<!tpu.dma_semaphore, #tpu.memory_space<semaphore_mem>>)
      %add3A_54 = arith.constant 0 : i32
      %add3A_55 = arith.constant 1 : i32
      %add3A_56 = arith.addi %add3A_54, %add3A_55 : i32
      %select_n3A_57 = arith.constant true
      %select_n3A_58 = arith.constant 0 : i32
      %select_n3A_59 = arith.select %select_n3A_57, %add3A_56, %select_n3A_58 : i32
      "tpu.trace_stop"() : () -> ()
      %scan3A = arith.constant 0 : i32
      %scan3A_60 = arith.constant 0 : i32
      %scan3A_61 = arith.constant 0 : i32
      %scan3A_62 = arith.constant 0 : i32
      %scan3A_63 = arith.constant 0 : i32
      %scan3A_64 = arith.constant 4 : i32
      %scan3A_65 = arith.addi %scan3A_63, %scan3A_64 : i32
      %scan3A_66 = arith.constant 1 : i32
      %scan3A_67:5 = scf.for %scan3A_121 = %scan3A_63 to %scan3A_65 step %scan3A_66 iter_args(%scan3A_122 = %select_n3A_59, %scan3A_123 = %scan3A, %scan3A_124 = %scan3A_60, %scan3A_125 = %scan3A_61, %scan3A_126 = %scan3A_62) -> (i32, i32, i32, i32, i32)  : i32 {
        %eq3A_127 = arith.constant 0 : i32
        %eq3A_128 = arith.cmpi eq, %scan3A_121, %eq3A_127 : i32
        %eq3A_129 = arith.constant 3 : i32
        %eq3A_130 = arith.cmpi eq, %scan3A_121, %eq3A_129 : i32
        %add3A_131 = arith.addi %scan3A_126, %mul3A_6 : i32
        %sub3A_132 = arith.constant 1 : i32
        %sub3A_133 = arith.subi %scan3A_126, %sub3A_132 : i32
        %select_n3A_134 = arith.constant true
        %select_n3A_135 = arith.select %select_n3A_134, %sub3A_133, %scan3A_126 : i32
        %eq3A_136 = arith.constant -1 : i32
        %eq3A_137 = arith.cmpi eq, %select_n3A_135, %eq3A_136 : i32
        %select_n3A_138 = arith.constant 3 : i32
        %select_n3A_139 = arith.select %eq3A_137, %select_n3A_138, %select_n3A_135 : i32
        %add3A_140 = arith.addi %select_n3A_139, %mul3A_6 : i32
        %add3A_141 = arith.constant 1 : i32
        %add3A_142 = arith.addi %scan3A_126, %add3A_141 : i32
        %select_n3A_143 = arith.constant true
        %select_n3A_144 = arith.select %select_n3A_143, %add3A_142, %scan3A_126 : i32
        %eq3A_145 = arith.constant 4 : i32
        %eq3A_146 = arith.cmpi eq, %select_n3A_144, %eq3A_145 : i32
        %select_n3A_147 = arith.constant 0 : i32
        %select_n3A_148 = arith.select %eq3A_146, %select_n3A_147, %select_n3A_144 : i32
        %add3A_149 = arith.addi %select_n3A_148, %mul3A_6 : i32
        %add3A_150 = arith.constant 1 : i32
        %add3A_151 = arith.addi %select_n3A_148, %add3A_150 : i32
        %select_n3A_152 = arith.constant true
        %select_n3A_153 = arith.select %select_n3A_152, %add3A_151, %select_n3A_148 : i32
        %eq3A_154 = arith.constant 4 : i32
        %eq3A_155 = arith.cmpi eq, %select_n3A_153, %eq3A_154 : i32
        %select_n3A_156 = arith.constant 0 : i32
        %select_n3A_157 = arith.select %eq3A_155, %select_n3A_156, %select_n3A_153 : i32
        %add3A_158 = arith.addi %select_n3A_157, %mul3A_6 : i32
        %ne3A = arith.cmpi ne, %add3A_131, %add3A_149 : i32
        %or3A = arith.constant false
        %or3A_159 = arith.ori %or3A, %ne3A : i1
        %ge3A = arith.constant 3 : i32
        %ge3A_160 = arith.cmpi sge, %scan3A_121, %ge3A : i32
        %not3A = arith.constant true
        %not3A_161 = arith.xori %ge3A_160, %not3A : i1
        %and3A = arith.andi %or3A_159, %not3A_161 : i1
        %convert_element_type3A = arith.extui %and3A : i1 to i32
        %cond3A = arith.constant 0 : i32
        %cond3A_162 = arith.cmpi ne, %convert_element_type3A, %cond3A : i32
        scf.if %cond3A_162 {
          "tpu.trace_start"() <{level = 10 : i32, message = "ep_copy_in"}> : () -> ()
          %rem3A_264 = arith.constant 2 : i32
          %rem3A_265 = arith.remui %scan3A_122, %rem3A_264 : i32
          %mul3A_266 = arith.constant 128 : i32
          %mul3A_267 = arith.muli %mul3A_266, %add3A_149 : i32
          %dma_start3A_268 = arith.constant 0 : i32
          %dma_start3A_269 = arith.constant 0 : i32
          %dma_start3A_270 = tpu.memref_slice %run_scoped3A[%rem3A_265, %dma_start3A_268, %dma_start3A_269] : memref<2x1x128xi32, #tpu.memory_space<vmem>> -> memref<1x1x128xi32, #tpu.memory_space<vmem>>
          %dma_start3A_271 = tpu.memref_squeeze %dma_start3A_270 : memref<1x1x128xi32, #tpu.memory_space<vmem>> -> memref<1x128xi32, #tpu.memory_space<vmem>>
          %dma_start3A_272 = arith.constant 0 : i32
          %dma_start3A_273 = tpu.memref_slice %arg2[%dma_start3A_272, %mul3A_267] : memref<1x16384xi32, #tpu.memory_space<hbm>> -> memref<1x128xi32, #tpu.memory_space<hbm>>
          %dma_start3A_274 = tpu.memref_slice %run_scoped3A_7[%rem3A_265] : memref<2x!tpu.dma_semaphore, #tpu.memory_space<semaphore_mem>> -> memref<1x!tpu.dma_semaphore, #tpu.memory_space<semaphore_mem>>
          %dma_start3A_275 = tpu.memref_squeeze %dma_start3A_274 : memref<1x!tpu.dma_semaphore, #tpu.memory_space<semaphore_mem>> -> memref<!tpu.dma_semaphore, #tpu.memory_space<semaphore_mem>>
          %dma_start3A_276 = arith.constant 0 : i32
          %dma_start3A_277 = arith.constant 0 : i32
          %dma_start3A_278 = tpu.memref_slice %run_scoped3A[%rem3A_265, %dma_start3A_276, %dma_start3A_277] : memref<2x1x128xi32, #tpu.memory_space<vmem>> -> memref<1x1x128xi32, #tpu.memory_space<vmem>>
          %dma_start3A_279 = tpu.memref_squeeze %dma_start3A_278 : memref<1x1x128xi32, #tpu.memory_space<vmem>> -> memref<1x128xi32, #tpu.memory_space<vmem>>
          %dma_start3A_280 = arith.constant 0 : i32
          %dma_start3A_281 = tpu.memref_slice %arg2[%dma_start3A_280, %mul3A_267] : memref<1x16384xi32, #tpu.memory_space<hbm>> -> memref<1x128xi32, #tpu.memory_space<hbm>>
          tpu.enqueue_dma source(%dma_start3A_281 : memref<1x128xi32, #tpu.memory_space<hbm>>) target(%dma_start3A_279 : memref<1x128xi32, #tpu.memory_space<vmem>>) target_semaphore(%dma_start3A_275 : memref<!tpu.dma_semaphore, #tpu.memory_space<semaphore_mem>>)
          "tpu.trace_stop"() : () -> ()
        } else {
        }
        %and3A_163 = arith.constant true
        %and3A_164 = arith.andi %and3A, %and3A_163 : i1
        %add3A_165 = arith.constant 1 : i32
        %add3A_166 = arith.addi %scan3A_122, %add3A_165 : i32
        %select_n3A_167 = arith.select %and3A_164, %add3A_166, %scan3A_122 : i32
        %ne3A_168 = arith.cmpi ne, %add3A_131, %add3A_149 : i32
        %or3A_169 = arith.constant false
        %or3A_170 = arith.ori %or3A_169, %ne3A_168 : i1
        %or3A_171 = arith.constant false
        %or3A_172 = arith.ori %or3A_170, %or3A_171 : i1
        %ge3A_173 = arith.constant 3 : i32
        %ge3A_174 = arith.cmpi sge, %scan3A_121, %ge3A_173 : i32
        %not3A_175 = arith.constant true
        %not3A_176 = arith.xori %ge3A_174, %not3A_175 : i1
        %and3A_177 = arith.andi %or3A_172, %not3A_176 : i1
        %ne3A_178 = arith.cmpi ne, %add3A_131, %add3A_140 : i32
        %or3A_179 = arith.constant false
        %or3A_180 = arith.ori %or3A_179, %ne3A_178 : i1
        %or3A_181 = arith.ori %or3A_180, %eq3A_128 : i1
        %convert_element_type3A_182 = arith.extui %or3A_181 : i1 to i32
        %cond3A_183 = arith.constant 0 : i32
        %cond3A_184 = arith.cmpi ne, %convert_element_type3A_182, %cond3A_183 : i32
        scf.if %cond3A_184 {
          "tpu.trace_start"() <{level = 10 : i32, message = "ep_wait_in"}> : () -> ()
          %mul3A_264 = arith.constant 128 : i32
          %mul3A_265 = arith.muli %mul3A_264, %add3A_131 : i32
          %rem3A_266 = arith.constant 2 : i32
          %rem3A_267 = arith.remui %scan3A_123, %rem3A_266 : i32
          %dma_wait3A_268 = arith.constant 0 : i32
          %dma_wait3A_269 = arith.constant 0 : i32
          %dma_wait3A_270 = tpu.memref_slice %run_scoped3A[%rem3A_267, %dma_wait3A_268, %dma_wait3A_269] : memref<2x1x128xi32, #tpu.memory_space<vmem>> -> memref<1x1x128xi32, #tpu.memory_space<vmem>>
          %dma_wait3A_271 = tpu.memref_squeeze %dma_wait3A_270 : memref<1x1x128xi32, #tpu.memory_space<vmem>> -> memref<1x128xi32, #tpu.memory_space<vmem>>
          %dma_wait3A_272 = arith.constant 0 : i32
          %dma_wait3A_273 = tpu.memref_slice %arg2[%dma_wait3A_272, %mul3A_265] : memref<1x16384xi32, #tpu.memory_space<hbm>> -> memref<1x128xi32, #tpu.memory_space<hbm>>
          %dma_wait3A_274 = tpu.memref_slice %run_scoped3A_7[%rem3A_267] : memref<2x!tpu.dma_semaphore, #tpu.memory_space<semaphore_mem>> -> memref<1x!tpu.dma_semaphore, #tpu.memory_space<semaphore_mem>>
          %dma_wait3A_275 = tpu.memref_squeeze %dma_wait3A_274 : memref<1x!tpu.dma_semaphore, #tpu.memory_space<semaphore_mem>> -> memref<!tpu.dma_semaphore, #tpu.memory_space<semaphore_mem>>
          %dma_wait3A_276 = arith.constant 0 : i32
          %dma_wait3A_277 = arith.constant 0 : i32
          %dma_wait3A_278 = tpu.memref_slice %run_scoped3A[%rem3A_267, %dma_wait3A_276, %dma_wait3A_277] : memref<2x1x128xi32, #tpu.memory_space<vmem>> -> memref<1x1x128xi32, #tpu.memory_space<vmem>>
          %dma_wait3A_279 = tpu.memref_squeeze %dma_wait3A_278 : memref<1x1x128xi32, #tpu.memory_space<vmem>> -> memref<1x128xi32, #tpu.memory_space<vmem>>
          %dma_wait3A_280 = arith.constant 0 : i32
          %dma_wait3A_281 = tpu.memref_slice %arg2[%dma_wait3A_280, %mul3A_265] : memref<1x16384xi32, #tpu.memory_space<hbm>> -> memref<1x128xi32, #tpu.memory_space<hbm>>
          tpu.wait_dma2 semaphore(%dma_wait3A_275 : memref<!tpu.dma_semaphore, #tpu.memory_space<semaphore_mem>>) src(%dma_wait3A_281 : memref<1x128xi32, #tpu.memory_space<hbm>>) dst(%dma_wait3A_279 : memref<1x128xi32, #tpu.memory_space<vmem>>)
          "tpu.trace_stop"() : () -> ()
        } else {
        }
        %ne3A_185 = arith.cmpi ne, %add3A_131, %add3A_140 : i32
        %or3A_186 = arith.constant false
        %or3A_187 = arith.ori %or3A_186, %ne3A_185 : i1
        %or3A_188 = arith.constant false
        %or3A_189 = arith.ori %or3A_187, %or3A_188 : i1
        %or3A_190 = arith.ori %or3A_189, %eq3A_128 : i1
        %convert_element_type3A_191 = arith.extui %or3A_190 : i1 to i32
        %cond3A_192 = arith.constant 0 : i32
        %cond3A_193 = arith.cmpi ne, %convert_element_type3A_191, %cond3A_192 : i32
        scf.if %cond3A_193 {
        } else {
        }
        %rem3A_194 = arith.constant 2 : i32
        %rem3A_195 = arith.remui %scan3A_123, %rem3A_194 : i32
        %rem3A_196 = arith.constant 2 : i32
        %rem3A_197 = arith.remui %scan3A_124, %rem3A_196 : i32
        %run_scoped3A_198 = arith.constant 0 : i32
        "tpu.trace_start"() <{level = 10 : i32, message = "ep_run_kernel"}> : () -> ()
        "tpu.region"() ({
          %run_scoped3A_264 = tpu.sem_alloc : memref<!tpu.dma_semaphore, #tpu.memory_space<semaphore_mem>>
          %dma_start3A_265 = arith.constant 0 : i32
          %dma_start3A_266 = arith.constant 0 : i32
          %dma_start3A_267 = tpu.memref_slice %run_scoped3A_8[%rem3A_197, %dma_start3A_265, %dma_start3A_266] : memref<2x128x128xf32, #tpu.memory_space<vmem>> -> memref<1x128x128xf32, #tpu.memory_space<vmem>>
          %dma_start3A_268 = tpu.memref_squeeze %dma_start3A_267 : memref<1x128x128xf32, #tpu.memory_space<vmem>> -> memref<128x128xf32, #tpu.memory_space<vmem>>
          %dma_start3A_269 = arith.constant 0 : i32
          %dma_start3A_270 = arith.constant 0 : i32
          %dma_start3A_271 = tpu.memref_slice %run_scoped3A[%rem3A_195, %dma_start3A_269, %dma_start3A_270] : memref<2x1x128xi32, #tpu.memory_space<vmem>> -> memref<1x1x128xi32, #tpu.memory_space<vmem>>
          %dma_start3A_272 = tpu.memref_squeeze %dma_start3A_271 : memref<1x1x128xi32, #tpu.memory_space<vmem>> -> memref<1x128xi32, #tpu.memory_space<vmem>>
          %dma_start3A_273 = arith.constant 0 : i32
          %dma_start3A_274 = tpu.memref_slice %dma_start3A_272[%run_scoped3A_198, %dma_start3A_273] : memref<1x128xi32, #tpu.memory_space<vmem>> -> memref<1x128xi32, #tpu.memory_space<vmem>>
          %dma_start3A_275 = tpu.memref_squeeze %dma_start3A_274 : memref<1x128xi32, #tpu.memory_space<vmem>> -> memref<128xi32, #tpu.memory_space<vmem>>
          %dma_start3A_276 = arith.constant 0 : i32
          %dma_start3A_277 = arith.constant 0 : i32
          %dma_start3A_278 = tpu.memref_slice %arg3[%dma_start3A_276, %dma_start3A_277] : memref<257x128xf32, #tpu.memory_space<hbm>> -> memref<257x128xf32, #tpu.memory_space<hbm>>
          tpu.enqueue_indirect_dma source(%dma_start3A_278 : memref<257x128xf32, #tpu.memory_space<hbm>>) target(%dma_start3A_268 : memref<128x128xf32, #tpu.memory_space<vmem>>) offsets(%dma_start3A_275 : memref<128xi32, #tpu.memory_space<vmem>>) semaphore(%run_scoped3A_264 : memref<!tpu.dma_semaphore, #tpu.memory_space<semaphore_mem>>)
          %dma_wait3A_279 = arith.constant 0 : i32
          %dma_wait3A_280 = arith.constant 0 : i32
          %dma_wait3A_281 = tpu.memref_slice %run_scoped3A_8[%rem3A_197, %dma_wait3A_279, %dma_wait3A_280] : memref<2x128x128xf32, #tpu.memory_space<vmem>> -> memref<1x128x128xf32, #tpu.memory_space<vmem>>
          %dma_wait3A_282 = tpu.memref_squeeze %dma_wait3A_281 : memref<1x128x128xf32, #tpu.memory_space<vmem>> -> memref<128x128xf32, #tpu.memory_space<vmem>>
          %dma_wait3A_283 = arith.constant 0 : i32
          %dma_wait3A_284 = arith.constant 0 : i32
          %dma_wait3A_285 = tpu.memref_slice %run_scoped3A[%rem3A_195, %dma_wait3A_283, %dma_wait3A_284] : memref<2x1x128xi32, #tpu.memory_space<vmem>> -> memref<1x1x128xi32, #tpu.memory_space<vmem>>
          %dma_wait3A_286 = tpu.memref_squeeze %dma_wait3A_285 : memref<1x1x128xi32, #tpu.memory_space<vmem>> -> memref<1x128xi32, #tpu.memory_space<vmem>>
          %dma_wait3A_287 = arith.constant 0 : i32
          %dma_wait3A_288 = tpu.memref_slice %dma_wait3A_286[%run_scoped3A_198, %dma_wait3A_287] : memref<1x128xi32, #tpu.memory_space<vmem>> -> memref<1x128xi32, #tpu.memory_space<vmem>>
          %dma_wait3A_289 = tpu.memref_squeeze %dma_wait3A_288 : memref<1x128xi32, #tpu.memory_space<vmem>> -> memref<128xi32, #tpu.memory_space<vmem>>
          %dma_wait3A_290 = arith.constant 0 : i32
          %dma_wait3A_291 = arith.constant 0 : i32
          %dma_wait3A_292 = tpu.memref_slice %arg3[%dma_wait3A_290, %dma_wait3A_291] : memref<257x128xf32, #tpu.memory_space<hbm>> -> memref<257x128xf32, #tpu.memory_space<hbm>>
          tpu.wait_indirect_dma semaphore(%run_scoped3A_264 : memref<!tpu.dma_semaphore, #tpu.memory_space<semaphore_mem>>) src(%dma_wait3A_292 : memref<257x128xf32, #tpu.memory_space<hbm>>) dst(%dma_wait3A_282 : memref<128x128xf32, #tpu.memory_space<vmem>>)
          tpu.yield
        }) : () -> ()
        "tpu.trace_stop"() : () -> ()
        %ne3A_199 = arith.cmpi ne, %add3A_131, %add3A_149 : i32
        %or3A_200 = arith.constant false
        %or3A_201 = arith.ori %or3A_200, %ne3A_199 : i1
        %or3A_202 = arith.ori %or3A_201, %eq3A_130 : i1
        %convert_element_type3A_203 = arith.extui %or3A_202 : i1 to i32
        %cond3A_204 = arith.constant 0 : i32
        %cond3A_205 = arith.cmpi ne, %convert_element_type3A_203, %cond3A_204 : i32
        scf.if %cond3A_205 {
        } else {
        }
        %and3A_206 = arith.constant false
        %and3A_207 = arith.andi %or3A_202, %and3A_206 : i1
        %ne3A_208 = arith.cmpi ne, %add3A_131, %add3A_149 : i32
        %or3A_209 = arith.constant false
        %or3A_210 = arith.ori %or3A_209, %ne3A_208 : i1
        %or3A_211 = arith.constant false
        %or3A_212 = arith.ori %or3A_210, %or3A_211 : i1
        %or3A_213 = arith.ori %or3A_212, %eq3A_130 : i1
        %convert_element_type3A_214 = arith.extui %or3A_213 : i1 to i32
        %cond3A_215 = arith.constant 0 : i32
        %cond3A_216 = arith.cmpi ne, %convert_element_type3A_214, %cond3A_215 : i32
        scf.if %cond3A_216 {
          "tpu.trace_start"() <{level = 10 : i32, message = "ep_copy_out"}> : () -> ()
          %rem3A_264 = arith.constant 2 : i32
          %rem3A_265 = arith.remui %scan3A_124, %rem3A_264 : i32
          %mul3A_266 = arith.constant 128 : i32
          %mul3A_267 = arith.muli %mul3A_266, %add3A_131 : i32
          %dma_start3A_268 = arith.constant 0 : i32
          %dma_start3A_269 = arith.constant 0 : i32
          %dma_start3A_270 = tpu.memref_slice %run_scoped3A_8[%rem3A_265, %dma_start3A_268, %dma_start3A_269] : memref<2x128x128xf32, #tpu.memory_space<vmem>> -> memref<1x128x128xf32, #tpu.memory_space<vmem>>
          %dma_start3A_271 = tpu.memref_squeeze %dma_start3A_270 : memref<1x128x128xf32, #tpu.memory_space<vmem>> -> memref<128x128xf32, #tpu.memory_space<vmem>>
          %dma_start3A_272 = arith.constant 0 : i32
          %dma_start3A_273 = tpu.memref_slice %arg4[%mul3A_267, %dma_start3A_272] : memref<16384x128xf32, #tpu.memory_space<hbm>> -> memref<128x128xf32, #tpu.memory_space<hbm>>
          %dma_start3A_274 = tpu.memref_slice %run_scoped3A_9[%rem3A_265] : memref<2x!tpu.dma_semaphore, #tpu.memory_space<semaphore_mem>> -> memref<1x!tpu.dma_semaphore, #tpu.memory_space<semaphore_mem>>
          %dma_start3A_275 = tpu.memref_squeeze %dma_start3A_274 : memref<1x!tpu.dma_semaphore, #tpu.memory_space<semaphore_mem>> -> memref<!tpu.dma_semaphore, #tpu.memory_space<semaphore_mem>>
          %dma_start3A_276 = arith.constant 0 : i32
          %dma_start3A_277 = tpu.memref_slice %arg4[%mul3A_267, %dma_start3A_276] : memref<16384x128xf32, #tpu.memory_space<hbm>> -> memref<128x128xf32, #tpu.memory_space<hbm>>
          %dma_start3A_278 = arith.constant 0 : i32
          %dma_start3A_279 = arith.constant 0 : i32
          %dma_start3A_280 = tpu.memref_slice %run_scoped3A_8[%rem3A_265, %dma_start3A_278, %dma_start3A_279] : memref<2x128x128xf32, #tpu.memory_space<vmem>> -> memref<1x128x128xf32, #tpu.memory_space<vmem>>
          %dma_start3A_281 = tpu.memref_squeeze %dma_start3A_280 : memref<1x128x128xf32, #tpu.memory_space<vmem>> -> memref<128x128xf32, #tpu.memory_space<vmem>>
          tpu.enqueue_dma source(%dma_start3A_281 : memref<128x128xf32, #tpu.memory_space<vmem>>) target(%dma_start3A_277 : memref<128x128xf32, #tpu.memory_space<hbm>>) target_semaphore(%dma_start3A_275 : memref<!tpu.dma_semaphore, #tpu.memory_space<semaphore_mem>>)
          "tpu.trace_stop"() : () -> ()
        } else {
        }
        %and3A_217 = arith.constant true
        %and3A_218 = arith.andi %or3A_213, %and3A_217 : i1
        %add3A_219 = arith.constant 1 : i32
        %add3A_220 = arith.addi %scan3A_124, %add3A_219 : i32
        %select_n3A_221 = arith.select %and3A_218, %add3A_220, %scan3A_124 : i32
        %ne3A_222 = arith.cmpi ne, %add3A_131, %add3A_140 : i32
        %or3A_223 = arith.constant false
        %or3A_224 = arith.ori %or3A_223, %ne3A_222 : i1
        %not3A_225 = arith.constant true
        %not3A_226 = arith.xori %eq3A_128, %not3A_225 : i1
        %and3A_227 = arith.andi %or3A_224, %not3A_226 : i1
        %convert_element_type3A_228 = arith.extui %and3A_227 : i1 to i32
        %cond3A_229 = arith.constant 0 : i32
        %cond3A_230 = arith.cmpi ne, %convert_element_type3A_228, %cond3A_229 : i32
        scf.if %cond3A_230 {
        } else {
        }
        %and3A_231 = arith.constant false
        %and3A_232 = arith.andi %and3A_227, %and3A_231 : i1
        %ne3A_233 = arith.cmpi ne, %add3A_131, %add3A_140 : i32
        %or3A_234 = arith.constant false
        %or3A_235 = arith.ori %or3A_234, %ne3A_233 : i1
        %or3A_236 = arith.constant false
        %or3A_237 = arith.ori %or3A_235, %or3A_236 : i1
        %not3A_238 = arith.constant true
        %not3A_239 = arith.xori %eq3A_128, %not3A_238 : i1
        %and3A_240 = arith.andi %or3A_237, %not3A_239 : i1
        %convert_element_type3A_241 = arith.extui %and3A_240 : i1 to i32
        %cond3A_242 = arith.constant 0 : i32
        %cond3A_243 = arith.cmpi ne, %convert_element_type3A_241, %cond3A_242 : i32
        scf.if %cond3A_243 {
          "tpu.trace_start"() <{level = 10 : i32, message = "ep_wait_out"}> : () -> ()
          %rem3A_264 = arith.constant 2 : i32
          %rem3A_265 = arith.remui %scan3A_125, %rem3A_264 : i32
          %mul3A_266 = arith.constant 128 : i32
          %mul3A_267 = arith.muli %mul3A_266, %add3A_140 : i32
          %dma_wait3A_268 = arith.constant 0 : i32
          %dma_wait3A_269 = arith.constant 0 : i32
          %dma_wait3A_270 = tpu.memref_slice %run_scoped3A_8[%rem3A_265, %dma_wait3A_268, %dma_wait3A_269] : memref<2x128x128xf32, #tpu.memory_space<vmem>> -> memref<1x128x128xf32, #tpu.memory_space<vmem>>
          %dma_wait3A_271 = tpu.memref_squeeze %dma_wait3A_270 : memref<1x128x128xf32, #tpu.memory_space<vmem>> -> memref<128x128xf32, #tpu.memory_space<vmem>>
          %dma_wait3A_272 = arith.constant 0 : i32
          %dma_wait3A_273 = tpu.memref_slice %arg4[%mul3A_267, %dma_wait3A_272] : memref<16384x128xf32, #tpu.memory_space<hbm>> -> memref<128x128xf32, #tpu.memory_space<hbm>>
          %dma_wait3A_274 = tpu.memref_slice %run_scoped3A_9[%rem3A_265] : memref<2x!tpu.dma_semaphore, #tpu.memory_space<semaphore_mem>> -> memref<1x!tpu.dma_semaphore, #tpu.memory_space<semaphore_mem>>
          %dma_wait3A_275 = tpu.memref_squeeze %dma_wait3A_274 : memref<1x!tpu.dma_semaphore, #tpu.memory_space<semaphore_mem>> -> memref<!tpu.dma_semaphore, #tpu.memory_space<semaphore_mem>>
          %dma_wait3A_276 = arith.constant 0 : i32
          %dma_wait3A_277 = tpu.memref_slice %arg4[%mul3A_267, %dma_wait3A_276] : memref<16384x128xf32, #tpu.memory_space<hbm>> -> memref<128x128xf32, #tpu.memory_space<hbm>>
          %dma_wait3A_278 = arith.constant 0 : i32
          %dma_wait3A_279 = arith.constant 0 : i32
          %dma_wait3A_280 = tpu.memref_slice %run_scoped3A_8[%rem3A_265, %dma_wait3A_278, %dma_wait3A_279] : memref<2x128x128xf32, #tpu.memory_space<vmem>> -> memref<1x128x128xf32, #tpu.memory_space<vmem>>
          %dma_wait3A_281 = tpu.memref_squeeze %dma_wait3A_280 : memref<1x128x128xf32, #tpu.memory_space<vmem>> -> memref<128x128xf32, #tpu.memory_space<vmem>>
          tpu.wait_dma2 semaphore(%dma_wait3A_275 : memref<!tpu.dma_semaphore, #tpu.memory_space<semaphore_mem>>) src(%dma_wait3A_281 : memref<128x128xf32, #tpu.memory_space<vmem>>) dst(%dma_wait3A_277 : memref<128x128xf32, #tpu.memory_space<hbm>>)
          "tpu.trace_stop"() : () -> ()
        } else {
        }
        %and3A_244 = arith.constant true
        %and3A_245 = arith.andi %and3A_240, %and3A_244 : i1
        %add3A_246 = arith.constant 1 : i32
        %add3A_247 = arith.addi %scan3A_125, %add3A_246 : i32
        %select_n3A_248 = arith.select %and3A_245, %add3A_247, %scan3A_125 : i32
        %ne3A_249 = arith.cmpi ne, %add3A_131, %add3A_149 : i32
        %or3A_250 = arith.constant false
        %or3A_251 = arith.ori %or3A_250, %ne3A_249 : i1
        %or3A_252 = arith.ori %or3A_251, %eq3A_130 : i1
        %add3A_253 = arith.constant 1 : i32
        %add3A_254 = arith.addi %scan3A_123, %add3A_253 : i32
        %select_n3A_255 = arith.select %or3A_252, %add3A_254, %scan3A_123 : i32
        %add3A_256 = arith.constant 1 : i32
        %add3A_257 = arith.addi %scan3A_126, %add3A_256 : i32
        %select_n3A_258 = arith.constant true
        %select_n3A_259 = arith.select %select_n3A_258, %add3A_257, %scan3A_126 : i32
        %eq3A_260 = arith.constant 4 : i32
        %eq3A_261 = arith.cmpi eq, %select_n3A_259, %eq3A_260 : i32
        %select_n3A_262 = arith.constant 0 : i32
        %select_n3A_263 = arith.select %eq3A_261, %select_n3A_262, %select_n3A_259 : i32
        scf.yield %select_n3A_167, %select_n3A_255, %select_n3A_221, %select_n3A_248, %select_n3A_263 : i32, i32, i32, i32, i32
      }
      %scan3A_68 = arith.constant 4 : i32
      %sub3A = arith.constant 1 : i32
      %sub3A_69 = arith.subi %scan3A_67#4, %sub3A : i32
      %select_n3A_70 = arith.constant true
      %select_n3A_71 = arith.select %select_n3A_70, %sub3A_69, %scan3A_67#4 : i32
      %eq3A_72 = arith.constant -1 : i32
      %eq3A_73 = arith.cmpi eq, %select_n3A_71, %eq3A_72 : i32
      %select_n3A_74 = arith.constant 3 : i32
      %select_n3A_75 = arith.select %eq3A_73, %select_n3A_74, %select_n3A_71 : i32
      %add3A_76 = arith.addi %select_n3A_75, %mul3A_6 : i32
      %sub3A_77 = arith.constant 1 : i32
      %sub3A_78 = arith.subi %select_n3A_75, %sub3A_77 : i32
      %select_n3A_79 = arith.constant true
      %select_n3A_80 = arith.select %select_n3A_79, %sub3A_78, %select_n3A_75 : i32
      %eq3A_81 = arith.constant -1 : i32
      %eq3A_82 = arith.cmpi eq, %select_n3A_80, %eq3A_81 : i32
      %select_n3A_83 = arith.constant 3 : i32
      %select_n3A_84 = arith.select %eq3A_82, %select_n3A_83, %select_n3A_80 : i32
      %add3A_85 = arith.addi %select_n3A_84, %mul3A_6 : i32
      %add3A_86 = arith.constant 1 : i32
      %add3A_87 = arith.addi %select_n3A_75, %add3A_86 : i32
      %select_n3A_88 = arith.constant true
      %select_n3A_89 = arith.select %select_n3A_88, %add3A_87, %select_n3A_75 : i32
      %eq3A_90 = arith.constant 4 : i32
      %eq3A_91 = arith.cmpi eq, %select_n3A_89, %eq3A_90 : i32
      %select_n3A_92 = arith.constant 0 : i32
      %select_n3A_93 = arith.select %eq3A_91, %select_n3A_92, %select_n3A_89 : i32
      %add3A_94 = arith.addi %select_n3A_93, %mul3A_6 : i32
      %add3A_95 = arith.constant 1 : i32
      %add3A_96 = arith.addi %select_n3A_93, %add3A_95 : i32
      %select_n3A_97 = arith.constant true
      %select_n3A_98 = arith.select %select_n3A_97, %add3A_96, %select_n3A_93 : i32
      %eq3A_99 = arith.constant 4 : i32
      %eq3A_100 = arith.cmpi eq, %select_n3A_98, %eq3A_99 : i32
      %select_n3A_101 = arith.constant 0 : i32
      %select_n3A_102 = arith.select %eq3A_100, %select_n3A_101, %select_n3A_98 : i32
      %add3A_103 = arith.addi %select_n3A_102, %mul3A_6 : i32
      "tpu.trace_start"() <{level = 10 : i32, message = "ep_finalize"}> : () -> ()
      %rem3A_104 = arith.constant 2 : i32
      %rem3A_105 = arith.remui %scan3A_67#3, %rem3A_104 : i32
      %mul3A_106 = arith.constant 128 : i32
      %mul3A_107 = arith.muli %mul3A_106, %add3A_76 : i32
      %dma_wait3A = arith.constant 0 : i32
      %dma_wait3A_108 = arith.constant 0 : i32
      %dma_wait3A_109 = tpu.memref_slice %run_scoped3A_8[%rem3A_105, %dma_wait3A, %dma_wait3A_108] : memref<2x128x128xf32, #tpu.memory_space<vmem>> -> memref<1x128x128xf32, #tpu.memory_space<vmem>>
      %dma_wait3A_110 = tpu.memref_squeeze %dma_wait3A_109 : memref<1x128x128xf32, #tpu.memory_space<vmem>> -> memref<128x128xf32, #tpu.memory_space<vmem>>
      %dma_wait3A_111 = arith.constant 0 : i32
      %dma_wait3A_112 = tpu.memref_slice %arg4[%mul3A_107, %dma_wait3A_111] : memref<16384x128xf32, #tpu.memory_space<hbm>> -> memref<128x128xf32, #tpu.memory_space<hbm>>
      %dma_wait3A_113 = tpu.memref_slice %run_scoped3A_9[%rem3A_105] : memref<2x!tpu.dma_semaphore, #tpu.memory_space<semaphore_mem>> -> memref<1x!tpu.dma_semaphore, #tpu.memory_space<semaphore_mem>>
      %dma_wait3A_114 = tpu.memref_squeeze %dma_wait3A_113 : memref<1x!tpu.dma_semaphore, #tpu.memory_space<semaphore_mem>> -> memref<!tpu.dma_semaphore, #tpu.memory_space<semaphore_mem>>
      %dma_wait3A_115 = arith.constant 0 : i32
      %dma_wait3A_116 = tpu.memref_slice %arg4[%mul3A_107, %dma_wait3A_115] : memref<16384x128xf32, #tpu.memory_space<hbm>> -> memref<128x128xf32, #tpu.memory_space<hbm>>
      %dma_wait3A_117 = arith.constant 0 : i32
      %dma_wait3A_118 = arith.constant 0 : i32
      %dma_wait3A_119 = tpu.memref_slice %run_scoped3A_8[%rem3A_105, %dma_wait3A_117, %dma_wait3A_118] : memref<2x128x128xf32, #tpu.memory_space<vmem>> -> memref<1x128x128xf32, #tpu.memory_space<vmem>>
      %dma_wait3A_120 = tpu.memref_squeeze %dma_wait3A_119 : memref<1x128x128xf32, #tpu.memory_space<vmem>> -> memref<128x128xf32, #tpu.memory_space<vmem>>
      tpu.wait_dma2 semaphore(%dma_wait3A_114 : memref<!tpu.dma_semaphore, #tpu.memory_space<semaphore_mem>>) src(%dma_wait3A_120 : memref<128x128xf32, #tpu.memory_space<vmem>>) dst(%dma_wait3A_116 : memref<128x128xf32, #tpu.memory_space<hbm>>)
      "tpu.trace_stop"() : () -> ()
      tpu.yield
    }) : () -> ()
    return
  }
}

#map = affine_map<(d0, d1) -> (0, 0)>
module attributes {stable_mosaic.version = 14 : i64} {
  func.func @k(%arg0: i32, %arg1: i32, %arg2: memref<1x16384xi32, #tpu.memory_space<hbm>>, %arg3: memref<257x128xf32, #tpu.memory_space<hbm>>, %arg4: memref<16384x128xf32, #tpu.memory_space<hbm>>) attributes {dimension_semantics = [#tpu.dimension_semantics<core_parallel>, #tpu.dimension_semantics<subcore_parallel>], iteration_bounds = array<i64: 2, 16>, scalar_prefetch = 0 : i64, scratch_operands = 0 : i64, tpu.core_type = #tpu.core_type<sc_vector_subcore>, window_params = [{transform_indices = #map}, {transform_indices = #map}, {transform_indices = #map}]} {
    %mul3A = arith.constant 1 : i32
    %mul3A_0 = arith.muli %arg1, %mul3A : i32
    %add3A = arith.constant 0 : i32
    %add3A_1 = arith.addi %add3A, %mul3A_0 : i32
    %mul3A_2 = arith.constant 16 : i32
    %mul3A_3 = arith.muli %arg0, %mul3A_2 : i32
    %add3A_4 = arith.addi %add3A_1, %mul3A_3 : i32
    %mul3A_5 = arith.constant 4 : i32
    %mul3A_6 = arith.muli %add3A_4, %mul3A_5 : i32
    "tpu.region"() ({
      %run_scoped3A = memref.alloca() : memref<2x1x128xi32, #tpu.memory_space<vmem>>
      %run_scoped3A_7 = tpu.sem_alloc : memref<2x!tpu.dma_semaphore, #tpu.memory_space<semaphore_mem>>
      %run_scoped3A_8 = memref.alloca() : memref<2x128x128xf32, #tpu.memory_space<vmem>>
      %run_scoped3A_9 = tpu.sem_alloc : memref<2x!tpu.dma_semaphore, #tpu.memory_space<semaphore_mem>>
      %add3A_10 = arith.constant 0 : i32
      %add3A_11 = arith.addi %add3A_10, %mul3A_6 : i32
      %select_n3A = arith.constant true
      %select_n3A_12 = arith.constant 0 : i32
      %select_n3A_13 = arith.constant -1 : i32
      %select_n3A_14 = arith.select %select_n3A, %select_n3A_13, %select_n3A_12 : i32
      %eq3A = arith.constant -1 : i32
      %eq3A_15 = arith.cmpi eq, %select_n3A_14, %eq3A : i32
      %select_n3A_16 = arith.constant 3 : i32
      %select_n3A_17 = arith.select %eq3A_15, %select_n3A_16, %select_n3A_14 : i32
      %add3A_18 = arith.addi %select_n3A_17, %mul3A_6 : i32
      %select_n3A_19 = arith.constant true
      %select_n3A_20 = arith.constant 0 : i32
      %select_n3A_21 = arith.constant 1 : i32
      %select_n3A_22 = arith.select %select_n3A_19, %select_n3A_21, %select_n3A_20 : i32
      %eq3A_23 = arith.constant 4 : i32
      %eq3A_24 = arith.cmpi eq, %select_n3A_22, %eq3A_23 : i32
      %select_n3A_25 = arith.constant 0 : i32
      %select_n3A_26 = arith.select %eq3A_24, %select_n3A_25, %select_n3A_22 : i32
      %add3A_27 = arith.addi %select_n3A_26, %mul3A_6 : i32
      %add3A_28 = arith.constant 1 : i32
      %add3A_29 = arith.addi %select_n3A_26, %add3A_28 : i32
      %select_n3A_30 = arith.constant true
      %select_n3A_31 = arith.select %select_n3A_30, %add3A_29, %select_n3A_26 : i32
      %eq3A_32 = arith.constant 4 : i32
      %eq3A_33 = arith.cmpi eq, %select_n3A_31, %eq3A_32 : i32
      %select_n3A_34 = arith.constant 0 : i32
      %select_n3A_35 = arith.select %eq3A_33, %select_n3A_34, %select_n3A_31 : i32
      %add3A_36 = arith.addi %select_n3A_35, %mul3A_6 : i32
      "tpu.trace_start"() <{level = 10 : i32, message = "ep_initialize_0"}> : () -> ()
      %rem3A = arith.constant 0 : i32
      %rem3A_37 = arith.constant 2 : i32
      %rem3A_38 = arith.remui %rem3A, %rem3A_37 : i32
      %mul3A_39 = arith.constant 128 : i32
      %mul3A_40 = arith.muli %mul3A_39, %add3A_11 : i32
      %dma_start3A = arith.constant 0 : i32
      %dma_start3A_41 = arith.constant 0 : i32
      %dma_start3A_42 = tpu.memref_slice %run_scoped3A[%rem3A_38, %dma_start3A, %dma_start3A_41] : memref<2x1x128xi32, #tpu.memory_space<vmem>> -> memref<1x1x128xi32, #tpu.memory_space<vmem>>
      %dma_start3A_43 = tpu.memref_squeeze %dma_start3A_42 : memref<1x1x128xi32, #tpu.memory_space<vmem>> -> memref<1x128xi32, #tpu.memory_space<vmem>>
      %dma_start3A_44 = arith.constant 0 : i32
      %dma_start3A_45 = tpu.memref_slice %arg2[%dma_start3A_44, %mul3A_40] : memref<1x16384xi32, #tpu.memory_space<hbm>> -> memref<1x128xi32, #tpu.memory_space<hbm>>
      %dma_start3A_46 = tpu.memref_slice %run_scoped3A_7[%rem3A_38] : memref<2x!tpu.dma_semaphore, #tpu.memory_space<semaphore_mem>> -> memref<1x!tpu.dma_semaphore, #tpu.memory_space<semaphore_mem>>
      %dma_start3A_47 = tpu.memref_squeeze %dma_start3A_46 : memref<1x!tpu.dma_semaphore, #tpu.memory_space<semaphore_mem>> -> memref<!tpu.dma_semaphore, #tpu.memory_space<semaphore_mem>>
      %dma_start3A_48 = arith.constant 0 : i32
      %dma_start3A_49 = arith.constant 0 : i32
      %dma_start3A_50 = tpu.memref_slice %run_scoped3A[%rem3A_38, %dma_start3A_48, %dma_start3A_49] : memref<2x1x128xi32, #tpu.memory_space<vmem>> -> memref<1x1x128xi32, #tpu.memory_space<vmem>>
      %dma_start3A_51 = tpu.memref_squeeze %dma_start3A_50 : memref<1x1x128xi32, #tpu.memory_space<vmem>> -> memref<1x128xi32, #tpu.memory_space<vmem>>
      %dma_start3A_52 = arith.constant 0 : i32
      %dma_start3A_53 = tpu.memref_slice %arg2[%dma_start3A_52, %mul3A_40] : memref<1x16384xi32, #tpu.memory_space<hbm>> -> memref<1x128xi32, #tpu.memory_space<hbm>>
      tpu.enqueue_dma source(%dma_start3A_53 : memref<1x128xi32, #tpu.memory_space<hbm>>) target(%dma_start3A_51 : memref<1x128xi32, #tpu.memory_space<vmem>>) target_semaphore(%dma_start3A_47 : memref<!tpu.dma_semaphore, #tpu.memory_space<semaphore_mem>>)
      %add3A_54 = arith.constant 0 : i32
      %add3A_55 = arith.constant 1 : i32
      %add3A_56 = arith.addi %add3A_54, %add3A_55 : i32
      %select_n3A_57 = arith.constant true
      %select_n3A_58 = arith.constant 0 : i32
      %select_n3A_59 = arith.select %select_n3A_57, %add3A_56, %select_n3A_58 : i32
      "tpu.trace_stop"() : () -> ()
      %scan3A = arith.constant 0 : i32
      %scan3A_60 = arith.constant 0 : i32
      %scan3A_61 = arith.constant 0 : i32
      %scan3A_62 = arith.constant 0 : i32
      %scan3A_63 = arith.constant 0 : i32
      %scan3A_64 = arith.constant 4 : i32
      %scan3A_65 = arith.addi %scan3A_63, %scan3A_64 : i32
      %scan3A_66 = arith.constant 1 : i32
      %scan3A_67:5 = scf.for %scan3A_121 = %scan3A_63 to %scan3A_65 step %scan3A_66 iter_args(%scan3A_122 = %select_n3A_59, %scan3A_123 = %scan3A, %scan3A_124 = %scan3A_60, %scan3A_125 = %scan3A_61, %scan3A_126 = %scan3A_62) -> (i32, i32, i32, i32, i32)  : i32 {
        %eq3A_127 = arith.constant 0 : i32
        %eq3A_128 = arith.cmpi eq, %scan3A_121, %eq3A_127 : i32
        %eq3A_129 = arith.constant 3 : i32
        %eq3A_130 = arith.cmpi eq, %scan3A_121, %eq3A_129 : i32
        %add3A_131 = arith.addi %scan3A_126, %mul3A_6 : i32
        %sub3A_132 = arith.constant 1 : i32
        %sub3A_133 = arith.subi %scan3A_126, %sub3A_132 : i32
        %select_n3A_134 = arith.constant true
        %select_n3A_135 = arith.select %select_n3A_134, %sub3A_133, %scan3A_126 : i32
        %eq3A_136 = arith.constant -1 : i32
        %eq3A_137 = arith.cmpi eq, %select_n3A_135, %eq3A_136 : i32
        %select_n3A_138 = arith.constant 3 : i32
        %select_n3A_139 = arith.select %eq3A_137, %select_n3A_138, %select_n3A_135 : i32
        %add3A_140 = arith.addi %select_n3A_139, %mul3A_6 : i32
        %add3A_141 = arith.constant 1 : i32
        %add3A_142 = arith.addi %scan3A_126, %add3A_141 : i32
        %select_n3A_143 = arith.constant true
        %select_n3A_144 = arith.select %select_n3A_143, %add3A_142, %scan3A_126 : i32
        %eq3A_145 = arith.constant 4 : i32
        %eq3A_146 = arith.cmpi eq, %select_n3A_144, %eq3A_145 : i32
        %select_n3A_147 = arith.constant 0 : i32
        %select_n3A_148 = arith.select %eq3A_146, %select_n3A_147, %select_n3A_144 : i32
        %add3A_149 = arith.addi %select_n3A_148, %mul3A_6 : i32
        %add3A_150 = arith.constant 1 : i32
        %add3A_151 = arith.addi %select_n3A_148, %add3A_150 : i32
        %select_n3A_152 = arith.constant true
        %select_n3A_153 = arith.select %select_n3A_152, %add3A_151, %select_n3A_148 : i32
        %eq3A_154 = arith.constant 4 : i32
        %eq3A_155 = arith.cmpi eq, %select_n3A_153, %eq3A_154 : i32
        %select_n3A_156 = arith.constant 0 : i32
        %select_n3A_157 = arith.select %eq3A_155, %select_n3A_156, %select_n3A_153 : i32
        %add3A_158 = arith.addi %select_n3A_157, %mul3A_6 : i32
        %ne3A = arith.cmpi ne, %add3A_131, %add3A_149 : i32
        %or3A = arith.constant false
        %or3A_159 = arith.ori %or3A, %ne3A : i1
        %ge3A = arith.constant 3 : i32
        %ge3A_160 = arith.cmpi sge, %scan3A_121, %ge3A : i32
        %not3A = arith.constant true
        %not3A_161 = arith.xori %ge3A_160, %not3A : i1
        %and3A = arith.andi %or3A_159, %not3A_161 : i1
        %convert_element_type3A = arith.extui %and3A : i1 to i32
        %cond3A = arith.constant 0 : i32
        %cond3A_162 = arith.cmpi ne, %convert_element_type3A, %cond3A : i32
        scf.if %cond3A_162 {
          "tpu.trace_start"() <{level = 10 : i32, message = "ep_copy_in"}> : () -> ()
          %rem3A_264 = arith.constant 2 : i32
          %rem3A_265 = arith.remui %scan3A_122, %rem3A_264 : i32
          %mul3A_266 = arith.constant 128 : i32
          %mul3A_267 = arith.muli %mul3A_266, %add3A_149 : i32
          %dma_start3A_268 = arith.constant 0 : i32
          %dma_start3A_269 = arith.constant 0 : i32
          %dma_start3A_270 = tpu.memref_slice %run_scoped3A[%rem3A_265, %dma_start3A_268, %dma_start3A_269] : memref<2x1x128xi32, #tpu.memory_space<vmem>> -> memref<1x1x128xi32, #tpu.memory_space<vmem>>
          %dma_start3A_271 = tpu.memref_squeeze %dma_start3A_270 : memref<1x1x128xi32, #tpu.memory_space<vmem>> -> memref<1x128xi32, #tpu.memory_space<vmem>>
          %dma_start3A_272 = arith.constant 0 : i32
          %dma_start3A_273 = tpu.memref_slice %arg2[%dma_start3A_272, %mul3A_267] : memref<1x16384xi32, #tpu.memory_space<hbm>> -> memref<1x128xi32, #tpu.memory_space<hbm>>
          %dma_start3A_274 = tpu.memref_slice %run_scoped3A_7[%rem3A_265] : memref<2x!tpu.dma_semaphore, #tpu.memory_space<semaphore_mem>> -> memref<1x!tpu.dma_semaphore, #tpu.memory_space<semaphore_mem>>
          %dma_start3A_275 = tpu.memref_squeeze %dma_start3A_274 : memref<1x!tpu.dma_semaphore, #tpu.memory_space<semaphore_mem>> -> memref<!tpu.dma_semaphore, #tpu.memory_space<semaphore_mem>>
          %dma_start3A_276 = arith.constant 0 : i32
          %dma_start3A_277 = arith.constant 0 : i32
          %dma_start3A_278 = tpu.memref_slice %run_scoped3A[%rem3A_265, %dma_start3A_276, %dma_start3A_277] : memref<2x1x128xi32, #tpu.memory_space<vmem>> -> memref<1x1x128xi32, #tpu.memory_space<vmem>>
          %dma_start3A_279 = tpu.memref_squeeze %dma_start3A_278 : memref<1x1x128xi32, #tpu.memory_space<vmem>> -> memref<1x128xi32, #tpu.memory_space<vmem>>
          %dma_start3A_280 = arith.constant 0 : i32
          %dma_start3A_281 = tpu.memref_slice %arg2[%dma_start3A_280, %mul3A_267] : memref<1x16384xi32, #tpu.memory_space<hbm>> -> memref<1x128xi32, #tpu.memory_space<hbm>>
          tpu.enqueue_dma source(%dma_start3A_281 : memref<1x128xi32, #tpu.memory_space<hbm>>) target(%dma_start3A_279 : memref<1x128xi32, #tpu.memory_space<vmem>>) target_semaphore(%dma_start3A_275 : memref<!tpu.dma_semaphore, #tpu.memory_space<semaphore_mem>>)
          "tpu.trace_stop"() : () -> ()
        } else {
        }
        %and3A_163 = arith.constant true
        %and3A_164 = arith.andi %and3A, %and3A_163 : i1
        %add3A_165 = arith.constant 1 : i32
        %add3A_166 = arith.addi %scan3A_122, %add3A_165 : i32
        %select_n3A_167 = arith.select %and3A_164, %add3A_166, %scan3A_122 : i32
        %ne3A_168 = arith.cmpi ne, %add3A_131, %add3A_149 : i32
        %or3A_169 = arith.constant false
        %or3A_170 = arith.ori %or3A_169, %ne3A_168 : i1
        %or3A_171 = arith.constant false
        %or3A_172 = arith.ori %or3A_170, %or3A_171 : i1
        %ge3A_173 = arith.constant 3 : i32
        %ge3A_174 = arith.cmpi sge, %scan3A_121, %ge3A_173 : i32
        %not3A_175 = arith.constant true
        %not3A_176 = arith.xori %ge3A_174, %not3A_175 : i1
        %and3A_177 = arith.andi %or3A_172, %not3A_176 : i1
        %ne3A_178 = arith.cmpi ne, %add3A_131, %add3A_140 : i32
        %or3A_179 = arith.constant false
        %or3A_180 = arith.ori %or3A_179, %ne3A_178 : i1
        %or3A_181 = arith.ori %or3A_180, %eq3A_128 : i1
        %convert_element_type3A_182 = arith.extui %or3A_181 : i1 to i32
        %cond3A_183 = arith.constant 0 : i32
        %cond3A_184 = arith.cmpi ne, %convert_element_type3A_182, %cond3A_183 : i32
        scf.if %cond3A_184 {
          "tpu.trace_start"() <{level = 10 : i32, message = "ep_wait_in"}> : () -> ()
          %mul3A_264 = arith.constant 128 : i32
          %mul3A_265 = arith.muli %mul3A_264, %add3A_131 : i32
          %rem3A_266 = arith.constant 2 : i32
          %rem3A_267 = arith.remui %scan3A_123, %rem3A_266 : i32
          %dma_wait3A_268 = arith.constant 0 : i32
          %dma_wait3A_269 = arith.constant 0 : i32
          %dma_wait3A_270 = tpu.memref_slice %run_scoped3A[%rem3A_267, %dma_wait3A_268, %dma_wait3A_269] : memref<2x1x128xi32, #tpu.memory_space<vmem>> -> memref<1x1x128xi32, #tpu.memory_space<vmem>>
          %dma_wait3A_271 = tpu.memref_squeeze %dma_wait3A_270 : memref<1x1x128xi32, #tpu.memory_space<vmem>> -> memref<1x128xi32, #tpu.memory_space<vmem>>
          %dma_wait3A_272 = arith.constant 0 : i32
          %dma_wait3A_273 = tpu.memref_slice %arg2[%dma_wait3A_272, %mul3A_265] : memref<1x16384xi32, #tpu.memory_space<hbm>> -> memref<1x128xi32, #tpu.memory_space<hbm>>
          %dma_wait3A_274 = tpu.memref_slice %run_scoped3A_7[%rem3A_267] : memref<2x!tpu.dma_semaphore, #tpu.memory_space<semaphore_mem>> -> memref<1x!tpu.dma_semaphore, #tpu.memory_space<semaphore_mem>>
          %dma_wait3A_275 = tpu.memref_squeeze %dma_wait3A_274 : memref<1x!tpu.dma_semaphore, #tpu.memory_space<semaphore_mem>> -> memref<!tpu.dma_semaphore, #tpu.memory_space<semaphore_mem>>
          %dma_wait3A_276 = arith.constant 0 : i32
          %dma_wait3A_277 = arith.constant 0 : i32
          %dma_wait3A_278 = tpu.memref_slice %run_scoped3A[%rem3A_267, %dma_wait3A_276, %dma_wait3A_277] : memref<2x1x128xi32, #tpu.memory_space<vmem>> -> memref<1x1x128xi32, #tpu.memory_space<vmem>>
          %dma_wait3A_279 = tpu.memref_squeeze %dma_wait3A_278 : memref<1x1x128xi32, #tpu.memory_space<vmem>> -> memref<1x128xi32, #tpu.memory_space<vmem>>
          %dma_wait3A_280 = arith.constant 0 : i32
          %dma_wait3A_281 = tpu.memref_slice %arg2[%dma_wait3A_280, %mul3A_265] : memref<1x16384xi32, #tpu.memory_space<hbm>> -> memref<1x128xi32, #tpu.memory_space<hbm>>
          tpu.wait_dma2 semaphore(%dma_wait3A_275 : memref<!tpu.dma_semaphore, #tpu.memory_space<semaphore_mem>>) src(%dma_wait3A_281 : memref<1x128xi32, #tpu.memory_space<hbm>>) dst(%dma_wait3A_279 : memref<1x128xi32, #tpu.memory_space<vmem>>)
          "tpu.trace_stop"() : () -> ()
        } else {
        }
        %ne3A_185 = arith.cmpi ne, %add3A_131, %add3A_140 : i32
        %or3A_186 = arith.constant false
        %or3A_187 = arith.ori %or3A_186, %ne3A_185 : i1
        %or3A_188 = arith.constant false
        %or3A_189 = arith.ori %or3A_187, %or3A_188 : i1
        %or3A_190 = arith.ori %or3A_189, %eq3A_128 : i1
        %convert_element_type3A_191 = arith.extui %or3A_190 : i1 to i32
        %cond3A_192 = arith.constant 0 : i32
        %cond3A_193 = arith.cmpi ne, %convert_element_type3A_191, %cond3A_192 : i32
        scf.if %cond3A_193 {
        } else {
        }
        %rem3A_194 = arith.constant 2 : i32
        %rem3A_195 = arith.remui %scan3A_123, %rem3A_194 : i32
        %rem3A_196 = arith.constant 2 : i32
        %rem3A_197 = arith.remui %scan3A_124, %rem3A_196 : i32
        %run_scoped3A_198 = arith.constant 0 : i32
        "tpu.trace_start"() <{level = 10 : i32, message = "ep_run_kernel"}> : () -> ()
        "tpu.region"() ({
          %run_scoped3A_264 = tpu.sem_alloc : memref<!tpu.dma_semaphore, #tpu.memory_space<semaphore_mem>>
          %dma_start3A_265 = arith.constant 0 : i32
          %dma_start3A_266 = arith.constant 0 : i32
          %dma_start3A_267 = tpu.memref_slice %run_scoped3A_8[%rem3A_197, %dma_start3A_265, %dma_start3A_266] : memref<2x128x128xf32, #tpu.memory_space<vmem>> -> memref<1x128x128xf32, #tpu.memory_space<vmem>>
          %dma_start3A_268 = tpu.memref_squeeze %dma_start3A_267 : memref<1x128x128xf32, #tpu.memory_space<vmem>> -> memref<128x128xf32, #tpu.memory_space<vmem>>
          %dma_start3A_269 = arith.constant 0 : i32
          %dma_start3A_270 = arith.constant 0 : i32
          %dma_start3A_271 = tpu.memref_slice %run_scoped3A[%rem3A_195, %dma_start3A_269, %dma_start3A_270] : memref<2x1x128xi32, #tpu.memory_space<vmem>> -> memref<1x1x128xi32, #tpu.memory_space<vmem>>
          %dma_start3A_272 = tpu.memref_squeeze %dma_start3A_271 : memref<1x1x128xi32, #tpu.memory_space<vmem>> -> memref<1x128xi32, #tpu.memory_space<vmem>>
          %dma_start3A_273 = arith.constant 0 : i32
          %dma_start3A_274 = tpu.memref_slice %dma_start3A_272[%run_scoped3A_198, %dma_start3A_273] : memref<1x128xi32, #tpu.memory_space<vmem>> -> memref<1x128xi32, #tpu.memory_space<vmem>>
          %dma_start3A_275 = tpu.memref_squeeze %dma_start3A_274 : memref<1x128xi32, #tpu.memory_space<vmem>> -> memref<128xi32, #tpu.memory_space<vmem>>
          %dma_start3A_276 = arith.constant 0 : i32
          %dma_start3A_277 = arith.constant 0 : i32
          %dma_start3A_278 = tpu.memref_slice %arg3[%dma_start3A_276, %dma_start3A_277] : memref<257x128xf32, #tpu.memory_space<hbm>> -> memref<257x128xf32, #tpu.memory_space<hbm>>
          tpu.enqueue_indirect_dma source(%dma_start3A_278 : memref<257x128xf32, #tpu.memory_space<hbm>>) target(%dma_start3A_268 : memref<128x128xf32, #tpu.memory_space<vmem>>) offsets(%dma_start3A_275 : memref<128xi32, #tpu.memory_space<vmem>>) semaphore(%run_scoped3A_264 : memref<!tpu.dma_semaphore, #tpu.memory_space<semaphore_mem>>)
          %dma_wait3A_279 = arith.constant 0 : i32
          %dma_wait3A_280 = arith.constant 0 : i32
          %dma_wait3A_281 = tpu.memref_slice %run_scoped3A_8[%rem3A_197, %dma_wait3A_279, %dma_wait3A_280] : memref<2x128x128xf32, #tpu.memory_space<vmem>> -> memref<1x128x128xf32, #tpu.memory_space<vmem>>
          %dma_wait3A_282 = tpu.memref_squeeze %dma_wait3A_281 : memref<1x128x128xf32, #tpu.memory_space<vmem>> -> memref<128x128xf32, #tpu.memory_space<vmem>>
          %dma_wait3A_283 = arith.constant 0 : i32
          %dma_wait3A_284 = arith.constant 0 : i32
          %dma_wait3A_285 = tpu.memref_slice %run_scoped3A[%rem3A_195, %dma_wait3A_283, %dma_wait3A_284] : memref<2x1x128xi32, #tpu.memory_space<vmem>> -> memref<1x1x128xi32, #tpu.memory_space<vmem>>
          %dma_wait3A_286 = tpu.memref_squeeze %dma_wait3A_285 : memref<1x1x128xi32, #tpu.memory_space<vmem>> -> memref<1x128xi32, #tpu.memory_space<vmem>>
          %dma_wait3A_287 = arith.constant 0 : i32
          %dma_wait3A_288 = tpu.memref_slice %dma_wait3A_286[%run_scoped3A_198, %dma_wait3A_287] : memref<1x128xi32, #tpu.memory_space<vmem>> -> memref<1x128xi32, #tpu.memory_space<vmem>>
          %dma_wait3A_289 = tpu.memref_squeeze %dma_wait3A_288 : memref<1x128xi32, #tpu.memory_space<vmem>> -> memref<128xi32, #tpu.memory_space<vmem>>
          %dma_wait3A_290 = arith.constant 0 : i32
          %dma_wait3A_291 = arith.constant 0 : i32
          %dma_wait3A_292 = tpu.memref_slice %arg3[%dma_wait3A_290, %dma_wait3A_291] : memref<257x128xf32, #tpu.memory_space<hbm>> -> memref<257x128xf32, #tpu.memory_space<hbm>>
          tpu.wait_indirect_dma semaphore(%run_scoped3A_264 : memref<!tpu.dma_semaphore, #tpu.memory_space<semaphore_mem>>) src(%dma_wait3A_292 : memref<257x128xf32, #tpu.memory_space<hbm>>) dst(%dma_wait3A_282 : memref<128x128xf32, #tpu.memory_space<vmem>>)
          tpu.yield
        }) : () -> ()
        "tpu.trace_stop"() : () -> ()
        %ne3A_199 = arith.cmpi ne, %add3A_131, %add3A_149 : i32
        %or3A_200 = arith.constant false
        %or3A_201 = arith.ori %or3A_200, %ne3A_199 : i1
        %or3A_202 = arith.ori %or3A_201, %eq3A_130 : i1
        %convert_element_type3A_203 = arith.extui %or3A_202 : i1 to i32
        %cond3A_204 = arith.constant 0 : i32
        %cond3A_205 = arith.cmpi ne, %convert_element_type3A_203, %cond3A_204 : i32
        scf.if %cond3A_205 {
        } else {
        }
        %and3A_206 = arith.constant false
        %and3A_207 = arith.andi %or3A_202, %and3A_206 : i1
        %ne3A_208 = arith.cmpi ne, %add3A_131, %add3A_149 : i32
        %or3A_209 = arith.constant false
        %or3A_210 = arith.ori %or3A_209, %ne3A_208 : i1
        %or3A_211 = arith.constant false
        %or3A_212 = arith.ori %or3A_210, %or3A_211 : i1
        %or3A_213 = arith.ori %or3A_212, %eq3A_130 : i1
        %convert_element_type3A_214 = arith.extui %or3A_213 : i1 to i32
        %cond3A_215 = arith.constant 0 : i32
        %cond3A_216 = arith.cmpi ne, %convert_element_type3A_214, %cond3A_215 : i32
        scf.if %cond3A_216 {
          "tpu.trace_start"() <{level = 10 : i32, message = "ep_copy_out"}> : () -> ()
          %rem3A_264 = arith.constant 2 : i32
          %rem3A_265 = arith.remui %scan3A_124, %rem3A_264 : i32
          %mul3A_266 = arith.constant 128 : i32
          %mul3A_267 = arith.muli %mul3A_266, %add3A_131 : i32
          %dma_start3A_268 = arith.constant 0 : i32
          %dma_start3A_269 = arith.constant 0 : i32
          %dma_start3A_270 = tpu.memref_slice %run_scoped3A_8[%rem3A_265, %dma_start3A_268, %dma_start3A_269] : memref<2x128x128xf32, #tpu.memory_space<vmem>> -> memref<1x128x128xf32, #tpu.memory_space<vmem>>
          %dma_start3A_271 = tpu.memref_squeeze %dma_start3A_270 : memref<1x128x128xf32, #tpu.memory_space<vmem>> -> memref<128x128xf32, #tpu.memory_space<vmem>>
          %dma_start3A_272 = arith.constant 0 : i32
          %dma_start3A_273 = tpu.memref_slice %arg4[%mul3A_267, %dma_start3A_272] : memref<16384x128xf32, #tpu.memory_space<hbm>> -> memref<128x128xf32, #tpu.memory_space<hbm>>
          %dma_start3A_274 = tpu.memref_slice %run_scoped3A_9[%rem3A_265] : memref<2x!tpu.dma_semaphore, #tpu.memory_space<semaphore_mem>> -> memref<1x!tpu.dma_semaphore, #tpu.memory_space<semaphore_mem>>
          %dma_start3A_275 = tpu.memref_squeeze %dma_start3A_274 : memref<1x!tpu.dma_semaphore, #tpu.memory_space<semaphore_mem>> -> memref<!tpu.dma_semaphore, #tpu.memory_space<semaphore_mem>>
          %dma_start3A_276 = arith.constant 0 : i32
          %dma_start3A_277 = tpu.memref_slice %arg4[%mul3A_267, %dma_start3A_276] : memref<16384x128xf32, #tpu.memory_space<hbm>> -> memref<128x128xf32, #tpu.memory_space<hbm>>
          %dma_start3A_278 = arith.constant 0 : i32
          %dma_start3A_279 = arith.constant 0 : i32
          %dma_start3A_280 = tpu.memref_slice %run_scoped3A_8[%rem3A_265, %dma_start3A_278, %dma_start3A_279] : memref<2x128x128xf32, #tpu.memory_space<vmem>> -> memref<1x128x128xf32, #tpu.memory_space<vmem>>
          %dma_start3A_281 = tpu.memref_squeeze %dma_start3A_280 : memref<1x128x128xf32, #tpu.memory_space<vmem>> -> memref<128x128xf32, #tpu.memory_space<vmem>>
          tpu.enqueue_dma source(%dma_start3A_281 : memref<128x128xf32, #tpu.memory_space<vmem>>) target(%dma_start3A_277 : memref<128x128xf32, #tpu.memory_space<hbm>>) target_semaphore(%dma_start3A_275 : memref<!tpu.dma_semaphore, #tpu.memory_space<semaphore_mem>>)
          "tpu.trace_stop"() : () -> ()
        } else {
        }
        %and3A_217 = arith.constant true
        %and3A_218 = arith.andi %or3A_213, %and3A_217 : i1
        %add3A_219 = arith.constant 1 : i32
        %add3A_220 = arith.addi %scan3A_124, %add3A_219 : i32
        %select_n3A_221 = arith.select %and3A_218, %add3A_220, %scan3A_124 : i32
        %ne3A_222 = arith.cmpi ne, %add3A_131, %add3A_140 : i32
        %or3A_223 = arith.constant false
        %or3A_224 = arith.ori %or3A_223, %ne3A_222 : i1
        %not3A_225 = arith.constant true
        %not3A_226 = arith.xori %eq3A_128, %not3A_225 : i1
        %and3A_227 = arith.andi %or3A_224, %not3A_226 : i1
        %convert_element_type3A_228 = arith.extui %and3A_227 : i1 to i32
        %cond3A_229 = arith.constant 0 : i32
        %cond3A_230 = arith.cmpi ne, %convert_element_type3A_228, %cond3A_229 : i32
        scf.if %cond3A_230 {
        } else {
        }
        %and3A_231 = arith.constant false
        %and3A_232 = arith.andi %and3A_227, %and3A_231 : i1
        %ne3A_233 = arith.cmpi ne, %add3A_131, %add3A_140 : i32
        %or3A_234 = arith.constant false
        %or3A_235 = arith.ori %or3A_234, %ne3A_233 : i1
        %or3A_236 = arith.constant false
        %or3A_237 = arith.ori %or3A_235, %or3A_236 : i1
        %not3A_238 = arith.constant true
        %not3A_239 = arith.xori %eq3A_128, %not3A_238 : i1
        %and3A_240 = arith.andi %or3A_237, %not3A_239 : i1
        %convert_element_type3A_241 = arith.extui %and3A_240 : i1 to i32
        %cond3A_242 = arith.constant 0 : i32
        %cond3A_243 = arith.cmpi ne, %convert_element_type3A_241, %cond3A_242 : i32
        scf.if %cond3A_243 {
          "tpu.trace_start"() <{level = 10 : i32, message = "ep_wait_out"}> : () -> ()
          %rem3A_264 = arith.constant 2 : i32
          %rem3A_265 = arith.remui %scan3A_125, %rem3A_264 : i32
          %mul3A_266 = arith.constant 128 : i32
          %mul3A_267 = arith.muli %mul3A_266, %add3A_140 : i32
          %dma_wait3A_268 = arith.constant 0 : i32
          %dma_wait3A_269 = arith.constant 0 : i32
          %dma_wait3A_270 = tpu.memref_slice %run_scoped3A_8[%rem3A_265, %dma_wait3A_268, %dma_wait3A_269] : memref<2x128x128xf32, #tpu.memory_space<vmem>> -> memref<1x128x128xf32, #tpu.memory_space<vmem>>
          %dma_wait3A_271 = tpu.memref_squeeze %dma_wait3A_270 : memref<1x128x128xf32, #tpu.memory_space<vmem>> -> memref<128x128xf32, #tpu.memory_space<vmem>>
          %dma_wait3A_272 = arith.constant 0 : i32
          %dma_wait3A_273 = tpu.memref_slice %arg4[%mul3A_267, %dma_wait3A_272] : memref<16384x128xf32, #tpu.memory_space<hbm>> -> memref<128x128xf32, #tpu.memory_space<hbm>>
          %dma_wait3A_274 = tpu.memref_slice %run_scoped3A_9[%rem3A_265] : memref<2x!tpu.dma_semaphore, #tpu.memory_space<semaphore_mem>> -> memref<1x!tpu.dma_semaphore, #tpu.memory_space<semaphore_mem>>
          %dma_wait3A_275 = tpu.memref_squeeze %dma_wait3A_274 : memref<1x!tpu.dma_semaphore, #tpu.memory_space<semaphore_mem>> -> memref<!tpu.dma_semaphore, #tpu.memory_space<semaphore_mem>>
          %dma_wait3A_276 = arith.constant 0 : i32
          %dma_wait3A_277 = tpu.memref_slice %arg4[%mul3A_267, %dma_wait3A_276] : memref<16384x128xf32, #tpu.memory_space<hbm>> -> memref<128x128xf32, #tpu.memory_space<hbm>>
          %dma_wait3A_278 = arith.constant 0 : i32
          %dma_wait3A_279 = arith.constant 0 : i32
          %dma_wait3A_280 = tpu.memref_slice %run_scoped3A_8[%rem3A_265, %dma_wait3A_278, %dma_wait3A_279] : memref<2x128x128xf32, #tpu.memory_space<vmem>> -> memref<1x128x128xf32, #tpu.memory_space<vmem>>
          %dma_wait3A_281 = tpu.memref_squeeze %dma_wait3A_280 : memref<1x128x128xf32, #tpu.memory_space<vmem>> -> memref<128x128xf32, #tpu.memory_space<vmem>>
          tpu.wait_dma2 semaphore(%dma_wait3A_275 : memref<!tpu.dma_semaphore, #tpu.memory_space<semaphore_mem>>) src(%dma_wait3A_281 : memref<128x128xf32, #tpu.memory_space<vmem>>) dst(%dma_wait3A_277 : memref<128x128xf32, #tpu.memory_space<hbm>>)
          "tpu.trace_stop"() : () -> ()
        } else {
        }
        %and3A_244 = arith.constant true
        %and3A_245 = arith.andi %and3A_240, %and3A_244 : i1
        %add3A_246 = arith.constant 1 : i32
        %add3A_247 = arith.addi %scan3A_125, %add3A_246 : i32
        %select_n3A_248 = arith.select %and3A_245, %add3A_247, %scan3A_125 : i32
        %ne3A_249 = arith.cmpi ne, %add3A_131, %add3A_149 : i32
        %or3A_250 = arith.constant false
        %or3A_251 = arith.ori %or3A_250, %ne3A_249 : i1
        %or3A_252 = arith.ori %or3A_251, %eq3A_130 : i1
        %add3A_253 = arith.constant 1 : i32
        %add3A_254 = arith.addi %scan3A_123, %add3A_253 : i32
        %select_n3A_255 = arith.select %or3A_252, %add3A_254, %scan3A_123 : i32
        %add3A_256 = arith.constant 1 : i32
        %add3A_257 = arith.addi %scan3A_126, %add3A_256 : i32
        %select_n3A_258 = arith.constant true
        %select_n3A_259 = arith.select %select_n3A_258, %add3A_257, %scan3A_126 : i32
        %eq3A_260 = arith.constant 4 : i32
        %eq3A_261 = arith.cmpi eq, %select_n3A_259, %eq3A_260 : i32
        %select_n3A_262 = arith.constant 0 : i32
        %select_n3A_263 = arith.select %eq3A_261, %select_n3A_262, %select_n3A_259 : i32
        scf.yield %select_n3A_167, %select_n3A_255, %select_n3A_221, %select_n3A_248, %select_n3A_263 : i32, i32, i32, i32, i32
      }
      %scan3A_68 = arith.constant 4 : i32
      %sub3A = arith.constant 1 : i32
      %sub3A_69 = arith.subi %scan3A_67#4, %sub3A : i32
      %select_n3A_70 = arith.constant true
      %select_n3A_71 = arith.select %select_n3A_70, %sub3A_69, %scan3A_67#4 : i32
      %eq3A_72 = arith.constant -1 : i32
      %eq3A_73 = arith.cmpi eq, %select_n3A_71, %eq3A_72 : i32
      %select_n3A_74 = arith.constant 3 : i32
      %select_n3A_75 = arith.select %eq3A_73, %select_n3A_74, %select_n3A_71 : i32
      %add3A_76 = arith.addi %select_n3A_75, %mul3A_6 : i32
      %sub3A_77 = arith.constant 1 : i32
      %sub3A_78 = arith.subi %select_n3A_75, %sub3A_77 : i32
      %select_n3A_79 = arith.constant true
      %select_n3A_80 = arith.select %select_n3A_79, %sub3A_78, %select_n3A_75 : i32
      %eq3A_81 = arith.constant -1 : i32
      %eq3A_82 = arith.cmpi eq, %select_n3A_80, %eq3A_81 : i32
      %select_n3A_83 = arith.constant 3 : i32
      %select_n3A_84 = arith.select %eq3A_82, %select_n3A_83, %select_n3A_80 : i32
      %add3A_85 = arith.addi %select_n3A_84, %mul3A_6 : i32
      %add3A_86 = arith.constant 1 : i32
      %add3A_87 = arith.addi %select_n3A_75, %add3A_86 : i32
      %select_n3A_88 = arith.constant true
      %select_n3A_89 = arith.select %select_n3A_88, %add3A_87, %select_n3A_75 : i32
      %eq3A_90 = arith.constant 4 : i32
      %eq3A_91 = arith.cmpi eq, %select_n3A_89, %eq3A_90 : i32
      %select_n3A_92 = arith.constant 0 : i32
      %select_n3A_93 = arith.select %eq3A_91, %select_n3A_92, %select_n3A_89 : i32
      %add3A_94 = arith.addi %select_n3A_93, %mul3A_6 : i32
      %add3A_95 = arith.constant 1 : i32
      %add3A_96 = arith.addi %select_n3A_93, %add3A_95 : i32
      %select_n3A_97 = arith.constant true
      %select_n3A_98 = arith.select %select_n3A_97, %add3A_96, %select_n3A_93 : i32
      %eq3A_99 = arith.constant 4 : i32
      %eq3A_100 = arith.cmpi eq, %select_n3A_98, %eq3A_99 : i32
      %select_n3A_101 = arith.constant 0 : i32
      %select_n3A_102 = arith.select %eq3A_100, %select_n3A_101, %select_n3A_98 : i32
      %add3A_103 = arith.addi %select_n3A_102, %mul3A_6 : i32
      "tpu.trace_start"() <{level = 10 : i32, message = "ep_finalize"}> : () -> ()
      %rem3A_104 = arith.constant 2 : i32
      %rem3A_105 = arith.remui %scan3A_67#3, %rem3A_104 : i32
      %mul3A_106 = arith.constant 128 : i32
      %mul3A_107 = arith.muli %mul3A_106, %add3A_76 : i32
      %dma_wait3A = arith.constant 0 : i32
      %dma_wait3A_108 = arith.constant 0 : i32
      %dma_wait3A_109 = tpu.memref_slice %run_scoped3A_8[%rem3A_105, %dma_wait3A, %dma_wait3A_108] : memref<2x128x128xf32, #tpu.memory_space<vmem>> -> memref<1x128x128xf32, #tpu.memory_space<vmem>>
      %dma_wait3A_110 = tpu.memref_squeeze %dma_wait3A_109 : memref<1x128x128xf32, #tpu.memory_space<vmem>> -> memref<128x128xf32, #tpu.memory_space<vmem>>
      %dma_wait3A_111 = arith.constant 0 : i32
      %dma_wait3A_112 = tpu.memref_slice %arg4[%mul3A_107, %dma_wait3A_111] : memref<16384x128xf32, #tpu.memory_space<hbm>> -> memref<128x128xf32, #tpu.memory_space<hbm>>
      %dma_wait3A_113 = tpu.memref_slice %run_scoped3A_9[%rem3A_105] : memref<2x!tpu.dma_semaphore, #tpu.memory_space<semaphore_mem>> -> memref<1x!tpu.dma_semaphore, #tpu.memory_space<semaphore_mem>>
      %dma_wait3A_114 = tpu.memref_squeeze %dma_wait3A_113 : memref<1x!tpu.dma_semaphore, #tpu.memory_space<semaphore_mem>> -> memref<!tpu.dma_semaphore, #tpu.memory_space<semaphore_mem>>
      %dma_wait3A_115 = arith.constant 0 : i32
      %dma_wait3A_116 = tpu.memref_slice %arg4[%mul3A_107, %dma_wait3A_115] : memref<16384x128xf32, #tpu.memory_space<hbm>> -> memref<128x128xf32, #tpu.memory_space<hbm>>
      %dma_wait3A_117 = arith.constant 0 : i32
      %dma_wait3A_118 = arith.constant 0 : i32
      %dma_wait3A_119 = tpu.memref_slice %run_scoped3A_8[%rem3A_105, %dma_wait3A_117, %dma_wait3A_118] : memref<2x128x128xf32, #tpu.memory_space<vmem>> -> memref<1x128x128xf32, #tpu.memory_space<vmem>>
      %dma_wait3A_120 = tpu.memref_squeeze %dma_wait3A_119 : memref<1x128x128xf32, #tpu.memory_space<vmem>> -> memref<128x128xf32, #tpu.memory_space<vmem>>
      tpu.wait_dma2 semaphore(%dma_wait3A_114 : memref<!tpu.dma_semaphore, #tpu.memory_space<semaphore_mem>>) src(%dma_wait3A_120 : memref<128x128xf32, #tpu.memory_space<vmem>>) dst(%dma_wait3A_116 : memref<128x128xf32, #tpu.memory_space<hbm>>)
      "tpu.trace_stop"() : () -> ()
      tpu.yield
    }) : () -> ()
    return
  }
}

module attributes {stable_mosaic.version = 14 : i64} {
  func.func @_edge_exact_kernel(%arg0: i32, %arg1: i32, %arg2: memref<1x2048x3xf32, #tpu.memory_space<vmem>>, %arg3: memref<6x32xf32, #tpu.memory_space<vmem>>, %arg4: memref<1x1024x32xf32, #tpu.memory_space<vmem>>, %arg5: memref<1x8x32xf32, #tpu.memory_space<vmem>>, %arg6: memref<1024x2048xf32, #tpu.memory_space<vmem>>, %arg7: memref<1024x32xf32, #tpu.memory_space<vmem>>, %arg8: memref<1024x32xf32, #tpu.memory_space<vmem>>, %arg9: memref<1024x32xf32, #tpu.memory_space<vmem>>) attributes {dimension_semantics = [#tpu.dimension_semantics<parallel>, #tpu.dimension_semantics<arbitrary>], iteration_bounds = array<i64: 2, 2>, scalar_prefetch = 0 : i64, scratch_operands = 4 : i64, tpu.core_type = #tpu.core_type<tc>, window_params = [{transform_indices = @transform_0, window_bounds = array<i64: 1, 2048, 3>}, {pipeline_mode = #tpu.pipeline_mode<synchronous>, transform_indices = @transform_1, window_bounds = array<i64: 6, 32>}, {transform_indices = @transform_2, window_bounds = array<i64: 1, 1024, 32>}, {transform_indices = @transform_3, window_bounds = array<i64: 1, 8, 32>}]} {
    %eq3A = arith.constant 0 : i32
    %eq3A_0 = arith.cmpi eq, %arg1, %eq3A : i32
    %convert_element_type3A = arith.extui %eq3A_0 : i1 to i32
    %cond3A = arith.constant 0 : i32
    %cond3A_1 = arith.cmpi ne, %convert_element_type3A, %cond3A : i32
    scf.if %cond3A_1 {
      %broadcast_in_dim3A_100 = arith.constant 0.000000e+00 : f32
      %broadcast_in_dim3A_101 = vector.broadcast %broadcast_in_dim3A_100 : f32 to vector<1x8x32xf32>
      %swap3A_102 = arith.constant 0 : index
      %swap3A_103 = arith.constant 0 : index
      %swap3A_104 = arith.constant 0 : index
      %swap3A_105 = vector.load %arg5[%swap3A_102, %swap3A_103, %swap3A_104] : memref<1x8x32xf32, #tpu.memory_space<vmem>>, vector<1x8x32xf32>
      tpu.vector_store %arg5[%swap3A_102, %swap3A_103, %swap3A_104], %broadcast_in_dim3A_101 {strides = array<i32>} : memref<1x8x32xf32, #tpu.memory_space<vmem>>, vector<1x8x32xf32>,
    } else {
    }
    %get3A = arith.constant 0 : index
    %get3A_2 = arith.constant 0 : index
    %get3A_3 = arith.constant 0 : index
    %get3A_4 = vector.load %arg2[%get3A, %get3A_2, %get3A_3] : memref<1x2048x3xf32, #tpu.memory_space<vmem>>, vector<1x2048x3xf32>
    %get3A_5 = vector.shape_cast %get3A_4 : vector<1x2048x3xf32> to vector<2048x3xf32>
    %mul3A = arith.constant 1024 : i32
    %mul3A_6 = arith.muli %arg1, %mul3A : i32
    %get3A_7 = arith.constant 0 : index
    %get3A_8 = arith.index_cast %mul3A_6 : i32 to index
    %get3A_9 = arith.constant 0 : index
    %get3A_10 = vector.load %arg2[%get3A_7, %get3A_8, %get3A_9] : memref<1x2048x3xf32, #tpu.memory_space<vmem>>, vector<1x1024x3xf32>
    %get3A_11 = vector.shape_cast %get3A_10 : vector<1x1024x3xf32> to vector<1024x3xf32>
    %get3A_12 = arith.constant 0 : index
    %get3A_13 = arith.constant 0 : index
    %get3A_14 = arith.constant 0 : index
    %get3A_15 = vector.load %arg2[%get3A_12, %get3A_13, %get3A_14] : memref<1x2048x3xf32, #tpu.memory_space<vmem>>, vector<1x2048x3xf32>
    %get3A_16 = vector.shape_cast %get3A_15 : vector<1x2048x3xf32> to vector<2048x3xf32>
    %mul3A_17 = arith.constant 1024 : i32
    %mul3A_18 = arith.muli %arg1, %mul3A_17 : i32
    %get3A_19 = arith.constant 0 : index
    %get3A_20 = arith.index_cast %mul3A_18 : i32 to index
    %get3A_21 = arith.constant 0 : index
    %get3A_22 = vector.load %arg2[%get3A_19, %get3A_20, %get3A_21] : memref<1x2048x3xf32, #tpu.memory_space<vmem>>, vector<1x1024x3xf32>
    %get3A_23 = vector.shape_cast %get3A_22 : vector<1x1024x3xf32> to vector<1024x3xf32>
    %dot_general3A = arith.constant dense<0.000000e+00> : vector<1024x2048xf32>
    %dot_general3A_24 = tpu.matmul %get3A_23, %get3A_16, %dot_general3A {dimension_numbers = #tpu.dot_dimension_numbers<[1], [1], [0], [0], [0, 0, 1, 0], [], []>, transpose_lhs_hint = false} : vector<1024x3xf32>, vector<2048x3xf32>, vector<1024x2048xf32> -> vector<1024x2048xf32>
    %mul3A_25 = arith.mulf %get3A_16, %get3A_16 : vector<2048x3xf32>
    %reduce_sum3A = arith.constant dense<0.000000e+00> : vector<2048xf32>
    %reduce_sum3A_26 = vector.multi_reduction <add>, %mul3A_25, %reduce_sum3A [1] : vector<2048x3xf32> to vector<2048xf32>
    %mul3A_27 = arith.mulf %get3A_23, %get3A_23 : vector<1024x3xf32>
    %reduce_sum3A_28 = arith.constant dense<0.000000e+00> : vector<1024xf32>
    %reduce_sum3A_29 = vector.multi_reduction <add>, %mul3A_27, %reduce_sum3A_28 [1] : vector<1024x3xf32> to vector<1024xf32>
    %mul3A_30 = arith.constant -2.000000e+00 : f32
    %mul3A_31 = vector.broadcast %mul3A_30 : f32 to vector<1024x2048xf32>
    %mul3A_32 = arith.mulf %mul3A_31, %dot_general3A_24 : vector<1024x2048xf32>
    %broadcast_in_dim3A = vector.shape_cast %reduce_sum3A_29 : vector<1024xf32> to vector<1024x1xf32>
    %neg3A = arith.constant 0.000000e+00 : f32
    %neg3A_33 = vector.broadcast %neg3A : f32 to vector<1024x1xf32>
    %neg3A_34 = arith.subf %neg3A_33, %broadcast_in_dim3A : vector<1024x1xf32>
    %sub3A = vector.broadcast %neg3A_34 : vector<1024x1xf32> to vector<1024x2048xf32>
    %sub3A_35 = arith.subf %sub3A, %mul3A_32 : vector<1024x2048xf32>
    %broadcast_in_dim3A_36 = vector.shape_cast %reduce_sum3A_26 : vector<2048xf32> to vector<1x2048xf32>
    %sub3A_37 = vector.broadcast %broadcast_in_dim3A_36 : vector<1x2048xf32> to vector<1024x2048xf32>
    %sub3A_38 = arith.subf %sub3A_35, %sub3A_37 : vector<1024x2048xf32>
    %swap3A = arith.constant 0 : index
    %swap3A_39 = arith.constant 0 : index
    %swap3A_40 = vector.load %arg6[%swap3A, %swap3A_39] : memref<1024x2048xf32, #tpu.memory_space<vmem>>, vector<1024x2048xf32>
    tpu.vector_store %arg6[%swap3A, %swap3A_39], %sub3A_38 {strides = array<i32>} : memref<1024x2048xf32, #tpu.memory_space<vmem>>, vector<1024x2048xf32>,
    %broadcast_in_dim3A_41 = arith.constant 0.000000e+00 : f32
    %broadcast_in_dim3A_42 = vector.broadcast %broadcast_in_dim3A_41 : f32 to vector<1024x32xf32>
    %swap3A_43 = arith.constant 0 : index
    %swap3A_44 = arith.constant 0 : index
    %swap3A_45 = vector.load %arg7[%swap3A_43, %swap3A_44] : memref<1024x32xf32, #tpu.memory_space<vmem>>, vector<1024x32xf32>
    tpu.vector_store %arg7[%swap3A_43, %swap3A_44], %broadcast_in_dim3A_42 {strides = array<i32>} : memref<1024x32xf32, #tpu.memory_space<vmem>>, vector<1024x32xf32>,
    %broadcast_in_dim3A_46 = arith.constant 0.000000e+00 : f32
    %broadcast_in_dim3A_47 = vector.broadcast %broadcast_in_dim3A_46 : f32 to vector<1024x32xf32>
    %swap3A_48 = arith.constant 0 : index
    %swap3A_49 = arith.constant 0 : index
    %swap3A_50 = vector.load %arg8[%swap3A_48, %swap3A_49] : memref<1024x32xf32, #tpu.memory_space<vmem>>, vector<1024x32xf32>
    tpu.vector_store %arg8[%swap3A_48, %swap3A_49], %broadcast_in_dim3A_47 {strides = array<i32>} : memref<1024x32xf32, #tpu.memory_space<vmem>>, vector<1024x32xf32>,
    %broadcast_in_dim3A_51 = arith.constant 0xFF800000 : f32
    %broadcast_in_dim3A_52 = vector.broadcast %broadcast_in_dim3A_51 : f32 to vector<1024x32xf32>
    %swap3A_53 = arith.constant 0 : index
    %swap3A_54 = arith.constant 0 : index
    %swap3A_55 = vector.load %arg9[%swap3A_53, %swap3A_54] : memref<1024x32xf32, #tpu.memory_space<vmem>>, vector<1024x32xf32>
    tpu.vector_store %arg9[%swap3A_53, %swap3A_54], %broadcast_in_dim3A_52 {strides = array<i32>} : memref<1024x32xf32, #tpu.memory_space<vmem>>, vector<1024x32xf32>,
    %convert_element_type3A_56 = arith.truncf %get3A_5 : vector<2048x3xf32> to vector<2048x3xbf16>
    %convert_element_type3A_57 = arith.extf %convert_element_type3A_56 : vector<2048x3xbf16> to vector<2048x3xf32>
    %sub3A_58 = arith.subf %get3A_5, %convert_element_type3A_57 : vector<2048x3xf32>
    %convert_element_type3A_59 = arith.truncf %sub3A_58 : vector<2048x3xf32> to vector<2048x3xbf16>
    %convert_element_type3A_60 = arith.extf %convert_element_type3A_59 : vector<2048x3xbf16> to vector<2048x3xf32>
    %sub3A_61 = arith.subf %sub3A_58, %convert_element_type3A_60 : vector<2048x3xf32>
    %convert_element_type3A_62 = arith.truncf %sub3A_61 : vector<2048x3xf32> to vector<2048x3xbf16>
    %iota3A = tpu.iota {dimensions = array<i32: 1>} : vector<1024x2048xi32>
    %scan3A = arith.constant 0 : i32
    %scan3A_63 = arith.constant 20 : i32
    %scan3A_64 = arith.addi %scan3A, %scan3A_63 : i32
    %scan3A_65 = arith.constant 1 : i32
    scf.for %scan3A_100 = %scan3A to %scan3A_64 step %scan3A_65  : i32 {
      %get3A_101 = arith.constant 0 : index
      %get3A_102 = arith.constant 0 : index
      %get3A_103 = vector.load %arg6[%get3A_101, %get3A_102] : memref<1024x2048xf32, #tpu.memory_space<vmem>>, vector<1024x2048xf32>
      %reduce_max3A = arith.constant dense<0xFF800000> : vector<1024xf32>
      %reduce_max3A_104 = vector.multi_reduction <maximumf>, %get3A_103, %reduce_max3A [1] : vector<1024x2048xf32> to vector<1024xf32>
      %broadcast_in_dim3A_105 = vector.shape_cast %reduce_max3A_104 : vector<1024xf32> to vector<1024x1xf32>
      %eq3A_106 = vector.broadcast %broadcast_in_dim3A_105 : vector<1024x1xf32> to vector<1024x2048xf32>
      %eq3A_107 = arith.cmpf oeq, %get3A_103, %eq3A_106 : vector<1024x2048xf32>
      %jit3A = arith.constant 2048 : i32
      %broadcast_in_dim3A_108 = vector.broadcast %jit3A : i32 to vector<1024x2048xi32>
      %select_n3A = arith.select %eq3A_107, %iota3A, %broadcast_in_dim3A_108 : vector<1024x2048xi1>, vector<1024x2048xi32>
      %reduce_min3A = arith.constant dense<2147483647> : vector<1024xi32>
      %reduce_min3A_109 = vector.multi_reduction <minsi>, %select_n3A, %reduce_min3A [1] : vector<1024x2048xi32> to vector<1024xi32>
      %broadcast_in_dim3A_110 = vector.shape_cast %reduce_min3A_109 : vector<1024xi32> to vector<1024x1xi32>
      %eq3A_111 = vector.broadcast %broadcast_in_dim3A_110 : vector<1024x1xi32> to vector<1024x2048xi32>
      %eq3A_112 = arith.cmpi eq, %iota3A, %eq3A_111 : vector<1024x2048xi32>
      %jit3A_113 = arith.constant 0xFF800000 : f32
      %broadcast_in_dim3A_114 = vector.broadcast %jit3A_113 : f32 to vector<1024x2048xf32>
      %select_n3A_115 = arith.select %eq3A_112, %broadcast_in_dim3A_114, %get3A_103 : vector<1024x2048xi1>, vector<1024x2048xf32>
      %swap3A_116 = arith.constant 0 : index
      %swap3A_117 = arith.constant 0 : index
      %swap3A_118 = vector.load %arg6[%swap3A_116, %swap3A_117] : memref<1024x2048xf32, #tpu.memory_space<vmem>>, vector<1024x2048xf32>
      tpu.vector_store %arg6[%swap3A_116, %swap3A_117], %select_n3A_115 {strides = array<i32>} : memref<1024x2048xf32, #tpu.memory_space<vmem>>, vector<1024x2048xf32>,
      %convert_element_type3A_119 = arith.extui %eq3A_112 : vector<1024x2048xi1> to vector<1024x2048xi32>
      %convert_element_type3A_120 = arith.sitofp %convert_element_type3A_119 : vector<1024x2048xi32> to vector<1024x2048xf32>
      %convert_element_type3A_121 = arith.truncf %convert_element_type3A_120 : vector<1024x2048xf32> to vector<1024x2048xbf16>
      %dot_general3A_122 = arith.constant dense<0.000000e+00> : vector<1024x3xf32>
      %dot_general3A_123 = tpu.matmul %convert_element_type3A_121, %convert_element_type3A_56, %dot_general3A_122 {dimension_numbers = #tpu.dot_dimension_numbers<[1], [0], [0], [1], [0, 0, 1, 1], [], []>, transpose_lhs_hint = false} : vector<1024x2048xbf16>, vector<2048x3xbf16>, vector<1024x3xf32> -> vector<1024x3xf32>
      %dot_general3A_124 = arith.constant dense<0.000000e+00> : vector<1024x3xf32>
      %dot_general3A_125 = tpu.matmul %convert_element_type3A_121, %convert_element_type3A_59, %dot_general3A_124 {dimension_numbers = #tpu.dot_dimension_numbers<[1], [0], [0], [1], [0, 0, 1, 1], [], []>, transpose_lhs_hint = false} : vector<1024x2048xbf16>, vector<2048x3xbf16>, vector<1024x3xf32> -> vector<1024x3xf32>
      %add3A_126 = arith.addf %dot_general3A_123, %dot_general3A_125 : vector<1024x3xf32>
      %dot_general3A_127 = arith.constant dense<0.000000e+00> : vector<1024x3xf32>
      %dot_general3A_128 = tpu.matmul %convert_element_type3A_121, %convert_element_type3A_62, %dot_general3A_127 {dimension_numbers = #tpu.dot_dimension_numbers<[1], [0], [0], [1], [0, 0, 1, 1], [], []>, transpose_lhs_hint = false} : vector<1024x2048xbf16>, vector<2048x3xbf16>, vector<1024x3xf32> -> vector<1024x3xf32>
      %add3A_129 = arith.addf %add3A_126, %dot_general3A_128 : vector<1024x3xf32>
      %sub3A_130 = arith.subf %add3A_129, %get3A_11 : vector<1024x3xf32>
      %concatenate3A_131 = tpu.concatenate %sub3A_130, %get3A_11 in 1 : vector<1024x3xf32>, vector<1024x3xf32> -> vector<1024x6xf32>
      %get3A_132 = arith.constant 0 : index
      %get3A_133 = arith.constant 0 : index
      %get3A_134 = vector.load %arg3[%get3A_132, %get3A_133] : memref<6x32xf32, #tpu.memory_space<vmem>>, vector<6x32xf32>
      %dot_general3A_135 = arith.constant dense<0.000000e+00> : vector<1024x32xf32>
      %dot_general3A_136 = tpu.matmul %concatenate3A_131, %get3A_134, %dot_general3A_135 {dimension_numbers = #tpu.dot_dimension_numbers<[1], [0], [0], [1], [0, 0, 1, 1], [], []>, transpose_lhs_hint = false} : vector<1024x6xf32>, vector<6x32xf32>, vector<1024x32xf32> -> vector<1024x32xf32>
      %get3A_137 = arith.constant 0 : index
      %get3A_138 = arith.constant 0 : index
      %get3A_139 = vector.load %arg7[%get3A_137, %get3A_138] : memref<1024x32xf32, #tpu.memory_space<vmem>>, vector<1024x32xf32>
      %add3A_140 = arith.addf %get3A_139, %dot_general3A_136 : vector<1024x32xf32>
      %swap3A_141 = arith.constant 0 : index
      %swap3A_142 = arith.constant 0 : index
      %swap3A_143 = vector.load %arg7[%swap3A_141, %swap3A_142] : memref<1024x32xf32, #tpu.memory_space<vmem>>, vector<1024x32xf32>
      tpu.vector_store %arg7[%swap3A_141, %swap3A_142], %add3A_140 {strides = array<i32>} : memref<1024x32xf32, #tpu.memory_space<vmem>>, vector<1024x32xf32>,
      %get3A_144 = arith.constant 0 : index
      %get3A_145 = arith.constant 0 : index
      %get3A_146 = vector.load %arg8[%get3A_144, %get3A_145] : memref<1024x32xf32, #tpu.memory_space<vmem>>, vector<1024x32xf32>
      %mul3A_147 = arith.mulf %dot_general3A_136, %dot_general3A_136 : vector<1024x32xf32>
      %add3A_148 = arith.addf %get3A_146, %mul3A_147 : vector<1024x32xf32>
      %swap3A_149 = arith.constant 0 : index
      %swap3A_150 = arith.constant 0 : index
      %swap3A_151 = vector.load %arg8[%swap3A_149, %swap3A_150] : memref<1024x32xf32, #tpu.memory_space<vmem>>, vector<1024x32xf32>
      tpu.vector_store %arg8[%swap3A_149, %swap3A_150], %add3A_148 {strides = array<i32>} : memref<1024x32xf32, #tpu.memory_space<vmem>>, vector<1024x32xf32>,
      %get3A_152 = arith.constant 0 : index
      %get3A_153 = arith.constant 0 : index
      %get3A_154 = vector.load %arg9[%get3A_152, %get3A_153] : memref<1024x32xf32, #tpu.memory_space<vmem>>, vector<1024x32xf32>
      %max3A = arith.maximumf %get3A_154, %dot_general3A_136 : vector<1024x32xf32>
      %swap3A_155 = arith.constant 0 : index
      %swap3A_156 = arith.constant 0 : index
      %swap3A_157 = vector.load %arg9[%swap3A_155, %swap3A_156] : memref<1024x32xf32, #tpu.memory_space<vmem>>, vector<1024x32xf32>
      tpu.vector_store %arg9[%swap3A_155, %swap3A_156], %max3A {strides = array<i32>} : memref<1024x32xf32, #tpu.memory_space<vmem>>, vector<1024x32xf32>,
    }
    %get3A_66 = arith.constant 0 : index
    %get3A_67 = arith.constant 0 : index
    %get3A_68 = vector.load %arg9[%get3A_66, %get3A_67] : memref<1024x32xf32, #tpu.memory_space<vmem>>, vector<1024x32xf32>
    %swap3A_69 = arith.constant 0 : index
    %swap3A_70 = arith.constant 0 : index
    %swap3A_71 = arith.constant 0 : index
    %swap3A_72 = vector.load %arg4[%swap3A_69, %swap3A_70, %swap3A_71] : memref<1x1024x32xf32, #tpu.memory_space<vmem>>, vector<1x1024x32xf32>
    %swap3A_73 = vector.shape_cast %swap3A_72 : vector<1x1024x32xf32> to vector<1024x32xf32>
    %swap3A_74 = vector.shape_cast %get3A_68 : vector<1024x32xf32> to vector<1x1024x32xf32>
    tpu.vector_store %arg4[%swap3A_69, %swap3A_70, %swap3A_71], %swap3A_74 {strides = array<i32>} : memref<1x1024x32xf32, #tpu.memory_space<vmem>>, vector<1x1024x32xf32>,
    %broadcast_in_dim3A_75 = arith.constant 0.000000e+00 : f32
    %broadcast_in_dim3A_76 = vector.broadcast %broadcast_in_dim3A_75 : f32 to vector<1x32xf32>
    %get3A_77 = arith.constant 0 : index
    %get3A_78 = arith.constant 0 : index
    %get3A_79 = vector.load %arg7[%get3A_77, %get3A_78] : memref<1024x32xf32, #tpu.memory_space<vmem>>, vector<1024x32xf32>
    %reduce_sum3A_80 = arith.constant dense<0.000000e+00> : vector<32xf32>
    %reduce_sum3A_81 = vector.multi_reduction <add>, %get3A_79, %reduce_sum3A_80 [0] : vector<1024x32xf32> to vector<32xf32>
    %broadcast_in_dim3A_82 = vector.shape_cast %reduce_sum3A_81 : vector<32xf32> to vector<1x32xf32>
    %get3A_83 = arith.constant 0 : index
    %get3A_84 = arith.constant 0 : index
    %get3A_85 = vector.load %arg8[%get3A_83, %get3A_84] : memref<1024x32xf32, #tpu.memory_space<vmem>>, vector<1024x32xf32>
    %reduce_sum3A_86 = arith.constant dense<0.000000e+00> : vector<32xf32>
    %reduce_sum3A_87 = vector.multi_reduction <add>, %get3A_85, %reduce_sum3A_86 [0] : vector<1024x32xf32> to vector<32xf32>
    %broadcast_in_dim3A_88 = vector.shape_cast %reduce_sum3A_87 : vector<32xf32> to vector<1x32xf32>
    %concatenate3A = tpu.concatenate %broadcast_in_dim3A_82, %broadcast_in_dim3A_88, %broadcast_in_dim3A_76, %broadcast_in_dim3A_76, %broadcast_in_dim3A_76, %broadcast_in_dim3A_76, %broadcast_in_dim3A_76, %broadcast_in_dim3A_76 in 0 : vector<1x32xf32>, vector<1x32xf32>, vector<1x32xf32>, vector<1x32xf32>, vector<1x32xf32>, vector<1x32xf32>, vector<1x32xf32>, vector<1x32xf32> -> vector<8x32xf32>
    %get3A_89 = arith.constant 0 : index
    %get3A_90 = arith.constant 0 : index
    %get3A_91 = arith.constant 0 : index
    %get3A_92 = vector.load %arg5[%get3A_89, %get3A_90, %get3A_91] : memref<1x8x32xf32, #tpu.memory_space<vmem>>, vector<1x8x32xf32>
    %get3A_93 = vector.shape_cast %get3A_92 : vector<1x8x32xf32> to vector<8x32xf32>
    %add3A = arith.addf %get3A_93, %concatenate3A : vector<8x32xf32>
    %swap3A_94 = arith.constant 0 : index
    %swap3A_95 = arith.constant 0 : index
    %swap3A_96 = arith.constant 0 : index
    %swap3A_97 = vector.load %arg5[%swap3A_94, %swap3A_95, %swap3A_96] : memref<1x8x32xf32, #tpu.memory_space<vmem>>, vector<1x8x32xf32>
    %swap3A_98 = vector.shape_cast %swap3A_97 : vector<1x8x32xf32> to vector<8x32xf32>
    %swap3A_99 = vector.shape_cast %add3A : vector<8x32xf32> to vector<1x8x32xf32>
    tpu.vector_store %arg5[%swap3A_94, %swap3A_95, %swap3A_96], %swap3A_99 {strides = array<i32>} : memref<1x8x32xf32, #tpu.memory_space<vmem>>, vector<1x8x32xf32>,
    return
  }
  func.func @transform_0(%arg0: i32, %arg1: i32) -> (i32, i32, i32) {
    %c0_i32 = arith.constant 0 : i32
    %c0_i32_0 = arith.constant 0 : i32
    %c0_i32_1 = arith.constant 0 : i32
    return %arg0, %c0_i32, %c0_i32_0 : i32, i32, i32
  }
  func.func @transform_1(%arg0: i32, %arg1: i32) -> (i32, i32) {
    %c0_i32 = arith.constant 0 : i32
    %c0_i32_0 = arith.constant 0 : i32
    %c0_i32_1 = arith.constant 0 : i32
    return %c0_i32, %c0_i32_0 : i32, i32
  }
  func.func @transform_2(%arg0: i32, %arg1: i32) -> (i32, i32, i32) {
    %c0_i32 = arith.constant 0 : i32
    %c0_i32_0 = arith.constant 0 : i32
    return %arg0, %arg1, %c0_i32 : i32, i32, i32
  }
  func.func @transform_3(%arg0: i32, %arg1: i32) -> (i32, i32, i32) {
    %c0_i32 = arith.constant 0 : i32
    %c0_i32_0 = arith.constant 0 : i32
    %c0_i32_1 = arith.constant 0 : i32
    return %arg0, %c0_i32, %c0_i32_0 : i32, i32, i32
  }
}

module attributes {stable_mosaic.version = 14 : i64} {
  func.func @_finalize_kernel(%arg0: i32, %arg1: i32, %arg2: memref<1x256x32xf32, #tpu.memory_space<vmem>>, %arg3: memref<2x8x32xf32, #tpu.memory_space<vmem>>, %arg4: memref<2x32xf32, #tpu.memory_space<vmem>>, %arg5: memref<1x256x32xf32, #tpu.memory_space<vmem>>, %arg6: memref<1x256x64xf32, #tpu.memory_space<vmem>>) attributes {dimension_semantics = [#tpu.dimension_semantics<parallel>, #tpu.dimension_semantics<arbitrary>], iteration_bounds = array<i64: 2, 8>, scalar_prefetch = 0 : i64, scratch_operands = 0 : i64, tpu.core_type = #tpu.core_type<tc>, window_params = [{transform_indices = @transform_0, window_bounds = array<i64: 1, 256, 32>}, {pipeline_mode = #tpu.pipeline_mode<synchronous>, transform_indices = @transform_1, window_bounds = array<i64: 2, 8, 32>}, {pipeline_mode = #tpu.pipeline_mode<synchronous>, transform_indices = @transform_2, window_bounds = array<i64: 2, 32>}, {transform_indices = @transform_3, window_bounds = array<i64: 1, 256, 32>}, {transform_indices = @transform_4, window_bounds = array<i64: 1, 256, 64>}]} {
    %get3A = arith.constant 0 : index
    %get3A_0 = arith.constant 0 : index
    %get3A_1 = arith.constant 0 : index
    %get3A_2 = vector.load %arg3[%get3A, %get3A_0, %get3A_1] : memref<2x8x32xf32, #tpu.memory_space<vmem>>, vector<1x8x32xf32>
    %get3A_3 = vector.shape_cast %get3A_2 : vector<1x8x32xf32> to vector<8x32xf32>
    %get3A_4 = arith.constant 1 : index
    %get3A_5 = arith.constant 0 : index
    %get3A_6 = arith.constant 0 : index
    %get3A_7 = vector.load %arg3[%get3A_4, %get3A_5, %get3A_6] : memref<2x8x32xf32, #tpu.memory_space<vmem>>, vector<1x8x32xf32>
    %get3A_8 = vector.shape_cast %get3A_7 : vector<1x8x32xf32> to vector<8x32xf32>
    %add3A = arith.addf %get3A_3, %get3A_8 : vector<8x32xf32>
    %slice3A = vector.extract_strided_slice %add3A {offsets = [0, 0], sizes = [1, 32], strides = [1, 1]} : vector<8x32xf32> to vector<1x32xf32>
    %squeeze3A = vector.shape_cast %slice3A : vector<1x32xf32> to vector<32xf32>
    %div3A = arith.constant 8.192000e+04 : f32
    %div3A_9 = vector.broadcast %div3A : f32 to vector<32xf32>
    %div3A_10 = arith.divf %squeeze3A, %div3A_9 : vector<32xf32>
    %slice3A_11 = vector.extract_strided_slice %add3A {offsets = [1, 0], sizes = [1, 32], strides = [1, 1]} : vector<8x32xf32> to vector<1x32xf32>
    %squeeze3A_12 = vector.shape_cast %slice3A_11 : vector<1x32xf32> to vector<32xf32>
    %div3A_13 = arith.constant 8.192000e+04 : f32
    %div3A_14 = vector.broadcast %div3A_13 : f32 to vector<32xf32>
    %div3A_15 = arith.divf %squeeze3A_12, %div3A_14 : vector<32xf32>
    %mul3A = arith.mulf %div3A_10, %div3A_10 : vector<32xf32>
    %sub3A = arith.subf %div3A_15, %mul3A : vector<32xf32>
    %add3A_16 = arith.constant 9.99999974E-6 : f32
    %add3A_17 = vector.broadcast %add3A_16 : f32 to vector<32xf32>
    %add3A_18 = arith.addf %sub3A, %add3A_17 : vector<32xf32>
    %sqrt3A = math.sqrt %add3A_18 : vector<32xf32>
    %get3A_19 = arith.constant 0 : index
    %get3A_20 = arith.constant 0 : index
    %get3A_21 = arith.constant 0 : index
    %get3A_22 = vector.load %arg2[%get3A_19, %get3A_20, %get3A_21] : memref<1x256x32xf32, #tpu.memory_space<vmem>>, vector<1x256x32xf32>
    %get3A_23 = vector.shape_cast %get3A_22 : vector<1x256x32xf32> to vector<256x32xf32>
    %broadcast_in_dim3A = vector.shape_cast %div3A_10 : vector<32xf32> to vector<1x32xf32>
    %sub3A_24 = vector.broadcast %broadcast_in_dim3A : vector<1x32xf32> to vector<256x32xf32>
    %sub3A_25 = arith.subf %get3A_23, %sub3A_24 : vector<256x32xf32>
    %broadcast_in_dim3A_26 = vector.shape_cast %sqrt3A : vector<32xf32> to vector<1x32xf32>
    %div3A_27 = vector.broadcast %broadcast_in_dim3A_26 : vector<1x32xf32> to vector<256x32xf32>
    %div3A_28 = arith.divf %sub3A_25, %div3A_27 : vector<256x32xf32>
    %get3A_29 = arith.constant 0 : index
    %get3A_30 = arith.constant 0 : index
    %get3A_31 = vector.load %arg4[%get3A_29, %get3A_30] : memref<2x32xf32, #tpu.memory_space<vmem>>, vector<1x32xf32>
    %get3A_32 = vector.shape_cast %get3A_31 : vector<1x32xf32> to vector<32xf32>
    %broadcast_in_dim3A_33 = vector.shape_cast %get3A_32 : vector<32xf32> to vector<1x32xf32>
    %mul3A_34 = vector.broadcast %broadcast_in_dim3A_33 : vector<1x32xf32> to vector<256x32xf32>
    %mul3A_35 = arith.mulf %div3A_28, %mul3A_34 : vector<256x32xf32>
    %get3A_36 = arith.constant 1 : index
    %get3A_37 = arith.constant 0 : index
    %get3A_38 = vector.load %arg4[%get3A_36, %get3A_37] : memref<2x32xf32, #tpu.memory_space<vmem>>, vector<1x32xf32>
    %get3A_39 = vector.shape_cast %get3A_38 : vector<1x32xf32> to vector<32xf32>
    %broadcast_in_dim3A_40 = vector.shape_cast %get3A_39 : vector<32xf32> to vector<1x32xf32>
    %add3A_41 = vector.broadcast %broadcast_in_dim3A_40 : vector<1x32xf32> to vector<256x32xf32>
    %add3A_42 = arith.addf %mul3A_35, %add3A_41 : vector<256x32xf32>
    %ge3A = arith.constant 0.000000e+00 : f32
    %ge3A_43 = vector.broadcast %ge3A : f32 to vector<256x32xf32>
    %ge3A_44 = arith.cmpf oge, %add3A_42, %ge3A_43 : vector<256x32xf32>
    %mul3A_45 = arith.constant 2.000000e-01 : f32
    %mul3A_46 = vector.broadcast %mul3A_45 : f32 to vector<256x32xf32>
    %mul3A_47 = arith.mulf %mul3A_46, %add3A_42 : vector<256x32xf32>
    %select_n3A = arith.select %ge3A_44, %add3A_42, %mul3A_47 : vector<256x32xi1>, vector<256x32xf32>
    %swap3A = arith.constant 0 : index
    %swap3A_48 = arith.constant 0 : index
    %swap3A_49 = arith.constant 0 : index
    %swap3A_50 = vector.load %arg6[%swap3A, %swap3A_48, %swap3A_49] : memref<1x256x64xf32, #tpu.memory_space<vmem>>, vector<1x256x32xf32>
    %swap3A_51 = vector.shape_cast %swap3A_50 : vector<1x256x32xf32> to vector<256x32xf32>
    %swap3A_52 = vector.shape_cast %select_n3A : vector<256x32xf32> to vector<1x256x32xf32>
    tpu.vector_store %arg6[%swap3A, %swap3A_48, %swap3A_49], %swap3A_52 {strides = array<i32>} : memref<1x256x64xf32, #tpu.memory_space<vmem>>, vector<1x256x32xf32>,
    %get3A_53 = arith.constant 0 : index
    %get3A_54 = arith.constant 0 : index
    %get3A_55 = arith.constant 0 : index
    %get3A_56 = vector.load %arg5[%get3A_53, %get3A_54, %get3A_55] : memref<1x256x32xf32, #tpu.memory_space<vmem>>, vector<1x256x32xf32>
    %get3A_57 = vector.shape_cast %get3A_56 : vector<1x256x32xf32> to vector<256x32xf32>
    %swap3A_58 = arith.constant 0 : index
    %swap3A_59 = arith.constant 0 : index
    %swap3A_60 = arith.constant 32 : index
    %swap3A_61 = vector.load %arg6[%swap3A_58, %swap3A_59, %swap3A_60] : memref<1x256x64xf32, #tpu.memory_space<vmem>>, vector<1x256x32xf32>
    %swap3A_62 = vector.shape_cast %swap3A_61 : vector<1x256x32xf32> to vector<256x32xf32>
    %swap3A_63 = vector.shape_cast %get3A_57 : vector<256x32xf32> to vector<1x256x32xf32>
    tpu.vector_store %arg6[%swap3A_58, %swap3A_59, %swap3A_60], %swap3A_63 {strides = array<i32>} : memref<1x256x64xf32, #tpu.memory_space<vmem>>, vector<1x256x32xf32>,
    return
  }
  func.func @transform_0(%arg0: i32, %arg1: i32) -> (i32, i32, i32) {
    %c0_i32 = arith.constant 0 : i32
    %c0_i32_0 = arith.constant 0 : i32
    return %arg0, %arg1, %c0_i32 : i32, i32, i32
  }
  func.func @transform_1(%arg0: i32, %arg1: i32) -> (i32, i32, i32) {
    %c0_i32 = arith.constant 0 : i32
    %c0_i32_0 = arith.constant 0 : i32
    %c0_i32_1 = arith.constant 0 : i32
    %c0_i32_2 = arith.constant 0 : i32
    return %c0_i32, %c0_i32_0, %c0_i32_1 : i32, i32, i32
  }
  func.func @transform_2(%arg0: i32, %arg1: i32) -> (i32, i32) {
    %c0_i32 = arith.constant 0 : i32
    %c0_i32_0 = arith.constant 0 : i32
    %c0_i32_1 = arith.constant 0 : i32
    return %c0_i32, %c0_i32_0 : i32, i32
  }
  func.func @transform_3(%arg0: i32, %arg1: i32) -> (i32, i32, i32) {
    %c0_i32 = arith.constant 0 : i32
    %c0_i32_0 = arith.constant 0 : i32
    return %arg0, %arg1, %c0_i32 : i32, i32, i32
  }
  func.func @transform_4(%arg0: i32, %arg1: i32) -> (i32, i32, i32) {
    %c0_i32 = arith.constant 0 : i32
    %c0_i32_0 = arith.constant 0 : i32
    return %arg0, %arg1, %c0_i32 : i32, i32, i32
  }
}

module attributes {stable_mosaic.version = 14 : i64} {
  func.func @_edge_exact_kernel(%arg0: i32, %arg1: i32, %arg2: memref<1x2048x64xf32, #tpu.memory_space<vmem>>, %arg3: memref<128x128xf32, #tpu.memory_space<vmem>>, %arg4: memref<1x1024x128xf32, #tpu.memory_space<vmem>>, %arg5: memref<1x8x128xf32, #tpu.memory_space<vmem>>, %arg6: memref<1024x2048xf32, #tpu.memory_space<vmem>>, %arg7: memref<1024x128xf32, #tpu.memory_space<vmem>>, %arg8: memref<1024x128xf32, #tpu.memory_space<vmem>>, %arg9: memref<1024x128xf32, #tpu.memory_space<vmem>>) attributes {dimension_semantics = [#tpu.dimension_semantics<parallel>, #tpu.dimension_semantics<arbitrary>], iteration_bounds = array<i64: 2, 2>, scalar_prefetch = 0 : i64, scratch_operands = 4 : i64, tpu.core_type = #tpu.core_type<tc>, window_params = [{transform_indices = @transform_0, window_bounds = array<i64: 1, 2048, 64>}, {pipeline_mode = #tpu.pipeline_mode<synchronous>, transform_indices = @transform_1, window_bounds = array<i64: 128, 128>}, {transform_indices = @transform_2, window_bounds = array<i64: 1, 1024, 128>}, {transform_indices = @transform_3, window_bounds = array<i64: 1, 8, 128>}]} {
    %eq3A = arith.constant 0 : i32
    %eq3A_0 = arith.cmpi eq, %arg1, %eq3A : i32
    %convert_element_type3A = arith.extui %eq3A_0 : i1 to i32
    %cond3A = arith.constant 0 : i32
    %cond3A_1 = arith.cmpi ne, %convert_element_type3A, %cond3A : i32
    scf.if %cond3A_1 {
      %broadcast_in_dim3A_100 = arith.constant 0.000000e+00 : f32
      %broadcast_in_dim3A_101 = vector.broadcast %broadcast_in_dim3A_100 : f32 to vector<1x8x128xf32>
      %swap3A_102 = arith.constant 0 : index
      %swap3A_103 = arith.constant 0 : index
      %swap3A_104 = arith.constant 0 : index
      %swap3A_105 = vector.load %arg5[%swap3A_102, %swap3A_103, %swap3A_104] : memref<1x8x128xf32, #tpu.memory_space<vmem>>, vector<1x8x128xf32>
      tpu.vector_store %arg5[%swap3A_102, %swap3A_103, %swap3A_104], %broadcast_in_dim3A_101 {strides = array<i32>} : memref<1x8x128xf32, #tpu.memory_space<vmem>>, vector<1x8x128xf32>,
    } else {
    }
    %get3A = arith.constant 0 : index
    %get3A_2 = arith.constant 0 : index
    %get3A_3 = arith.constant 0 : index
    %get3A_4 = vector.load %arg2[%get3A, %get3A_2, %get3A_3] : memref<1x2048x64xf32, #tpu.memory_space<vmem>>, vector<1x2048x64xf32>
    %get3A_5 = vector.shape_cast %get3A_4 : vector<1x2048x64xf32> to vector<2048x64xf32>
    %mul3A = arith.constant 1024 : i32
    %mul3A_6 = arith.muli %arg1, %mul3A : i32
    %get3A_7 = arith.constant 0 : index
    %get3A_8 = arith.index_cast %mul3A_6 : i32 to index
    %get3A_9 = arith.constant 0 : index
    %get3A_10 = vector.load %arg2[%get3A_7, %get3A_8, %get3A_9] : memref<1x2048x64xf32, #tpu.memory_space<vmem>>, vector<1x1024x64xf32>
    %get3A_11 = vector.shape_cast %get3A_10 : vector<1x1024x64xf32> to vector<1024x64xf32>
    %get3A_12 = arith.constant 0 : index
    %get3A_13 = arith.constant 0 : index
    %get3A_14 = arith.constant 0 : index
    %get3A_15 = vector.load %arg2[%get3A_12, %get3A_13, %get3A_14] : memref<1x2048x64xf32, #tpu.memory_space<vmem>>, vector<1x2048x64xf32>
    %get3A_16 = vector.shape_cast %get3A_15 : vector<1x2048x64xf32> to vector<2048x64xf32>
    %mul3A_17 = arith.constant 1024 : i32
    %mul3A_18 = arith.muli %arg1, %mul3A_17 : i32
    %get3A_19 = arith.constant 0 : index
    %get3A_20 = arith.index_cast %mul3A_18 : i32 to index
    %get3A_21 = arith.constant 0 : index
    %get3A_22 = vector.load %arg2[%get3A_19, %get3A_20, %get3A_21] : memref<1x2048x64xf32, #tpu.memory_space<vmem>>, vector<1x1024x64xf32>
    %get3A_23 = vector.shape_cast %get3A_22 : vector<1x1024x64xf32> to vector<1024x64xf32>
    %dot_general3A = arith.constant dense<0.000000e+00> : vector<1024x2048xf32>
    %dot_general3A_24 = tpu.matmul %get3A_23, %get3A_16, %dot_general3A {dimension_numbers = #tpu.dot_dimension_numbers<[1], [1], [0], [0], [0, 0, 1, 0], [], []>, transpose_lhs_hint = false} : vector<1024x64xf32>, vector<2048x64xf32>, vector<1024x2048xf32> -> vector<1024x2048xf32>
    %mul3A_25 = arith.mulf %get3A_16, %get3A_16 : vector<2048x64xf32>
    %reduce_sum3A = arith.constant dense<0.000000e+00> : vector<2048xf32>
    %reduce_sum3A_26 = vector.multi_reduction <add>, %mul3A_25, %reduce_sum3A [1] : vector<2048x64xf32> to vector<2048xf32>
    %mul3A_27 = arith.mulf %get3A_23, %get3A_23 : vector<1024x64xf32>
    %reduce_sum3A_28 = arith.constant dense<0.000000e+00> : vector<1024xf32>
    %reduce_sum3A_29 = vector.multi_reduction <add>, %mul3A_27, %reduce_sum3A_28 [1] : vector<1024x64xf32> to vector<1024xf32>
    %mul3A_30 = arith.constant -2.000000e+00 : f32
    %mul3A_31 = vector.broadcast %mul3A_30 : f32 to vector<1024x2048xf32>
    %mul3A_32 = arith.mulf %mul3A_31, %dot_general3A_24 : vector<1024x2048xf32>
    %broadcast_in_dim3A = vector.shape_cast %reduce_sum3A_29 : vector<1024xf32> to vector<1024x1xf32>
    %neg3A = arith.constant 0.000000e+00 : f32
    %neg3A_33 = vector.broadcast %neg3A : f32 to vector<1024x1xf32>
    %neg3A_34 = arith.subf %neg3A_33, %broadcast_in_dim3A : vector<1024x1xf32>
    %sub3A = vector.broadcast %neg3A_34 : vector<1024x1xf32> to vector<1024x2048xf32>
    %sub3A_35 = arith.subf %sub3A, %mul3A_32 : vector<1024x2048xf32>
    %broadcast_in_dim3A_36 = vector.shape_cast %reduce_sum3A_26 : vector<2048xf32> to vector<1x2048xf32>
    %sub3A_37 = vector.broadcast %broadcast_in_dim3A_36 : vector<1x2048xf32> to vector<1024x2048xf32>
    %sub3A_38 = arith.subf %sub3A_35, %sub3A_37 : vector<1024x2048xf32>
    %swap3A = arith.constant 0 : index
    %swap3A_39 = arith.constant 0 : index
    %swap3A_40 = vector.load %arg6[%swap3A, %swap3A_39] : memref<1024x2048xf32, #tpu.memory_space<vmem>>, vector<1024x2048xf32>
    tpu.vector_store %arg6[%swap3A, %swap3A_39], %sub3A_38 {strides = array<i32>} : memref<1024x2048xf32, #tpu.memory_space<vmem>>, vector<1024x2048xf32>,
    %broadcast_in_dim3A_41 = arith.constant 0.000000e+00 : f32
    %broadcast_in_dim3A_42 = vector.broadcast %broadcast_in_dim3A_41 : f32 to vector<1024x128xf32>
    %swap3A_43 = arith.constant 0 : index
    %swap3A_44 = arith.constant 0 : index
    %swap3A_45 = vector.load %arg7[%swap3A_43, %swap3A_44] : memref<1024x128xf32, #tpu.memory_space<vmem>>, vector<1024x128xf32>
    tpu.vector_store %arg7[%swap3A_43, %swap3A_44], %broadcast_in_dim3A_42 {strides = array<i32>} : memref<1024x128xf32, #tpu.memory_space<vmem>>, vector<1024x128xf32>,
    %broadcast_in_dim3A_46 = arith.constant 0.000000e+00 : f32
    %broadcast_in_dim3A_47 = vector.broadcast %broadcast_in_dim3A_46 : f32 to vector<1024x128xf32>
    %swap3A_48 = arith.constant 0 : index
    %swap3A_49 = arith.constant 0 : index
    %swap3A_50 = vector.load %arg8[%swap3A_48, %swap3A_49] : memref<1024x128xf32, #tpu.memory_space<vmem>>, vector<1024x128xf32>
    tpu.vector_store %arg8[%swap3A_48, %swap3A_49], %broadcast_in_dim3A_47 {strides = array<i32>} : memref<1024x128xf32, #tpu.memory_space<vmem>>, vector<1024x128xf32>,
    %broadcast_in_dim3A_51 = arith.constant 0xFF800000 : f32
    %broadcast_in_dim3A_52 = vector.broadcast %broadcast_in_dim3A_51 : f32 to vector<1024x128xf32>
    %swap3A_53 = arith.constant 0 : index
    %swap3A_54 = arith.constant 0 : index
    %swap3A_55 = vector.load %arg9[%swap3A_53, %swap3A_54] : memref<1024x128xf32, #tpu.memory_space<vmem>>, vector<1024x128xf32>
    tpu.vector_store %arg9[%swap3A_53, %swap3A_54], %broadcast_in_dim3A_52 {strides = array<i32>} : memref<1024x128xf32, #tpu.memory_space<vmem>>, vector<1024x128xf32>,
    %convert_element_type3A_56 = arith.truncf %get3A_5 : vector<2048x64xf32> to vector<2048x64xbf16>
    %convert_element_type3A_57 = arith.extf %convert_element_type3A_56 : vector<2048x64xbf16> to vector<2048x64xf32>
    %sub3A_58 = arith.subf %get3A_5, %convert_element_type3A_57 : vector<2048x64xf32>
    %convert_element_type3A_59 = arith.truncf %sub3A_58 : vector<2048x64xf32> to vector<2048x64xbf16>
    %convert_element_type3A_60 = arith.extf %convert_element_type3A_59 : vector<2048x64xbf16> to vector<2048x64xf32>
    %sub3A_61 = arith.subf %sub3A_58, %convert_element_type3A_60 : vector<2048x64xf32>
    %convert_element_type3A_62 = arith.truncf %sub3A_61 : vector<2048x64xf32> to vector<2048x64xbf16>
    %iota3A = tpu.iota {dimensions = array<i32: 1>} : vector<1024x2048xi32>
    %scan3A = arith.constant 0 : i32
    %scan3A_63 = arith.constant 20 : i32
    %scan3A_64 = arith.addi %scan3A, %scan3A_63 : i32
    %scan3A_65 = arith.constant 1 : i32
    scf.for %scan3A_100 = %scan3A to %scan3A_64 step %scan3A_65  : i32 {
      %get3A_101 = arith.constant 0 : index
      %get3A_102 = arith.constant 0 : index
      %get3A_103 = vector.load %arg6[%get3A_101, %get3A_102] : memref<1024x2048xf32, #tpu.memory_space<vmem>>, vector<1024x2048xf32>
      %reduce_max3A = arith.constant dense<0xFF800000> : vector<1024xf32>
      %reduce_max3A_104 = vector.multi_reduction <maximumf>, %get3A_103, %reduce_max3A [1] : vector<1024x2048xf32> to vector<1024xf32>
      %broadcast_in_dim3A_105 = vector.shape_cast %reduce_max3A_104 : vector<1024xf32> to vector<1024x1xf32>
      %eq3A_106 = vector.broadcast %broadcast_in_dim3A_105 : vector<1024x1xf32> to vector<1024x2048xf32>
      %eq3A_107 = arith.cmpf oeq, %get3A_103, %eq3A_106 : vector<1024x2048xf32>
      %jit3A = arith.constant 2048 : i32
      %broadcast_in_dim3A_108 = vector.broadcast %jit3A : i32 to vector<1024x2048xi32>
      %select_n3A = arith.select %eq3A_107, %iota3A, %broadcast_in_dim3A_108 : vector<1024x2048xi1>, vector<1024x2048xi32>
      %reduce_min3A = arith.constant dense<2147483647> : vector<1024xi32>
      %reduce_min3A_109 = vector.multi_reduction <minsi>, %select_n3A, %reduce_min3A [1] : vector<1024x2048xi32> to vector<1024xi32>
      %broadcast_in_dim3A_110 = vector.shape_cast %reduce_min3A_109 : vector<1024xi32> to vector<1024x1xi32>
      %eq3A_111 = vector.broadcast %broadcast_in_dim3A_110 : vector<1024x1xi32> to vector<1024x2048xi32>
      %eq3A_112 = arith.cmpi eq, %iota3A, %eq3A_111 : vector<1024x2048xi32>
      %jit3A_113 = arith.constant 0xFF800000 : f32
      %broadcast_in_dim3A_114 = vector.broadcast %jit3A_113 : f32 to vector<1024x2048xf32>
      %select_n3A_115 = arith.select %eq3A_112, %broadcast_in_dim3A_114, %get3A_103 : vector<1024x2048xi1>, vector<1024x2048xf32>
      %swap3A_116 = arith.constant 0 : index
      %swap3A_117 = arith.constant 0 : index
      %swap3A_118 = vector.load %arg6[%swap3A_116, %swap3A_117] : memref<1024x2048xf32, #tpu.memory_space<vmem>>, vector<1024x2048xf32>
      tpu.vector_store %arg6[%swap3A_116, %swap3A_117], %select_n3A_115 {strides = array<i32>} : memref<1024x2048xf32, #tpu.memory_space<vmem>>, vector<1024x2048xf32>,
      %convert_element_type3A_119 = arith.extui %eq3A_112 : vector<1024x2048xi1> to vector<1024x2048xi32>
      %convert_element_type3A_120 = arith.sitofp %convert_element_type3A_119 : vector<1024x2048xi32> to vector<1024x2048xf32>
      %convert_element_type3A_121 = arith.truncf %convert_element_type3A_120 : vector<1024x2048xf32> to vector<1024x2048xbf16>
      %dot_general3A_122 = arith.constant dense<0.000000e+00> : vector<1024x64xf32>
      %dot_general3A_123 = tpu.matmul %convert_element_type3A_121, %convert_element_type3A_56, %dot_general3A_122 {dimension_numbers = #tpu.dot_dimension_numbers<[1], [0], [0], [1], [0, 0, 1, 1], [], []>, transpose_lhs_hint = false} : vector<1024x2048xbf16>, vector<2048x64xbf16>, vector<1024x64xf32> -> vector<1024x64xf32>
      %dot_general3A_124 = arith.constant dense<0.000000e+00> : vector<1024x64xf32>
      %dot_general3A_125 = tpu.matmul %convert_element_type3A_121, %convert_element_type3A_59, %dot_general3A_124 {dimension_numbers = #tpu.dot_dimension_numbers<[1], [0], [0], [1], [0, 0, 1, 1], [], []>, transpose_lhs_hint = false} : vector<1024x2048xbf16>, vector<2048x64xbf16>, vector<1024x64xf32> -> vector<1024x64xf32>
      %add3A_126 = arith.addf %dot_general3A_123, %dot_general3A_125 : vector<1024x64xf32>
      %dot_general3A_127 = arith.constant dense<0.000000e+00> : vector<1024x64xf32>
      %dot_general3A_128 = tpu.matmul %convert_element_type3A_121, %convert_element_type3A_62, %dot_general3A_127 {dimension_numbers = #tpu.dot_dimension_numbers<[1], [0], [0], [1], [0, 0, 1, 1], [], []>, transpose_lhs_hint = false} : vector<1024x2048xbf16>, vector<2048x64xbf16>, vector<1024x64xf32> -> vector<1024x64xf32>
      %add3A_129 = arith.addf %add3A_126, %dot_general3A_128 : vector<1024x64xf32>
      %sub3A_130 = arith.subf %add3A_129, %get3A_11 : vector<1024x64xf32>
      %concatenate3A_131 = tpu.concatenate %sub3A_130, %get3A_11 in 1 : vector<1024x64xf32>, vector<1024x64xf32> -> vector<1024x128xf32>
      %get3A_132 = arith.constant 0 : index
      %get3A_133 = arith.constant 0 : index
      %get3A_134 = vector.load %arg3[%get3A_132, %get3A_133] : memref<128x128xf32, #tpu.memory_space<vmem>>, vector<128x128xf32>
      %dot_general3A_135 = arith.constant dense<0.000000e+00> : vector<1024x128xf32>
      %dot_general3A_136 = tpu.matmul %concatenate3A_131, %get3A_134, %dot_general3A_135 {dimension_numbers = #tpu.dot_dimension_numbers<[1], [0], [0], [1], [0, 0, 1, 1], [], []>, transpose_lhs_hint = false} : vector<1024x128xf32>, vector<128x128xf32>, vector<1024x128xf32> -> vector<1024x128xf32>
      %get3A_137 = arith.constant 0 : index
      %get3A_138 = arith.constant 0 : index
      %get3A_139 = vector.load %arg7[%get3A_137, %get3A_138] : memref<1024x128xf32, #tpu.memory_space<vmem>>, vector<1024x128xf32>
      %add3A_140 = arith.addf %get3A_139, %dot_general3A_136 : vector<1024x128xf32>
      %swap3A_141 = arith.constant 0 : index
      %swap3A_142 = arith.constant 0 : index
      %swap3A_143 = vector.load %arg7[%swap3A_141, %swap3A_142] : memref<1024x128xf32, #tpu.memory_space<vmem>>, vector<1024x128xf32>
      tpu.vector_store %arg7[%swap3A_141, %swap3A_142], %add3A_140 {strides = array<i32>} : memref<1024x128xf32, #tpu.memory_space<vmem>>, vector<1024x128xf32>,
      %get3A_144 = arith.constant 0 : index
      %get3A_145 = arith.constant 0 : index
      %get3A_146 = vector.load %arg8[%get3A_144, %get3A_145] : memref<1024x128xf32, #tpu.memory_space<vmem>>, vector<1024x128xf32>
      %mul3A_147 = arith.mulf %dot_general3A_136, %dot_general3A_136 : vector<1024x128xf32>
      %add3A_148 = arith.addf %get3A_146, %mul3A_147 : vector<1024x128xf32>
      %swap3A_149 = arith.constant 0 : index
      %swap3A_150 = arith.constant 0 : index
      %swap3A_151 = vector.load %arg8[%swap3A_149, %swap3A_150] : memref<1024x128xf32, #tpu.memory_space<vmem>>, vector<1024x128xf32>
      tpu.vector_store %arg8[%swap3A_149, %swap3A_150], %add3A_148 {strides = array<i32>} : memref<1024x128xf32, #tpu.memory_space<vmem>>, vector<1024x128xf32>,
      %get3A_152 = arith.constant 0 : index
      %get3A_153 = arith.constant 0 : index
      %get3A_154 = vector.load %arg9[%get3A_152, %get3A_153] : memref<1024x128xf32, #tpu.memory_space<vmem>>, vector<1024x128xf32>
      %max3A = arith.maximumf %get3A_154, %dot_general3A_136 : vector<1024x128xf32>
      %swap3A_155 = arith.constant 0 : index
      %swap3A_156 = arith.constant 0 : index
      %swap3A_157 = vector.load %arg9[%swap3A_155, %swap3A_156] : memref<1024x128xf32, #tpu.memory_space<vmem>>, vector<1024x128xf32>
      tpu.vector_store %arg9[%swap3A_155, %swap3A_156], %max3A {strides = array<i32>} : memref<1024x128xf32, #tpu.memory_space<vmem>>, vector<1024x128xf32>,
    }
    %get3A_66 = arith.constant 0 : index
    %get3A_67 = arith.constant 0 : index
    %get3A_68 = vector.load %arg9[%get3A_66, %get3A_67] : memref<1024x128xf32, #tpu.memory_space<vmem>>, vector<1024x128xf32>
    %swap3A_69 = arith.constant 0 : index
    %swap3A_70 = arith.constant 0 : index
    %swap3A_71 = arith.constant 0 : index
    %swap3A_72 = vector.load %arg4[%swap3A_69, %swap3A_70, %swap3A_71] : memref<1x1024x128xf32, #tpu.memory_space<vmem>>, vector<1x1024x128xf32>
    %swap3A_73 = vector.shape_cast %swap3A_72 : vector<1x1024x128xf32> to vector<1024x128xf32>
    %swap3A_74 = vector.shape_cast %get3A_68 : vector<1024x128xf32> to vector<1x1024x128xf32>
    tpu.vector_store %arg4[%swap3A_69, %swap3A_70, %swap3A_71], %swap3A_74 {strides = array<i32>} : memref<1x1024x128xf32, #tpu.memory_space<vmem>>, vector<1x1024x128xf32>,
    %broadcast_in_dim3A_75 = arith.constant 0.000000e+00 : f32
    %broadcast_in_dim3A_76 = vector.broadcast %broadcast_in_dim3A_75 : f32 to vector<1x128xf32>
    %get3A_77 = arith.constant 0 : index
    %get3A_78 = arith.constant 0 : index
    %get3A_79 = vector.load %arg7[%get3A_77, %get3A_78] : memref<1024x128xf32, #tpu.memory_space<vmem>>, vector<1024x128xf32>
    %reduce_sum3A_80 = arith.constant dense<0.000000e+00> : vector<128xf32>
    %reduce_sum3A_81 = vector.multi_reduction <add>, %get3A_79, %reduce_sum3A_80 [0] : vector<1024x128xf32> to vector<128xf32>
    %broadcast_in_dim3A_82 = vector.shape_cast %reduce_sum3A_81 : vector<128xf32> to vector<1x128xf32>
    %get3A_83 = arith.constant 0 : index
    %get3A_84 = arith.constant 0 : index
    %get3A_85 = vector.load %arg8[%get3A_83, %get3A_84] : memref<1024x128xf32, #tpu.memory_space<vmem>>, vector<1024x128xf32>
    %reduce_sum3A_86 = arith.constant dense<0.000000e+00> : vector<128xf32>
    %reduce_sum3A_87 = vector.multi_reduction <add>, %get3A_85, %reduce_sum3A_86 [0] : vector<1024x128xf32> to vector<128xf32>
    %broadcast_in_dim3A_88 = vector.shape_cast %reduce_sum3A_87 : vector<128xf32> to vector<1x128xf32>
    %concatenate3A = tpu.concatenate %broadcast_in_dim3A_82, %broadcast_in_dim3A_88, %broadcast_in_dim3A_76, %broadcast_in_dim3A_76, %broadcast_in_dim3A_76, %broadcast_in_dim3A_76, %broadcast_in_dim3A_76, %broadcast_in_dim3A_76 in 0 : vector<1x128xf32>, vector<1x128xf32>, vector<1x128xf32>, vector<1x128xf32>, vector<1x128xf32>, vector<1x128xf32>, vector<1x128xf32>, vector<1x128xf32> -> vector<8x128xf32>
    %get3A_89 = arith.constant 0 : index
    %get3A_90 = arith.constant 0 : index
    %get3A_91 = arith.constant 0 : index
    %get3A_92 = vector.load %arg5[%get3A_89, %get3A_90, %get3A_91] : memref<1x8x128xf32, #tpu.memory_space<vmem>>, vector<1x8x128xf32>
    %get3A_93 = vector.shape_cast %get3A_92 : vector<1x8x128xf32> to vector<8x128xf32>
    %add3A = arith.addf %get3A_93, %concatenate3A : vector<8x128xf32>
    %swap3A_94 = arith.constant 0 : index
    %swap3A_95 = arith.constant 0 : index
    %swap3A_96 = arith.constant 0 : index
    %swap3A_97 = vector.load %arg5[%swap3A_94, %swap3A_95, %swap3A_96] : memref<1x8x128xf32, #tpu.memory_space<vmem>>, vector<1x8x128xf32>
    %swap3A_98 = vector.shape_cast %swap3A_97 : vector<1x8x128xf32> to vector<8x128xf32>
    %swap3A_99 = vector.shape_cast %add3A : vector<8x128xf32> to vector<1x8x128xf32>
    tpu.vector_store %arg5[%swap3A_94, %swap3A_95, %swap3A_96], %swap3A_99 {strides = array<i32>} : memref<1x8x128xf32, #tpu.memory_space<vmem>>, vector<1x8x128xf32>,
    return
  }
  func.func @transform_0(%arg0: i32, %arg1: i32) -> (i32, i32, i32) {
    %c0_i32 = arith.constant 0 : i32
    %c0_i32_0 = arith.constant 0 : i32
    %c0_i32_1 = arith.constant 0 : i32
    return %arg0, %c0_i32, %c0_i32_0 : i32, i32, i32
  }
  func.func @transform_1(%arg0: i32, %arg1: i32) -> (i32, i32) {
    %c0_i32 = arith.constant 0 : i32
    %c0_i32_0 = arith.constant 0 : i32
    %c0_i32_1 = arith.constant 0 : i32
    return %c0_i32, %c0_i32_0 : i32, i32
  }
  func.func @transform_2(%arg0: i32, %arg1: i32) -> (i32, i32, i32) {
    %c0_i32 = arith.constant 0 : i32
    %c0_i32_0 = arith.constant 0 : i32
    return %arg0, %arg1, %c0_i32 : i32, i32, i32
  }
  func.func @transform_3(%arg0: i32, %arg1: i32) -> (i32, i32, i32) {
    %c0_i32 = arith.constant 0 : i32
    %c0_i32_0 = arith.constant 0 : i32
    %c0_i32_1 = arith.constant 0 : i32
    return %arg0, %c0_i32, %c0_i32_0 : i32, i32, i32
  }
}

module attributes {stable_mosaic.version = 14 : i64} {
  func.func @_finalize_kernel(%arg0: i32, %arg1: i32, %arg2: memref<1x256x128xf32, #tpu.memory_space<vmem>>, %arg3: memref<2x8x128xf32, #tpu.memory_space<vmem>>, %arg4: memref<2x128xf32, #tpu.memory_space<vmem>>, %arg5: memref<1x256x128xf32, #tpu.memory_space<vmem>>, %arg6: memref<1x256x256xf32, #tpu.memory_space<vmem>>) attributes {dimension_semantics = [#tpu.dimension_semantics<parallel>, #tpu.dimension_semantics<arbitrary>], iteration_bounds = array<i64: 2, 8>, scalar_prefetch = 0 : i64, scratch_operands = 0 : i64, tpu.core_type = #tpu.core_type<tc>, window_params = [{transform_indices = @transform_0, window_bounds = array<i64: 1, 256, 128>}, {pipeline_mode = #tpu.pipeline_mode<synchronous>, transform_indices = @transform_1, window_bounds = array<i64: 2, 8, 128>}, {pipeline_mode = #tpu.pipeline_mode<synchronous>, transform_indices = @transform_2, window_bounds = array<i64: 2, 128>}, {transform_indices = @transform_3, window_bounds = array<i64: 1, 256, 128>}, {transform_indices = @transform_4, window_bounds = array<i64: 1, 256, 256>}]} {
    %get3A = arith.constant 0 : index
    %get3A_0 = arith.constant 0 : index
    %get3A_1 = arith.constant 0 : index
    %get3A_2 = vector.load %arg3[%get3A, %get3A_0, %get3A_1] : memref<2x8x128xf32, #tpu.memory_space<vmem>>, vector<1x8x128xf32>
    %get3A_3 = vector.shape_cast %get3A_2 : vector<1x8x128xf32> to vector<8x128xf32>
    %get3A_4 = arith.constant 1 : index
    %get3A_5 = arith.constant 0 : index
    %get3A_6 = arith.constant 0 : index
    %get3A_7 = vector.load %arg3[%get3A_4, %get3A_5, %get3A_6] : memref<2x8x128xf32, #tpu.memory_space<vmem>>, vector<1x8x128xf32>
    %get3A_8 = vector.shape_cast %get3A_7 : vector<1x8x128xf32> to vector<8x128xf32>
    %add3A = arith.addf %get3A_3, %get3A_8 : vector<8x128xf32>
    %slice3A = vector.extract_strided_slice %add3A {offsets = [0, 0], sizes = [1, 128], strides = [1, 1]} : vector<8x128xf32> to vector<1x128xf32>
    %squeeze3A = vector.shape_cast %slice3A : vector<1x128xf32> to vector<128xf32>
    %div3A = arith.constant 8.192000e+04 : f32
    %div3A_9 = vector.broadcast %div3A : f32 to vector<128xf32>
    %div3A_10 = arith.divf %squeeze3A, %div3A_9 : vector<128xf32>
    %slice3A_11 = vector.extract_strided_slice %add3A {offsets = [1, 0], sizes = [1, 128], strides = [1, 1]} : vector<8x128xf32> to vector<1x128xf32>
    %squeeze3A_12 = vector.shape_cast %slice3A_11 : vector<1x128xf32> to vector<128xf32>
    %div3A_13 = arith.constant 8.192000e+04 : f32
    %div3A_14 = vector.broadcast %div3A_13 : f32 to vector<128xf32>
    %div3A_15 = arith.divf %squeeze3A_12, %div3A_14 : vector<128xf32>
    %mul3A = arith.mulf %div3A_10, %div3A_10 : vector<128xf32>
    %sub3A = arith.subf %div3A_15, %mul3A : vector<128xf32>
    %add3A_16 = arith.constant 9.99999974E-6 : f32
    %add3A_17 = vector.broadcast %add3A_16 : f32 to vector<128xf32>
    %add3A_18 = arith.addf %sub3A, %add3A_17 : vector<128xf32>
    %sqrt3A = math.sqrt %add3A_18 : vector<128xf32>
    %get3A_19 = arith.constant 0 : index
    %get3A_20 = arith.constant 0 : index
    %get3A_21 = arith.constant 0 : index
    %get3A_22 = vector.load %arg2[%get3A_19, %get3A_20, %get3A_21] : memref<1x256x128xf32, #tpu.memory_space<vmem>>, vector<1x256x128xf32>
    %get3A_23 = vector.shape_cast %get3A_22 : vector<1x256x128xf32> to vector<256x128xf32>
    %broadcast_in_dim3A = vector.shape_cast %div3A_10 : vector<128xf32> to vector<1x128xf32>
    %sub3A_24 = vector.broadcast %broadcast_in_dim3A : vector<1x128xf32> to vector<256x128xf32>
    %sub3A_25 = arith.subf %get3A_23, %sub3A_24 : vector<256x128xf32>
    %broadcast_in_dim3A_26 = vector.shape_cast %sqrt3A : vector<128xf32> to vector<1x128xf32>
    %div3A_27 = vector.broadcast %broadcast_in_dim3A_26 : vector<1x128xf32> to vector<256x128xf32>
    %div3A_28 = arith.divf %sub3A_25, %div3A_27 : vector<256x128xf32>
    %get3A_29 = arith.constant 0 : index
    %get3A_30 = arith.constant 0 : index
    %get3A_31 = vector.load %arg4[%get3A_29, %get3A_30] : memref<2x128xf32, #tpu.memory_space<vmem>>, vector<1x128xf32>
    %get3A_32 = vector.shape_cast %get3A_31 : vector<1x128xf32> to vector<128xf32>
    %broadcast_in_dim3A_33 = vector.shape_cast %get3A_32 : vector<128xf32> to vector<1x128xf32>
    %mul3A_34 = vector.broadcast %broadcast_in_dim3A_33 : vector<1x128xf32> to vector<256x128xf32>
    %mul3A_35 = arith.mulf %div3A_28, %mul3A_34 : vector<256x128xf32>
    %get3A_36 = arith.constant 1 : index
    %get3A_37 = arith.constant 0 : index
    %get3A_38 = vector.load %arg4[%get3A_36, %get3A_37] : memref<2x128xf32, #tpu.memory_space<vmem>>, vector<1x128xf32>
    %get3A_39 = vector.shape_cast %get3A_38 : vector<1x128xf32> to vector<128xf32>
    %broadcast_in_dim3A_40 = vector.shape_cast %get3A_39 : vector<128xf32> to vector<1x128xf32>
    %add3A_41 = vector.broadcast %broadcast_in_dim3A_40 : vector<1x128xf32> to vector<256x128xf32>
    %add3A_42 = arith.addf %mul3A_35, %add3A_41 : vector<256x128xf32>
    %ge3A = arith.constant 0.000000e+00 : f32
    %ge3A_43 = vector.broadcast %ge3A : f32 to vector<256x128xf32>
    %ge3A_44 = arith.cmpf oge, %add3A_42, %ge3A_43 : vector<256x128xf32>
    %mul3A_45 = arith.constant 2.000000e-01 : f32
    %mul3A_46 = vector.broadcast %mul3A_45 : f32 to vector<256x128xf32>
    %mul3A_47 = arith.mulf %mul3A_46, %add3A_42 : vector<256x128xf32>
    %select_n3A = arith.select %ge3A_44, %add3A_42, %mul3A_47 : vector<256x128xi1>, vector<256x128xf32>
    %swap3A = arith.constant 0 : index
    %swap3A_48 = arith.constant 0 : index
    %swap3A_49 = arith.constant 0 : index
    %swap3A_50 = vector.load %arg6[%swap3A, %swap3A_48, %swap3A_49] : memref<1x256x256xf32, #tpu.memory_space<vmem>>, vector<1x256x128xf32>
    %swap3A_51 = vector.shape_cast %swap3A_50 : vector<1x256x128xf32> to vector<256x128xf32>
    %swap3A_52 = vector.shape_cast %select_n3A : vector<256x128xf32> to vector<1x256x128xf32>
    tpu.vector_store %arg6[%swap3A, %swap3A_48, %swap3A_49], %swap3A_52 {strides = array<i32>} : memref<1x256x256xf32, #tpu.memory_space<vmem>>, vector<1x256x128xf32>,
    %get3A_53 = arith.constant 0 : index
    %get3A_54 = arith.constant 0 : index
    %get3A_55 = arith.constant 0 : index
    %get3A_56 = vector.load %arg5[%get3A_53, %get3A_54, %get3A_55] : memref<1x256x128xf32, #tpu.memory_space<vmem>>, vector<1x256x128xf32>
    %get3A_57 = vector.shape_cast %get3A_56 : vector<1x256x128xf32> to vector<256x128xf32>
    %swap3A_58 = arith.constant 0 : index
    %swap3A_59 = arith.constant 0 : index
    %swap3A_60 = arith.constant 128 : index
    %swap3A_61 = vector.load %arg6[%swap3A_58, %swap3A_59, %swap3A_60] : memref<1x256x256xf32, #tpu.memory_space<vmem>>, vector<1x256x128xf32>
    %swap3A_62 = vector.shape_cast %swap3A_61 : vector<1x256x128xf32> to vector<256x128xf32>
    %swap3A_63 = vector.shape_cast %get3A_57 : vector<256x128xf32> to vector<1x256x128xf32>
    tpu.vector_store %arg6[%swap3A_58, %swap3A_59, %swap3A_60], %swap3A_63 {strides = array<i32>} : memref<1x256x256xf32, #tpu.memory_space<vmem>>, vector<1x256x128xf32>,
    return
  }
  func.func @transform_0(%arg0: i32, %arg1: i32) -> (i32, i32, i32) {
    %c0_i32 = arith.constant 0 : i32
    %c0_i32_0 = arith.constant 0 : i32
    return %arg0, %arg1, %c0_i32 : i32, i32, i32
  }
  func.func @transform_1(%arg0: i32, %arg1: i32) -> (i32, i32, i32) {
    %c0_i32 = arith.constant 0 : i32
    %c0_i32_0 = arith.constant 0 : i32
    %c0_i32_1 = arith.constant 0 : i32
    %c0_i32_2 = arith.constant 0 : i32
    return %c0_i32, %c0_i32_0, %c0_i32_1 : i32, i32, i32
  }
  func.func @transform_2(%arg0: i32, %arg1: i32) -> (i32, i32) {
    %c0_i32 = arith.constant 0 : i32
    %c0_i32_0 = arith.constant 0 : i32
    %c0_i32_1 = arith.constant 0 : i32
    return %c0_i32, %c0_i32_0 : i32, i32
  }
  func.func @transform_3(%arg0: i32, %arg1: i32) -> (i32, i32, i32) {
    %c0_i32 = arith.constant 0 : i32
    %c0_i32_0 = arith.constant 0 : i32
    return %arg0, %arg1, %c0_i32 : i32, i32, i32
  }
  func.func @transform_4(%arg0: i32, %arg1: i32) -> (i32, i32, i32) {
    %c0_i32 = arith.constant 0 : i32
    %c0_i32_0 = arith.constant 0 : i32
    return %arg0, %arg1, %c0_i32 : i32, i32, i32
  }
}

module attributes {stable_mosaic.version = 14 : i64} {
  func.func @_edge_fact_kernel(%arg0: i32, %arg1: i32, %arg2: memref<1x2048x256xf32, #tpu.memory_space<vmem>>, %arg3: memref<256x512xf32, #tpu.memory_space<vmem>>, %arg4: memref<256x512xf32, #tpu.memory_space<vmem>>, %arg5: memref<1x1024x512xf32, #tpu.memory_space<vmem>>, %arg6: memref<1x8x512xf32, #tpu.memory_space<vmem>>, %arg7: memref<2048x512xbf16, #tpu.memory_space<vmem>>, %arg8: memref<2048x512xf32, #tpu.memory_space<vmem>>, %arg9: memref<1024x2048xf32, #tpu.memory_space<vmem>>, %arg10: memref<1024x512xf32, #tpu.memory_space<vmem>>, %arg11: memref<1024x512xf32, #tpu.memory_space<vmem>>, %arg12: memref<1024x512xf32, #tpu.memory_space<vmem>>) attributes {dimension_semantics = [#tpu.dimension_semantics<parallel>, #tpu.dimension_semantics<arbitrary>], iteration_bounds = array<i64: 2, 2>, scalar_prefetch = 0 : i64, scratch_operands = 6 : i64, tpu.core_type = #tpu.core_type<tc>, window_params = [{transform_indices = @transform_0, window_bounds = array<i64: 1, 2048, 256>}, {pipeline_mode = #tpu.pipeline_mode<synchronous>, transform_indices = @transform_1, window_bounds = array<i64: 256, 512>}, {pipeline_mode = #tpu.pipeline_mode<synchronous>, transform_indices = @transform_2, window_bounds = array<i64: 256, 512>}, {transform_indices = @transform_3, window_bounds = array<i64: 1, 1024, 512>}, {transform_indices = @transform_4, window_bounds = array<i64: 1, 8, 512>}]} {
    %eq3A = arith.constant 0 : i32
    %eq3A_0 = arith.cmpi eq, %arg1, %eq3A : i32
    %convert_element_type3A = arith.extui %eq3A_0 : i1 to i32
    %cond3A = arith.constant 0 : i32
    %cond3A_1 = arith.cmpi ne, %convert_element_type3A, %cond3A : i32
    scf.if %cond3A_1 {
      %get3A_98 = arith.constant 0 : index
      %get3A_99 = arith.constant 0 : index
      %get3A_100 = arith.constant 0 : index
      %get3A_101 = vector.load %arg2[%get3A_98, %get3A_99, %get3A_100] : memref<1x2048x256xf32, #tpu.memory_space<vmem>>, vector<1x2048x256xf32>
      %get3A_102 = vector.shape_cast %get3A_101 : vector<1x2048x256xf32> to vector<2048x256xf32>
      %get3A_103 = arith.constant 0 : index
      %get3A_104 = arith.constant 0 : index
      %get3A_105 = vector.load %arg3[%get3A_103, %get3A_104] : memref<256x512xf32, #tpu.memory_space<vmem>>, vector<256x512xf32>
      %dot_general3A_106 = arith.constant dense<0.000000e+00> : vector<2048x512xf32>
      %dot_general3A_107 = tpu.matmul %get3A_102, %get3A_105, %dot_general3A_106 {dimension_numbers = #tpu.dot_dimension_numbers<[1], [0], [0], [1], [0, 0, 1, 1], [], []>, transpose_lhs_hint = false} : vector<2048x256xf32>, vector<256x512xf32>, vector<2048x512xf32> -> vector<2048x512xf32>
      %convert_element_type3A_108 = arith.truncf %dot_general3A_107 : vector<2048x512xf32> to vector<2048x512xbf16>
      %swap3A_109 = arith.constant 0 : index
      %swap3A_110 = arith.constant 0 : index
      %swap3A_111 = vector.load %arg7[%swap3A_109, %swap3A_110] : memref<2048x512xbf16, #tpu.memory_space<vmem>>, vector<2048x512xbf16>
      tpu.vector_store %arg7[%swap3A_109, %swap3A_110], %convert_element_type3A_108 {strides = array<i32>} : memref<2048x512xbf16, #tpu.memory_space<vmem>>, vector<2048x512xbf16>,
      %get3A_112 = arith.constant 0 : index
      %get3A_113 = arith.constant 0 : index
      %get3A_114 = vector.load %arg4[%get3A_112, %get3A_113] : memref<256x512xf32, #tpu.memory_space<vmem>>, vector<256x512xf32>
      %dot_general3A_115 = arith.constant dense<0.000000e+00> : vector<2048x512xf32>
      %dot_general3A_116 = tpu.matmul %get3A_102, %get3A_114, %dot_general3A_115 {dimension_numbers = #tpu.dot_dimension_numbers<[1], [0], [0], [1], [0, 0, 1, 1], [], []>, transpose_lhs_hint = false} : vector<2048x256xf32>, vector<256x512xf32>, vector<2048x512xf32> -> vector<2048x512xf32>
      %swap3A_117 = arith.constant 0 : index
      %swap3A_118 = arith.constant 0 : index
      %swap3A_119 = vector.load %arg8[%swap3A_117, %swap3A_118] : memref<2048x512xf32, #tpu.memory_space<vmem>>, vector<2048x512xf32>
      tpu.vector_store %arg8[%swap3A_117, %swap3A_118], %dot_general3A_116 {strides = array<i32>} : memref<2048x512xf32, #tpu.memory_space<vmem>>, vector<2048x512xf32>,
      %broadcast_in_dim3A_120 = arith.constant 0.000000e+00 : f32
      %broadcast_in_dim3A_121 = vector.broadcast %broadcast_in_dim3A_120 : f32 to vector<1x8x512xf32>
      %swap3A_122 = arith.constant 0 : index
      %swap3A_123 = arith.constant 0 : index
      %swap3A_124 = arith.constant 0 : index
      %swap3A_125 = vector.load %arg6[%swap3A_122, %swap3A_123, %swap3A_124] : memref<1x8x512xf32, #tpu.memory_space<vmem>>, vector<1x8x512xf32>
      tpu.vector_store %arg6[%swap3A_122, %swap3A_123, %swap3A_124], %broadcast_in_dim3A_121 {strides = array<i32>} : memref<1x8x512xf32, #tpu.memory_space<vmem>>, vector<1x8x512xf32>,
    } else {
    }
    %get3A = arith.constant 0 : index
    %get3A_2 = arith.constant 0 : index
    %get3A_3 = arith.constant 0 : index
    %get3A_4 = vector.load %arg2[%get3A, %get3A_2, %get3A_3] : memref<1x2048x256xf32, #tpu.memory_space<vmem>>, vector<1x2048x256xf32>
    %get3A_5 = vector.shape_cast %get3A_4 : vector<1x2048x256xf32> to vector<2048x256xf32>
    %mul3A = arith.constant 1024 : i32
    %mul3A_6 = arith.muli %arg1, %mul3A : i32
    %get3A_7 = arith.constant 0 : index
    %get3A_8 = arith.index_cast %mul3A_6 : i32 to index
    %get3A_9 = arith.constant 0 : index
    %get3A_10 = vector.load %arg2[%get3A_7, %get3A_8, %get3A_9] : memref<1x2048x256xf32, #tpu.memory_space<vmem>>, vector<1x1024x256xf32>
    %get3A_11 = vector.shape_cast %get3A_10 : vector<1x1024x256xf32> to vector<1024x256xf32>
    %dot_general3A = arith.constant dense<0.000000e+00> : vector<1024x2048xf32>
    %dot_general3A_12 = tpu.matmul %get3A_11, %get3A_5, %dot_general3A {dimension_numbers = #tpu.dot_dimension_numbers<[1], [1], [0], [0], [0, 0, 1, 0], [], []>, transpose_lhs_hint = false} : vector<1024x256xf32>, vector<2048x256xf32>, vector<1024x2048xf32> -> vector<1024x2048xf32>
    %mul3A_13 = arith.mulf %get3A_5, %get3A_5 : vector<2048x256xf32>
    %reduce_sum3A = arith.constant dense<0.000000e+00> : vector<2048xf32>
    %reduce_sum3A_14 = vector.multi_reduction <add>, %mul3A_13, %reduce_sum3A [1] : vector<2048x256xf32> to vector<2048xf32>
    %mul3A_15 = arith.mulf %get3A_11, %get3A_11 : vector<1024x256xf32>
    %reduce_sum3A_16 = arith.constant dense<0.000000e+00> : vector<1024xf32>
    %reduce_sum3A_17 = vector.multi_reduction <add>, %mul3A_15, %reduce_sum3A_16 [1] : vector<1024x256xf32> to vector<1024xf32>
    %mul3A_18 = arith.constant -2.000000e+00 : f32
    %mul3A_19 = vector.broadcast %mul3A_18 : f32 to vector<1024x2048xf32>
    %mul3A_20 = arith.mulf %mul3A_19, %dot_general3A_12 : vector<1024x2048xf32>
    %broadcast_in_dim3A = vector.shape_cast %reduce_sum3A_17 : vector<1024xf32> to vector<1024x1xf32>
    %neg3A = arith.constant 0.000000e+00 : f32
    %neg3A_21 = vector.broadcast %neg3A : f32 to vector<1024x1xf32>
    %neg3A_22 = arith.subf %neg3A_21, %broadcast_in_dim3A : vector<1024x1xf32>
    %sub3A = vector.broadcast %neg3A_22 : vector<1024x1xf32> to vector<1024x2048xf32>
    %sub3A_23 = arith.subf %sub3A, %mul3A_20 : vector<1024x2048xf32>
    %broadcast_in_dim3A_24 = vector.shape_cast %reduce_sum3A_14 : vector<2048xf32> to vector<1x2048xf32>
    %sub3A_25 = vector.broadcast %broadcast_in_dim3A_24 : vector<1x2048xf32> to vector<1024x2048xf32>
    %sub3A_26 = arith.subf %sub3A_23, %sub3A_25 : vector<1024x2048xf32>
    %swap3A = arith.constant 0 : index
    %swap3A_27 = arith.constant 0 : index
    %swap3A_28 = vector.load %arg9[%swap3A, %swap3A_27] : memref<1024x2048xf32, #tpu.memory_space<vmem>>, vector<1024x2048xf32>
    tpu.vector_store %arg9[%swap3A, %swap3A_27], %sub3A_26 {strides = array<i32>} : memref<1024x2048xf32, #tpu.memory_space<vmem>>, vector<1024x2048xf32>,
    %broadcast_in_dim3A_29 = arith.constant 0.000000e+00 : f32
    %broadcast_in_dim3A_30 = vector.broadcast %broadcast_in_dim3A_29 : f32 to vector<1024x512xf32>
    %swap3A_31 = arith.constant 0 : index
    %swap3A_32 = arith.constant 0 : index
    %swap3A_33 = vector.load %arg10[%swap3A_31, %swap3A_32] : memref<1024x512xf32, #tpu.memory_space<vmem>>, vector<1024x512xf32>
    tpu.vector_store %arg10[%swap3A_31, %swap3A_32], %broadcast_in_dim3A_30 {strides = array<i32>} : memref<1024x512xf32, #tpu.memory_space<vmem>>, vector<1024x512xf32>,
    %broadcast_in_dim3A_34 = arith.constant 0.000000e+00 : f32
    %broadcast_in_dim3A_35 = vector.broadcast %broadcast_in_dim3A_34 : f32 to vector<1024x512xf32>
    %swap3A_36 = arith.constant 0 : index
    %swap3A_37 = arith.constant 0 : index
    %swap3A_38 = vector.load %arg11[%swap3A_36, %swap3A_37] : memref<1024x512xf32, #tpu.memory_space<vmem>>, vector<1024x512xf32>
    tpu.vector_store %arg11[%swap3A_36, %swap3A_37], %broadcast_in_dim3A_35 {strides = array<i32>} : memref<1024x512xf32, #tpu.memory_space<vmem>>, vector<1024x512xf32>,
    %broadcast_in_dim3A_39 = arith.constant 0xFF800000 : f32
    %broadcast_in_dim3A_40 = vector.broadcast %broadcast_in_dim3A_39 : f32 to vector<1024x512xf32>
    %swap3A_41 = arith.constant 0 : index
    %swap3A_42 = arith.constant 0 : index
    %swap3A_43 = vector.load %arg12[%swap3A_41, %swap3A_42] : memref<1024x512xf32, #tpu.memory_space<vmem>>, vector<1024x512xf32>
    tpu.vector_store %arg12[%swap3A_41, %swap3A_42], %broadcast_in_dim3A_40 {strides = array<i32>} : memref<1024x512xf32, #tpu.memory_space<vmem>>, vector<1024x512xf32>,
    %iota3A = tpu.iota {dimensions = array<i32: 1>} : vector<1024x2048xi32>
    %scan3A = arith.constant 0 : i32
    %scan3A_44 = arith.constant 20 : i32
    %scan3A_45 = arith.addi %scan3A, %scan3A_44 : i32
    %scan3A_46 = arith.constant 1 : i32
    scf.for %scan3A_98 = %scan3A to %scan3A_45 step %scan3A_46  : i32 {
      %get3A_99 = arith.constant 0 : index
      %get3A_100 = arith.constant 0 : index
      %get3A_101 = vector.load %arg9[%get3A_99, %get3A_100] : memref<1024x2048xf32, #tpu.memory_space<vmem>>, vector<1024x2048xf32>
      %reduce_max3A = arith.constant dense<0xFF800000> : vector<1024xf32>
      %reduce_max3A_102 = vector.multi_reduction <maximumf>, %get3A_101, %reduce_max3A [1] : vector<1024x2048xf32> to vector<1024xf32>
      %broadcast_in_dim3A_103 = vector.shape_cast %reduce_max3A_102 : vector<1024xf32> to vector<1024x1xf32>
      %eq3A_104 = vector.broadcast %broadcast_in_dim3A_103 : vector<1024x1xf32> to vector<1024x2048xf32>
      %eq3A_105 = arith.cmpf oeq, %get3A_101, %eq3A_104 : vector<1024x2048xf32>
      %jit3A = arith.constant 2048 : i32
      %broadcast_in_dim3A_106 = vector.broadcast %jit3A : i32 to vector<1024x2048xi32>
      %select_n3A = arith.select %eq3A_105, %iota3A, %broadcast_in_dim3A_106 : vector<1024x2048xi1>, vector<1024x2048xi32>
      %reduce_min3A = arith.constant dense<2147483647> : vector<1024xi32>
      %reduce_min3A_107 = vector.multi_reduction <minsi>, %select_n3A, %reduce_min3A [1] : vector<1024x2048xi32> to vector<1024xi32>
      %broadcast_in_dim3A_108 = vector.shape_cast %reduce_min3A_107 : vector<1024xi32> to vector<1024x1xi32>
      %eq3A_109 = vector.broadcast %broadcast_in_dim3A_108 : vector<1024x1xi32> to vector<1024x2048xi32>
      %eq3A_110 = arith.cmpi eq, %iota3A, %eq3A_109 : vector<1024x2048xi32>
      %jit3A_111 = arith.constant 0xFF800000 : f32
      %broadcast_in_dim3A_112 = vector.broadcast %jit3A_111 : f32 to vector<1024x2048xf32>
      %select_n3A_113 = arith.select %eq3A_110, %broadcast_in_dim3A_112, %get3A_101 : vector<1024x2048xi1>, vector<1024x2048xf32>
      %swap3A_114 = arith.constant 0 : index
      %swap3A_115 = arith.constant 0 : index
      %swap3A_116 = vector.load %arg9[%swap3A_114, %swap3A_115] : memref<1024x2048xf32, #tpu.memory_space<vmem>>, vector<1024x2048xf32>
      tpu.vector_store %arg9[%swap3A_114, %swap3A_115], %select_n3A_113 {strides = array<i32>} : memref<1024x2048xf32, #tpu.memory_space<vmem>>, vector<1024x2048xf32>,
      %convert_element_type3A_117 = arith.extui %eq3A_110 : vector<1024x2048xi1> to vector<1024x2048xi32>
      %convert_element_type3A_118 = arith.sitofp %convert_element_type3A_117 : vector<1024x2048xi32> to vector<1024x2048xf32>
      %convert_element_type3A_119 = arith.truncf %convert_element_type3A_118 : vector<1024x2048xf32> to vector<1024x2048xbf16>
      %get3A_120 = arith.constant 0 : index
      %get3A_121 = arith.constant 0 : index
      %get3A_122 = vector.load %arg7[%get3A_120, %get3A_121] : memref<2048x512xbf16, #tpu.memory_space<vmem>>, vector<2048x512xbf16>
      %dot_general3A_123 = arith.constant dense<0.000000e+00> : vector<1024x512xf32>
      %dot_general3A_124 = tpu.matmul %convert_element_type3A_119, %get3A_122, %dot_general3A_123 {dimension_numbers = #tpu.dot_dimension_numbers<[1], [0], [0], [1], [0, 0, 1, 1], [], []>, transpose_lhs_hint = false} : vector<1024x2048xbf16>, vector<2048x512xbf16>, vector<1024x512xf32> -> vector<1024x512xf32>
      %get3A_125 = arith.constant 0 : index
      %get3A_126 = arith.constant 0 : index
      %get3A_127 = vector.load %arg10[%get3A_125, %get3A_126] : memref<1024x512xf32, #tpu.memory_space<vmem>>, vector<1024x512xf32>
      %add3A_128 = arith.addf %get3A_127, %dot_general3A_124 : vector<1024x512xf32>
      %swap3A_129 = arith.constant 0 : index
      %swap3A_130 = arith.constant 0 : index
      %swap3A_131 = vector.load %arg10[%swap3A_129, %swap3A_130] : memref<1024x512xf32, #tpu.memory_space<vmem>>, vector<1024x512xf32>
      tpu.vector_store %arg10[%swap3A_129, %swap3A_130], %add3A_128 {strides = array<i32>} : memref<1024x512xf32, #tpu.memory_space<vmem>>, vector<1024x512xf32>,
      %get3A_132 = arith.constant 0 : index
      %get3A_133 = arith.constant 0 : index
      %get3A_134 = vector.load %arg11[%get3A_132, %get3A_133] : memref<1024x512xf32, #tpu.memory_space<vmem>>, vector<1024x512xf32>
      %mul3A_135 = arith.mulf %dot_general3A_124, %dot_general3A_124 : vector<1024x512xf32>
      %add3A_136 = arith.addf %get3A_134, %mul3A_135 : vector<1024x512xf32>
      %swap3A_137 = arith.constant 0 : index
      %swap3A_138 = arith.constant 0 : index
      %swap3A_139 = vector.load %arg11[%swap3A_137, %swap3A_138] : memref<1024x512xf32, #tpu.memory_space<vmem>>, vector<1024x512xf32>
      tpu.vector_store %arg11[%swap3A_137, %swap3A_138], %add3A_136 {strides = array<i32>} : memref<1024x512xf32, #tpu.memory_space<vmem>>, vector<1024x512xf32>,
      %get3A_140 = arith.constant 0 : index
      %get3A_141 = arith.constant 0 : index
      %get3A_142 = vector.load %arg12[%get3A_140, %get3A_141] : memref<1024x512xf32, #tpu.memory_space<vmem>>, vector<1024x512xf32>
      %max3A = arith.maximumf %get3A_142, %dot_general3A_124 : vector<1024x512xf32>
      %swap3A_143 = arith.constant 0 : index
      %swap3A_144 = arith.constant 0 : index
      %swap3A_145 = vector.load %arg12[%swap3A_143, %swap3A_144] : memref<1024x512xf32, #tpu.memory_space<vmem>>, vector<1024x512xf32>
      tpu.vector_store %arg12[%swap3A_143, %swap3A_144], %max3A {strides = array<i32>} : memref<1024x512xf32, #tpu.memory_space<vmem>>, vector<1024x512xf32>,
    }
    %mul3A_47 = arith.constant 1024 : i32
    %mul3A_48 = arith.muli %arg1, %mul3A_47 : i32
    %get3A_49 = arith.index_cast %mul3A_48 : i32 to index
    %get3A_50 = arith.constant 0 : index
    %get3A_51 = vector.load %arg8[%get3A_49, %get3A_50] : memref<2048x512xf32, #tpu.memory_space<vmem>>, vector<1024x512xf32>
    %get3A_52 = arith.constant 0 : index
    %get3A_53 = arith.constant 0 : index
    %get3A_54 = vector.load %arg10[%get3A_52, %get3A_53] : memref<1024x512xf32, #tpu.memory_space<vmem>>, vector<1024x512xf32>
    %get3A_55 = arith.constant 0 : index
    %get3A_56 = arith.constant 0 : index
    %get3A_57 = vector.load %arg12[%get3A_55, %get3A_56] : memref<1024x512xf32, #tpu.memory_space<vmem>>, vector<1024x512xf32>
    %add3A = arith.addf %get3A_57, %get3A_51 : vector<1024x512xf32>
    %swap3A_58 = arith.constant 0 : index
    %swap3A_59 = arith.constant 0 : index
    %swap3A_60 = arith.constant 0 : index
    %swap3A_61 = vector.load %arg5[%swap3A_58, %swap3A_59, %swap3A_60] : memref<1x1024x512xf32, #tpu.memory_space<vmem>>, vector<1x1024x512xf32>
    %swap3A_62 = vector.shape_cast %swap3A_61 : vector<1x1024x512xf32> to vector<1024x512xf32>
    %swap3A_63 = vector.shape_cast %add3A : vector<1024x512xf32> to vector<1x1024x512xf32>
    tpu.vector_store %arg5[%swap3A_58, %swap3A_59, %swap3A_60], %swap3A_63 {strides = array<i32>} : memref<1x1024x512xf32, #tpu.memory_space<vmem>>, vector<1x1024x512xf32>,
    %broadcast_in_dim3A_64 = arith.constant 0.000000e+00 : f32
    %broadcast_in_dim3A_65 = vector.broadcast %broadcast_in_dim3A_64 : f32 to vector<1x512xf32>
    %reduce_sum3A_66 = arith.constant dense<0.000000e+00> : vector<512xf32>
    %reduce_sum3A_67 = vector.multi_reduction <add>, %get3A_54, %reduce_sum3A_66 [0] : vector<1024x512xf32> to vector<512xf32>
    %broadcast_in_dim3A_68 = vector.shape_cast %reduce_sum3A_67 : vector<512xf32> to vector<1x512xf32>
    %get3A_69 = arith.constant 0 : index
    %get3A_70 = arith.constant 0 : index
    %get3A_71 = vector.load %arg11[%get3A_69, %get3A_70] : memref<1024x512xf32, #tpu.memory_space<vmem>>, vector<1024x512xf32>
    %reduce_sum3A_72 = arith.constant dense<0.000000e+00> : vector<512xf32>
    %reduce_sum3A_73 = vector.multi_reduction <add>, %get3A_71, %reduce_sum3A_72 [0] : vector<1024x512xf32> to vector<512xf32>
    %broadcast_in_dim3A_74 = vector.shape_cast %reduce_sum3A_73 : vector<512xf32> to vector<1x512xf32>
    %mul3A_75 = arith.mulf %get3A_51, %get3A_54 : vector<1024x512xf32>
    %reduce_sum3A_76 = arith.constant dense<0.000000e+00> : vector<512xf32>
    %reduce_sum3A_77 = vector.multi_reduction <add>, %mul3A_75, %reduce_sum3A_76 [0] : vector<1024x512xf32> to vector<512xf32>
    %broadcast_in_dim3A_78 = vector.shape_cast %reduce_sum3A_77 : vector<512xf32> to vector<1x512xf32>
    %reduce_sum3A_79 = arith.constant dense<0.000000e+00> : vector<512xf32>
    %reduce_sum3A_80 = vector.multi_reduction <add>, %get3A_51, %reduce_sum3A_79 [0] : vector<1024x512xf32> to vector<512xf32>
    %broadcast_in_dim3A_81 = vector.shape_cast %reduce_sum3A_80 : vector<512xf32> to vector<1x512xf32>
    %mul3A_82 = arith.mulf %get3A_51, %get3A_51 : vector<1024x512xf32>
    %reduce_sum3A_83 = arith.constant dense<0.000000e+00> : vector<512xf32>
    %reduce_sum3A_84 = vector.multi_reduction <add>, %mul3A_82, %reduce_sum3A_83 [0] : vector<1024x512xf32> to vector<512xf32>
    %broadcast_in_dim3A_85 = vector.shape_cast %reduce_sum3A_84 : vector<512xf32> to vector<1x512xf32>
    %concatenate3A = tpu.concatenate %broadcast_in_dim3A_68, %broadcast_in_dim3A_74, %broadcast_in_dim3A_78, %broadcast_in_dim3A_81, %broadcast_in_dim3A_85, %broadcast_in_dim3A_65, %broadcast_in_dim3A_65, %broadcast_in_dim3A_65 in 0 : vector<1x512xf32>, vector<1x512xf32>, vector<1x512xf32>, vector<1x512xf32>, vector<1x512xf32>, vector<1x512xf32>, vector<1x512xf32>, vector<1x512xf32> -> vector<8x512xf32>
    %get3A_86 = arith.constant 0 : index
    %get3A_87 = arith.constant 0 : index
    %get3A_88 = arith.constant 0 : index
    %get3A_89 = vector.load %arg6[%get3A_86, %get3A_87, %get3A_88] : memref<1x8x512xf32, #tpu.memory_space<vmem>>, vector<1x8x512xf32>
    %get3A_90 = vector.shape_cast %get3A_89 : vector<1x8x512xf32> to vector<8x512xf32>
    %add3A_91 = arith.addf %get3A_90, %concatenate3A : vector<8x512xf32>
    %swap3A_92 = arith.constant 0 : index
    %swap3A_93 = arith.constant 0 : index
    %swap3A_94 = arith.constant 0 : index
    %swap3A_95 = vector.load %arg6[%swap3A_92, %swap3A_93, %swap3A_94] : memref<1x8x512xf32, #tpu.memory_space<vmem>>, vector<1x8x512xf32>
    %swap3A_96 = vector.shape_cast %swap3A_95 : vector<1x8x512xf32> to vector<8x512xf32>
    %swap3A_97 = vector.shape_cast %add3A_91 : vector<8x512xf32> to vector<1x8x512xf32>
    tpu.vector_store %arg6[%swap3A_92, %swap3A_93, %swap3A_94], %swap3A_97 {strides = array<i32>} : memref<1x8x512xf32, #tpu.memory_space<vmem>>, vector<1x8x512xf32>,
    return
  }
  func.func @transform_0(%arg0: i32, %arg1: i32) -> (i32, i32, i32) {
    %c0_i32 = arith.constant 0 : i32
    %c0_i32_0 = arith.constant 0 : i32
    %c0_i32_1 = arith.constant 0 : i32
    return %arg0, %c0_i32, %c0_i32_0 : i32, i32, i32
  }
  func.func @transform_1(%arg0: i32, %arg1: i32) -> (i32, i32) {
    %c0_i32 = arith.constant 0 : i32
    %c0_i32_0 = arith.constant 0 : i32
    %c0_i32_1 = arith.constant 0 : i32
    return %c0_i32, %c0_i32_0 : i32, i32
  }
  func.func @transform_2(%arg0: i32, %arg1: i32) -> (i32, i32) {
    %c0_i32 = arith.constant 0 : i32
    %c0_i32_0 = arith.constant 0 : i32
    %c0_i32_1 = arith.constant 0 : i32
    return %c0_i32, %c0_i32_0 : i32, i32
  }
  func.func @transform_3(%arg0: i32, %arg1: i32) -> (i32, i32, i32) {
    %c0_i32 = arith.constant 0 : i32
    %c0_i32_0 = arith.constant 0 : i32
    return %arg0, %arg1, %c0_i32 : i32, i32, i32
  }
  func.func @transform_4(%arg0: i32, %arg1: i32) -> (i32, i32, i32) {
    %c0_i32 = arith.constant 0 : i32
    %c0_i32_0 = arith.constant 0 : i32
    %c0_i32_1 = arith.constant 0 : i32
    return %arg0, %c0_i32, %c0_i32_0 : i32, i32, i32
  }
}

module attributes {stable_mosaic.version = 14 : i64} {
  func.func @_finalize_kernel(%arg0: i32, %arg1: i32, %arg2: memref<1x256x512xf32, #tpu.memory_space<vmem>>, %arg3: memref<2x8x512xf32, #tpu.memory_space<vmem>>, %arg4: memref<2x512xf32, #tpu.memory_space<vmem>>, %arg5: memref<1x256x512xf32, #tpu.memory_space<vmem>>, %arg6: memref<1x256x1024xf32, #tpu.memory_space<vmem>>) attributes {dimension_semantics = [#tpu.dimension_semantics<parallel>, #tpu.dimension_semantics<arbitrary>], iteration_bounds = array<i64: 2, 8>, scalar_prefetch = 0 : i64, scratch_operands = 0 : i64, tpu.core_type = #tpu.core_type<tc>, window_params = [{transform_indices = @transform_0, window_bounds = array<i64: 1, 256, 512>}, {pipeline_mode = #tpu.pipeline_mode<synchronous>, transform_indices = @transform_1, window_bounds = array<i64: 2, 8, 512>}, {pipeline_mode = #tpu.pipeline_mode<synchronous>, transform_indices = @transform_2, window_bounds = array<i64: 2, 512>}, {transform_indices = @transform_3, window_bounds = array<i64: 1, 256, 512>}, {transform_indices = @transform_4, window_bounds = array<i64: 1, 256, 1024>}]} {
    %get3A = arith.constant 0 : index
    %get3A_0 = arith.constant 0 : index
    %get3A_1 = arith.constant 0 : index
    %get3A_2 = vector.load %arg3[%get3A, %get3A_0, %get3A_1] : memref<2x8x512xf32, #tpu.memory_space<vmem>>, vector<1x8x512xf32>
    %get3A_3 = vector.shape_cast %get3A_2 : vector<1x8x512xf32> to vector<8x512xf32>
    %get3A_4 = arith.constant 1 : index
    %get3A_5 = arith.constant 0 : index
    %get3A_6 = arith.constant 0 : index
    %get3A_7 = vector.load %arg3[%get3A_4, %get3A_5, %get3A_6] : memref<2x8x512xf32, #tpu.memory_space<vmem>>, vector<1x8x512xf32>
    %get3A_8 = vector.shape_cast %get3A_7 : vector<1x8x512xf32> to vector<8x512xf32>
    %add3A = arith.addf %get3A_3, %get3A_8 : vector<8x512xf32>
    %slice3A = vector.extract_strided_slice %add3A {offsets = [0, 0], sizes = [1, 512], strides = [1, 1]} : vector<8x512xf32> to vector<1x512xf32>
    %squeeze3A = vector.shape_cast %slice3A : vector<1x512xf32> to vector<512xf32>
    %slice3A_9 = vector.extract_strided_slice %add3A {offsets = [3, 0], sizes = [1, 512], strides = [1, 1]} : vector<8x512xf32> to vector<1x512xf32>
    %squeeze3A_10 = vector.shape_cast %slice3A_9 : vector<1x512xf32> to vector<512xf32>
    %mul3A = arith.constant 2.000000e+01 : f32
    %mul3A_11 = vector.broadcast %mul3A : f32 to vector<512xf32>
    %mul3A_12 = arith.mulf %mul3A_11, %squeeze3A_10 : vector<512xf32>
    %add3A_13 = arith.addf %squeeze3A, %mul3A_12 : vector<512xf32>
    %div3A = arith.constant 8.192000e+04 : f32
    %div3A_14 = vector.broadcast %div3A : f32 to vector<512xf32>
    %div3A_15 = arith.divf %add3A_13, %div3A_14 : vector<512xf32>
    %slice3A_16 = vector.extract_strided_slice %add3A {offsets = [1, 0], sizes = [1, 512], strides = [1, 1]} : vector<8x512xf32> to vector<1x512xf32>
    %squeeze3A_17 = vector.shape_cast %slice3A_16 : vector<1x512xf32> to vector<512xf32>
    %slice3A_18 = vector.extract_strided_slice %add3A {offsets = [2, 0], sizes = [1, 512], strides = [1, 1]} : vector<8x512xf32> to vector<1x512xf32>
    %squeeze3A_19 = vector.shape_cast %slice3A_18 : vector<1x512xf32> to vector<512xf32>
    %mul3A_20 = arith.constant 2.000000e+00 : f32
    %mul3A_21 = vector.broadcast %mul3A_20 : f32 to vector<512xf32>
    %mul3A_22 = arith.mulf %mul3A_21, %squeeze3A_19 : vector<512xf32>
    %add3A_23 = arith.addf %squeeze3A_17, %mul3A_22 : vector<512xf32>
    %slice3A_24 = vector.extract_strided_slice %add3A {offsets = [4, 0], sizes = [1, 512], strides = [1, 1]} : vector<8x512xf32> to vector<1x512xf32>
    %squeeze3A_25 = vector.shape_cast %slice3A_24 : vector<1x512xf32> to vector<512xf32>
    %mul3A_26 = arith.constant 2.000000e+01 : f32
    %mul3A_27 = vector.broadcast %mul3A_26 : f32 to vector<512xf32>
    %mul3A_28 = arith.mulf %mul3A_27, %squeeze3A_25 : vector<512xf32>
    %add3A_29 = arith.addf %add3A_23, %mul3A_28 : vector<512xf32>
    %div3A_30 = arith.constant 8.192000e+04 : f32
    %div3A_31 = vector.broadcast %div3A_30 : f32 to vector<512xf32>
    %div3A_32 = arith.divf %add3A_29, %div3A_31 : vector<512xf32>
    %mul3A_33 = arith.mulf %div3A_15, %div3A_15 : vector<512xf32>
    %sub3A = arith.subf %div3A_32, %mul3A_33 : vector<512xf32>
    %add3A_34 = arith.constant 9.99999974E-6 : f32
    %add3A_35 = vector.broadcast %add3A_34 : f32 to vector<512xf32>
    %add3A_36 = arith.addf %sub3A, %add3A_35 : vector<512xf32>
    %sqrt3A = math.sqrt %add3A_36 : vector<512xf32>
    %get3A_37 = arith.constant 0 : index
    %get3A_38 = arith.constant 0 : index
    %get3A_39 = arith.constant 0 : index
    %get3A_40 = vector.load %arg2[%get3A_37, %get3A_38, %get3A_39] : memref<1x256x512xf32, #tpu.memory_space<vmem>>, vector<1x256x512xf32>
    %get3A_41 = vector.shape_cast %get3A_40 : vector<1x256x512xf32> to vector<256x512xf32>
    %broadcast_in_dim3A = vector.shape_cast %div3A_15 : vector<512xf32> to vector<1x512xf32>
    %sub3A_42 = vector.broadcast %broadcast_in_dim3A : vector<1x512xf32> to vector<256x512xf32>
    %sub3A_43 = arith.subf %get3A_41, %sub3A_42 : vector<256x512xf32>
    %broadcast_in_dim3A_44 = vector.shape_cast %sqrt3A : vector<512xf32> to vector<1x512xf32>
    %div3A_45 = vector.broadcast %broadcast_in_dim3A_44 : vector<1x512xf32> to vector<256x512xf32>
    %div3A_46 = arith.divf %sub3A_43, %div3A_45 : vector<256x512xf32>
    %get3A_47 = arith.constant 0 : index
    %get3A_48 = arith.constant 0 : index
    %get3A_49 = vector.load %arg4[%get3A_47, %get3A_48] : memref<2x512xf32, #tpu.memory_space<vmem>>, vector<1x512xf32>
    %get3A_50 = vector.shape_cast %get3A_49 : vector<1x512xf32> to vector<512xf32>
    %broadcast_in_dim3A_51 = vector.shape_cast %get3A_50 : vector<512xf32> to vector<1x512xf32>
    %mul3A_52 = vector.broadcast %broadcast_in_dim3A_51 : vector<1x512xf32> to vector<256x512xf32>
    %mul3A_53 = arith.mulf %div3A_46, %mul3A_52 : vector<256x512xf32>
    %get3A_54 = arith.constant 1 : index
    %get3A_55 = arith.constant 0 : index
    %get3A_56 = vector.load %arg4[%get3A_54, %get3A_55] : memref<2x512xf32, #tpu.memory_space<vmem>>, vector<1x512xf32>
    %get3A_57 = vector.shape_cast %get3A_56 : vector<1x512xf32> to vector<512xf32>
    %broadcast_in_dim3A_58 = vector.shape_cast %get3A_57 : vector<512xf32> to vector<1x512xf32>
    %add3A_59 = vector.broadcast %broadcast_in_dim3A_58 : vector<1x512xf32> to vector<256x512xf32>
    %add3A_60 = arith.addf %mul3A_53, %add3A_59 : vector<256x512xf32>
    %ge3A = arith.constant 0.000000e+00 : f32
    %ge3A_61 = vector.broadcast %ge3A : f32 to vector<256x512xf32>
    %ge3A_62 = arith.cmpf oge, %add3A_60, %ge3A_61 : vector<256x512xf32>
    %mul3A_63 = arith.constant 2.000000e-01 : f32
    %mul3A_64 = vector.broadcast %mul3A_63 : f32 to vector<256x512xf32>
    %mul3A_65 = arith.mulf %mul3A_64, %add3A_60 : vector<256x512xf32>
    %select_n3A = arith.select %ge3A_62, %add3A_60, %mul3A_65 : vector<256x512xi1>, vector<256x512xf32>
    %swap3A = arith.constant 0 : index
    %swap3A_66 = arith.constant 0 : index
    %swap3A_67 = arith.constant 0 : index
    %swap3A_68 = vector.load %arg6[%swap3A, %swap3A_66, %swap3A_67] : memref<1x256x1024xf32, #tpu.memory_space<vmem>>, vector<1x256x512xf32>
    %swap3A_69 = vector.shape_cast %swap3A_68 : vector<1x256x512xf32> to vector<256x512xf32>
    %swap3A_70 = vector.shape_cast %select_n3A : vector<256x512xf32> to vector<1x256x512xf32>
    tpu.vector_store %arg6[%swap3A, %swap3A_66, %swap3A_67], %swap3A_70 {strides = array<i32>} : memref<1x256x1024xf32, #tpu.memory_space<vmem>>, vector<1x256x512xf32>,
    %get3A_71 = arith.constant 0 : index
    %get3A_72 = arith.constant 0 : index
    %get3A_73 = arith.constant 0 : index
    %get3A_74 = vector.load %arg5[%get3A_71, %get3A_72, %get3A_73] : memref<1x256x512xf32, #tpu.memory_space<vmem>>, vector<1x256x512xf32>
    %get3A_75 = vector.shape_cast %get3A_74 : vector<1x256x512xf32> to vector<256x512xf32>
    %swap3A_76 = arith.constant 0 : index
    %swap3A_77 = arith.constant 0 : index
    %swap3A_78 = arith.constant 512 : index
    %swap3A_79 = vector.load %arg6[%swap3A_76, %swap3A_77, %swap3A_78] : memref<1x256x1024xf32, #tpu.memory_space<vmem>>, vector<1x256x512xf32>
    %swap3A_80 = vector.shape_cast %swap3A_79 : vector<1x256x512xf32> to vector<256x512xf32>
    %swap3A_81 = vector.shape_cast %get3A_75 : vector<256x512xf32> to vector<1x256x512xf32>
    tpu.vector_store %arg6[%swap3A_76, %swap3A_77, %swap3A_78], %swap3A_81 {strides = array<i32>} : memref<1x256x1024xf32, #tpu.memory_space<vmem>>, vector<1x256x512xf32>,
    return
  }
  func.func @transform_0(%arg0: i32, %arg1: i32) -> (i32, i32, i32) {
    %c0_i32 = arith.constant 0 : i32
    %c0_i32_0 = arith.constant 0 : i32
    return %arg0, %arg1, %c0_i32 : i32, i32, i32
  }
  func.func @transform_1(%arg0: i32, %arg1: i32) -> (i32, i32, i32) {
    %c0_i32 = arith.constant 0 : i32
    %c0_i32_0 = arith.constant 0 : i32
    %c0_i32_1 = arith.constant 0 : i32
    %c0_i32_2 = arith.constant 0 : i32
    return %c0_i32, %c0_i32_0, %c0_i32_1 : i32, i32, i32
  }
  func.func @transform_2(%arg0: i32, %arg1: i32) -> (i32, i32) {
    %c0_i32 = arith.constant 0 : i32
    %c0_i32_0 = arith.constant 0 : i32
    %c0_i32_1 = arith.constant 0 : i32
    return %c0_i32, %c0_i32_0 : i32, i32
  }
  func.func @transform_3(%arg0: i32, %arg1: i32) -> (i32, i32, i32) {
    %c0_i32 = arith.constant 0 : i32
    %c0_i32_0 = arith.constant 0 : i32
    return %arg0, %arg1, %c0_i32 : i32, i32, i32
  }
  func.func @transform_4(%arg0: i32, %arg1: i32) -> (i32, i32, i32) {
    %c0_i32 = arith.constant 0 : i32
    %c0_i32_0 = arith.constant 0 : i32
    return %arg0, %arg1, %c0_i32 : i32, i32, i32
  }
}

module attributes {stable_mosaic.version = 14 : i64} {
  func.func @_head_kernel(%arg0: i32, %arg1: i32, %arg2: memref<1x256x64xf32, #tpu.memory_space<vmem>>, %arg3: memref<1x256x256xf32, #tpu.memory_space<vmem>>, %arg4: memref<1x256x1024xf32, #tpu.memory_space<vmem>>, %arg5: memref<1344x512xf32, #tpu.memory_space<vmem>>, %arg6: memref<1x256x512xf32, #tpu.memory_space<vmem>>, %arg7: memref<1x8x512xf32, #tpu.memory_space<vmem>>) attributes {dimension_semantics = [#tpu.dimension_semantics<parallel>, #tpu.dimension_semantics<arbitrary>], iteration_bounds = array<i64: 2, 8>, scalar_prefetch = 0 : i64, scratch_operands = 0 : i64, tpu.core_type = #tpu.core_type<tc>, window_params = [{transform_indices = @transform_0, window_bounds = array<i64: 1, 256, 64>}, {transform_indices = @transform_1, window_bounds = array<i64: 1, 256, 256>}, {transform_indices = @transform_2, window_bounds = array<i64: 1, 256, 1024>}, {pipeline_mode = #tpu.pipeline_mode<synchronous>, transform_indices = @transform_3, window_bounds = array<i64: 1344, 512>}, {transform_indices = @transform_4, window_bounds = array<i64: 1, 256, 512>}, {transform_indices = @transform_5, window_bounds = array<i64: 1, 8, 512>}]} {
    %eq3A = arith.constant 0 : i32
    %eq3A_0 = arith.cmpi eq, %arg1, %eq3A : i32
    %convert_element_type3A = arith.extui %eq3A_0 : i1 to i32
    %cond3A = arith.constant 0 : i32
    %cond3A_1 = arith.cmpi ne, %convert_element_type3A, %cond3A : i32
    scf.if %cond3A_1 {
      %broadcast_in_dim3A_43 = arith.constant 0.000000e+00 : f32
      %broadcast_in_dim3A_44 = vector.broadcast %broadcast_in_dim3A_43 : f32 to vector<1x8x512xf32>
      %swap3A_45 = arith.constant 0 : index
      %swap3A_46 = arith.constant 0 : index
      %swap3A_47 = arith.constant 0 : index
      %swap3A_48 = vector.load %arg7[%swap3A_45, %swap3A_46, %swap3A_47] : memref<1x8x512xf32, #tpu.memory_space<vmem>>, vector<1x8x512xf32>
      tpu.vector_store %arg7[%swap3A_45, %swap3A_46, %swap3A_47], %broadcast_in_dim3A_44 {strides = array<i32>} : memref<1x8x512xf32, #tpu.memory_space<vmem>>, vector<1x8x512xf32>,
    } else {
    }
    %get3A = arith.constant 0 : index
    %get3A_2 = arith.constant 0 : index
    %get3A_3 = arith.constant 0 : index
    %get3A_4 = vector.load %arg2[%get3A, %get3A_2, %get3A_3] : memref<1x256x64xf32, #tpu.memory_space<vmem>>, vector<1x256x64xf32>
    %get3A_5 = vector.shape_cast %get3A_4 : vector<1x256x64xf32> to vector<256x64xf32>
    %get3A_6 = arith.constant 0 : index
    %get3A_7 = arith.constant 0 : index
    %get3A_8 = arith.constant 0 : index
    %get3A_9 = vector.load %arg3[%get3A_6, %get3A_7, %get3A_8] : memref<1x256x256xf32, #tpu.memory_space<vmem>>, vector<1x256x256xf32>
    %get3A_10 = vector.shape_cast %get3A_9 : vector<1x256x256xf32> to vector<256x256xf32>
    %get3A_11 = arith.constant 0 : index
    %get3A_12 = arith.constant 0 : index
    %get3A_13 = arith.constant 0 : index
    %get3A_14 = vector.load %arg4[%get3A_11, %get3A_12, %get3A_13] : memref<1x256x1024xf32, #tpu.memory_space<vmem>>, vector<1x256x1024xf32>
    %get3A_15 = vector.shape_cast %get3A_14 : vector<1x256x1024xf32> to vector<256x1024xf32>
    %concatenate3A = tpu.concatenate %get3A_5, %get3A_10, %get3A_15 in 1 : vector<256x64xf32>, vector<256x256xf32>, vector<256x1024xf32> -> vector<256x1344xf32>
    %get3A_16 = arith.constant 0 : index
    %get3A_17 = arith.constant 0 : index
    %get3A_18 = vector.load %arg5[%get3A_16, %get3A_17] : memref<1344x512xf32, #tpu.memory_space<vmem>>, vector<1344x512xf32>
    %dot_general3A = arith.constant dense<0.000000e+00> : vector<256x512xf32>
    %dot_general3A_19 = tpu.matmul %concatenate3A, %get3A_18, %dot_general3A {dimension_numbers = #tpu.dot_dimension_numbers<[1], [0], [0], [1], [0, 0, 1, 1], [], []>, transpose_lhs_hint = false} : vector<256x1344xf32>, vector<1344x512xf32>, vector<256x512xf32> -> vector<256x512xf32>
    %swap3A = arith.constant 0 : index
    %swap3A_20 = arith.constant 0 : index
    %swap3A_21 = arith.constant 0 : index
    %swap3A_22 = vector.load %arg6[%swap3A, %swap3A_20, %swap3A_21] : memref<1x256x512xf32, #tpu.memory_space<vmem>>, vector<1x256x512xf32>
    %swap3A_23 = vector.shape_cast %swap3A_22 : vector<1x256x512xf32> to vector<256x512xf32>
    %swap3A_24 = vector.shape_cast %dot_general3A_19 : vector<256x512xf32> to vector<1x256x512xf32>
    tpu.vector_store %arg6[%swap3A, %swap3A_20, %swap3A_21], %swap3A_24 {strides = array<i32>} : memref<1x256x512xf32, #tpu.memory_space<vmem>>, vector<1x256x512xf32>,
    %broadcast_in_dim3A = arith.constant 0.000000e+00 : f32
    %broadcast_in_dim3A_25 = vector.broadcast %broadcast_in_dim3A : f32 to vector<1x512xf32>
    %reduce_sum3A = arith.constant dense<0.000000e+00> : vector<512xf32>
    %reduce_sum3A_26 = vector.multi_reduction <add>, %dot_general3A_19, %reduce_sum3A [0] : vector<256x512xf32> to vector<512xf32>
    %broadcast_in_dim3A_27 = vector.shape_cast %reduce_sum3A_26 : vector<512xf32> to vector<1x512xf32>
    %mul3A = arith.mulf %dot_general3A_19, %dot_general3A_19 : vector<256x512xf32>
    %reduce_sum3A_28 = arith.constant dense<0.000000e+00> : vector<512xf32>
    %reduce_sum3A_29 = vector.multi_reduction <add>, %mul3A, %reduce_sum3A_28 [0] : vector<256x512xf32> to vector<512xf32>
    %broadcast_in_dim3A_30 = vector.shape_cast %reduce_sum3A_29 : vector<512xf32> to vector<1x512xf32>
    %concatenate3A_31 = tpu.concatenate %broadcast_in_dim3A_27, %broadcast_in_dim3A_30, %broadcast_in_dim3A_25, %broadcast_in_dim3A_25, %broadcast_in_dim3A_25, %broadcast_in_dim3A_25, %broadcast_in_dim3A_25, %broadcast_in_dim3A_25 in 0 : vector<1x512xf32>, vector<1x512xf32>, vector<1x512xf32>, vector<1x512xf32>, vector<1x512xf32>, vector<1x512xf32>, vector<1x512xf32>, vector<1x512xf32> -> vector<8x512xf32>
    %get3A_32 = arith.constant 0 : index
    %get3A_33 = arith.constant 0 : index
    %get3A_34 = arith.constant 0 : index
    %get3A_35 = vector.load %arg7[%get3A_32, %get3A_33, %get3A_34] : memref<1x8x512xf32, #tpu.memory_space<vmem>>, vector<1x8x512xf32>
    %get3A_36 = vector.shape_cast %get3A_35 : vector<1x8x512xf32> to vector<8x512xf32>
    %add3A = arith.addf %get3A_36, %concatenate3A_31 : vector<8x512xf32>
    %swap3A_37 = arith.constant 0 : index
    %swap3A_38 = arith.constant 0 : index
    %swap3A_39 = arith.constant 0 : index
    %swap3A_40 = vector.load %arg7[%swap3A_37, %swap3A_38, %swap3A_39] : memref<1x8x512xf32, #tpu.memory_space<vmem>>, vector<1x8x512xf32>
    %swap3A_41 = vector.shape_cast %swap3A_40 : vector<1x8x512xf32> to vector<8x512xf32>
    %swap3A_42 = vector.shape_cast %add3A : vector<8x512xf32> to vector<1x8x512xf32>
    tpu.vector_store %arg7[%swap3A_37, %swap3A_38, %swap3A_39], %swap3A_42 {strides = array<i32>} : memref<1x8x512xf32, #tpu.memory_space<vmem>>, vector<1x8x512xf32>,
    return
  }
  func.func @transform_0(%arg0: i32, %arg1: i32) -> (i32, i32, i32) {
    %c0_i32 = arith.constant 0 : i32
    %c0_i32_0 = arith.constant 0 : i32
    return %arg0, %arg1, %c0_i32 : i32, i32, i32
  }
  func.func @transform_1(%arg0: i32, %arg1: i32) -> (i32, i32, i32) {
    %c0_i32 = arith.constant 0 : i32
    %c0_i32_0 = arith.constant 0 : i32
    return %arg0, %arg1, %c0_i32 : i32, i32, i32
  }
  func.func @transform_2(%arg0: i32, %arg1: i32) -> (i32, i32, i32) {
    %c0_i32 = arith.constant 0 : i32
    %c0_i32_0 = arith.constant 0 : i32
    return %arg0, %arg1, %c0_i32 : i32, i32, i32
  }
  func.func @transform_3(%arg0: i32, %arg1: i32) -> (i32, i32) {
    %c0_i32 = arith.constant 0 : i32
    %c0_i32_0 = arith.constant 0 : i32
    %c0_i32_1 = arith.constant 0 : i32
    return %c0_i32, %c0_i32_0 : i32, i32
  }
  func.func @transform_4(%arg0: i32, %arg1: i32) -> (i32, i32, i32) {
    %c0_i32 = arith.constant 0 : i32
    %c0_i32_0 = arith.constant 0 : i32
    return %arg0, %arg1, %c0_i32 : i32, i32, i32
  }
  func.func @transform_5(%arg0: i32, %arg1: i32) -> (i32, i32, i32) {
    %c0_i32 = arith.constant 0 : i32
    %c0_i32_0 = arith.constant 0 : i32
    %c0_i32_1 = arith.constant 0 : i32
    return %arg0, %c0_i32, %c0_i32_0 : i32, i32, i32
  }
}

module attributes {stable_mosaic.version = 14 : i64} {
  func.func @_pool_kernel(%arg0: i32, %arg1: i32, %arg2: memref<1x256x512xf32, #tpu.memory_space<vmem>>, %arg3: memref<2x8x512xf32, #tpu.memory_space<vmem>>, %arg4: memref<2x512xf32, #tpu.memory_space<vmem>>, %arg5: memref<1x8x512xf32, #tpu.memory_space<vmem>>) attributes {dimension_semantics = [#tpu.dimension_semantics<parallel>, #tpu.dimension_semantics<arbitrary>], iteration_bounds = array<i64: 2, 8>, scalar_prefetch = 0 : i64, scratch_operands = 0 : i64, tpu.core_type = #tpu.core_type<tc>, window_params = [{transform_indices = @transform_0, window_bounds = array<i64: 1, 256, 512>}, {pipeline_mode = #tpu.pipeline_mode<synchronous>, transform_indices = @transform_1, window_bounds = array<i64: 2, 8, 512>}, {pipeline_mode = #tpu.pipeline_mode<synchronous>, transform_indices = @transform_2, window_bounds = array<i64: 2, 512>}, {transform_indices = @transform_3, window_bounds = array<i64: 1, 8, 512>}]} {
    %get3A = arith.constant 0 : index
    %get3A_0 = arith.constant 0 : index
    %get3A_1 = arith.constant 0 : index
    %get3A_2 = vector.load %arg3[%get3A, %get3A_0, %get3A_1] : memref<2x8x512xf32, #tpu.memory_space<vmem>>, vector<1x8x512xf32>
    %get3A_3 = vector.shape_cast %get3A_2 : vector<1x8x512xf32> to vector<8x512xf32>
    %get3A_4 = arith.constant 1 : index
    %get3A_5 = arith.constant 0 : index
    %get3A_6 = arith.constant 0 : index
    %get3A_7 = vector.load %arg3[%get3A_4, %get3A_5, %get3A_6] : memref<2x8x512xf32, #tpu.memory_space<vmem>>, vector<1x8x512xf32>
    %get3A_8 = vector.shape_cast %get3A_7 : vector<1x8x512xf32> to vector<8x512xf32>
    %add3A = arith.addf %get3A_3, %get3A_8 : vector<8x512xf32>
    %slice3A = vector.extract_strided_slice %add3A {offsets = [0, 0], sizes = [1, 512], strides = [1, 1]} : vector<8x512xf32> to vector<1x512xf32>
    %squeeze3A = vector.shape_cast %slice3A : vector<1x512xf32> to vector<512xf32>
    %div3A = arith.constant 4.096000e+03 : f32
    %div3A_9 = vector.broadcast %div3A : f32 to vector<512xf32>
    %div3A_10 = arith.divf %squeeze3A, %div3A_9 : vector<512xf32>
    %slice3A_11 = vector.extract_strided_slice %add3A {offsets = [1, 0], sizes = [1, 512], strides = [1, 1]} : vector<8x512xf32> to vector<1x512xf32>
    %squeeze3A_12 = vector.shape_cast %slice3A_11 : vector<1x512xf32> to vector<512xf32>
    %div3A_13 = arith.constant 4.096000e+03 : f32
    %div3A_14 = vector.broadcast %div3A_13 : f32 to vector<512xf32>
    %div3A_15 = arith.divf %squeeze3A_12, %div3A_14 : vector<512xf32>
    %mul3A = arith.mulf %div3A_10, %div3A_10 : vector<512xf32>
    %sub3A = arith.subf %div3A_15, %mul3A : vector<512xf32>
    %add3A_16 = arith.constant 9.99999974E-6 : f32
    %add3A_17 = vector.broadcast %add3A_16 : f32 to vector<512xf32>
    %add3A_18 = arith.addf %sub3A, %add3A_17 : vector<512xf32>
    %sqrt3A = math.sqrt %add3A_18 : vector<512xf32>
    %get3A_19 = arith.constant 0 : index
    %get3A_20 = arith.constant 0 : index
    %get3A_21 = arith.constant 0 : index
    %get3A_22 = vector.load %arg2[%get3A_19, %get3A_20, %get3A_21] : memref<1x256x512xf32, #tpu.memory_space<vmem>>, vector<1x256x512xf32>
    %get3A_23 = vector.shape_cast %get3A_22 : vector<1x256x512xf32> to vector<256x512xf32>
    %broadcast_in_dim3A = vector.shape_cast %div3A_10 : vector<512xf32> to vector<1x512xf32>
    %sub3A_24 = vector.broadcast %broadcast_in_dim3A : vector<1x512xf32> to vector<256x512xf32>
    %sub3A_25 = arith.subf %get3A_23, %sub3A_24 : vector<256x512xf32>
    %broadcast_in_dim3A_26 = vector.shape_cast %sqrt3A : vector<512xf32> to vector<1x512xf32>
    %div3A_27 = vector.broadcast %broadcast_in_dim3A_26 : vector<1x512xf32> to vector<256x512xf32>
    %div3A_28 = arith.divf %sub3A_25, %div3A_27 : vector<256x512xf32>
    %get3A_29 = arith.constant 0 : index
    %get3A_30 = arith.constant 0 : index
    %get3A_31 = vector.load %arg4[%get3A_29, %get3A_30] : memref<2x512xf32, #tpu.memory_space<vmem>>, vector<1x512xf32>
    %get3A_32 = vector.shape_cast %get3A_31 : vector<1x512xf32> to vector<512xf32>
    %broadcast_in_dim3A_33 = vector.shape_cast %get3A_32 : vector<512xf32> to vector<1x512xf32>
    %mul3A_34 = vector.broadcast %broadcast_in_dim3A_33 : vector<1x512xf32> to vector<256x512xf32>
    %mul3A_35 = arith.mulf %div3A_28, %mul3A_34 : vector<256x512xf32>
    %get3A_36 = arith.constant 1 : index
    %get3A_37 = arith.constant 0 : index
    %get3A_38 = vector.load %arg4[%get3A_36, %get3A_37] : memref<2x512xf32, #tpu.memory_space<vmem>>, vector<1x512xf32>
    %get3A_39 = vector.shape_cast %get3A_38 : vector<1x512xf32> to vector<512xf32>
    %broadcast_in_dim3A_40 = vector.shape_cast %get3A_39 : vector<512xf32> to vector<1x512xf32>
    %add3A_41 = vector.broadcast %broadcast_in_dim3A_40 : vector<1x512xf32> to vector<256x512xf32>
    %add3A_42 = arith.addf %mul3A_35, %add3A_41 : vector<256x512xf32>
    %ge3A = arith.constant 0.000000e+00 : f32
    %ge3A_43 = vector.broadcast %ge3A : f32 to vector<256x512xf32>
    %ge3A_44 = arith.cmpf oge, %add3A_42, %ge3A_43 : vector<256x512xf32>
    %mul3A_45 = arith.constant 2.000000e-01 : f32
    %mul3A_46 = vector.broadcast %mul3A_45 : f32 to vector<256x512xf32>
    %mul3A_47 = arith.mulf %mul3A_46, %add3A_42 : vector<256x512xf32>
    %select_n3A = arith.select %ge3A_44, %add3A_42, %mul3A_47 : vector<256x512xi1>, vector<256x512xf32>
    %eq3A = arith.constant 0 : i32
    %eq3A_48 = arith.cmpi eq, %arg1, %eq3A : i32
    %convert_element_type3A = arith.extui %eq3A_48 : i1 to i32
    %cond3A = arith.constant 0 : i32
    %cond3A_49 = arith.cmpi ne, %convert_element_type3A, %cond3A : i32
    scf.if %cond3A_49 {
      %broadcast_in_dim3A_74 = arith.constant 0xFF800000 : f32
      %broadcast_in_dim3A_75 = vector.broadcast %broadcast_in_dim3A_74 : f32 to vector<1x8x512xf32>
      %swap3A_76 = arith.constant 0 : index
      %swap3A_77 = arith.constant 0 : index
      %swap3A_78 = arith.constant 0 : index
      %swap3A_79 = vector.load %arg5[%swap3A_76, %swap3A_77, %swap3A_78] : memref<1x8x512xf32, #tpu.memory_space<vmem>>, vector<1x8x512xf32>
      tpu.vector_store %arg5[%swap3A_76, %swap3A_77, %swap3A_78], %broadcast_in_dim3A_75 {strides = array<i32>} : memref<1x8x512xf32, #tpu.memory_space<vmem>>, vector<1x8x512xf32>,
      %broadcast_in_dim3A_80 = arith.constant 0.000000e+00 : f32
      %broadcast_in_dim3A_81 = vector.broadcast %broadcast_in_dim3A_80 : f32 to vector<512xf32>
      %swap3A_82 = arith.constant 0 : index
      %swap3A_83 = arith.constant 0 : index
      %swap3A_84 = arith.constant 0 : index
      %swap3A_85 = vector.load %arg5[%swap3A_82, %swap3A_83, %swap3A_84] : memref<1x8x512xf32, #tpu.memory_space<vmem>>, vector<1x1x512xf32>
      %swap3A_86 = vector.shape_cast %swap3A_85 : vector<1x1x512xf32> to vector<512xf32>
      %swap3A_87 = vector.shape_cast %broadcast_in_dim3A_81 : vector<512xf32> to vector<1x1x512xf32>
      tpu.vector_store %arg5[%swap3A_82, %swap3A_83, %swap3A_84], %swap3A_87 {strides = array<i32>} : memref<1x8x512xf32, #tpu.memory_space<vmem>>, vector<1x1x512xf32>,
    } else {
    }
    %get3A_50 = arith.constant 0 : index
    %get3A_51 = arith.constant 0 : index
    %get3A_52 = arith.constant 0 : index
    %get3A_53 = vector.load %arg5[%get3A_50, %get3A_51, %get3A_52] : memref<1x8x512xf32, #tpu.memory_space<vmem>>, vector<1x1x512xf32>
    %get3A_54 = vector.shape_cast %get3A_53 : vector<1x1x512xf32> to vector<512xf32>
    %reduce_sum3A = arith.constant dense<0.000000e+00> : vector<512xf32>
    %reduce_sum3A_55 = vector.multi_reduction <add>, %select_n3A, %reduce_sum3A [0] : vector<256x512xf32> to vector<512xf32>
    %add3A_56 = arith.addf %get3A_54, %reduce_sum3A_55 : vector<512xf32>
    %swap3A = arith.constant 0 : index
    %swap3A_57 = arith.constant 0 : index
    %swap3A_58 = arith.constant 0 : index
    %swap3A_59 = vector.load %arg5[%swap3A, %swap3A_57, %swap3A_58] : memref<1x8x512xf32, #tpu.memory_space<vmem>>, vector<1x1x512xf32>
    %swap3A_60 = vector.shape_cast %swap3A_59 : vector<1x1x512xf32> to vector<512xf32>
    %swap3A_61 = vector.shape_cast %add3A_56 : vector<512xf32> to vector<1x1x512xf32>
    tpu.vector_store %arg5[%swap3A, %swap3A_57, %swap3A_58], %swap3A_61 {strides = array<i32>} : memref<1x8x512xf32, #tpu.memory_space<vmem>>, vector<1x1x512xf32>,
    %get3A_62 = arith.constant 0 : index
    %get3A_63 = arith.constant 1 : index
    %get3A_64 = arith.constant 0 : index
    %get3A_65 = vector.load %arg5[%get3A_62, %get3A_63, %get3A_64] : memref<1x8x512xf32, #tpu.memory_space<vmem>>, vector<1x1x512xf32>
    %get3A_66 = vector.shape_cast %get3A_65 : vector<1x1x512xf32> to vector<512xf32>
    %reduce_max3A = arith.constant dense<0xFF800000> : vector<512xf32>
    %reduce_max3A_67 = vector.multi_reduction <maximumf>, %select_n3A, %reduce_max3A [0] : vector<256x512xf32> to vector<512xf32>
    %max3A = arith.maximumf %get3A_66, %reduce_max3A_67 : vector<512xf32>
    %swap3A_68 = arith.constant 0 : index
    %swap3A_69 = arith.constant 1 : index
    %swap3A_70 = arith.constant 0 : index
    %swap3A_71 = vector.load %arg5[%swap3A_68, %swap3A_69, %swap3A_70] : memref<1x8x512xf32, #tpu.memory_space<vmem>>, vector<1x1x512xf32>
    %swap3A_72 = vector.shape_cast %swap3A_71 : vector<1x1x512xf32> to vector<512xf32>
    %swap3A_73 = vector.shape_cast %max3A : vector<512xf32> to vector<1x1x512xf32>
    tpu.vector_store %arg5[%swap3A_68, %swap3A_69, %swap3A_70], %swap3A_73 {strides = array<i32>} : memref<1x8x512xf32, #tpu.memory_space<vmem>>, vector<1x1x512xf32>,
    return
  }
  func.func @transform_0(%arg0: i32, %arg1: i32) -> (i32, i32, i32) {
    %c0_i32 = arith.constant 0 : i32
    %c0_i32_0 = arith.constant 0 : i32
    return %arg0, %arg1, %c0_i32 : i32, i32, i32
  }
  func.func @transform_1(%arg0: i32, %arg1: i32) -> (i32, i32, i32) {
    %c0_i32 = arith.constant 0 : i32
    %c0_i32_0 = arith.constant 0 : i32
    %c0_i32_1 = arith.constant 0 : i32
    %c0_i32_2 = arith.constant 0 : i32
    return %c0_i32, %c0_i32_0, %c0_i32_1 : i32, i32, i32
  }
  func.func @transform_2(%arg0: i32, %arg1: i32) -> (i32, i32) {
    %c0_i32 = arith.constant 0 : i32
    %c0_i32_0 = arith.constant 0 : i32
    %c0_i32_1 = arith.constant 0 : i32
    return %c0_i32, %c0_i32_0 : i32, i32
  }
  func.func @transform_3(%arg0: i32, %arg1: i32) -> (i32, i32, i32) {
    %c0_i32 = arith.constant 0 : i32
    %c0_i32_0 = arith.constant 0 : i32
    %c0_i32_1 = arith.constant 0 : i32
    return %arg0, %c0_i32, %c0_i32_0 : i32, i32, i32
  }
}

module attributes {stable_mosaic.version = 14 : i64} {
  func.func @_out_kernel(%arg0: i32, %arg1: i32, %arg2: memref<1x256x1024xf32, #tpu.memory_space<vmem>>, %arg3: memref<1x8x512xf32, #tpu.memory_space<vmem>>, %arg4: memref<2048x512xf32, #tpu.memory_space<vmem>>, %arg5: memref<1x512xf32, #tpu.memory_space<vmem>>, %arg6: memref<1x256x512xf32, #tpu.memory_space<vmem>>) attributes {dimension_semantics = [#tpu.dimension_semantics<parallel>, #tpu.dimension_semantics<arbitrary>], iteration_bounds = array<i64: 2, 8>, scalar_prefetch = 0 : i64, scratch_operands = 0 : i64, tpu.core_type = #tpu.core_type<tc>, window_params = [{transform_indices = @transform_0, window_bounds = array<i64: 1, 256, 1024>}, {transform_indices = @transform_1, window_bounds = array<i64: 1, 8, 512>}, {pipeline_mode = #tpu.pipeline_mode<synchronous>, transform_indices = @transform_2, window_bounds = array<i64: 2048, 512>}, {pipeline_mode = #tpu.pipeline_mode<synchronous>, transform_indices = @transform_3, window_bounds = array<i64: 1, 512>}, {transform_indices = @transform_4, window_bounds = array<i64: 1, 256, 512>}]} {
    %get3A = arith.constant 0 : index
    %get3A_0 = arith.constant 0 : index
    %get3A_1 = arith.constant 0 : index
    %get3A_2 = vector.load %arg3[%get3A, %get3A_0, %get3A_1] : memref<1x8x512xf32, #tpu.memory_space<vmem>>, vector<1x1x512xf32>
    %get3A_3 = vector.shape_cast %get3A_2 : vector<1x1x512xf32> to vector<512xf32>
    %div3A = arith.constant 2.048000e+03 : f32
    %div3A_4 = vector.broadcast %div3A : f32 to vector<512xf32>
    %div3A_5 = arith.divf %get3A_3, %div3A_4 : vector<512xf32>
    %get3A_6 = arith.constant 0 : index
    %get3A_7 = arith.constant 1 : index
    %get3A_8 = arith.constant 0 : index
    %get3A_9 = vector.load %arg3[%get3A_6, %get3A_7, %get3A_8] : memref<1x8x512xf32, #tpu.memory_space<vmem>>, vector<1x1x512xf32>
    %get3A_10 = vector.shape_cast %get3A_9 : vector<1x1x512xf32> to vector<512xf32>
    %get3A_11 = arith.constant 0 : index
    %get3A_12 = arith.constant 0 : index
    %get3A_13 = arith.constant 0 : index
    %get3A_14 = vector.load %arg2[%get3A_11, %get3A_12, %get3A_13] : memref<1x256x1024xf32, #tpu.memory_space<vmem>>, vector<1x256x1024xf32>
    %get3A_15 = vector.shape_cast %get3A_14 : vector<1x256x1024xf32> to vector<256x1024xf32>
    %broadcast_in_dim3A = vector.shape_cast %div3A_5 : vector<512xf32> to vector<1x512xf32>
    %broadcast_in_dim3A_16 = vector.shape_cast %broadcast_in_dim3A : vector<1x512xf32> to vector<1x512xf32>
    %broadcast_in_dim3A_17 = vector.broadcast %broadcast_in_dim3A_16 : vector<1x512xf32> to vector<256x512xf32>
    %broadcast_in_dim3A_18 = vector.shape_cast %get3A_10 : vector<512xf32> to vector<1x512xf32>
    %broadcast_in_dim3A_19 = vector.shape_cast %broadcast_in_dim3A_18 : vector<1x512xf32> to vector<1x512xf32>
    %broadcast_in_dim3A_20 = vector.broadcast %broadcast_in_dim3A_19 : vector<1x512xf32> to vector<256x512xf32>
    %concatenate3A = tpu.concatenate %get3A_15, %broadcast_in_dim3A_17, %broadcast_in_dim3A_20 in 1 : vector<256x1024xf32>, vector<256x512xf32>, vector<256x512xf32> -> vector<256x2048xf32>
    %get3A_21 = arith.constant 0 : index
    %get3A_22 = arith.constant 0 : index
    %get3A_23 = vector.load %arg4[%get3A_21, %get3A_22] : memref<2048x512xf32, #tpu.memory_space<vmem>>, vector<2048x512xf32>
    %dot_general3A = arith.constant dense<0.000000e+00> : vector<256x512xf32>
    %dot_general3A_24 = tpu.matmul %concatenate3A, %get3A_23, %dot_general3A {dimension_numbers = #tpu.dot_dimension_numbers<[1], [0], [0], [1], [0, 0, 1, 1], [], []>, transpose_lhs_hint = false} : vector<256x2048xf32>, vector<2048x512xf32>, vector<256x512xf32> -> vector<256x512xf32>
    %get3A_25 = arith.constant 0 : index
    %get3A_26 = arith.constant 0 : index
    %get3A_27 = vector.load %arg5[%get3A_25, %get3A_26] : memref<1x512xf32, #tpu.memory_space<vmem>>, vector<1x512xf32>
    %add3A = vector.broadcast %get3A_27 : vector<1x512xf32> to vector<256x512xf32>
    %add3A_28 = arith.addf %dot_general3A_24, %add3A : vector<256x512xf32>
    %swap3A = arith.constant 0 : index
    %swap3A_29 = arith.constant 0 : index
    %swap3A_30 = arith.constant 0 : index
    %swap3A_31 = vector.load %arg6[%swap3A, %swap3A_29, %swap3A_30] : memref<1x256x512xf32, #tpu.memory_space<vmem>>, vector<1x256x512xf32>
    %swap3A_32 = vector.shape_cast %swap3A_31 : vector<1x256x512xf32> to vector<256x512xf32>
    %swap3A_33 = vector.shape_cast %add3A_28 : vector<256x512xf32> to vector<1x256x512xf32>
    tpu.vector_store %arg6[%swap3A, %swap3A_29, %swap3A_30], %swap3A_33 {strides = array<i32>} : memref<1x256x512xf32, #tpu.memory_space<vmem>>, vector<1x256x512xf32>,
    return
  }
  func.func @transform_0(%arg0: i32, %arg1: i32) -> (i32, i32, i32) {
    %c0_i32 = arith.constant 0 : i32
    %c0_i32_0 = arith.constant 0 : i32
    return %arg0, %arg1, %c0_i32 : i32, i32, i32
  }
  func.func @transform_1(%arg0: i32, %arg1: i32) -> (i32, i32, i32) {
    %c0_i32 = arith.constant 0 : i32
    %c0_i32_0 = arith.constant 0 : i32
    %c0_i32_1 = arith.constant 0 : i32
    return %arg0, %c0_i32, %c0_i32_0 : i32, i32, i32
  }
  func.func @transform_2(%arg0: i32, %arg1: i32) -> (i32, i32) {
    %c0_i32 = arith.constant 0 : i32
    %c0_i32_0 = arith.constant 0 : i32
    %c0_i32_1 = arith.constant 0 : i32
    return %c0_i32, %c0_i32_0 : i32, i32
  }
  func.func @transform_3(%arg0: i32, %arg1: i32) -> (i32, i32) {
    %c0_i32 = arith.constant 0 : i32
    %c0_i32_0 = arith.constant 0 : i32
    %c0_i32_1 = arith.constant 0 : i32
    return %c0_i32, %c0_i32_0 : i32, i32
  }
  func.func @transform_4(%arg0: i32, %arg1: i32) -> (i32, i32, i32) {
    %c0_i32 = arith.constant 0 : i32
    %c0_i32_0 = arith.constant 0 : i32
    return %arg0, %arg1, %c0_i32 : i32, i32, i32
  }
}

</mosaic_0001>

<sc_bundles>
// kernel: kernel.15.cloned.1.call-start
scs
__scs_entry_jumppad:
0x0: {  	(pc) =	sbr.rel $0x88, $3  }
0x1: {  	(tag) =	ssettag $0x0;
	lr =	simm.s32 $0x1  }
0x2: {  	[smem:$0x3F86] =	sst lr;
	_ =	strace $0xD0000000  }
0x3: {  	_ = 	snop  }
0x4: {  	_ = 	snop  }
0x5: {  	_ = 	snop  }
0x6: {  	_ = 	snop  }
0x7: {  	_ = 	snop  }
__scs_overlays_trampoline_lowered:
0x8: {  	[smem:$0x3F95] =	sst s0  }
0x9: {  	[smem:$0x3F96] =	sst s1  }
0xa: {  	[smem:$0x3F97] =	sst s2  }
0xb: {  	[smem:$0x3F98] =	sst s3  }
0xc: {  	[smem:$0x3F99] =	sst s4  }
0xd: {  	[smem:$0x3F9A] =	sst s5  }
0xe: {  	[smem:$0x3F9B] =	sst s6  }
0xf: {  	[smem:$0x3F9C] =	sst s7  }
0x10: {  	[smem:$0x3F9D] =	sst s8  }
0x11: {  	[smem:$0x3F9E] =	sst s9;
	s0 =	simm.s32 @!p0 $0x0  }
0x12: {  	s1 =	sld [smem:$0x3F84];
	s0 =	simm.s32 @p0 $0x1  }
0x13: {  	[smem:$0x3F9F] =	sst s0;
	s0 =	simm.s32 @!p1 $0x0  }
0x14: {  	s2 =	sld [smem:$0x3F83];
	s0 =	simm.s32 @p1 $0x1  }
0x15: {  	[smem:$0x3FA0] =	sst s0;
	s0 =	simm.s32 @!p2 $0x0  }
0x16: {  	s3 =	sld [smem:$0x3FDB];
	s0 =	simm.s32 @p2 $0x1  }
0x17: {  	s4 =	simm.s32 $0x1BF5;
	[smem:$0x3FA2] =	sst s0  }
0x18: {  	s0 =	sld [smem:$0x3F85];
	_ =	swait.ge [sflag:s4], $0x0  }
0x19: {  	s7 =	sld [smem:$0x3F86]  }
0x1a: {  	s8 =	sadd.s32 $0xFFFFE003, lr  }
0x1b: {  	s9 =	sadd.s32 $0xFFFFFEF7, lr;
	s5 =	simm.s32 $0xFFFFFFFF;
	p2 =	slt.u32 s8, $0xFFFFF086  }
0x1c: {  	p1 =	slt.u32 s9, $0xF7A;
	s5 =	simm.s32 @!p2 $0x0  }
0x1d: {  	s5 =	simm.s32 @p1 $0x1;
	p0 =	seq.s32 s7, s2  }
0x1e: {  	s7 =	smul.u32 @!p0 $0xF7A, s2;
	p2 =	seq.s32 @!p0 s5, $0x0  }
0x1f: {  	s9 =	smul.u32 $0xF7A, s1;
	s8 =	simm.s32 @!p0 $0x1BF5;
	p2 =	por !p2, p0  }
0x20: {  	[sflag:s8] =	ssyncset.s32 @!p0 $0xFFFFF086;
	s6 =	sadd.s32 @!p0 s3, s7;
	s7 =	simm.s32 @!p0 $0x108  }
0x21: {  	s3 =	sadd.s32 s3, s9;
	s6 =	sadd.s32 @!p0 $0x88, s6;
	s7 =	simm.s32 @p2 $0x1082  }
0x22: {  	[simem:s7], [sflag:s8] =	dma.local @!p0 [hbm:s6], $0xF7A  }
0x23: {  	s9 =	sor.u32 $0xD0000000, s2;
	s6 =	simm.s32 $0x108;
	_ =	swait.ge @!p0 [sflag:s8], $0x0  }
0x24: {  	s3 =	sadd.s32 $0x88, s3;
	s6 =	simm.s32 @!p1 $0x1082;
	[sflag:s4] =	ssyncset.s32 $0xFFFFF086  }
0x25: {  	[simem:s6], [sflag:s4] =	dma.local [hbm:s3], $0xF7A  }
0x26: {  	[smem:$0x3F86] =	sst s1;
	(tag) =	ssettag s2;
	_ =	strace s9  }
0x27: {  	s1 =	sld [smem:$0x3F96]  }
0x28: {  	s2 =	sld [smem:$0x3F97]  }
0x29: {  	s4 =	sld [smem:$0x3F99]  }
0x2a: {  	p0 =	seq.s32 s5, $0x0;
	s5 =	sld [smem:$0x3F9A]  }
0x2b: {  	s6 =	sld [smem:$0x3F9B]  }
0x2c: {  	s7 =	sld [smem:$0x3F9C]  }
0x2d: {  	s3 =	simm.s32 $0x108;
	s8 =	sld [smem:$0x3F9D]  }
0x2e: {  	s3 =	simm.s32 @!p0 $0x1082;
	s9 =	sld [smem:$0x3F9E]  }
0x2f: {  	lr =	sadd.s32 s0, s3;
	s0 =	sld [smem:$0x3F95]  }
0x30: {  	s3 =	sld [smem:$0x3F98]  }
0x31: {  	[smem:$0x3FA1] =	sst s10  }
0x32: {  	s10 =	sld [smem:$0x3F9F];
	_ =	sdelay $0x3  }
0x33: {  	p0 =	seq.s32 s10, $0x1;
	s10 =	sld [smem:$0x3FA1];
	_ =	sdelay $0x3  }
0x34: {  	[smem:$0x3FA1] =	sst s10  }
0x35: {  	s10 =	sld [smem:$0x3FA0];
	_ =	sdelay $0x3  }
0x36: {  	p1 =	seq.s32 s10, $0x1;
	s10 =	sld [smem:$0x3FA1];
	_ =	sdelay $0x3  }
0x37: {  	[smem:$0x3FA1] =	sst s10  }
0x38: {  	s10 =	sld [smem:$0x3FA2]  }
0x39: {  	_ = 	snop;
	(pc) =	sbr.ind lr, $3  }
0x3a: {  	_ = 	snop  }
0x3b: {  	_ = 	snop  }
0x3c: {  	p2 =	seq.s32 s10, $0x1;
	s10 =	sld [smem:$0x3FA1]  }
0x3d: {  	_ =	shalt  }
0x3e: {  	_ =	shalt  }
0x3f: {  	_ =	shalt  }
0x40: {  	_ =	shalt  }
0x41: {  	_ =	shalt  }
0x42: {  	_ =	shalt  }
0x43: {  	_ =	shalt  }
0x44: {  	_ =	shalt  }
0x45: {  	_ =	shalt  }
0x46: {  	_ =	shalt  }
0x47: {  	_ =	shalt  }
0x48: {  	_ =	shalt  }
0x49: {  	_ =	shalt  }
0x4a: {  	_ =	shalt  }
0x4b: {  	_ =	shalt  }
0x4c: {  	_ =	shalt  }
0x4d: {  	_ =	shalt  }
0x4e: {  	_ =	shalt  }
0x4f: {  	_ =	shalt  }
0x50: {  	_ =	shalt  }
0x51: {  	_ =	shalt  }
0x52: {  	_ =	shalt  }
0x53: {  	_ =	shalt  }
0x54: {  	_ =	shalt  }
0x55: {  	_ =	shalt  }
0x56: {  	_ =	shalt  }
0x57: {  	_ =	shalt  }
0x58: {  	_ =	shalt  }
0x59: {  	_ =	shalt  }
0x5a: {  	_ =	shalt  }
0x5b: {  	_ =	shalt  }
0x5c: {  	_ =	shalt  }
0x5d: {  	_ =	shalt  }
0x5e: {  	_ =	shalt  }
0x5f: {  	_ =	shalt  }
0x60: {  	_ =	shalt  }
0x61: {  	_ =	shalt  }
0x62: {  	_ =	shalt  }
0x63: {  	_ =	shalt  }
0x64: {  	_ =	shalt  }
0x65: {  	_ =	shalt  }
0x66: {  	_ =	shalt  }
0x67: {  	_ =	shalt  }
0x68: {  	_ =	shalt  }
0x69: {  	_ =	shalt  }
0x6a: {  	_ =	shalt  }
0x6b: {  	_ =	shalt  }
0x6c: {  	_ =	shalt  }
0x6d: {  	_ =	shalt  }
0x6e: {  	_ =	shalt  }
0x6f: {  	_ =	shalt  }
0x70: {  	_ =	shalt  }
0x71: {  	_ =	shalt  }
0x72: {  	_ =	shalt  }
0x73: {  	_ =	shalt  }
0x74: {  	_ =	shalt  }
0x75: {  	_ =	shalt  }
0x76: {  	_ =	shalt  }
0x77: {  	_ =	shalt  }
0x78: {  	_ =	shalt  }
0x79: {  	_ =	shalt  }
0x7a: {  	_ =	shalt  }
0x7b: {  	_ =	shalt  }
0x7c: {  	_ =	shalt  }
0x7d: {  	_ =	shalt  }
0x7e: {  	_ =	shalt  }
0x7f: {  	_ =	shalt  }
0x80: {  	_ =	shalt  }
0x81: {  	_ =	shalt  }
0x82: {  	_ =	shalt  }
0x83: {  	_ =	shalt  }
0x84: {  	_ =	shalt  }
0x85: {  	_ =	shalt  }
0x86: {  	_ =	shalt  }
0x87: {  	_ =	shalt  }
.Lfunc_end0:
.L_simem_size_0:
called_computation_lowered:
.L_overlay_start_0:
0x88: {  	s2 =	sld [smem:$0x3FD9]  }
0x89: {  	s3 =	sld [smem:$0x3FFE];
	_ =	sdelay $0x1  }
0x8a: {  	s1 =	srdreg.scid  }
0x8b: {  	s0 =	sand.u32 $0x1, s1  }
0x8c: {  	s17 =	sshll.u32 s0, $0xA;
	s2 =	sadd.s32 s3, s2  }
0x8d: {  	s2 =	sadd.s32 s2, s17  }
0x8e: {  	[smem:$0x3FAD] =	sst s2  }
0x8f: {  	_ = 	snop  }
0x90: {  	(tm) =	ssettm $0x1  }
0x91: {  	s18 =	sld [smem:$0x3FFB];
	_ =	sdelay $0x3  }
0x92: {  	_ =	strace s18  }
0x93: {  	s2 =	sld [smem:$0x3FFC];
	_ =	sdelay $0x3  }
0x94: {  	_ =	strace s2  }
0x95: {  	s2 =	sld [smem:$0x3FFD];
	_ =	sdelay $0x3  }
0x96: {  	_ =	strace s2  }
0x97: {  	_ =	strace $0x8FFFFFFF  }
0x98: {  	s19 =	sld [smem:$0x3FDB];
	_ =	sdelay $0x1  }
0x99: {  	s20 =	simm.s32 $_scs_section_size  }
0x9a: {  	s4 =	simm.s32 $_size__tile_overlayer_lowered;
	s5 =	simm.s32 $_tile_overlayer_lowered  }
0x9b: {  	s6 =	simm.s32 $0x1BFF;
	s21 =	sshll.u32 s5, $0x1;
	s3 =	sadd.s32 s20, s19  }
0x9c: {  	s22 =	simm.s32 $0x0;
	s4 =	sshll.u32 s4, $0x1;
	s5 =	sadd.s32 s21, s3  }
0x9d: {  	[timem:s22], [sflag:s6] =	dma.local [hbm:s5], s4  }
0x9e: {  	_ =	swait.ge [sflag:s6], s4  }
0x9f: {  	s4 =	ssub.s32 $0x0, s4;
	[sflag:s6] =	ssyncset.done $0x0  }
0xa0: {  	[sflag:s6] =	ssyncadd.s32 s4;
	_ =	sdelay $0x1  }
0xa1: {  	s23 =	simm.s32 $0x1B8B  }
0xa2: {  	_ =	swait.ge [sflag:s23], $0x1  }
0xa3: {  	[sflag:s23] =	ssyncset.done $0x0  }
0xa4: {  	[sflag:s23] =	ssyncadd.s32 $0xFFFFFFFF  }
0xa5: {  	s4 =	sld [smem:$0x0]  }
0xa6: {  	s5 =	sand.u32 $0xFFFFFFFE, s1  }
0xa7: {  	p0 =	sne.s32 s1, s5  }
0xa8: {  	s5 =	sshll.u32 @p0 s5, $0xE  }
0xa9: {  	s5 =	sadd.s32 @p0 $0x11B8D, s5;
	s6 =	sshll.u32 @p0 s4, $0x11  }
0xaa: {  	s5 =	sor.u32 @p0 s6, s5  }
0xab: {  	[sflag:s5] =	ssyncadd.remote.s32 @p0 $0x1;
	_ =	sdelay $0x1  }
0xac: {  	s5 =	simm.s32 @p0 $0x1B8D  }
0xad: {  	_ =	swait.eq @p0 [sflag:s5], $0x1  }
0xae: {  	[sflag:s5] =	ssyncadd.s32 @p0 $0xFFFFFFFF  }
0xaf: {  	s6 =	sshll.u32 @!p0 s1, $0xE  }
0xb0: {  	s6 =	sor.u32 @!p0 $0x4000, s6;
	s5 =	simm.s32 @!p0 $0x1B8D  }
0xb1: {  	s4 =	sshll.u32 @!p0 s4, $0x11;
	s6 =	sadd.s32 @!p0 $0x11B8D, s6;
	_ =	swait.eq @!p0 [sflag:s5], $0x1  }
0xb2: {  	s4 =	sor.u32 @!p0 s4, s6;
	[sflag:s5] =	ssyncadd.s32 @!p0 $0xFFFFFFFF  }
0xb3: {  	s25 =	simm.s32 $0x1B8E;
	s24 =	sld [smem:$0x3FFE];
	[sflag:s4] =	ssyncadd.remote.s32 @!p0 $0x1  }
0xb4: {  	s26 =	simm.s32 $execute0_lowered;
	[smem:$0x3FD2] =	sst s25  }
0xb5: {  	s5 =	sshll.u32 s26, $0x1;
	_ =	strace $0x80000052;
	[dreg:$0x1] =	wrdreg $0xFFFFFFFF  }
0xb6: {  	s28 =	simm.s32 $_size_execute0_lowered;
	s3 =	sadd.s32 s3, s5;
	[dreg:$0x0] =	wrdreg $0x0  }
0xb7: {  	s5 =	sshll.u32 s28, $0x1;
	[dreg:$0x2] =	wrdreg s3  }
0xb8: {  	[dreg:$0x3] =	wrdreg s5  }
0xb9: {  	[dreg:$0x4] =	wrdreg $0xC0  }
0xba: {  	_ =	task [dreg:s22], $0x5FFFF  }
0xbb: {  	[dreg:$0x1] =	wrdreg $0xFFFFFFFF  }
0xbc: {  	[dreg:$0x0] =	wrdreg $0x60  }
0xbd: {  	[dreg:$0x2] =	wrdreg s24  }
0xbe: {  	[dreg:$0x3] =	wrdreg $0x9  }
0xbf: {  	_ =	task.clear_ibuf [dreg:s22], $0x4FFFF;
	_ =	strace $0x90000052  }
0xc0: {  	s29 =	simm.s32 $0x9;
	_ =	strace $0x8000005B  }
0xc1: {  	_ =	swait.ge [sflag:s29], $0x1  }
0xc2: {  	[sflag:s29] =	ssyncadd.s32 $0xFFFFFFFF  }
0xc3: {  	_ =	strace $0x9000005B  }
0xc4: {  	_ =	sfence  }
0xc5: {  	s30 =	sld [smem:$0x0];
	_ =	sdelay $0x2  }
0xc6: {  	s31 =	sshll.u32 s1, $0xD;
	s1 =	sshrl.u32 s1, $0x2  }
0xc7: {  	s4 =	sand.u32 $0x4000, s31;
	s1 =	sadd.s32 s1, s30  }
0xc8: {  	s0 =	sor.u32 s4, s0;
	s1 =	sshll.u32 s1, $0x11  }
0xc9: {  	s0 =	sor.u32 s1, s0  }
0xca: {  	s0 =	sadd.s32 $0x8F2B, s0  }
0xcb: {  	[sflag:s0] =	ssyncadd.remote.s32 $0x1  }
0xcc: {  	_ =	sfence.sel $0xFFFF  }
0xcd: {  	[dreg:$0x0] =	wrdreg $0xFFFFFFFF;
	(pc) =	sbr.abs _section_cstart, $3  }
0xce: {  	[dreg:$0x1] =	wrdreg $0xFFFFFFFF  }
0xcf: {  	_ =	task.clear_ibuf [dreg:s22], $0x2FFFF;
	_ =	strace $0x9FFFFFFF  }
0xd0: {  	(tm) =	ssettm $0x7FFFFFFF  }
0xd1: {  	_ =	shalt  }
tec
execute0_lowered:
.L_overlay_start_1:
0x0: {  	(tag) =	ssettag $0x1  }
0x1: {  	s0 =	srdreg.scid  }
0x2: {  	s20 =	sand.u32 $0x1, s0  }
0x3: {  	s1 =	stileid.u32;
	s3 =	sshll.u32 s20, $0x4  }
0x4: {  	s10 =	rddreg [dreg:$0x0];
	s2 =	simm.s32 $0x0;
	s11 =	sor.u32 s1, s3  }
0x5: {  	[smem:$0x7FF] =	sst s2;
	s3 =	sshll.u32 s11, $0x6  }
0x6: {  	s0 =	rddreg [dreg:$0x1];
	_ =	strace $0x80000053;
	s16 =	sadd.s32 s3, s10  }
0x7: {  	_ =	strace $0x80000054;
	s3 =	sadd.s32 $0x47000, s16  }
0x8: {  	[tilespmem:s2], [sflag:$0x1] =	stream.linear.gather [hbm4b:s3+s2], $0x80, $0x200038;
	[tilespmem:$0x8100] =	vst v63  }
0x9: {  	_ =	strace $0x90000054  }
0xa: {  	s5 =	simm.s32 $0x80;
	s4 =	sadd.s32 $0x47010, s16;
	_ =	strace $0x80000055  }
0xb: {  	[tilespmem:s5], [sflag:$0x2] =	stream.linear.gather [hbm4b:s4+s2], $0x80, $0x200038;
	[tilespmem:$0x8100] =	vst v63  }
0xc: {  	_ =	strace $0x90000055  }
0xd: {  	s6 =	simm.s32 $0x1;
	_ =	strace $0x80000056  }
0xe: {  	_ =	swait.ge [sflag:s6], $0x80  }
0xf: {  	[sflag:s6] =	ssyncset.done $0x0  }
0x10: {  	[sflag:s6] =	ssyncadd.s32 $0xFFFFFF80  }
0x11: {  	s8 =	simm.s32 $0x100;
	_ =	strace $0x90000056  }
0x12: {  	s9 =	simm.s32 $0x5;
	s7 =	sadd.s32 $0x47800, s10;
	_ =	strace $0x80000057  }
0x13: {  	[tilespmem:s8], [sflag:$0x5] =	stream.indirect.gather [hbm4b:s7+s5], $0x80, s2, s5, $0x2000b8;
	[tilespmem:$0x8100] =	vst v63  }
0x14: {  	_ =	swait.ge [sflag:s9], $0x4000  }
0x15: {  	[sflag:s9] =	ssyncset.done $0x0  }
0x16: {  	s11 =	sshll.u32 s11, $0xD;
	[sflag:s9] =	ssyncadd.s32 $0xFFFFC000  }
0x17: {  	s19 =	sadd.s32 s11, s10;
	_ =	strace $0x90000057  }
0x18: {  	s10 =	sadd.s32 $0x48A00, s19;
	_ =	strace $0x80000058  }
0x19: {  	[hbm4b:s10+s2] =	stream.linear.scatter [tilespmem:s8], [sflag:$0x3], $0x4000, $0x200038;
	[tilespmem:$0x8100] =	vst v63  }
0x1a: {  	_ =	strace $0x90000058  }
0x1b: {  	s11 =	sadd.s32 $0x47020, s16;
	_ =	strace $0x80000055  }
0x1c: {  	[tilespmem:s2], [sflag:$0x1] =	stream.linear.gather [hbm4b:s11+s2], $0x80, $0x200038;
	[tilespmem:$0x8100] =	vst v63  }
0x1d: {  	_ =	strace $0x90000055  }
0x1e: {  	s12 =	simm.s32 $0x2;
	_ =	strace $0x80000056  }
0x1f: {  	_ =	swait.ge [sflag:s12], $0x80  }
0x20: {  	[sflag:s12] =	ssyncset.done $0x0  }
0x21: {  	[sflag:s12] =	ssyncadd.s32 $0xFFFFFF80  }
0x22: {  	_ =	strace $0x90000056  }
0x23: {  	s13 =	simm.s32 $0x4100;
	_ =	strace $0x80000057  }
0x24: {  	[tilespmem:s13], [sflag:$0x5] =	stream.indirect.gather [hbm4b:s7+s5], $0x80, s5, s5, $0x2000b8;
	[tilespmem:$0x8100] =	vst v63  }
0x25: {  	_ =	swait.ge [sflag:s9], $0x4000  }
0x26: {  	[sflag:s9] =	ssyncset.done $0x0  }
0x27: {  	[sflag:s9] =	ssyncadd.s32 $0xFFFFC000  }
0x28: {  	_ =	strace $0x90000057  }
0x29: {  	s14 =	sadd.s32 $0x49200, s19;
	_ =	strace $0x80000058  }
0x2a: {  	[hbm4b:s14+s2] =	stream.linear.scatter [tilespmem:s13], [sflag:$0x4], $0x4000, $0x200038;
	[tilespmem:$0x8100] =	vst v63  }
0x2b: {  	_ =	strace $0x90000058  }
0x2c: {  	s15 =	simm.s32 $0x3;
	_ =	strace $0x80000059  }
0x2d: {  	_ =	swait.ge [sflag:s15], $0x4000  }
0x2e: {  	[sflag:s15] =	ssyncset.done $0x0  }
0x2f: {  	[sflag:s15] =	ssyncadd.s32 $0xFFFFC000  }
0x30: {  	_ =	strace $0x90000059  }
0x31: {  	s16 =	sadd.s32 $0x47030, s16;
	_ =	strace $0x80000055  }
0x32: {  	[tilespmem:s5], [sflag:$0x2] =	stream.linear.gather [hbm4b:s16+s2], $0x80, $0x200038;
	[tilespmem:$0x8100] =	vst v63  }
0x33: {  	_ =	strace $0x90000055  }
0x34: {  	_ =	strace $0x80000056  }
0x35: {  	_ =	swait.ge [sflag:s6], $0x80  }
0x36: {  	[sflag:s6] =	ssyncset.done $0x0  }
0x37: {  	[sflag:s6] =	ssyncadd.s32 $0xFFFFFF80  }
0x38: {  	_ =	strace $0x90000056  }
0x39: {  	_ =	strace $0x80000057  }
0x3a: {  	[tilespmem:s8], [sflag:$0x5] =	stream.indirect.gather [hbm4b:s7+s5], $0x80, s2, s5, $0x2000b8;
	[tilespmem:$0x8100] =	vst v63  }
0x3b: {  	_ =	swait.ge [sflag:s9], $0x4000  }
0x3c: {  	[sflag:s9] =	ssyncset.done $0x0  }
0x3d: {  	[sflag:s9] =	ssyncadd.s32 $0xFFFFC000  }
0x3e: {  	_ =	strace $0x90000057  }
0x3f: {  	s17 =	sadd.s32 $0x49A00, s19;
	_ =	strace $0x80000058  }
0x40: {  	[hbm4b:s17+s2] =	stream.linear.scatter [tilespmem:s8], [sflag:$0x3], $0x4000, $0x200038;
	[tilespmem:$0x8100] =	vst v63  }
0x41: {  	_ =	strace $0x90000058  }
0x42: {  	s18 =	simm.s32 $0x4;
	_ =	strace $0x80000059  }
0x43: {  	_ =	swait.ge [sflag:s18], $0x4000  }
0x44: {  	[sflag:s18] =	ssyncset.done $0x0  }
0x45: {  	[sflag:s18] =	ssyncadd.s32 $0xFFFFC000  }
0x46: {  	_ =	strace $0x90000059  }
0x47: {  	_ =	strace $0x80000056  }
0x48: {  	_ =	swait.ge [sflag:s12], $0x80  }
0x49: {  	[sflag:s12] =	ssyncset.done $0x0  }
0x4a: {  	[sflag:s12] =	ssyncadd.s32 $0xFFFFFF80  }
0x4b: {  	_ =	strace $0x90000056  }
0x4c: {  	_ =	strace $0x80000057  }
0x4d: {  	[tilespmem:s13], [sflag:$0x5] =	stream.indirect.gather [hbm4b:s7+s5], $0x80, s5, s5, $0x2000b8;
	[tilespmem:$0x8100] =	vst v63  }
0x4e: {  	_ =	swait.ge [sflag:s9], $0x4000  }
0x4f: {  	[sflag:s9] =	ssyncset.done $0x0  }
0x50: {  	[sflag:s9] =	ssyncadd.s32 $0xFFFFC000  }
0x51: {  	_ =	strace $0x90000057  }
0x52: {  	s19 =	sadd.s32 $0x4A200, s19;
	_ =	strace $0x80000058  }
0x53: {  	[hbm4b:s19+s2] =	stream.linear.scatter [tilespmem:s13], [sflag:$0x4], $0x4000, $0x200038;
	[tilespmem:$0x8100] =	vst v63  }
0x54: {  	s20 =	ssub.s32 $0x2, s20;
	_ =	strace $0x90000058  }
0x55: {  	s21 =	sshrl.u32 s20, $0x1;
	_ =	strace $0x80000059  }
0x56: {  	s20 =	ssub.s32 s20, s21;
	_ =	swait.ge [sflag:s15], $0x4000  }
0x57: {  	s20 =	smax.u32 s20, $0x1;
	[sflag:s15] =	ssyncset.done $0x0  }
0x58: {  	p0 =	sne.s32 s20, $0x1;
	[sflag:s15] =	ssyncadd.s32 $0xFFFFC000  }
.Ltmp0:
0x59: {  	_ =	strace $0x90000059;
	(pc) =	sbr.rel @!p0 .LBB2_2-.Ltmp0, $4  }
0x5a: {  	_ =	strace $0x8000005A  }
0x5b: {  	_ =	swait.ge [sflag:s18], $0x4000  }
0x5c: {  	[sflag:s18] =	ssyncset.done $0x0  }
0x5d: {  	s20 =	sadd.s32 $0xFFFFFFFF, s20;
	[sflag:s18] =	ssyncadd.s32 $0xFFFFC000  }
.LBB2_1:
0x5e: {  	p0 =	sne.s32 s20, $0x1;
	s20 =	sadd.s32 $0xFFFFFFFF, s20;
	_ =	strace $0x9000005A  }
0x5f: {  	_ =	strace $0x80000054  }
0x60: {  	[tilespmem:s2], [sflag:$0x1] =	stream.linear.gather [hbm4b:s3+s2], $0x80, $0x200038;
	[tilespmem:$0x8100] =	vst v63  }
0x61: {  	_ =	strace $0x90000054  }
0x62: {  	_ =	strace $0x80000055  }
0x63: {  	[tilespmem:s5], [sflag:$0x2] =	stream.linear.gather [hbm4b:s4+s2], $0x80, $0x200038;
	[tilespmem:$0x8100] =	vst v63  }
0x64: {  	_ =	strace $0x90000055  }
0x65: {  	_ =	strace $0x80000056  }
0x66: {  	_ =	swait.ge [sflag:s6], $0x80  }
0x67: {  	[sflag:s6] =	ssyncset.done $0x0  }
0x68: {  	[sflag:s6] =	ssyncadd.s32 $0xFFFFFF80  }
0x69: {  	_ =	strace $0x90000056  }
0x6a: {  	_ =	strace $0x80000057  }
0x6b: {  	[tilespmem:s8], [sflag:$0x5] =	stream.indirect.gather [hbm4b:s7+s5], $0x80, s2, s5, $0x2000b8;
	[tilespmem:$0x8100] =	vst v63  }
0x6c: {  	_ =	swait.ge [sflag:s9], $0x4000  }
0x6d: {  	[sflag:s9] =	ssyncset.done $0x0  }
0x6e: {  	[sflag:s9] =	ssyncadd.s32 $0xFFFFC000  }
0x6f: {  	_ =	strace $0x90000057  }
0x70: {  	_ =	strace $0x80000058  }
0x71: {  	[hbm4b:s10+s2] =	stream.linear.scatter [tilespmem:s8], [sflag:$0x3], $0x4000, $0x200038;
	[tilespmem:$0x8100] =	vst v63  }
0x72: {  	_ =	strace $0x90000058  }
0x73: {  	_ =	strace $0x80000055  }
0x74: {  	[tilespmem:s2], [sflag:$0x1] =	stream.linear.gather [hbm4b:s11+s2], $0x80, $0x200038;
	[tilespmem:$0x8100] =	vst v63  }
0x75: {  	_ =	strace $0x90000055  }
0x76: {  	_ =	strace $0x80000056  }
0x77: {  	_ =	swait.ge [sflag:s12], $0x80  }
0x78: {  	[sflag:s12] =	ssyncset.done $0x0  }
0x79: {  	[sflag:s12] =	ssyncadd.s32 $0xFFFFFF80  }
0x7a: {  	_ =	strace $0x90000056  }
0x7b: {  	_ =	strace $0x80000057  }
0x7c: {  	[tilespmem:s13], [sflag:$0x5] =	stream.indirect.gather [hbm4b:s7+s5], $0x80, s5, s5, $0x2000b8;
	[tilespmem:$0x8100] =	vst v63  }
0x7d: {  	_ =	swait.ge [sflag:s9], $0x4000  }
0x7e: {  	[sflag:s9] =	ssyncset.done $0x0  }
0x7f: {  	[sflag:s9] =	ssyncadd.s32 $0xFFFFC000  }
0x80: {  	_ =	strace $0x90000057  }
0x81: {  	_ =	strace $0x80000058  }
0x82: {  	[hbm4b:s14+s2] =	stream.linear.scatter [tilespmem:s13], [sflag:$0x4], $0x4000, $0x200038;
	[tilespmem:$0x8100] =	vst v63  }
0x83: {  	_ =	strace $0x90000058  }
0x84: {  	_ =	strace $0x80000059  }
0x85: {  	_ =	swait.ge [sflag:s15], $0x4000  }
0x86: {  	[sflag:s15] =	ssyncset.done $0x0  }
0x87: {  	[sflag:s15] =	ssyncadd.s32 $0xFFFFC000  }
0x88: {  	_ =	strace $0x90000059  }
0x89: {  	_ =	strace $0x80000055  }
0x8a: {  	[tilespmem:s5], [sflag:$0x2] =	stream.linear.gather [hbm4b:s16+s2], $0x80, $0x200038;
	[tilespmem:$0x8100] =	vst v63  }
0x8b: {  	_ =	strace $0x90000055  }
0x8c: {  	_ =	strace $0x80000056  }
0x8d: {  	_ =	swait.ge [sflag:s6], $0x80  }
0x8e: {  	[sflag:s6] =	ssyncset.done $0x0  }
0x8f: {  	[sflag:s6] =	ssyncadd.s32 $0xFFFFFF80  }
0x90: {  	_ =	strace $0x90000056  }
0x91: {  	_ =	strace $0x80000057  }
0x92: {  	[tilespmem:s8], [sflag:$0x5] =	stream.indirect.gather [hbm4b:s7+s5], $0x80, s2, s5, $0x2000b8;
	[tilespmem:$0x8100] =	vst v63  }
0x93: {  	_ =	swait.ge [sflag:s9], $0x4000  }
0x94: {  	[sflag:s9] =	ssyncset.done $0x0  }
0x95: {  	[sflag:s9] =	ssyncadd.s32 $0xFFFFC000  }
0x96: {  	_ =	strace $0x90000057  }
0x97: {  	_ =	strace $0x80000058  }
0x98: {  	[hbm4b:s17+s2] =	stream.linear.scatter [tilespmem:s8], [sflag:$0x3], $0x4000, $0x200038;
	[tilespmem:$0x8100] =	vst v63  }
0x99: {  	_ =	strace $0x90000058  }
0x9a: {  	_ =	strace $0x80000059  }
0x9b: {  	_ =	swait.ge [sflag:s18], $0x4000  }
0x9c: {  	[sflag:s18] =	ssyncset.done $0x0  }
0x9d: {  	[sflag:s18] =	ssyncadd.s32 $0xFFFFC000  }
0x9e: {  	_ =	strace $0x90000059  }
0x9f: {  	_ =	strace $0x80000056  }
0xa0: {  	_ =	swait.ge [sflag:s12], $0x80  }
0xa1: {  	[sflag:s12] =	ssyncset.done $0x0  }
0xa2: {  	[sflag:s12] =	ssyncadd.s32 $0xFFFFFF80  }
0xa3: {  	_ =	strace $0x90000056  }
0xa4: {  	_ =	strace $0x80000057  }
0xa5: {  	[tilespmem:s13], [sflag:$0x5] =	stream.indirect.gather [hbm4b:s7+s5], $0x80, s5, s5, $0x2000b8;
	[tilespmem:$0x8100] =	vst v63  }
0xa6: {  	_ =	swait.ge [sflag:s9], $0x4000  }
0xa7: {  	[sflag:s9] =	ssyncset.done $0x0  }
0xa8: {  	[sflag:s9] =	ssyncadd.s32 $0xFFFFC000  }
0xa9: {  	_ =	strace $0x90000057  }
0xaa: {  	_ =	strace $0x80000058  }
0xab: {  	[hbm4b:s19+s2] =	stream.linear.scatter [tilespmem:s13], [sflag:$0x4], $0x4000, $0x200038;
	[tilespmem:$0x8100] =	vst v63  }
0xac: {  	_ =	strace $0x90000058  }
0xad: {  	_ =	strace $0x80000059  }
0xae: {  	_ =	swait.ge [sflag:s15], $0x4000  }
0xaf: {  	[sflag:s15] =	ssyncset.done $0x0  }
0xb0: {  	[sflag:s15] =	ssyncadd.s32 $0xFFFFC000  }
.Ltmp1:
0xb1: {  	_ =	strace $0x90000059;
	(pc) =	sbr.rel @p0 .LBB2_1-.Ltmp1, $4  }
0xb2: {  	_ =	strace $0x8000005A  }
0xb3: {  	_ =	swait.ge [sflag:s18], $0x4000  }
0xb4: {  	[sflag:s18] =	ssyncset.done $0x0  }
0xb5: {  	[sflag:s18] =	ssyncadd.s32 $0xFFFFC000  }
.LBB2_2:
0xb6: {  	_ =	strace $0x9000005A  }
0xb7: {  	_ =	sfence.sel $0x180000  }
0xb8: {  	[bflag:$0x0] =	sbarrier.arrive $0xFFFF  }
0xb9: {  	p0 =	sne.s32 s1, $0x0;
	_ =	strace $0x90000053  }
0xba: {  	s0 =	sadd.s32 @!p0 $0x100000, s0;
	[bflag:$0x2] =	sbarrier.arrive $0xFFFF  }
0xbb: {  	[sflag:s0] =	ssyncadd.tile.s32 @!p0 $0x1;
	_ =	shalt  }
.Lfunc_end2:
_tile_overlayer_lowered:
.L_overlay_start_2:
0xbc: {  	(tag) =	ssettag $0x2  }
0xbd: {  	s0 =	rddreg [dreg:$0x0];
	s2 =	stileid.u32  }
0xbe: {  	s1 =	rddreg [dreg:$0x1];
	p0 =	sne.s32 s2, $0x0  }
0xbf: {  	s3 =	rddreg [dreg:$0x2];
	[bflag:$0x3] =	sbarrier.arrive $0xFFFF;
	s2 =	simm.s32 @!p0 $0x1C01  }
0xc0: {  	[timem:s3], [sflag:s2] =	dma.local @!p0 [hbm:s0], s1  }
0xc1: {  	s0 =	simm.s32 @!p0 $0x1  }
0xc2: {  	_ =	swait.ge @!p0 [sflag:s0], s1  }
0xc3: {  	s1 =	ssub.s32 @!p0 $0x0, s1;
	[sflag:s0] =	ssyncset.done @!p0 $0x0  }
0xc4: {  	[sflag:s0] =	ssyncadd.s32 @!p0 s1  }
0xc5: {  	[bflag:$0x3] =	sbarrier.arrive $0xFFFF  }
0xc6: {  	_ =	shalt  }

// kernel: kernel.18.cloned.1.call-start
scs
__scs_entry_jumppad:
0x0: {  	(pc) =	sbr.rel $0x88, $3  }
0x1: {  	(tag) =	ssettag $0x0;
	lr =	simm.s32 $0x1  }
0x2: {  	[smem:$0x3F86] =	sst lr;
	_ =	strace $0xD0000000  }
0x3: {  	_ = 	snop  }
0x4: {  	_ = 	snop  }
0x5: {  	_ = 	snop  }
0x6: {  	_ = 	snop  }
0x7: {  	_ = 	snop  }
__scs_overlays_trampoline_lowered:
0x8: {  	[smem:$0x3F95] =	sst s0  }
0x9: {  	[smem:$0x3F96] =	sst s1  }
0xa: {  	[smem:$0x3F97] =	sst s2  }
0xb: {  	[smem:$0x3F98] =	sst s3  }
0xc: {  	[smem:$0x3F99] =	sst s4  }
0xd: {  	[smem:$0x3F9A] =	sst s5  }
0xe: {  	[smem:$0x3F9B] =	sst s6  }
0xf: {  	[smem:$0x3F9C] =	sst s7  }
0x10: {  	[smem:$0x3F9D] =	sst s8  }
0x11: {  	[smem:$0x3F9E] =	sst s9;
	s0 =	simm.s32 @!p0 $0x0  }
0x12: {  	s1 =	sld [smem:$0x3F84];
	s0 =	simm.s32 @p0 $0x1  }
0x13: {  	[smem:$0x3F9F] =	sst s0;
	s0 =	simm.s32 @!p1 $0x0  }
0x14: {  	s2 =	sld [smem:$0x3F83];
	s0 =	simm.s32 @p1 $0x1  }
0x15: {  	[smem:$0x3FA0] =	sst s0;
	s0 =	simm.s32 @!p2 $0x0  }
0x16: {  	s3 =	sld [smem:$0x3FDB];
	s0 =	simm.s32 @p2 $0x1  }
0x17: {  	s4 =	simm.s32 $0x1BF5;
	[smem:$0x3FA2] =	sst s0  }
0x18: {  	s0 =	sld [smem:$0x3F85];
	_ =	swait.ge [sflag:s4], $0x0  }
0x19: {  	s7 =	sld [smem:$0x3F86]  }
0x1a: {  	s8 =	sadd.s32 $0xFFFFE003, lr  }
0x1b: {  	s9 =	sadd.s32 $0xFFFFFEF7, lr;
	s5 =	simm.s32 $0xFFFFFFFF;
	p2 =	slt.u32 s8, $0xFFFFF086  }
0x1c: {  	p1 =	slt.u32 s9, $0xF7A;
	s5 =	simm.s32 @!p2 $0x0  }
0x1d: {  	s5 =	simm.s32 @p1 $0x1;
	p0 =	seq.s32 s7, s2  }
0x1e: {  	s7 =	smul.u32 @!p0 $0xF7A, s2;
	p2 =	seq.s32 @!p0 s5, $0x0  }
0x1f: {  	s9 =	smul.u32 $0xF7A, s1;
	s8 =	simm.s32 @!p0 $0x1BF5;
	p2 =	por !p2, p0  }
0x20: {  	[sflag:s8] =	ssyncset.s32 @!p0 $0xFFFFF086;
	s6 =	sadd.s32 @!p0 s3, s7;
	s7 =	simm.s32 @!p0 $0x108  }
0x21: {  	s3 =	sadd.s32 s3, s9;
	s6 =	sadd.s32 @!p0 $0x88, s6;
	s7 =	simm.s32 @p2 $0x1082  }
0x22: {  	[simem:s7], [sflag:s8] =	dma.local @!p0 [hbm:s6], $0xF7A  }
0x23: {  	s9 =	sor.u32 $0xD0000000, s2;
	s6 =	simm.s32 $0x108;
	_ =	swait.ge @!p0 [sflag:s8], $0x0  }
0x24: {  	s3 =	sadd.s32 $0x88, s3;
	s6 =	simm.s32 @!p1 $0x1082;
	[sflag:s4] =	ssyncset.s32 $0xFFFFF086  }
0x25: {  	[simem:s6], [sflag:s4] =	dma.local [hbm:s3], $0xF7A  }
0x26: {  	[smem:$0x3F86] =	sst s1;
	(tag) =	ssettag s2;
	_ =	strace s9  }
0x27: {  	s1 =	sld [smem:$0x3F96]  }
0x28: {  	s2 =	sld [smem:$0x3F97]  }
0x29: {  	s4 =	sld [smem:$0x3F99]  }
0x2a: {  	p0 =	seq.s32 s5, $0x0;
	s5 =	sld [smem:$0x3F9A]  }
0x2b: {  	s6 =	sld [smem:$0x3F9B]  }
0x2c: {  	s7 =	sld [smem:$0x3F9C]  }
0x2d: {  	s3 =	simm.s32 $0x108;
	s8 =	sld [smem:$0x3F9D]  }
0x2e: {  	s3 =	simm.s32 @!p0 $0x1082;
	s9 =	sld [smem:$0x3F9E]  }
0x2f: {  	lr =	sadd.s32 s0, s3;
	s0 =	sld [smem:$0x3F95]  }
0x30: {  	s3 =	sld [smem:$0x3F98]  }
0x31: {  	[smem:$0x3FA1] =	sst s10  }
0x32: {  	s10 =	sld [smem:$0x3F9F];
	_ =	sdelay $0x3  }
0x33: {  	p0 =	seq.s32 s10, $0x1;
	s10 =	sld [smem:$0x3FA1];
	_ =	sdelay $0x3  }
0x34: {  	[smem:$0x3FA1] =	sst s10  }
0x35: {  	s10 =	sld [smem:$0x3FA0];
	_ =	sdelay $0x3  }
0x36: {  	p1 =	seq.s32 s10, $0x1;
	s10 =	sld [smem:$0x3FA1];
	_ =	sdelay $0x3  }
0x37: {  	[smem:$0x3FA1] =	sst s10  }
0x38: {  	s10 =	sld [smem:$0x3FA2]  }
0x39: {  	_ = 	snop;
	(pc) =	sbr.ind lr, $3  }
0x3a: {  	_ = 	snop  }
0x3b: {  	_ = 	snop  }
0x3c: {  	p2 =	seq.s32 s10, $0x1;
	s10 =	sld [smem:$0x3FA1]  }
0x3d: {  	_ =	shalt  }
0x3e: {  	_ =	shalt  }
0x3f: {  	_ =	shalt  }
0x40: {  	_ =	shalt  }
0x41: {  	_ =	shalt  }
0x42: {  	_ =	shalt  }
0x43: {  	_ =	shalt  }
0x44: {  	_ =	shalt  }
0x45: {  	_ =	shalt  }
0x46: {  	_ =	shalt  }
0x47: {  	_ =	shalt  }
0x48: {  	_ =	shalt  }
0x49: {  	_ =	shalt  }
0x4a: {  	_ =	shalt  }
0x4b: {  	_ =	shalt  }
0x4c: {  	_ =	shalt  }
0x4d: {  	_ =	shalt  }
0x4e: {  	_ =	shalt  }
0x4f: {  	_ =	shalt  }
0x50: {  	_ =	shalt  }
0x51: {  	_ =	shalt  }
0x52: {  	_ =	shalt  }
0x53: {  	_ =	shalt  }
0x54: {  	_ =	shalt  }
0x55: {  	_ =	shalt  }
0x56: {  	_ =	shalt  }
0x57: {  	_ =	shalt  }
0x58: {  	_ =	shalt  }
0x59: {  	_ =	shalt  }
0x5a: {  	_ =	shalt  }
0x5b: {  	_ =	shalt  }
0x5c: {  	_ =	shalt  }
0x5d: {  	_ =	shalt  }
0x5e: {  	_ =	shalt  }
0x5f: {  	_ =	shalt  }
0x60: {  	_ =	shalt  }
0x61: {  	_ =	shalt  }
0x62: {  	_ =	shalt  }
0x63: {  	_ =	shalt  }
0x64: {  	_ =	shalt  }
0x65: {  	_ =	shalt  }
0x66: {  	_ =	shalt  }
0x67: {  	_ =	shalt  }
0x68: {  	_ =	shalt  }
0x69: {  	_ =	shalt  }
0x6a: {  	_ =	shalt  }
0x6b: {  	_ =	shalt  }
0x6c: {  	_ =	shalt  }
0x6d: {  	_ =	shalt  }
0x6e: {  	_ =	shalt  }
0x6f: {  	_ =	shalt  }
0x70: {  	_ =	shalt  }
0x71: {  	_ =	shalt  }
0x72: {  	_ =	shalt  }
0x73: {  	_ =	shalt  }
0x74: {  	_ =	shalt  }
0x75: {  	_ =	shalt  }
0x76: {  	_ =	shalt  }
0x77: {  	_ =	shalt  }
0x78: {  	_ =	shalt  }
0x79: {  	_ =	shalt  }
0x7a: {  	_ =	shalt  }
0x7b: {  	_ =	shalt  }
0x7c: {  	_ =	shalt  }
0x7d: {  	_ =	shalt  }
0x7e: {  	_ =	shalt  }
0x7f: {  	_ =	shalt  }
0x80: {  	_ =	shalt  }
0x81: {  	_ =	shalt  }
0x82: {  	_ =	shalt  }
0x83: {  	_ =	shalt  }
0x84: {  	_ =	shalt  }
0x85: {  	_ =	shalt  }
0x86: {  	_ =	shalt  }
0x87: {  	_ =	shalt  }
.Lfunc_end0:
.L_simem_size_0:
called_computation.1_lowered:
.L_overlay_start_0:
0x88: {  	s2 =	sld [smem:$0x3FD9]  }
0x89: {  	s3 =	sld [smem:$0x3FFE];
	_ =	sdelay $0x1  }
0x8a: {  	s1 =	srdreg.scid  }
0x8b: {  	s0 =	sand.u32 $0x1, s1  }
0x8c: {  	s17 =	sshll.u32 s0, $0xA;
	s2 =	sadd.s32 s3, s2  }
0x8d: {  	s2 =	sadd.s32 s2, s17  }
0x8e: {  	[smem:$0x3FAD] =	sst s2  }
0x8f: {  	_ = 	snop  }
0x90: {  	(tm) =	ssettm $0x1  }
0x91: {  	s18 =	sld [smem:$0x3FFB];
	_ =	sdelay $0x3  }
0x92: {  	_ =	strace s18  }
0x93: {  	s2 =	sld [smem:$0x3FFC];
	_ =	sdelay $0x3  }
0x94: {  	_ =	strace s2  }
0x95: {  	s2 =	sld [smem:$0x3FFD];
	_ =	sdelay $0x3  }
0x96: {  	_ =	strace s2  }
0x97: {  	_ =	strace $0x8FFFFFFF  }
0x98: {  	s19 =	sld [smem:$0x3FDB];
	_ =	sdelay $0x1  }
0x99: {  	s20 =	simm.s32 $_scs_section_size  }
0x9a: {  	s4 =	simm.s32 $_size__tile_overlayer_lowered;
	s5 =	simm.s32 $_tile_overlayer_lowered  }
0x9b: {  	s6 =	simm.s32 $0x1BFF;
	s21 =	sshll.u32 s5, $0x1;
	s3 =	sadd.s32 s20, s19  }
0x9c: {  	s22 =	simm.s32 $0x0;
	s4 =	sshll.u32 s4, $0x1;
	s5 =	sadd.s32 s21, s3  }
0x9d: {  	[timem:s22], [sflag:s6] =	dma.local [hbm:s5], s4  }
0x9e: {  	_ =	swait.ge [sflag:s6], s4  }
0x9f: {  	s4 =	ssub.s32 $0x0, s4;
	[sflag:s6] =	ssyncset.done $0x0  }
0xa0: {  	[sflag:s6] =	ssyncadd.s32 s4;
	_ =	sdelay $0x1  }
0xa1: {  	s23 =	simm.s32 $0x1B8B  }
0xa2: {  	_ =	swait.ge [sflag:s23], $0x1  }
0xa3: {  	[sflag:s23] =	ssyncset.done $0x0  }
0xa4: {  	[sflag:s23] =	ssyncadd.s32 $0xFFFFFFFF  }
0xa5: {  	s4 =	sld [smem:$0x0]  }
0xa6: {  	s5 =	sand.u32 $0xFFFFFFFE, s1  }
0xa7: {  	p0 =	sne.s32 s1, s5  }
0xa8: {  	s5 =	sshll.u32 @p0 s5, $0xE  }
0xa9: {  	s5 =	sadd.s32 @p0 $0x11B8D, s5;
	s6 =	sshll.u32 @p0 s4, $0x11  }
0xaa: {  	s5 =	sor.u32 @p0 s6, s5  }
0xab: {  	[sflag:s5] =	ssyncadd.remote.s32 @p0 $0x1;
	_ =	sdelay $0x1  }
0xac: {  	s5 =	simm.s32 @p0 $0x1B8D  }
0xad: {  	_ =	swait.eq @p0 [sflag:s5], $0x1  }
0xae: {  	[sflag:s5] =	ssyncadd.s32 @p0 $0xFFFFFFFF  }
0xaf: {  	s6 =	sshll.u32 @!p0 s1, $0xE  }
0xb0: {  	s6 =	sor.u32 @!p0 $0x4000, s6;
	s5 =	simm.s32 @!p0 $0x1B8D  }
0xb1: {  	s4 =	sshll.u32 @!p0 s4, $0x11;
	s6 =	sadd.s32 @!p0 $0x11B8D, s6;
	_ =	swait.eq @!p0 [sflag:s5], $0x1  }
0xb2: {  	s4 =	sor.u32 @!p0 s4, s6;
	[sflag:s5] =	ssyncadd.s32 @!p0 $0xFFFFFFFF  }
0xb3: {  	s25 =	simm.s32 $0x1B8E;
	s24 =	sld [smem:$0x3FFE];
	[sflag:s4] =	ssyncadd.remote.s32 @!p0 $0x1  }
0xb4: {  	s26 =	simm.s32 $execute0_lowered;
	[smem:$0x3FD2] =	sst s25  }
0xb5: {  	s5 =	sshll.u32 s26, $0x1;
	_ =	strace $0x8000005C;
	[dreg:$0x1] =	wrdreg $0xFFFFFFFF  }
0xb6: {  	s28 =	simm.s32 $_size_execute0_lowered;
	s3 =	sadd.s32 s3, s5;
	[dreg:$0x0] =	wrdreg $0x0  }
0xb7: {  	s5 =	sshll.u32 s28, $0x1;
	[dreg:$0x2] =	wrdreg s3  }
0xb8: {  	[dreg:$0x3] =	wrdreg s5  }
0xb9: {  	[dreg:$0x4] =	wrdreg $0xC0  }
0xba: {  	_ =	task [dreg:s22], $0x5FFFF  }
0xbb: {  	[dreg:$0x1] =	wrdreg $0xFFFFFFFF  }
0xbc: {  	[dreg:$0x0] =	wrdreg $0x60  }
0xbd: {  	[dreg:$0x2] =	wrdreg s24  }
0xbe: {  	[dreg:$0x3] =	wrdreg $0xA  }
0xbf: {  	_ =	task.clear_ibuf [dreg:s22], $0x4FFFF;
	_ =	strace $0x9000005C  }
0xc0: {  	s29 =	simm.s32 $0xA;
	_ =	strace $0x80000065  }
0xc1: {  	_ =	swait.ge [sflag:s29], $0x1  }
0xc2: {  	[sflag:s29] =	ssyncadd.s32 $0xFFFFFFFF  }
0xc3: {  	_ =	strace $0x90000065  }
0xc4: {  	_ =	sfence  }
0xc5: {  	s30 =	sld [smem:$0x0];
	_ =	sdelay $0x2  }
0xc6: {  	s31 =	sshll.u32 s1, $0xD;
	s1 =	sshrl.u32 s1, $0x2  }
0xc7: {  	s4 =	sand.u32 $0x4000, s31;
	s1 =	sadd.s32 s1, s30  }
0xc8: {  	s0 =	sor.u32 s4, s0;
	s1 =	sshll.u32 s1, $0x11  }
0xc9: {  	s0 =	sor.u32 s1, s0  }
0xca: {  	s0 =	sadd.s32 $0x8F2B, s0  }
0xcb: {  	[sflag:s0] =	ssyncadd.remote.s32 $0x1  }
0xcc: {  	_ =	sfence.sel $0xFFFF  }
0xcd: {  	[dreg:$0x0] =	wrdreg $0xFFFFFFFF;
	(pc) =	sbr.abs _section_cstart, $3  }
0xce: {  	[dreg:$0x1] =	wrdreg $0xFFFFFFFF  }
0xcf: {  	_ =	task.clear_ibuf [dreg:s22], $0x2FFFF;
	_ =	strace $0x9FFFFFFF  }
0xd0: {  	(tm) =	ssettm $0x7FFFFFFF  }
0xd1: {  	_ =	shalt  }
tec
execute0_lowered:
.L_overlay_start_1:
0x0: {  	(tag) =	ssettag $0x1  }
0x1: {  	s0 =	srdreg.scid  }
0x2: {  	s20 =	sand.u32 $0x1, s0  }
0x3: {  	s1 =	stileid.u32;
	s3 =	sshll.u32 s20, $0x4  }
0x4: {  	s10 =	rddreg [dreg:$0x0];
	s2 =	simm.s32 $0x0;
	s11 =	sor.u32 s1, s3  }
0x5: {  	[smem:$0x7FF] =	sst s2;
	s3 =	sshll.u32 s11, $0x6  }
0x6: {  	s0 =	rddreg [dreg:$0x1];
	_ =	strace $0x8000005D;
	s16 =	sadd.s32 s3, s10  }
0x7: {  	_ =	strace $0x8000005E;
	s3 =	sadd.s32 $0x47000, s16  }
0x8: {  	[tilespmem:s2], [sflag:$0x1] =	stream.linear.gather [hbm4b:s3+s2], $0x80, $0x200038;
	[tilespmem:$0x8100] =	vst v63  }
0x9: {  	_ =	strace $0x9000005E  }
0xa: {  	s5 =	simm.s32 $0x80;
	s4 =	sadd.s32 $0x47010, s16;
	_ =	strace $0x8000005F  }
0xb: {  	[tilespmem:s5], [sflag:$0x2] =	stream.linear.gather [hbm4b:s4+s2], $0x80, $0x200038;
	[tilespmem:$0x8100] =	vst v63  }
0xc: {  	_ =	strace $0x9000005F  }
0xd: {  	s6 =	simm.s32 $0x1;
	_ =	strace $0x80000060  }
0xe: {  	_ =	swait.ge [sflag:s6], $0x80  }
0xf: {  	[sflag:s6] =	ssyncset.done $0x0  }
0x10: {  	[sflag:s6] =	ssyncadd.s32 $0xFFFFFF80  }
0x11: {  	s8 =	simm.s32 $0x100;
	_ =	strace $0x90000060  }
0x12: {  	s9 =	simm.s32 $0x5;
	s7 =	sadd.s32 $0x88A00, s10;
	_ =	strace $0x80000061  }
0x13: {  	[tilespmem:s8], [sflag:$0x5] =	stream.indirect.gather [hbm4b:s7+s5], $0x80, s2, s5, $0x2000b8;
	[tilespmem:$0x8100] =	vst v63  }
0x14: {  	_ =	swait.ge [sflag:s9], $0x4000  }
0x15: {  	[sflag:s9] =	ssyncset.done $0x0  }
0x16: {  	s11 =	sshll.u32 s11, $0xD;
	[sflag:s9] =	ssyncadd.s32 $0xFFFFC000  }
0x17: {  	s19 =	sadd.s32 s11, s10;
	_ =	strace $0x90000061  }
0x18: {  	s10 =	sadd.s32 $0x89C00, s19;
	_ =	strace $0x80000062  }
0x19: {  	[hbm4b:s10+s2] =	stream.linear.scatter [tilespmem:s8], [sflag:$0x3], $0x4000, $0x200038;
	[tilespmem:$0x8100] =	vst v63  }
0x1a: {  	_ =	strace $0x90000062  }
0x1b: {  	s11 =	sadd.s32 $0x47020, s16;
	_ =	strace $0x8000005F  }
0x1c: {  	[tilespmem:s2], [sflag:$0x1] =	stream.linear.gather [hbm4b:s11+s2], $0x80, $0x200038;
	[tilespmem:$0x8100] =	vst v63  }
0x1d: {  	_ =	strace $0x9000005F  }
0x1e: {  	s12 =	simm.s32 $0x2;
	_ =	strace $0x80000060  }
0x1f: {  	_ =	swait.ge [sflag:s12], $0x80  }
0x20: {  	[sflag:s12] =	ssyncset.done $0x0  }
0x21: {  	[sflag:s12] =	ssyncadd.s32 $0xFFFFFF80  }
0x22: {  	_ =	strace $0x90000060  }
0x23: {  	s13 =	simm.s32 $0x4100;
	_ =	strace $0x80000061  }
0x24: {  	[tilespmem:s13], [sflag:$0x5] =	stream.indirect.gather [hbm4b:s7+s5], $0x80, s5, s5, $0x2000b8;
	[tilespmem:$0x8100] =	vst v63  }
0x25: {  	_ =	swait.ge [sflag:s9], $0x4000  }
0x26: {  	[sflag:s9] =	ssyncset.done $0x0  }
0x27: {  	[sflag:s9] =	ssyncadd.s32 $0xFFFFC000  }
0x28: {  	_ =	strace $0x90000061  }
0x29: {  	s14 =	sadd.s32 $0x8A400, s19;
	_ =	strace $0x80000062  }
0x2a: {  	[hbm4b:s14+s2] =	stream.linear.scatter [tilespmem:s13], [sflag:$0x4], $0x4000, $0x200038;
	[tilespmem:$0x8100] =	vst v63  }
0x2b: {  	_ =	strace $0x90000062  }
0x2c: {  	s15 =	simm.s32 $0x3;
	_ =	strace $0x80000063  }
0x2d: {  	_ =	swait.ge [sflag:s15], $0x4000  }
0x2e: {  	[sflag:s15] =	ssyncset.done $0x0  }
0x2f: {  	[sflag:s15] =	ssyncadd.s32 $0xFFFFC000  }
0x30: {  	_ =	strace $0x90000063  }
0x31: {  	s16 =	sadd.s32 $0x47030, s16;
	_ =	strace $0x8000005F  }
0x32: {  	[tilespmem:s5], [sflag:$0x2] =	stream.linear.gather [hbm4b:s16+s2], $0x80, $0x200038;
	[tilespmem:$0x8100] =	vst v63  }
0x33: {  	_ =	strace $0x9000005F  }
0x34: {  	_ =	strace $0x80000060  }
0x35: {  	_ =	swait.ge [sflag:s6], $0x80  }
0x36: {  	[sflag:s6] =	ssyncset.done $0x0  }
0x37: {  	[sflag:s6] =	ssyncadd.s32 $0xFFFFFF80  }
0x38: {  	_ =	strace $0x90000060  }
0x39: {  	_ =	strace $0x80000061  }
0x3a: {  	[tilespmem:s8], [sflag:$0x5] =	stream.indirect.gather [hbm4b:s7+s5], $0x80, s2, s5, $0x2000b8;
	[tilespmem:$0x8100] =	vst v63  }
0x3b: {  	_ =	swait.ge [sflag:s9], $0x4000  }
0x3c: {  	[sflag:s9] =	ssyncset.done $0x0  }
0x3d: {  	[sflag:s9] =	ssyncadd.s32 $0xFFFFC000  }
0x3e: {  	_ =	strace $0x90000061  }
0x3f: {  	s17 =	sadd.s32 $0x8AC00, s19;
	_ =	strace $0x80000062  }
0x40: {  	[hbm4b:s17+s2] =	stream.linear.scatter [tilespmem:s8], [sflag:$0x3], $0x4000, $0x200038;
	[tilespmem:$0x8100] =	vst v63  }
0x41: {  	_ =	strace $0x90000062  }
0x42: {  	s18 =	simm.s32 $0x4;
	_ =	strace $0x80000063  }
0x43: {  	_ =	swait.ge [sflag:s18], $0x4000  }
0x44: {  	[sflag:s18] =	ssyncset.done $0x0  }
0x45: {  	[sflag:s18] =	ssyncadd.s32 $0xFFFFC000  }
0x46: {  	_ =	strace $0x90000063  }
0x47: {  	_ =	strace $0x80000060  }
0x48: {  	_ =	swait.ge [sflag:s12], $0x80  }
0x49: {  	[sflag:s12] =	ssyncset.done $0x0  }
0x4a: {  	[sflag:s12] =	ssyncadd.s32 $0xFFFFFF80  }
0x4b: {  	_ =	strace $0x90000060  }
0x4c: {  	_ =	strace $0x80000061  }
0x4d: {  	[tilespmem:s13], [sflag:$0x5] =	stream.indirect.gather [hbm4b:s7+s5], $0x80, s5, s5, $0x2000b8;
	[tilespmem:$0x8100] =	vst v63  }
0x4e: {  	_ =	swait.ge [sflag:s9], $0x4000  }
0x4f: {  	[sflag:s9] =	ssyncset.done $0x0  }
0x50: {  	[sflag:s9] =	ssyncadd.s32 $0xFFFFC000  }
0x51: {  	_ =	strace $0x90000061  }
0x52: {  	s19 =	sadd.s32 $0x8B400, s19;
	_ =	strace $0x80000062  }
0x53: {  	[hbm4b:s19+s2] =	stream.linear.scatter [tilespmem:s13], [sflag:$0x4], $0x4000, $0x200038;
	[tilespmem:$0x8100] =	vst v63  }
0x54: {  	s20 =	ssub.s32 $0x2, s20;
	_ =	strace $0x90000062  }
0x55: {  	s21 =	sshrl.u32 s20, $0x1;
	_ =	strace $0x80000063  }
0x56: {  	s20 =	ssub.s32 s20, s21;
	_ =	swait.ge [sflag:s15], $0x4000  }
0x57: {  	s20 =	smax.u32 s20, $0x1;
	[sflag:s15] =	ssyncset.done $0x0  }
0x58: {  	p0 =	sne.s32 s20, $0x1;
	[sflag:s15] =	ssyncadd.s32 $0xFFFFC000  }
.Ltmp0:
0x59: {  	_ =	strace $0x90000063;
	(pc) =	sbr.rel @!p0 .LBB2_2-.Ltmp0, $4  }
0x5a: {  	_ =	strace $0x80000064  }
0x5b: {  	_ =	swait.ge [sflag:s18], $0x4000  }
0x5c: {  	[sflag:s18] =	ssyncset.done $0x0  }
0x5d: {  	s20 =	sadd.s32 $0xFFFFFFFF, s20;
	[sflag:s18] =	ssyncadd.s32 $0xFFFFC000  }
.LBB2_1:
0x5e: {  	p0 =	sne.s32 s20, $0x1;
	s20 =	sadd.s32 $0xFFFFFFFF, s20;
	_ =	strace $0x90000064  }
0x5f: {  	_ =	strace $0x8000005E  }
0x60: {  	[tilespmem:s2], [sflag:$0x1] =	stream.linear.gather [hbm4b:s3+s2], $0x80, $0x200038;
	[tilespmem:$0x8100] =	vst v63  }
0x61: {  	_ =	strace $0x9000005E  }
0x62: {  	_ =	strace $0x8000005F  }
0x63: {  	[tilespmem:s5], [sflag:$0x2] =	stream.linear.gather [hbm4b:s4+s2], $0x80, $0x200038;
	[tilespmem:$0x8100] =	vst v63  }
0x64: {  	_ =	strace $0x9000005F  }
0x65: {  	_ =	strace $0x80000060  }
0x66: {  	_ =	swait.ge [sflag:s6], $0x80  }
0x67: {  	[sflag:s6] =	ssyncset.done $0x0  }
0x68: {  	[sflag:s6] =	ssyncadd.s32 $0xFFFFFF80  }
0x69: {  	_ =	strace $0x90000060  }
0x6a: {  	_ =	strace $0x80000061  }
0x6b: {  	[tilespmem:s8], [sflag:$0x5] =	stream.indirect.gather [hbm4b:s7+s5], $0x80, s2, s5, $0x2000b8;
	[tilespmem:$0x8100] =	vst v63  }
0x6c: {  	_ =	swait.ge [sflag:s9], $0x4000  }
0x6d: {  	[sflag:s9] =	ssyncset.done $0x0  }
0x6e: {  	[sflag:s9] =	ssyncadd.s32 $0xFFFFC000  }
0x6f: {  	_ =	strace $0x90000061  }
0x70: {  	_ =	strace $0x80000062  }
0x71: {  	[hbm4b:s10+s2] =	stream.linear.scatter [tilespmem:s8], [sflag:$0x3], $0x4000, $0x200038;
	[tilespmem:$0x8100] =	vst v63  }
0x72: {  	_ =	strace $0x90000062  }
0x73: {  	_ =	strace $0x8000005F  }
0x74: {  	[tilespmem:s2], [sflag:$0x1] =	stream.linear.gather [hbm4b:s11+s2], $0x80, $0x200038;
	[tilespmem:$0x8100] =	vst v63  }
0x75: {  	_ =	strace $0x9000005F  }
0x76: {  	_ =	strace $0x80000060  }
0x77: {  	_ =	swait.ge [sflag:s12], $0x80  }
0x78: {  	[sflag:s12] =	ssyncset.done $0x0  }
0x79: {  	[sflag:s12] =	ssyncadd.s32 $0xFFFFFF80  }
0x7a: {  	_ =	strace $0x90000060  }
0x7b: {  	_ =	strace $0x80000061  }
0x7c: {  	[tilespmem:s13], [sflag:$0x5] =	stream.indirect.gather [hbm4b:s7+s5], $0x80, s5, s5, $0x2000b8;
	[tilespmem:$0x8100] =	vst v63  }
0x7d: {  	_ =	swait.ge [sflag:s9], $0x4000  }
0x7e: {  	[sflag:s9] =	ssyncset.done $0x0  }
0x7f: {  	[sflag:s9] =	ssyncadd.s32 $0xFFFFC000  }
0x80: {  	_ =	strace $0x90000061  }
0x81: {  	_ =	strace $0x80000062  }
0x82: {  	[hbm4b:s14+s2] =	stream.linear.scatter [tilespmem:s13], [sflag:$0x4], $0x4000, $0x200038;
	[tilespmem:$0x8100] =	vst v63  }
0x83: {  	_ =	strace $0x90000062  }
0x84: {  	_ =	strace $0x80000063  }
0x85: {  	_ =	swait.ge [sflag:s15], $0x4000  }
0x86: {  	[sflag:s15] =	ssyncset.done $0x0  }
0x87: {  	[sflag:s15] =	ssyncadd.s32 $0xFFFFC000  }
0x88: {  	_ =	strace $0x90000063  }
0x89: {  	_ =	strace $0x8000005F  }
0x8a: {  	[tilespmem:s5], [sflag:$0x2] =	stream.linear.gather [hbm4b:s16+s2], $0x80, $0x200038;
	[tilespmem:$0x8100] =	vst v63  }
0x8b: {  	_ =	strace $0x9000005F  }
0x8c: {  	_ =	strace $0x80000060  }
0x8d: {  	_ =	swait.ge [sflag:s6], $0x80  }
0x8e: {  	[sflag:s6] =	ssyncset.done $0x0  }
0x8f: {  	[sflag:s6] =	ssyncadd.s32 $0xFFFFFF80  }
0x90: {  	_ =	strace $0x90000060  }
0x91: {  	_ =	strace $0x80000061  }
0x92: {  	[tilespmem:s8], [sflag:$0x5] =	stream.indirect.gather [hbm4b:s7+s5], $0x80, s2, s5, $0x2000b8;
	[tilespmem:$0x8100] =	vst v63  }
0x93: {  	_ =	swait.ge [sflag:s9], $0x4000  }
0x94: {  	[sflag:s9] =	ssyncset.done $0x0  }
0x95: {  	[sflag:s9] =	ssyncadd.s32 $0xFFFFC000  }
0x96: {  	_ =	strace $0x90000061  }
0x97: {  	_ =	strace $0x80000062  }
0x98: {  	[hbm4b:s17+s2] =	stream.linear.scatter [tilespmem:s8], [sflag:$0x3], $0x4000, $0x200038;
	[tilespmem:$0x8100] =	vst v63  }
0x99: {  	_ =	strace $0x90000062  }
0x9a: {  	_ =	strace $0x80000063  }
0x9b: {  	_ =	swait.ge [sflag:s18], $0x4000  }
0x9c: {  	[sflag:s18] =	ssyncset.done $0x0  }
0x9d: {  	[sflag:s18] =	ssyncadd.s32 $0xFFFFC000  }
0x9e: {  	_ =	strace $0x90000063  }
0x9f: {  	_ =	strace $0x80000060  }
0xa0: {  	_ =	swait.ge [sflag:s12], $0x80  }
0xa1: {  	[sflag:s12] =	ssyncset.done $0x0  }
0xa2: {  	[sflag:s12] =	ssyncadd.s32 $0xFFFFFF80  }
0xa3: {  	_ =	strace $0x90000060  }
0xa4: {  	_ =	strace $0x80000061  }
0xa5: {  	[tilespmem:s13], [sflag:$0x5] =	stream.indirect.gather [hbm4b:s7+s5], $0x80, s5, s5, $0x2000b8;
	[tilespmem:$0x8100] =	vst v63  }
0xa6: {  	_ =	swait.ge [sflag:s9], $0x4000  }
0xa7: {  	[sflag:s9] =	ssyncset.done $0x0  }
0xa8: {  	[sflag:s9] =	ssyncadd.s32 $0xFFFFC000  }
0xa9: {  	_ =	strace $0x90000061  }
0xaa: {  	_ =	strace $0x80000062  }
0xab: {  	[hbm4b:s19+s2] =	stream.linear.scatter [tilespmem:s13], [sflag:$0x4], $0x4000, $0x200038;
	[tilespmem:$0x8100] =	vst v63  }
0xac: {  	_ =	strace $0x90000062  }
0xad: {  	_ =	strace $0x80000063  }
0xae: {  	_ =	swait.ge [sflag:s15], $0x4000  }
0xaf: {  	[sflag:s15] =	ssyncset.done $0x0  }
0xb0: {  	[sflag:s15] =	ssyncadd.s32 $0xFFFFC000  }
.Ltmp1:
0xb1: {  	_ =	strace $0x90000063;
	(pc) =	sbr.rel @p0 .LBB2_1-.Ltmp1, $4  }
0xb2: {  	_ =	strace $0x80000064  }
0xb3: {  	_ =	swait.ge [sflag:s18], $0x4000  }
0xb4: {  	[sflag:s18] =	ssyncset.done $0x0  }
0xb5: {  	[sflag:s18] =	ssyncadd.s32 $0xFFFFC000  }
.LBB2_2:
0xb6: {  	_ =	strace $0x90000064  }
0xb7: {  	_ =	sfence.sel $0x180000  }
0xb8: {  	[bflag:$0x0] =	sbarrier.arrive $0xFFFF  }
0xb9: {  	p0 =	sne.s32 s1, $0x0;
	_ =	strace $0x9000005D  }
0xba: {  	s0 =	sadd.s32 @!p0 $0x100000, s0;
	[bflag:$0x2] =	sbarrier.arrive $0xFFFF  }
0xbb: {  	[sflag:s0] =	ssyncadd.tile.s32 @!p0 $0x1;
	_ =	shalt  }
.Lfunc_end2:
_tile_overlayer_lowered:
.L_overlay_start_2:
0xbc: {  	(tag) =	ssettag $0x2  }
0xbd: {  	s0 =	rddreg [dreg:$0x0];
	s2 =	stileid.u32  }
0xbe: {  	s1 =	rddreg [dreg:$0x1];
	p0 =	sne.s32 s2, $0x0  }
0xbf: {  	s3 =	rddreg [dreg:$0x2];
	[bflag:$0x3] =	sbarrier.arrive $0xFFFF;
	s2 =	simm.s32 @!p0 $0x1C01  }
0xc0: {  	[timem:s3], [sflag:s2] =	dma.local @!p0 [hbm:s0], s1  }
0xc1: {  	s0 =	simm.s32 @!p0 $0x1  }
0xc2: {  	_ =	swait.ge @!p0 [sflag:s0], s1  }
0xc3: {  	s1 =	ssub.s32 @!p0 $0x0, s1;
	[sflag:s0] =	ssyncset.done @!p0 $0x0  }
0xc4: {  	[sflag:s0] =	ssyncadd.s32 @!p0 s1  }
0xc5: {  	[bflag:$0x3] =	sbarrier.arrive $0xFFFF  }
0xc6: {  	_ =	shalt  }

// kernel: kernel.21.cloned.1.call-start
scs
__scs_entry_jumppad:
0x0: {  	(pc) =	sbr.rel $0x88, $3  }
0x1: {  	(tag) =	ssettag $0x0;
	lr =	simm.s32 $0x1  }
0x2: {  	[smem:$0x3F86] =	sst lr;
	_ =	strace $0xD0000000  }
0x3: {  	_ = 	snop  }
0x4: {  	_ = 	snop  }
0x5: {  	_ = 	snop  }
0x6: {  	_ = 	snop  }
0x7: {  	_ = 	snop  }
__scs_overlays_trampoline_lowered:
0x8: {  	[smem:$0x3F95] =	sst s0  }
0x9: {  	[smem:$0x3F96] =	sst s1  }
0xa: {  	[smem:$0x3F97] =	sst s2  }
0xb: {  	[smem:$0x3F98] =	sst s3  }
0xc: {  	[smem:$0x3F99] =	sst s4  }
0xd: {  	[smem:$0x3F9A] =	sst s5  }
0xe: {  	[smem:$0x3F9B] =	sst s6  }
0xf: {  	[smem:$0x3F9C] =	sst s7  }
0x10: {  	[smem:$0x3F9D] =	sst s8  }
0x11: {  	[smem:$0x3F9E] =	sst s9;
	s0 =	simm.s32 @!p0 $0x0  }
0x12: {  	s1 =	sld [smem:$0x3F84];
	s0 =	simm.s32 @p0 $0x1  }
0x13: {  	[smem:$0x3F9F] =	sst s0;
	s0 =	simm.s32 @!p1 $0x0  }
0x14: {  	s2 =	sld [smem:$0x3F83];
	s0 =	simm.s32 @p1 $0x1  }
0x15: {  	[smem:$0x3FA0] =	sst s0;
	s0 =	simm.s32 @!p2 $0x0  }
0x16: {  	s3 =	sld [smem:$0x3FDB];
	s0 =	simm.s32 @p2 $0x1  }
0x17: {  	s4 =	simm.s32 $0x1BF5;
	[smem:$0x3FA2] =	sst s0  }
0x18: {  	s0 =	sld [smem:$0x3F85];
	_ =	swait.ge [sflag:s4], $0x0  }
0x19: {  	s7 =	sld [smem:$0x3F86]  }
0x1a: {  	s8 =	sadd.s32 $0xFFFFE003, lr  }
0x1b: {  	s9 =	sadd.s32 $0xFFFFFEF7, lr;
	s5 =	simm.s32 $0xFFFFFFFF;
	p2 =	slt.u32 s8, $0xFFFFF086  }
0x1c: {  	p1 =	slt.u32 s9, $0xF7A;
	s5 =	simm.s32 @!p2 $0x0  }
0x1d: {  	s5 =	simm.s32 @p1 $0x1;
	p0 =	seq.s32 s7, s2  }
0x1e: {  	s7 =	smul.u32 @!p0 $0xF7A, s2;
	p2 =	seq.s32 @!p0 s5, $0x0  }
0x1f: {  	s9 =	smul.u32 $0xF7A, s1;
	s8 =	simm.s32 @!p0 $0x1BF5;
	p2 =	por !p2, p0  }
0x20: {  	[sflag:s8] =	ssyncset.s32 @!p0 $0xFFFFF086;
	s6 =	sadd.s32 @!p0 s3, s7;
	s7 =	simm.s32 @!p0 $0x108  }
0x21: {  	s3 =	sadd.s32 s3, s9;
	s6 =	sadd.s32 @!p0 $0x88, s6;
	s7 =	simm.s32 @p2 $0x1082  }
0x22: {  	[simem:s7], [sflag:s8] =	dma.local @!p0 [hbm:s6], $0xF7A  }
0x23: {  	s9 =	sor.u32 $0xD0000000, s2;
	s6 =	simm.s32 $0x108;
	_ =	swait.ge @!p0 [sflag:s8], $0x0  }
0x24: {  	s3 =	sadd.s32 $0x88, s3;
	s6 =	simm.s32 @!p1 $0x1082;
	[sflag:s4] =	ssyncset.s32 $0xFFFFF086  }
0x25: {  	[simem:s6], [sflag:s4] =	dma.local [hbm:s3], $0xF7A  }
0x26: {  	[smem:$0x3F86] =	sst s1;
	(tag) =	ssettag s2;
	_ =	strace s9  }
0x27: {  	s1 =	sld [smem:$0x3F96]  }
0x28: {  	s2 =	sld [smem:$0x3F97]  }
0x29: {  	s4 =	sld [smem:$0x3F99]  }
0x2a: {  	p0 =	seq.s32 s5, $0x0;
	s5 =	sld [smem:$0x3F9A]  }
0x2b: {  	s6 =	sld [smem:$0x3F9B]  }
0x2c: {  	s7 =	sld [smem:$0x3F9C]  }
0x2d: {  	s3 =	simm.s32 $0x108;
	s8 =	sld [smem:$0x3F9D]  }
0x2e: {  	s3 =	simm.s32 @!p0 $0x1082;
	s9 =	sld [smem:$0x3F9E]  }
0x2f: {  	lr =	sadd.s32 s0, s3;
	s0 =	sld [smem:$0x3F95]  }
0x30: {  	s3 =	sld [smem:$0x3F98]  }
0x31: {  	[smem:$0x3FA1] =	sst s10  }
0x32: {  	s10 =	sld [smem:$0x3F9F];
	_ =	sdelay $0x3  }
0x33: {  	p0 =	seq.s32 s10, $0x1;
	s10 =	sld [smem:$0x3FA1];
	_ =	sdelay $0x3  }
0x34: {  	[smem:$0x3FA1] =	sst s10  }
0x35: {  	s10 =	sld [smem:$0x3FA0];
	_ =	sdelay $0x3  }
0x36: {  	p1 =	seq.s32 s10, $0x1;
	s10 =	sld [smem:$0x3FA1];
	_ =	sdelay $0x3  }
0x37: {  	[smem:$0x3FA1] =	sst s10  }
0x38: {  	s10 =	sld [smem:$0x3FA2]  }
0x39: {  	_ = 	snop;
	(pc) =	sbr.ind lr, $3  }
0x3a: {  	_ = 	snop  }
0x3b: {  	_ = 	snop  }
0x3c: {  	p2 =	seq.s32 s10, $0x1;
	s10 =	sld [smem:$0x3FA1]  }
0x3d: {  	_ =	shalt  }
0x3e: {  	_ =	shalt  }
0x3f: {  	_ =	shalt  }
0x40: {  	_ =	shalt  }
0x41: {  	_ =	shalt  }
0x42: {  	_ =	shalt  }
0x43: {  	_ =	shalt  }
0x44: {  	_ =	shalt  }
0x45: {  	_ =	shalt  }
0x46: {  	_ =	shalt  }
0x47: {  	_ =	shalt  }
0x48: {  	_ =	shalt  }
0x49: {  	_ =	shalt  }
0x4a: {  	_ =	shalt  }
0x4b: {  	_ =	shalt  }
0x4c: {  	_ =	shalt  }
0x4d: {  	_ =	shalt  }
0x4e: {  	_ =	shalt  }
0x4f: {  	_ =	shalt  }
0x50: {  	_ =	shalt  }
0x51: {  	_ =	shalt  }
0x52: {  	_ =	shalt  }
0x53: {  	_ =	shalt  }
0x54: {  	_ =	shalt  }
0x55: {  	_ =	shalt  }
0x56: {  	_ =	shalt  }
0x57: {  	_ =	shalt  }
0x58: {  	_ =	shalt  }
0x59: {  	_ =	shalt  }
0x5a: {  	_ =	shalt  }
0x5b: {  	_ =	shalt  }
0x5c: {  	_ =	shalt  }
0x5d: {  	_ =	shalt  }
0x5e: {  	_ =	shalt  }
0x5f: {  	_ =	shalt  }
0x60: {  	_ =	shalt  }
0x61: {  	_ =	shalt  }
0x62: {  	_ =	shalt  }
0x63: {  	_ =	shalt  }
0x64: {  	_ =	shalt  }
0x65: {  	_ =	shalt  }
0x66: {  	_ =	shalt  }
0x67: {  	_ =	shalt  }
0x68: {  	_ =	shalt  }
0x69: {  	_ =	shalt  }
0x6a: {  	_ =	shalt  }
0x6b: {  	_ =	shalt  }
0x6c: {  	_ =	shalt  }
0x6d: {  	_ =	shalt  }
0x6e: {  	_ =	shalt  }
0x6f: {  	_ =	shalt  }
0x70: {  	_ =	shalt  }
0x71: {  	_ =	shalt  }
0x72: {  	_ =	shalt  }
0x73: {  	_ =	shalt  }
0x74: {  	_ =	shalt  }
0x75: {  	_ =	shalt  }
0x76: {  	_ =	shalt  }
0x77: {  	_ =	shalt  }
0x78: {  	_ =	shalt  }
0x79: {  	_ =	shalt  }
0x7a: {  	_ =	shalt  }
0x7b: {  	_ =	shalt  }
0x7c: {  	_ =	shalt  }
0x7d: {  	_ =	shalt  }
0x7e: {  	_ =	shalt  }
0x7f: {  	_ =	shalt  }
0x80: {  	_ =	shalt  }
0x81: {  	_ =	shalt  }
0x82: {  	_ =	shalt  }
0x83: {  	_ =	shalt  }
0x84: {  	_ =	shalt  }
0x85: {  	_ =	shalt  }
0x86: {  	_ =	shalt  }
0x87: {  	_ =	shalt  }
.Lfunc_end0:
.L_simem_size_0:
called_computation.2_lowered:
.L_overlay_start_0:
0x88: {  	s2 =	sld [smem:$0x3FD9]  }
0x89: {  	s3 =	sld [smem:$0x3FFE];
	_ =	sdelay $0x1  }
0x8a: {  	s1 =	srdreg.scid  }
0x8b: {  	s0 =	sand.u32 $0x1, s1  }
0x8c: {  	s17 =	sshll.u32 s0, $0xA;
	s2 =	sadd.s32 s3, s2  }
0x8d: {  	s2 =	sadd.s32 s2, s17  }
0x8e: {  	[smem:$0x3FAD] =	sst s2  }
0x8f: {  	_ = 	snop  }
0x90: {  	s18 =	sld [smem:$0x3FD0];
	(tm) =	ssettm $0x1  }
0x91: {  	s19 =	sld [smem:$0x3FFB];
	_ =	sdelay $0x3  }
0x92: {  	_ =	strace s19  }
0x93: {  	s2 =	sld [smem:$0x3FFC];
	_ =	sdelay $0x3  }
0x94: {  	_ =	strace s2  }
0x95: {  	s2 =	sld [smem:$0x3FFD];
	_ =	sdelay $0x3  }
0x96: {  	_ =	strace s2  }
0x97: {  	_ =	strace $0x8FFFFFFF  }
0x98: {  	s20 =	sld [smem:$0x3FDB];
	_ =	sdelay $0x1  }
0x99: {  	s4 =	simm.s32 $_scs_section_size  }
0x9a: {  	s5 =	simm.s32 $_size__tile_overlayer_lowered;
	s6 =	simm.s32 $_tile_overlayer_lowered  }
0x9b: {  	s7 =	simm.s32 $0x1BFF;
	s21 =	sshll.u32 s6, $0x1;
	s4 =	sadd.s32 s4, s20  }
0x9c: {  	s22 =	simm.s32 $0x0;
	s5 =	sshll.u32 s5, $0x1;
	s6 =	sadd.s32 s21, s4  }
0x9d: {  	[timem:s22], [sflag:s7] =	dma.local [hbm:s6], s5  }
0x9e: {  	_ =	swait.ge [sflag:s7], s5  }
0x9f: {  	s5 =	ssub.s32 $0x0, s5;
	[sflag:s7] =	ssyncset.done $0x0  }
0xa0: {  	[sflag:s7] =	ssyncadd.s32 s5;
	_ =	sdelay $0x1  }
0xa1: {  	s23 =	simm.s32 $0x1B8B  }
0xa2: {  	_ =	swait.ge [sflag:s23], $0x1  }
0xa3: {  	[sflag:s23] =	ssyncset.done $0x0  }
0xa4: {  	[sflag:s23] =	ssyncadd.s32 $0xFFFFFFFF  }
0xa5: {  	s5 =	sld [smem:$0x0]  }
0xa6: {  	s6 =	sand.u32 $0xFFFFFFFE, s1  }
0xa7: {  	p0 =	sne.s32 s1, s6  }
0xa8: {  	s6 =	sshll.u32 @p0 s6, $0xE  }
0xa9: {  	s6 =	sadd.s32 @p0 $0x11B8D, s6;
	s7 =	sshll.u32 @p0 s5, $0x11  }
0xaa: {  	s6 =	sor.u32 @p0 s7, s6  }
0xab: {  	[sflag:s6] =	ssyncadd.remote.s32 @p0 $0x1;
	_ =	sdelay $0x1  }
0xac: {  	s6 =	simm.s32 @p0 $0x1B8D  }
0xad: {  	_ =	swait.eq @p0 [sflag:s6], $0x1  }
0xae: {  	[sflag:s6] =	ssyncadd.s32 @p0 $0xFFFFFFFF  }
0xaf: {  	s7 =	sshll.u32 @!p0 s1, $0xE  }
0xb0: {  	s7 =	sor.u32 @!p0 $0x4000, s7;
	s6 =	simm.s32 @!p0 $0x1B8D  }
0xb1: {  	s5 =	sshll.u32 @!p0 s5, $0x11;
	s7 =	sadd.s32 @!p0 $0x11B8D, s7;
	_ =	swait.eq @!p0 [sflag:s6], $0x1  }
0xb2: {  	s5 =	sor.u32 @!p0 s5, s7;
	[sflag:s6] =	ssyncadd.s32 @!p0 $0xFFFFFFFF  }
0xb3: {  	s25 =	simm.s32 $0x1B8E;
	s24 =	sld [smem:$0x3FFE];
	[sflag:s5] =	ssyncadd.remote.s32 @!p0 $0x1  }
0xb4: {  	s26 =	simm.s32 $execute0_lowered;
	[smem:$0x3FD2] =	sst s25  }
0xb5: {  	s6 =	sshll.u32 s26, $0x1;
	_ =	strace $0x80000066;
	[dreg:$0x1] =	wrdreg $0xFFFFFFFF  }
0xb6: {  	s28 =	simm.s32 $_size_execute0_lowered;
	s4 =	sadd.s32 s4, s6;
	[dreg:$0x0] =	wrdreg $0x0  }
0xb7: {  	s6 =	sshll.u32 s28, $0x1;
	[dreg:$0x2] =	wrdreg s4  }
0xb8: {  	[dreg:$0x3] =	wrdreg s6  }
0xb9: {  	[dreg:$0x4] =	wrdreg $0xC0  }
0xba: {  	_ =	task [dreg:s22], $0x5FFFF  }
0xbb: {  	[dreg:$0x1] =	wrdreg $0xFFFFFFFF  }
0xbc: {  	[dreg:$0x0] =	wrdreg $0x60  }
0xbd: {  	[dreg:$0x2] =	wrdreg s24  }
0xbe: {  	[dreg:$0x3] =	wrdreg s18  }
0xbf: {  	[dreg:$0x4] =	wrdreg $0xB  }
0xc0: {  	_ =	task.clear_ibuf [dreg:s22], $0x5FFFF;
	_ =	strace $0x90000066  }
0xc1: {  	s29 =	simm.s32 $0xB;
	_ =	strace $0x8000006F  }
0xc2: {  	_ =	swait.ge [sflag:s29], $0x1  }
0xc3: {  	[sflag:s29] =	ssyncadd.s32 $0xFFFFFFFF  }
0xc4: {  	_ =	strace $0x9000006F  }
0xc5: {  	_ =	sfence  }
0xc6: {  	s30 =	sld [smem:$0x0];
	_ =	sdelay $0x2  }
0xc7: {  	s31 =	sshll.u32 s1, $0xD;
	s1 =	sshrl.u32 s1, $0x2  }
0xc8: {  	s4 =	sand.u32 $0x4000, s31;
	s1 =	sadd.s32 s1, s30  }
0xc9: {  	s0 =	sor.u32 s4, s0;
	s1 =	sshll.u32 s1, $0x11  }
0xca: {  	s0 =	sor.u32 s1, s0  }
0xcb: {  	s0 =	sadd.s32 $0x8F2B, s0  }
0xcc: {  	[sflag:s0] =	ssyncadd.remote.s32 $0x1  }
0xcd: {  	_ =	sfence.sel $0xFFFF  }
0xce: {  	[dreg:$0x0] =	wrdreg $0xFFFFFFFF;
	(pc) =	sbr.abs _section_cstart, $3  }
0xcf: {  	[dreg:$0x1] =	wrdreg $0xFFFFFFFF  }
0xd0: {  	_ =	task.clear_ibuf [dreg:s22], $0x2FFFF;
	_ =	strace $0x9FFFFFFF  }
0xd1: {  	(tm) =	ssettm $0x7FFFFFFF  }
tec
execute0_lowered:
.L_overlay_start_1:
0x0: {  	(tag) =	ssettag $0x1  }
0x1: {  	s0 =	srdreg.scid  }
0x2: {  	s20 =	sand.u32 $0x1, s0  }
0x3: {  	s7 =	rddreg [dreg:$0x0];
	s1 =	stileid.u32;
	s3 =	sshll.u32 s20, $0x4  }
0x4: {  	s10 =	rddreg [dreg:$0x1];
	s2 =	simm.s32 $0x0;
	s11 =	sor.u32 s1, s3  }
0x5: {  	[smem:$0x7FF] =	sst s2;
	s3 =	sshll.u32 s11, $0x6  }
0x6: {  	s0 =	rddreg [dreg:$0x2];
	_ =	strace $0x80000067;
	s16 =	sadd.s32 s3, s7  }
0x7: {  	_ =	strace $0x80000068;
	s3 =	sadd.s32 $0x47000, s16  }
0x8: {  	[tilespmem:s2], [sflag:$0x1] =	stream.linear.gather [hbm4b:s3+s2], $0x80, $0x200038;
	[tilespmem:$0x8100] =	vst v63  }
0x9: {  	_ =	strace $0x90000068  }
0xa: {  	s5 =	simm.s32 $0x80;
	s4 =	sadd.s32 $0x47010, s16;
	_ =	strace $0x80000069  }
0xb: {  	[tilespmem:s5], [sflag:$0x2] =	stream.linear.gather [hbm4b:s4+s2], $0x80, $0x200038;
	[tilespmem:$0x8100] =	vst v63  }
0xc: {  	_ =	strace $0x90000069  }
0xd: {  	s6 =	simm.s32 $0x1;
	_ =	strace $0x8000006A  }
0xe: {  	_ =	swait.ge [sflag:s6], $0x80  }
0xf: {  	[sflag:s6] =	ssyncset.done $0x0  }
0x10: {  	[sflag:s6] =	ssyncadd.s32 $0xFFFFFF80  }
0x11: {  	s8 =	simm.s32 $0x100;
	_ =	strace $0x9000006A  }
0x12: {  	s9 =	simm.s32 $0x5;
	s7 =	sadd.s32 $0xC9C00, s7;
	_ =	strace $0x8000006B  }
0x13: {  	[tilespmem:s8], [sflag:$0x5] =	stream.indirect.gather [hbm4b:s7+s5], $0x80, s2, s5, $0x2000b8;
	[tilespmem:$0x8100] =	vst v63  }
0x14: {  	_ =	swait.ge [sflag:s9], $0x4000  }
0x15: {  	[sflag:s9] =	ssyncset.done $0x0  }
0x16: {  	[sflag:s9] =	ssyncadd.s32 $0xFFFFC000  }
0x17: {  	s11 =	sshll.u32 s11, $0xD;
	_ =	strace $0x9000006B  }
0x18: {  	s10 =	sadd.s32 s10, s11;
	_ =	strace $0x8000006C  }
0x19: {  	[hbm4b:s10+s2] =	stream.linear.scatter [tilespmem:s8], [sflag:$0x3], $0x4000, $0x200038;
	[tilespmem:$0x8100] =	vst v63  }
0x1a: {  	_ =	strace $0x9000006C  }
0x1b: {  	s11 =	sadd.s32 $0x47020, s16;
	_ =	strace $0x80000069  }
0x1c: {  	[tilespmem:s2], [sflag:$0x1] =	stream.linear.gather [hbm4b:s11+s2], $0x80, $0x200038;
	[tilespmem:$0x8100] =	vst v63  }
0x1d: {  	_ =	strace $0x90000069  }
0x1e: {  	s12 =	simm.s32 $0x2;
	_ =	strace $0x8000006A  }
0x1f: {  	_ =	swait.ge [sflag:s12], $0x80  }
0x20: {  	[sflag:s12] =	ssyncset.done $0x0  }
0x21: {  	[sflag:s12] =	ssyncadd.s32 $0xFFFFFF80  }
0x22: {  	_ =	strace $0x9000006A  }
0x23: {  	s13 =	simm.s32 $0x4100;
	_ =	strace $0x8000006B  }
0x24: {  	[tilespmem:s13], [sflag:$0x5] =	stream.indirect.gather [hbm4b:s7+s5], $0x80, s5, s5, $0x2000b8;
	[tilespmem:$0x8100] =	vst v63  }
0x25: {  	_ =	swait.ge [sflag:s9], $0x4000  }
0x26: {  	[sflag:s9] =	ssyncset.done $0x0  }
0x27: {  	[sflag:s9] =	ssyncadd.s32 $0xFFFFC000  }
0x28: {  	_ =	strace $0x9000006B  }
0x29: {  	s14 =	sadd.s32 $0x800, s10;
	_ =	strace $0x8000006C  }
0x2a: {  	[hbm4b:s14+s2] =	stream.linear.scatter [tilespmem:s13], [sflag:$0x4], $0x4000, $0x200038;
	[tilespmem:$0x8100] =	vst v63  }
0x2b: {  	_ =	strace $0x9000006C  }
0x2c: {  	s15 =	simm.s32 $0x3;
	_ =	strace $0x8000006D  }
0x2d: {  	_ =	swait.ge [sflag:s15], $0x4000  }
0x2e: {  	[sflag:s15] =	ssyncset.done $0x0  }
0x2f: {  	[sflag:s15] =	ssyncadd.s32 $0xFFFFC000  }
0x30: {  	_ =	strace $0x9000006D  }
0x31: {  	s16 =	sadd.s32 $0x47030, s16;
	_ =	strace $0x80000069  }
0x32: {  	[tilespmem:s5], [sflag:$0x2] =	stream.linear.gather [hbm4b:s16+s2], $0x80, $0x200038;
	[tilespmem:$0x8100] =	vst v63  }
0x33: {  	_ =	strace $0x90000069  }
0x34: {  	_ =	strace $0x8000006A  }
0x35: {  	_ =	swait.ge [sflag:s6], $0x80  }
0x36: {  	[sflag:s6] =	ssyncset.done $0x0  }
0x37: {  	[sflag:s6] =	ssyncadd.s32 $0xFFFFFF80  }
0x38: {  	_ =	strace $0x9000006A  }
0x39: {  	_ =	strace $0x8000006B  }
0x3a: {  	[tilespmem:s8], [sflag:$0x5] =	stream.indirect.gather [hbm4b:s7+s5], $0x80, s2, s5, $0x2000b8;
	[tilespmem:$0x8100] =	vst v63  }
0x3b: {  	_ =	swait.ge [sflag:s9], $0x4000  }
0x3c: {  	[sflag:s9] =	ssyncset.done $0x0  }
0x3d: {  	[sflag:s9] =	ssyncadd.s32 $0xFFFFC000  }
0x3e: {  	_ =	strace $0x9000006B  }
0x3f: {  	s17 =	sadd.s32 $0x1000, s10;
	_ =	strace $0x8000006C  }
0x40: {  	[hbm4b:s17+s2] =	stream.linear.scatter [tilespmem:s8], [sflag:$0x3], $0x4000, $0x200038;
	[tilespmem:$0x8100] =	vst v63  }
0x41: {  	_ =	strace $0x9000006C  }
0x42: {  	s18 =	simm.s32 $0x4;
	_ =	strace $0x8000006D  }
0x43: {  	_ =	swait.ge [sflag:s18], $0x4000  }
0x44: {  	[sflag:s18] =	ssyncset.done $0x0  }
0x45: {  	[sflag:s18] =	ssyncadd.s32 $0xFFFFC000  }
0x46: {  	_ =	strace $0x9000006D  }
0x47: {  	_ =	strace $0x8000006A  }
0x48: {  	_ =	swait.ge [sflag:s12], $0x80  }
0x49: {  	[sflag:s12] =	ssyncset.done $0x0  }
0x4a: {  	[sflag:s12] =	ssyncadd.s32 $0xFFFFFF80  }
0x4b: {  	_ =	strace $0x9000006A  }
0x4c: {  	_ =	strace $0x8000006B  }
0x4d: {  	[tilespmem:s13], [sflag:$0x5] =	stream.indirect.gather [hbm4b:s7+s5], $0x80, s5, s5, $0x2000b8;
	[tilespmem:$0x8100] =	vst v63  }
0x4e: {  	_ =	swait.ge [sflag:s9], $0x4000  }
0x4f: {  	[sflag:s9] =	ssyncset.done $0x0  }
0x50: {  	[sflag:s9] =	ssyncadd.s32 $0xFFFFC000  }
0x51: {  	_ =	strace $0x9000006B  }
0x52: {  	s19 =	sadd.s32 $0x1800, s10;
	_ =	strace $0x8000006C  }
0x53: {  	[hbm4b:s19+s2] =	stream.linear.scatter [tilespmem:s13], [sflag:$0x4], $0x4000, $0x200038;
	[tilespmem:$0x8100] =	vst v63  }
0x54: {  	s20 =	ssub.s32 $0x2, s20;
	_ =	strace $0x9000006C  }
0x55: {  	s21 =	sshrl.u32 s20, $0x1;
	_ =	strace $0x8000006D  }
0x56: {  	s20 =	ssub.s32 s20, s21;
	_ =	swait.ge [sflag:s15], $0x4000  }
0x57: {  	s20 =	smax.u32 s20, $0x1;
	[sflag:s15] =	ssyncset.done $0x0  }
0x58: {  	p0 =	sne.s32 s20, $0x1;
	[sflag:s15] =	ssyncadd.s32 $0xFFFFC000  }
.Ltmp0:
0x59: {  	_ =	strace $0x9000006D;
	(pc) =	sbr.rel @!p0 .LBB2_2-.Ltmp0, $4  }
0x5a: {  	_ =	strace $0x8000006E  }
0x5b: {  	_ =	swait.ge [sflag:s18], $0x4000  }
0x5c: {  	[sflag:s18] =	ssyncset.done $0x0  }
0x5d: {  	s20 =	sadd.s32 $0xFFFFFFFF, s20;
	[sflag:s18] =	ssyncadd.s32 $0xFFFFC000  }
.LBB2_1:
0x5e: {  	p0 =	sne.s32 s20, $0x1;
	s20 =	sadd.s32 $0xFFFFFFFF, s20;
	_ =	strace $0x9000006E  }
0x5f: {  	_ =	strace $0x80000068  }
0x60: {  	[tilespmem:s2], [sflag:$0x1] =	stream.linear.gather [hbm4b:s3+s2], $0x80, $0x200038;
	[tilespmem:$0x8100] =	vst v63  }
0x61: {  	_ =	strace $0x90000068  }
0x62: {  	_ =	strace $0x80000069  }
0x63: {  	[tilespmem:s5], [sflag:$0x2] =	stream.linear.gather [hbm4b:s4+s2], $0x80, $0x200038;
	[tilespmem:$0x8100] =	vst v63  }
0x64: {  	_ =	strace $0x90000069  }
0x65: {  	_ =	strace $0x8000006A  }
0x66: {  	_ =	swait.ge [sflag:s6], $0x80  }
0x67: {  	[sflag:s6] =	ssyncset.done $0x0  }
0x68: {  	[sflag:s6] =	ssyncadd.s32 $0xFFFFFF80  }
0x69: {  	_ =	strace $0x9000006A  }
0x6a: {  	_ =	strace $0x8000006B  }
0x6b: {  	[tilespmem:s8], [sflag:$0x5] =	stream.indirect.gather [hbm4b:s7+s5], $0x80, s2, s5, $0x2000b8;
	[tilespmem:$0x8100] =	vst v63  }
0x6c: {  	_ =	swait.ge [sflag:s9], $0x4000  }
0x6d: {  	[sflag:s9] =	ssyncset.done $0x0  }
0x6e: {  	[sflag:s9] =	ssyncadd.s32 $0xFFFFC000  }
0x6f: {  	_ =	strace $0x9000006B  }
0x70: {  	_ =	strace $0x8000006C  }
0x71: {  	[hbm4b:s10+s2] =	stream.linear.scatter [tilespmem:s8], [sflag:$0x3], $0x4000, $0x200038;
	[tilespmem:$0x8100] =	vst v63  }
0x72: {  	_ =	strace $0x9000006C  }
0x73: {  	_ =	strace $0x80000069  }
0x74: {  	[tilespmem:s2], [sflag:$0x1] =	stream.linear.gather [hbm4b:s11+s2], $0x80, $0x200038;
	[tilespmem:$0x8100] =	vst v63  }
0x75: {  	_ =	strace $0x90000069  }
0x76: {  	_ =	strace $0x8000006A  }
0x77: {  	_ =	swait.ge [sflag:s12], $0x80  }
0x78: {  	[sflag:s12] =	ssyncset.done $0x0  }
0x79: {  	[sflag:s12] =	ssyncadd.s32 $0xFFFFFF80  }
0x7a: {  	_ =	strace $0x9000006A  }
0x7b: {  	_ =	strace $0x8000006B  }
0x7c: {  	[tilespmem:s13], [sflag:$0x5] =	stream.indirect.gather [hbm4b:s7+s5], $0x80, s5, s5, $0x2000b8;
	[tilespmem:$0x8100] =	vst v63  }
0x7d: {  	_ =	swait.ge [sflag:s9], $0x4000  }
0x7e: {  	[sflag:s9] =	ssyncset.done $0x0  }
0x7f: {  	[sflag:s9] =	ssyncadd.s32 $0xFFFFC000  }
0x80: {  	_ =	strace $0x9000006B  }
0x81: {  	_ =	strace $0x8000006C  }
0x82: {  	[hbm4b:s14+s2] =	stream.linear.scatter [tilespmem:s13], [sflag:$0x4], $0x4000, $0x200038;
	[tilespmem:$0x8100] =	vst v63  }
0x83: {  	_ =	strace $0x9000006C  }
0x84: {  	_ =	strace $0x8000006D  }
0x85: {  	_ =	swait.ge [sflag:s15], $0x4000  }
0x86: {  	[sflag:s15] =	ssyncset.done $0x0  }
0x87: {  	[sflag:s15] =	ssyncadd.s32 $0xFFFFC000  }
0x88: {  	_ =	strace $0x9000006D  }
0x89: {  	_ =	strace $0x80000069  }
0x8a: {  	[tilespmem:s5], [sflag:$0x2] =	stream.linear.gather [hbm4b:s16+s2], $0x80, $0x200038;
	[tilespmem:$0x8100] =	vst v63  }
0x8b: {  	_ =	strace $0x90000069  }
0x8c: {  	_ =	strace $0x8000006A  }
0x8d: {  	_ =	swait.ge [sflag:s6], $0x80  }
0x8e: {  	[sflag:s6] =	ssyncset.done $0x0  }
0x8f: {  	[sflag:s6] =	ssyncadd.s32 $0xFFFFFF80  }
0x90: {  	_ =	strace $0x9000006A  }
0x91: {  	_ =	strace $0x8000006B  }
0x92: {  	[tilespmem:s8], [sflag:$0x5] =	stream.indirect.gather [hbm4b:s7+s5], $0x80, s2, s5, $0x2000b8;
	[tilespmem:$0x8100] =	vst v63  }
0x93: {  	_ =	swait.ge [sflag:s9], $0x4000  }
0x94: {  	[sflag:s9] =	ssyncset.done $0x0  }
0x95: {  	[sflag:s9] =	ssyncadd.s32 $0xFFFFC000  }
0x96: {  	_ =	strace $0x9000006B  }
0x97: {  	_ =	strace $0x8000006C  }
0x98: {  	[hbm4b:s17+s2] =	stream.linear.scatter [tilespmem:s8], [sflag:$0x3], $0x4000, $0x200038;
	[tilespmem:$0x8100] =	vst v63  }
0x99: {  	_ =	strace $0x9000006C  }
0x9a: {  	_ =	strace $0x8000006D  }
0x9b: {  	_ =	swait.ge [sflag:s18], $0x4000  }
0x9c: {  	[sflag:s18] =	ssyncset.done $0x0  }
0x9d: {  	[sflag:s18] =	ssyncadd.s32 $0xFFFFC000  }
0x9e: {  	_ =	strace $0x9000006D  }
0x9f: {  	_ =	strace $0x8000006A  }
0xa0: {  	_ =	swait.ge [sflag:s12], $0x80  }
0xa1: {  	[sflag:s12] =	ssyncset.done $0x0  }
0xa2: {  	[sflag:s12] =	ssyncadd.s32 $0xFFFFFF80  }
0xa3: {  	_ =	strace $0x9000006A  }
0xa4: {  	_ =	strace $0x8000006B  }
0xa5: {  	[tilespmem:s13], [sflag:$0x5] =	stream.indirect.gather [hbm4b:s7+s5], $0x80, s5, s5, $0x2000b8;
	[tilespmem:$0x8100] =	vst v63  }
0xa6: {  	_ =	swait.ge [sflag:s9], $0x4000  }
0xa7: {  	[sflag:s9] =	ssyncset.done $0x0  }
0xa8: {  	[sflag:s9] =	ssyncadd.s32 $0xFFFFC000  }
0xa9: {  	_ =	strace $0x9000006B  }
0xaa: {  	_ =	strace $0x8000006C  }
0xab: {  	[hbm4b:s19+s2] =	stream.linear.scatter [tilespmem:s13], [sflag:$0x4], $0x4000, $0x200038;
	[tilespmem:$0x8100] =	vst v63  }
0xac: {  	_ =	strace $0x9000006C  }
0xad: {  	_ =	strace $0x8000006D  }
0xae: {  	_ =	swait.ge [sflag:s15], $0x4000  }
0xaf: {  	[sflag:s15] =	ssyncset.done $0x0  }
0xb0: {  	[sflag:s15] =	ssyncadd.s32 $0xFFFFC000  }
.Ltmp1:
0xb1: {  	_ =	strace $0x9000006D;
	(pc) =	sbr.rel @p0 .LBB2_1-.Ltmp1, $4  }
0xb2: {  	_ =	strace $0x8000006E  }
0xb3: {  	_ =	swait.ge [sflag:s18], $0x4000  }
0xb4: {  	[sflag:s18] =	ssyncset.done $0x0  }
0xb5: {  	[sflag:s18] =	ssyncadd.s32 $0xFFFFC000  }
.LBB2_2:
0xb6: {  	_ =	strace $0x9000006E  }
0xb7: {  	_ =	sfence.sel $0x180000  }
0xb8: {  	[bflag:$0x0] =	sbarrier.arrive $0xFFFF  }
0xb9: {  	p0 =	sne.s32 s1, $0x0;
	_ =	strace $0x90000067  }
0xba: {  	s0 =	sadd.s32 @!p0 $0x100000, s0;
	[bflag:$0x2] =	sbarrier.arrive $0xFFFF  }
0xbb: {  	[sflag:s0] =	ssyncadd.tile.s32 @!p0 $0x1;
	_ =	shalt  }
.Lfunc_end2:
_tile_overlayer_lowered:
.L_overlay_start_2:
0xbc: {  	(tag) =	ssettag $0x2  }
0xbd: {  	s0 =	rddreg [dreg:$0x0];
	s2 =	stileid.u32  }
0xbe: {  	s1 =	rddreg [dreg:$0x1];
	p0 =	sne.s32 s2, $0x0  }
0xbf: {  	s3 =	rddreg [dreg:$0x2];
	[bflag:$0x3] =	sbarrier.arrive $0xFFFF;
	s2 =	simm.s32 @!p0 $0x1C01  }
0xc0: {  	[timem:s3], [sflag:s2] =	dma.local @!p0 [hbm:s0], s1  }
0xc1: {  	s0 =	simm.s32 @!p0 $0x1  }
0xc2: {  	_ =	swait.ge @!p0 [sflag:s0], s1  }
0xc3: {  	s1 =	ssub.s32 @!p0 $0x0, s1;
	[sflag:s0] =	ssyncset.done @!p0 $0x0  }
0xc4: {  	[sflag:s0] =	ssyncadd.s32 @!p0 s1  }
0xc5: {  	[bflag:$0x3] =	sbarrier.arrive $0xFFFF  }
0xc6: {  	_ =	shalt  }

// kernel: kernel.24.cloned.1.call-start
scs
__scs_entry_jumppad:
0x0: {  	(pc) =	sbr.rel $0x88, $3  }
0x1: {  	(tag) =	ssettag $0x0;
	lr =	simm.s32 $0x1  }
0x2: {  	[smem:$0x3F86] =	sst lr;
	_ =	strace $0xD0000000  }
0x3: {  	_ = 	snop  }
0x4: {  	_ = 	snop  }
0x5: {  	_ = 	snop  }
0x6: {  	_ = 	snop  }
0x7: {  	_ = 	snop  }
__scs_overlays_trampoline_lowered:
0x8: {  	[smem:$0x3F95] =	sst s0  }
0x9: {  	[smem:$0x3F96] =	sst s1  }
0xa: {  	[smem:$0x3F97] =	sst s2  }
0xb: {  	[smem:$0x3F98] =	sst s3  }
0xc: {  	[smem:$0x3F99] =	sst s4  }
0xd: {  	[smem:$0x3F9A] =	sst s5  }
0xe: {  	[smem:$0x3F9B] =	sst s6  }
0xf: {  	[smem:$0x3F9C] =	sst s7  }
0x10: {  	[smem:$0x3F9D] =	sst s8  }
0x11: {  	[smem:$0x3F9E] =	sst s9;
	s0 =	simm.s32 @!p0 $0x0  }
0x12: {  	s1 =	sld [smem:$0x3F84];
	s0 =	simm.s32 @p0 $0x1  }
0x13: {  	[smem:$0x3F9F] =	sst s0;
	s0 =	simm.s32 @!p1 $0x0  }
0x14: {  	s2 =	sld [smem:$0x3F83];
	s0 =	simm.s32 @p1 $0x1  }
0x15: {  	[smem:$0x3FA0] =	sst s0;
	s0 =	simm.s32 @!p2 $0x0  }
0x16: {  	s3 =	sld [smem:$0x3FDB];
	s0 =	simm.s32 @p2 $0x1  }
0x17: {  	s4 =	simm.s32 $0x1BF5;
	[smem:$0x3FA2] =	sst s0  }
0x18: {  	s0 =	sld [smem:$0x3F85];
	_ =	swait.ge [sflag:s4], $0x0  }
0x19: {  	s7 =	sld [smem:$0x3F86]  }
0x1a: {  	s8 =	sadd.s32 $0xFFFFE003, lr  }
0x1b: {  	s9 =	sadd.s32 $0xFFFFFEF7, lr;
	s5 =	simm.s32 $0xFFFFFFFF;
	p2 =	slt.u32 s8, $0xFFFFF086  }
0x1c: {  	p1 =	slt.u32 s9, $0xF7A;
	s5 =	simm.s32 @!p2 $0x0  }
0x1d: {  	s5 =	simm.s32 @p1 $0x1;
	p0 =	seq.s32 s7, s2  }
0x1e: {  	s7 =	smul.u32 @!p0 $0xF7A, s2;
	p2 =	seq.s32 @!p0 s5, $0x0  }
0x1f: {  	s9 =	smul.u32 $0xF7A, s1;
	s8 =	simm.s32 @!p0 $0x1BF5;
	p2 =	por !p2, p0  }
0x20: {  	[sflag:s8] =	ssyncset.s32 @!p0 $0xFFFFF086;
	s6 =	sadd.s32 @!p0 s3, s7;
	s7 =	simm.s32 @!p0 $0x108  }
0x21: {  	s3 =	sadd.s32 s3, s9;
	s6 =	sadd.s32 @!p0 $0x88, s6;
	s7 =	simm.s32 @p2 $0x1082  }
0x22: {  	[simem:s7], [sflag:s8] =	dma.local @!p0 [hbm:s6], $0xF7A  }
0x23: {  	s9 =	sor.u32 $0xD0000000, s2;
	s6 =	simm.s32 $0x108;
	_ =	swait.ge @!p0 [sflag:s8], $0x0  }
0x24: {  	s3 =	sadd.s32 $0x88, s3;
	s6 =	simm.s32 @!p1 $0x1082;
	[sflag:s4] =	ssyncset.s32 $0xFFFFF086  }
0x25: {  	[simem:s6], [sflag:s4] =	dma.local [hbm:s3], $0xF7A  }
0x26: {  	[smem:$0x3F86] =	sst s1;
	(tag) =	ssettag s2;
	_ =	strace s9  }
0x27: {  	s1 =	sld [smem:$0x3F96]  }
0x28: {  	s2 =	sld [smem:$0x3F97]  }
0x29: {  	s4 =	sld [smem:$0x3F99]  }
0x2a: {  	p0 =	seq.s32 s5, $0x0;
	s5 =	sld [smem:$0x3F9A]  }
0x2b: {  	s6 =	sld [smem:$0x3F9B]  }
0x2c: {  	s7 =	sld [smem:$0x3F9C]  }
0x2d: {  	s3 =	simm.s32 $0x108;
	s8 =	sld [smem:$0x3F9D]  }
0x2e: {  	s3 =	simm.s32 @!p0 $0x1082;
	s9 =	sld [smem:$0x3F9E]  }
0x2f: {  	lr =	sadd.s32 s0, s3;
	s0 =	sld [smem:$0x3F95]  }
0x30: {  	s3 =	sld [smem:$0x3F98]  }
0x31: {  	[smem:$0x3FA1] =	sst s10  }
0x32: {  	s10 =	sld [smem:$0x3F9F];
	_ =	sdelay $0x3  }
0x33: {  	p0 =	seq.s32 s10, $0x1;
	s10 =	sld [smem:$0x3FA1];
	_ =	sdelay $0x3  }
0x34: {  	[smem:$0x3FA1] =	sst s10  }
0x35: {  	s10 =	sld [smem:$0x3FA0];
	_ =	sdelay $0x3  }
0x36: {  	p1 =	seq.s32 s10, $0x1;
	s10 =	sld [smem:$0x3FA1];
	_ =	sdelay $0x3  }
0x37: {  	[smem:$0x3FA1] =	sst s10  }
0x38: {  	s10 =	sld [smem:$0x3FA2]  }
0x39: {  	_ = 	snop;
	(pc) =	sbr.ind lr, $3  }
0x3a: {  	_ = 	snop  }
0x3b: {  	_ = 	snop  }
0x3c: {  	p2 =	seq.s32 s10, $0x1;
	s10 =	sld [smem:$0x3FA1]  }
0x3d: {  	_ =	shalt  }
0x3e: {  	_ =	shalt  }
0x3f: {  	_ =	shalt  }
0x40: {  	_ =	shalt  }
0x41: {  	_ =	shalt  }
0x42: {  	_ =	shalt  }
0x43: {  	_ =	shalt  }
0x44: {  	_ =	shalt  }
0x45: {  	_ =	shalt  }
0x46: {  	_ =	shalt  }
0x47: {  	_ =	shalt  }
0x48: {  	_ =	shalt  }
0x49: {  	_ =	shalt  }
0x4a: {  	_ =	shalt  }
0x4b: {  	_ =	shalt  }
0x4c: {  	_ =	shalt  }
0x4d: {  	_ =	shalt  }
0x4e: {  	_ =	shalt  }
0x4f: {  	_ =	shalt  }
0x50: {  	_ =	shalt  }
0x51: {  	_ =	shalt  }
0x52: {  	_ =	shalt  }
0x53: {  	_ =	shalt  }
0x54: {  	_ =	shalt  }
0x55: {  	_ =	shalt  }
0x56: {  	_ =	shalt  }
0x57: {  	_ =	shalt  }
0x58: {  	_ =	shalt  }
0x59: {  	_ =	shalt  }
0x5a: {  	_ =	shalt  }
0x5b: {  	_ =	shalt  }
0x5c: {  	_ =	shalt  }
0x5d: {  	_ =	shalt  }
0x5e: {  	_ =	shalt  }
0x5f: {  	_ =	shalt  }
0x60: {  	_ =	shalt  }
0x61: {  	_ =	shalt  }
0x62: {  	_ =	shalt  }
0x63: {  	_ =	shalt  }
0x64: {  	_ =	shalt  }
0x65: {  	_ =	shalt  }
0x66: {  	_ =	shalt  }
0x67: {  	_ =	shalt  }
0x68: {  	_ =	shalt  }
0x69: {  	_ =	shalt  }
0x6a: {  	_ =	shalt  }
0x6b: {  	_ =	shalt  }
0x6c: {  	_ =	shalt  }
0x6d: {  	_ =	shalt  }
0x6e: {  	_ =	shalt  }
0x6f: {  	_ =	shalt  }
0x70: {  	_ =	shalt  }
0x71: {  	_ =	shalt  }
0x72: {  	_ =	shalt  }
0x73: {  	_ =	shalt  }
0x74: {  	_ =	shalt  }
0x75: {  	_ =	shalt  }
0x76: {  	_ =	shalt  }
0x77: {  	_ =	shalt  }
0x78: {  	_ =	shalt  }
0x79: {  	_ =	shalt  }
0x7a: {  	_ =	shalt  }
0x7b: {  	_ =	shalt  }
0x7c: {  	_ =	shalt  }
0x7d: {  	_ =	shalt  }
0x7e: {  	_ =	shalt  }
0x7f: {  	_ =	shalt  }
0x80: {  	_ =	shalt  }
0x81: {  	_ =	shalt  }
0x82: {  	_ =	shalt  }
0x83: {  	_ =	shalt  }
0x84: {  	_ =	shalt  }
0x85: {  	_ =	shalt  }
0x86: {  	_ =	shalt  }
0x87: {  	_ =	shalt  }
.Lfunc_end0:
.L_simem_size_0:
called_computation.3_lowered:
.L_overlay_start_0:
0x88: {  	s2 =	sld [smem:$0x3FD9]  }
0x89: {  	s3 =	sld [smem:$0x3FFE];
	_ =	sdelay $0x1  }
0x8a: {  	s1 =	srdreg.scid  }
0x8b: {  	s0 =	sand.u32 $0x1, s1  }
0x8c: {  	s16 =	sshll.u32 s0, $0xA;
	s2 =	sadd.s32 s3, s2  }
0x8d: {  	s2 =	sadd.s32 s2, s16  }
0x8e: {  	[smem:$0x3FAD] =	sst s2  }
0x8f: {  	_ = 	snop  }
0x90: {  	(tm) =	ssettm $0x1  }
0x91: {  	s17 =	sld [smem:$0x3FFB];
	_ =	sdelay $0x3  }
0x92: {  	_ =	strace s17  }
0x93: {  	s2 =	sld [smem:$0x3FFC];
	_ =	sdelay $0x3  }
0x94: {  	_ =	strace s2  }
0x95: {  	s2 =	sld [smem:$0x3FFD];
	_ =	sdelay $0x3  }
0x96: {  	_ =	strace s2  }
0x97: {  	_ =	strace $0x8FFFFFFF  }
0x98: {  	s18 =	sld [smem:$0x3FDB];
	_ =	sdelay $0x1  }
0x99: {  	s19 =	simm.s32 $_scs_section_size  }
0x9a: {  	s4 =	simm.s32 $_size__tile_overlayer_lowered;
	s5 =	simm.s32 $_tile_overlayer_lowered  }
0x9b: {  	s22 =	simm.s32 $0x1BFF;
	s21 =	sshll.u32 s5, $0x1;
	s2 =	sadd.s32 s19, s18  }
0x9c: {  	s6 =	simm.s32 $0x0;
	s20 =	sshll.u32 s4, $0x1;
	s4 =	sadd.s32 s21, s2  }
0x9d: {  	[timem:s6], [sflag:s22] =	dma.local [hbm:s4], s20  }
0x9e: {  	_ =	swait.ge [sflag:s22], s20  }
0x9f: {  	s3 =	ssub.s32 $0x0, s20;
	[sflag:s22] =	ssyncset.done $0x0  }
0xa0: {  	[sflag:s22] =	ssyncadd.s32 s3;
	_ =	sdelay $0x1  }
0xa1: {  	s23 =	simm.s32 $0x1B8B  }
0xa2: {  	_ =	swait.ge [sflag:s23], $0x1  }
0xa3: {  	[sflag:s23] =	ssyncset.done $0x0  }
0xa4: {  	s25 =	simm.s32 $0x1B8E;
	s24 =	sld [smem:$0x3FFE];
	[sflag:s23] =	ssyncadd.s32 $0xFFFFFFFF  }
0xa5: {  	s26 =	simm.s32 $execute0_lowered;
	[smem:$0x3FD2] =	sst s25  }
0xa6: {  	s4 =	sshll.u32 s26, $0x1;
	_ =	strace $0x80000046;
	[dreg:$0x1] =	wrdreg $0xFFFFFFFF  }
0xa7: {  	s28 =	simm.s32 $_size_execute0_lowered;
	s2 =	sadd.s32 s2, s4;
	[dreg:$0x0] =	wrdreg $0x0  }
0xa8: {  	s4 =	sshll.u32 s28, $0x1;
	[dreg:$0x2] =	wrdreg s2  }
0xa9: {  	[dreg:$0x3] =	wrdreg s4  }
0xaa: {  	[dreg:$0x4] =	wrdreg $0xC0  }
0xab: {  	_ =	task [dreg:s6], $0x5FFFF  }
0xac: {  	[dreg:$0x1] =	wrdreg $0xFFFFFFFF  }
0xad: {  	[dreg:$0x0] =	wrdreg $0x60  }
0xae: {  	[dreg:$0x2] =	wrdreg s24  }
0xaf: {  	[dreg:$0x3] =	wrdreg $0xC  }
0xb0: {  	_ =	task.clear_ibuf [dreg:s6], $0x4FFFF;
	_ =	strace $0x90000046  }
0xb1: {  	s29 =	simm.s32 $0xC;
	_ =	strace $0x80000051  }
0xb2: {  	_ =	swait.ge [sflag:s29], $0x1  }
0xb3: {  	[sflag:s29] =	ssyncadd.s32 $0xFFFFFFFF  }
0xb4: {  	_ =	strace $0x90000051  }
0xb5: {  	_ =	sfence  }
0xb6: {  	s30 =	sld [smem:$0x0];
	_ =	sdelay $0x2  }
0xb7: {  	s31 =	sshll.u32 s1, $0xD;
	s1 =	sshrl.u32 s1, $0x2  }
0xb8: {  	s3 =	sand.u32 $0x4000, s31;
	s1 =	sadd.s32 s1, s30  }
0xb9: {  	s0 =	sor.u32 s3, s0;
	s1 =	sshll.u32 s1, $0x11  }
0xba: {  	s0 =	sor.u32 s1, s0  }
0xbb: {  	s0 =	sadd.s32 $0x8F2B, s0  }
0xbc: {  	[sflag:s0] =	ssyncadd.remote.s32 $0x1  }
0xbd: {  	_ =	sfence.sel $0xFFFF  }
0xbe: {  	[dreg:$0x0] =	wrdreg $0xFFFFFFFF;
	(pc) =	sbr.abs _section_cstart, $3  }
0xbf: {  	[dreg:$0x1] =	wrdreg $0xFFFFFFFF  }
0xc0: {  	_ =	task.clear_ibuf [dreg:s6], $0x2FFFF;
	_ =	strace $0x9FFFFFFF  }
0xc1: {  	(tm) =	ssettm $0x7FFFFFFF  }
tec
execute0_lowered:
.L_overlay_start_1:
0x0: {  	(tag) =	ssettag $0x1  }
0x1: {  	s0 =	rddreg [dreg:$0x0];
	s1 =	simm.s32 $0x0;
	s5 =	srdreg.scid  }
0x2: {  	s6 =	stileid.u32;
	[smem:$0x7FF] =	sst s1  }
0x3: {  	s2 =	sadd.s32 $0x5400, s0;
	s3 =	sadd.s32 $0x5C00, s0;
	s4 =	sadd.s32 $0x6400, s0  }
0x4: {  	s0 =	sadd.s32 $0x7000, s0;
	s29 =	sand.u32 $0x1, s5;
	_ =	strace $0x80000047  }
0x5: {  	[dreg:$0x2] =	wrdreg s4;
	s5 =	ssub.s32 $0x2, s29;
	s4 =	sshll.u32 s29, $0x4  }
0x6: {  	[dreg:$0x3] =	wrdreg s0;
	s30 =	sshrl.u32 s5, $0x1;
	s4 =	sor.u32 s6, s4  }
0x7: {  	s0 =	ssub.s32 s5, s30;
	s5 =	sshll.u32 s4, $0x2;
	s4 =	sshll.u32 s4, $0x6  }
0x8: {  	s31 =	sadd.s32 s2, s4  }
0x9: {  	s4 =	sadd.s32 s3, s4;
	[dreg:$0x4] =	wrdreg s31  }
0xa: {  	s9 =	simm.s32 $0x80;
	s0 =	smax.u32 s0, $0x1;
	[dreg:$0x5] =	wrdreg s4  }
0xb: {  	s11 =	simm.s32 $0x7;
	[dreg:$0x6] =	wrdreg s0;
	s4 =	simm.s32 $0x0  }
.LBB2_1:
0xc: {  	[dreg:$0x7] =	wrdreg s4;
	s15 =	simm.s32 $0x1;
	p0 =	por $0x0, $0x0  }
0xd: {  	p1 =	por $0x0, $0x0;
	_ =	strace $0x80000048;
	s15 =	simm.s32 @p0 $0x0  }
0xe: {  	s0 =	rddreg [dreg:$0x4];
	p2 =	seq.s32 @!p1 s15, $0x0  }
0xf: {  	[tilespmem:s9], [sflag:$0x1] =	stream.linear.gather [hbm4b:s0+s1], $0x80, $0x200038;
	[tilespmem:$0x8280] =	vst v63  }
0x10: {  	s21 =	simm.s32 $0x180;
	s13 =	simm.s32 $0x1;
	p0 =	por p2, p1  }
0x11: {  	s20 =	rddreg [dreg:$0x5];
	s0 =	sadd.s32 @!p0 s5, s15;
	s4 =	sand.u32 @!p0 $0x1, s13  }
0x12: {  	[tilespmem:s21], [sflag:$0x3] =	stream.linear.gather [hbm4b:s20+s1], $0x80, $0x200038;
	[tilespmem:$0x8280] =	vst v63  }
0x13: {  	s12 =	simm.s32 @!p0 $0x0;
	s0 =	sshll.u32 @!p0 s0, $0x4;
	s6 =	sshll.u32 @!p0 s4, $0x7  }
0x14: {  	s7 =	sadd.s32 @!p0 $0x1, s4;
	_ =	strace $0x90000048;
	s0 =	sand.u32 @!p0 $0x1FFFFFF0, s0  }
0x15: {  	s10 =	sadd.s32 @!p0 $0x80, s6;
	s8 =	sadd.s32 @!p0 s2, s0;
	_ =	strace @!p0 $0x80000049  }
0x16: {  	[tilespmem:s10], [sflag:s7] =	stream.linear.gather @!p0 [hbm4b:s8+s12], $0x80, $0x200038;
	[tilespmem:$0x8280] =	vst v63  }
0x17: {  	s4 =	sadd.s32 @!p0 $0x3, s4;
	_ =	strace @!p0 $0x90000049  }
0x18: {  	s6 =	sadd.s32 @!p0 $0x180, s6;
	s0 =	sadd.s32 @!p0 s3, s0;
	_ =	strace @!p0 $0x8000004A  }
0x19: {  	[tilespmem:s6], [sflag:s4] =	stream.linear.gather @!p0 [hbm4b:s0+s12], $0x80, $0x200038;
	[tilespmem:$0x8280] =	vst v63  }
0x1a: {  	s19 =	sand.u32 $0x1, s1;
	_ =	strace @!p0 $0x9000004A  }
0x1b: {  	s22 =	sadd.s32 $0x1, s19;
	_ =	strace $0x8000004B  }
0x1c: {  	_ =	swait.ge [sflag:s22], $0x80  }
0x1d: {  	[sflag:s22] =	ssyncset.done $0x0  }
0x1e: {  	[sflag:s22] =	ssyncadd.s32 $0xFFFFFF80  }
0x1f: {  	_ =	strace $0x9000004B  }
0x20: {  	s23 =	sadd.s32 $0x3, s19;
	_ =	strace $0x8000004C  }
0x21: {  	_ =	swait.ge [sflag:s23], $0x80  }
0x22: {  	[sflag:s23] =	ssyncset.done $0x0  }
0x23: {  	[sflag:s23] =	ssyncadd.s32 $0xFFFFFF80  }
0x24: {  	s24 =	simm.s32 $0x0;
	_ =	strace $0x9000004C  }
0x25: {  	s0 =	sand.u32 $0x80, s24;
	_ =	strace $0x8000004D  }
0x26: {  	v0 =	vld [tilespmem:s0+$0x80];
	_ =	sdelay $0x1  }
0x27: {  	v1 =	vld [tilespmem:s0+$0x180];
	_ =	sdelay $0x2  }
0x28: {  	v0 =	vmul.u32 $0x9, v0;
	_ =	sdelay $0x1  }
0x29: {  	v0 =	vadd.s32 v1, v0  }
0x2a: {  	[tilespmem:$0x0] =	vst v0  }
0x2b: {  	v0 =	vld [tilespmem:s0+$0x90];
	_ =	sdelay $0x1  }
0x2c: {  	v57 =	vld [tilespmem:s0+$0x190];
	_ =	sdelay $0x2  }
0x2d: {  	v0 =	vmul.u32 $0x9, v0;
	_ =	sdelay $0x1  }
0x2e: {  	v0 =	vadd.s32 v57, v0  }
0x2f: {  	[tilespmem:$0x10] =	vst v0  }
0x30: {  	v0 =	vld [tilespmem:s0+$0xA0];
	_ =	sdelay $0x1  }
0x31: {  	v58 =	vld [tilespmem:s0+$0x1A0];
	_ =	sdelay $0x2  }
0x32: {  	v0 =	vmul.u32 $0x9, v0;
	_ =	sdelay $0x1  }
0x33: {  	v0 =	vadd.s32 v58, v0  }
0x34: {  	[tilespmem:$0x20] =	vst v0  }
0x35: {  	v0 =	vld [tilespmem:s0+$0xB0];
	_ =	sdelay $0x1  }
0x36: {  	v59 =	vld [tilespmem:s0+$0x1B0];
	_ =	sdelay $0x2  }
0x37: {  	v0 =	vmul.u32 $0x9, v0;
	_ =	sdelay $0x1  }
0x38: {  	v0 =	vadd.s32 v59, v0  }
0x39: {  	[tilespmem:$0x30] =	vst v0  }
0x3a: {  	v0 =	vld [tilespmem:s0+$0xC0];
	_ =	sdelay $0x1  }
0x3b: {  	v60 =	vld [tilespmem:s0+$0x1C0];
	_ =	sdelay $0x2  }
0x3c: {  	v0 =	vmul.u32 $0x9, v0;
	_ =	sdelay $0x1  }
0x3d: {  	v0 =	vadd.s32 v60, v0  }
0x3e: {  	[tilespmem:$0x40] =	vst v0  }
0x3f: {  	v0 =	vld [tilespmem:s0+$0xD0];
	_ =	sdelay $0x1  }
0x40: {  	v61 =	vld [tilespmem:s0+$0x1D0];
	_ =	sdelay $0x2  }
0x41: {  	v0 =	vmul.u32 $0x9, v0;
	_ =	sdelay $0x1  }
0x42: {  	v0 =	vadd.s32 v61, v0  }
0x43: {  	[tilespmem:$0x50] =	vst v0  }
0x44: {  	v0 =	vld [tilespmem:s0+$0xE0];
	_ =	sdelay $0x1  }
0x45: {  	v62 =	vld [tilespmem:s0+$0x1E0];
	_ =	sdelay $0x2  }
0x46: {  	v0 =	vmul.u32 $0x9, v0  }
0x47: {  	p3 =	sne.s32 s15, $0x0  }
0x48: {  	s28 =	simm.s32 $0x1;
	p4 =	por p1, p3;
	v0 =	vadd.s32 v62, v0  }
0x49: {  	s31 =	simm.s32 $0x1;
	s26 =	sshll.u32 s19, $0xE;
	s28 =	simm.s32 @!p4 $0x0;
	[tilespmem:$0x60] =	vst v0  }
0x4a: {  	s16 =	simm.s32 $0x3;
	s30 =	sor.u32 $0x280, s26;
	s21 =	sadd.s32 $0x0, s28;
	v0 =	vld [tilespmem:s0+$0xF0]  }
0x4b: {  	s18 =	sadd.s32 $0x1, s15;
	p2 =	por !p2, p1;
	s29 =	sand.u32 $0x1, s21  }
0x4c: {  	s10 =	sadd.s32 @p4 $0x5, s19;
	s19 =	smov.u32 s21;
	s4 =	simm.s32 @!p0 $0x2;
	v63 =	vld [tilespmem:s0+$0x1F0]  }
0x4d: {  	s6 =	simm.s32 $0x0;
	s12 =	simm.s32 @p4 $0x0;
	s31 =	smov.u32 @p2 s4  }
0x4e: {  	s6 =	simm.s32 @p2 $0x1;
	s4 =	sadd.s32 $0x0, s5;
	p2 =	por $0x1, $0x1  }
0x4f: {  	p0 =	por $0x0, $0x0;
	s31 =	smov.u32 @p1 s13;
	s6 =	simm.s32 @p1 $0x0;
	v0 =	vmul.u32 $0x9, v0  }
0x50: {  	p1 =	por $0x0, $0x0;
	s20 =	sadd.s32 $0x1, s6;
	s6 =	simm.s32 $0x1  }
0x51: {  	s4 =	sshll.u32 @p4 s4, $0xB;
	s6 =	simm.s32 @!p1 $0x0;
	p1 =	seq.s32 s18, $0x4;
	v0 =	vadd.s32 v63, v0  }
0x52: {  	s24 =	smov.u32 s31;
	s18 =	simm.s32 @p1 $0x0;
	s25 =	rddreg [dreg:$0x2];
	[tilespmem:$0x70] =	vst v0  }
0x53: {  	[tilespmem:s30], [sflag:$0x7] =	stream.indirect.gather [hbm4b:s25+s9], $0x80, s1, s9, $0x2000b8;
	[tilespmem:$0x8280] =	vst v63  }
0x54: {  	s22 =	simm.s32 $0x2;
	p1 =	seq.s32 @!p0 s15, s18;
	_ =	swait.ge [sflag:s11], $0x4000  }
0x55: {  	s17 =	sadd.s32 $0x0, s6;
	p3 =	por p1, p0;
	[sflag:s11] =	ssyncset.done $0x0  }
0x56: {  	p5 =	por !p1, p0;
	s7 =	sadd.s32 @!p3 s5, s18;
	[sflag:s11] =	ssyncadd.s32 $0xFFFFC000  }
0x57: {  	s26 =	sand.u32 @!p3 $0x1, s31;
	s8 =	sshll.u32 @!p3 s7, $0x4;
	_ =	strace $0x9000004D  }
0x58: {  	s7 =	sand.u32 @!p2 $0x1, s1;
	s23 =	simm.s32 $0x0;
	_ =	strace @p4 $0x8000004E  }
0x59: {  	s0 =	sand.u32 @p4 $0x1FFFF800, s4;
	s4 =	sshll.u32 @!p3 s26, $0x7;
	s6 =	rddreg [dreg:$0x3]  }
.LBB2_2:
0x5a: {  	s0 =	sadd.s32 @p4 s6, s0  }
0x5b: {  	[hbm4b:s0+s12] =	stream.linear.scatter @p4 [tilespmem:s30], [sflag:s10], $0x4000, $0x200038;
	[tilespmem:$0x8280] =	vst v63  }
0x5c: {  	_ =	strace @p4 $0x9000004E  }
0x5d: {  	s6 =	sadd.s32 @!p2 $0x5, s7;
	_ =	strace @!p2 $0x8000004F  }
0x5e: {  	_ =	swait.ge @!p2 [sflag:s6], $0x4000  }
0x5f: {  	[sflag:s6] =	ssyncset.done @!p2 $0x0  }
0x60: {  	s13 =	sadd.s32 @!p3 $0x1, s26;
	s8 =	sand.u32 @!p3 $0x1FFFFFF0, s8;
	[sflag:s6] =	ssyncadd.s32 @!p2 $0xFFFFC000  }
0x61: {  	s4 =	sadd.s32 @!p3 $0x80, s4;
	s14 =	sadd.s32 @!p3 s2, s8;
	_ =	strace @!p2 $0x9000004F  }
0x62: {  	s0 =	sand.u32 @!p3 $0x1, s20;
	s6 =	simm.s32 @!p3 $0x0;
	_ =	strace @!p3 $0x80000049  }
0x63: {  	[tilespmem:s4], [sflag:s13] =	stream.linear.gather @!p3 [hbm4b:s14+s6], $0x80, $0x200038;
	[tilespmem:$0x8280] =	vst v63  }
0x64: {  	s7 =	sadd.s32 @!p3 s3, s8;
	s8 =	sshll.u32 @!p3 s0, $0x7;
	_ =	strace @!p3 $0x90000049  }
0x65: {  	s0 =	sadd.s32 @!p3 $0x3, s0;
	s8 =	sadd.s32 @!p3 $0x180, s8;
	_ =	strace @!p3 $0x8000004A  }
0x66: {  	[tilespmem:s8], [sflag:s0] =	stream.linear.gather @!p3 [hbm4b:s7+s6], $0x80, $0x200038;
	[tilespmem:$0x8280] =	vst v63  }
0x67: {  	_ =	strace @!p3 $0x9000004A  }
0x68: {  	s8 =	sadd.s32 $0x1, s29;
	_ =	strace $0x8000004B  }
0x69: {  	_ =	swait.ge [sflag:s8], $0x80  }
0x6a: {  	[sflag:s8] =	ssyncset.done $0x0  }
0x6b: {  	s23 =	sadd.s32 s28, s23;
	[sflag:s8] =	ssyncadd.s32 $0xFFFFFF80  }
0x6c: {  	s14 =	sand.u32 $0x1, s23;
	_ =	strace $0x9000004B  }
0x6d: {  	s10 =	sadd.s32 @!p3 $0x1, s31;
	s7 =	sadd.s32 $0x3, s14;
	_ =	strace $0x8000004C  }
0x6e: {  	s24 =	smov.u32 @p5 s10;
	s10 =	simm.s32 $0x0;
	_ =	swait.ge [sflag:s7], $0x80  }
0x6f: {  	s10 =	simm.s32 @p5 $0x1;
	[sflag:s7] =	ssyncset.done $0x0  }
0x70: {  	s10 =	simm.s32 @p0 $0x0;
	[sflag:s7] =	ssyncadd.s32 $0xFFFFFF80  }
0x71: {  	s20 =	sadd.s32 s20, s10;
	s10 =	sshll.u32 s21, $0x7;
	_ =	strace $0x9000004C  }
0x72: {  	s28 =	sand.u32 $0x80, s10;
	_ =	strace $0x8000004D  }
0x73: {  	s12 =	sshll.u32 s23, $0x7;
	v0 =	vld [tilespmem:s28+$0x80]  }
0x74: {  	s29 =	sand.u32 $0x80, s12  }
0x75: {  	v1 =	vld [tilespmem:s29+$0x180];
	_ =	sdelay $0x2  }
0x76: {  	v0 =	vmul.u32 $0x9, v0;
	_ =	sdelay $0x1  }
0x77: {  	v0 =	vadd.s32 v1, v0  }
0x78: {  	[tilespmem:$0x0] =	vst v0  }
0x79: {  	v0 =	vld [tilespmem:s28+$0x90];
	_ =	sdelay $0x1  }
0x7a: {  	v57 =	vld [tilespmem:s29+$0x190];
	_ =	sdelay $0x2  }
0x7b: {  	v0 =	vmul.u32 $0x9, v0;
	_ =	sdelay $0x1  }
0x7c: {  	v0 =	vadd.s32 v57, v0  }
0x7d: {  	[tilespmem:$0x10] =	vst v0  }
0x7e: {  	v0 =	vld [tilespmem:s28+$0xA0];
	_ =	sdelay $0x1  }
0x7f: {  	v58 =	vld [tilespmem:s29+$0x1A0];
	_ =	sdelay $0x2  }
0x80: {  	v0 =	vmul.u32 $0x9, v0;
	_ =	sdelay $0x1  }
0x81: {  	v0 =	vadd.s32 v58, v0  }
0x82: {  	[tilespmem:$0x20] =	vst v0  }
0x83: {  	v0 =	vld [tilespmem:s28+$0xB0];
	_ =	sdelay $0x1  }
0x84: {  	v59 =	vld [tilespmem:s29+$0x1B0];
	_ =	sdelay $0x2  }
0x85: {  	v0 =	vmul.u32 $0x9, v0;
	_ =	sdelay $0x1  }
0x86: {  	v0 =	vadd.s32 v59, v0  }
0x87: {  	[tilespmem:$0x30] =	vst v0  }
0x88: {  	v0 =	vld [tilespmem:s28+$0xC0];
	_ =	sdelay $0x1  }
0x89: {  	v60 =	vld [tilespmem:s29+$0x1C0];
	_ =	sdelay $0x2  }
0x8a: {  	v0 =	vmul.u32 $0x9, v0;
	_ =	sdelay $0x1  }
0x8b: {  	v0 =	vadd.s32 v60, v0  }
0x8c: {  	[tilespmem:$0x40] =	vst v0  }
0x8d: {  	v0 =	vld [tilespmem:s28+$0xD0];
	_ =	sdelay $0x1  }
0x8e: {  	v61 =	vld [tilespmem:s29+$0x1D0];
	_ =	sdelay $0x2  }
0x8f: {  	v0 =	vmul.u32 $0x9, v0;
	_ =	sdelay $0x1  }
0x90: {  	v0 =	vadd.s32 v61, v0  }
0x91: {  	[tilespmem:$0x50] =	vst v0  }
0x92: {  	v0 =	vld [tilespmem:s28+$0xE0];
	_ =	sdelay $0x1  }
0x93: {  	v62 =	vld [tilespmem:s29+$0x1E0];
	_ =	sdelay $0x2  }
0x94: {  	v0 =	vmul.u32 $0x9, v0;
	_ =	sdelay $0x1  }
0x95: {  	v0 =	vadd.s32 v62, v0  }
0x96: {  	s26 =	smov.u32 s16;
	s16 =	smov.u32 s22;
	s22 =	sadd.s32 $0xFFFFFFFF, s22;
	[tilespmem:$0x60] =	vst v0  }
0x97: {  	s25 =	smov.u32 s17;
	p6 =	sne.s32 s15, s18;
	p1 =	sne.s32 s22, $0x0;
	v63 =	vld [tilespmem:s28+$0xF0]  }
0x98: {  	p4 =	por p0, p6;
	s24 =	smov.u32 @p0 s31;
	p0 =	seq.s32 s16, $0x1  }
0x99: {  	s31 =	smov.u32 s24;
	p2 =	seq.s32 s26, $0x4;
	s4 =	sand.u32 $0x1, s19;
	v0 =	vld [tilespmem:s29+$0x1F0]  }
0x9a: {  	s10 =	sadd.s32 @p4 $0x5, s4;
	s0 =	sadd.s32 s5, s15;
	s15 =	smov.u32 s18  }
0x9b: {  	s18 =	sadd.s32 $0x1, s18;
	p3 =	sne.s32 s26, $0x4;
	s7 =	simm.s32 $0x1  }
0x9c: {  	s14 =	sshll.u32 s4, $0xE;
	s7 =	simm.s32 @!p3 $0x0;
	p3 =	seq.s32 s18, $0x4;
	v1 =	vmul.u32 $0x9, v63  }
0x9d: {  	s12 =	simm.s32 @p4 $0x0;
	s0 =	sshll.u32 @p4 s0, $0xB;
	s18 =	simm.s32 @p3 $0x0  }
0x9e: {  	s30 =	sor.u32 $0x280, s14;
	s0 =	sand.u32 @p4 $0x1FFFF800, s0;
	p5 =	seq.s32 @!p0 s15, s18;
	v0 =	vadd.s32 v0, v1  }
0x9f: {  	s17 =	sadd.s32 s7, s17;
	s13 =	rddreg [dreg:$0x2];
	p3 =	por p5, p0;
	[tilespmem:$0x70] =	vst v0  }
0xa0: {  	[tilespmem:s30], [sflag:$0x7] =	stream.indirect.gather [hbm4b:s13+s9], $0x80, s1, s9, $0x2000b8;
	[tilespmem:$0x8280] =	vst v63  }
0xa1: {  	p5 =	por !p5, p0;
	s7 =	sadd.s32 @!p3 s5, s18;
	_ =	swait.ge [sflag:s11], $0x4000  }
.Ltmp0:
0xa2: {  	s26 =	sand.u32 @!p3 $0x1, s24;
	[sflag:s11] =	ssyncset.done $0x0;
	(pc) =	sbr.rel @p1 .LBB2_2-.Ltmp0, $4  }
0xa3: {  	s4 =	sshll.u32 @!p3 s26, $0x7;
	s28 =	simm.s32 $0x1;
	[sflag:s11] =	ssyncadd.s32 $0xFFFFC000  }
0xa4: {  	s8 =	sshll.u32 @!p3 s7, $0x4;
	s28 =	simm.s32 @!p4 $0x0;
	_ =	strace $0x9000004D  }
0xa5: {  	s7 =	sand.u32 @!p2 $0x1, s25;
	s21 =	sadd.s32 s28, s21;
	_ =	strace @p4 $0x8000004E  }
0xa6: {  	s19 =	sadd.s32 s28, s19;
	s29 =	sand.u32 $0x1, s21;
	s6 =	rddreg [dreg:$0x3]  }
0xa7: {  	s0 =	sadd.s32 @p4 s6, s0  }
0xa8: {  	[hbm4b:s0+s12] =	stream.linear.scatter @p4 [tilespmem:s30], [sflag:s10], $0x4000, $0x200038;
	[tilespmem:$0x8280] =	vst v63  }
0xa9: {  	_ =	strace @p4 $0x9000004E  }
0xaa: {  	s0 =	sadd.s32 @!p2 $0x5, s7;
	_ =	strace @!p2 $0x8000004F  }
0xab: {  	_ =	swait.ge @!p2 [sflag:s0], $0x4000  }
0xac: {  	[sflag:s0] =	ssyncset.done @!p2 $0x0  }
0xad: {  	s6 =	sand.u32 @!p3 $0x1FFFFFF0, s8;
	[sflag:s0] =	ssyncadd.s32 @!p2 $0xFFFFC000  }
0xae: {  	s4 =	sadd.s32 @!p3 $0x80, s4;
	s8 =	simm.s32 @!p3 $0x0;
	_ =	strace @!p2 $0x9000004F  }
0xaf: {  	s7 =	sadd.s32 @!p3 s2, s6;
	s0 =	sadd.s32 @!p3 $0x1, s26;
	_ =	strace @!p3 $0x80000049  }
0xb0: {  	[tilespmem:s4], [sflag:s0] =	stream.linear.gather @!p3 [hbm4b:s7+s8], $0x80, $0x200038;
	[tilespmem:$0x8280] =	vst v63  }
0xb1: {  	s0 =	sand.u32 @!p3 $0x1, s20  }
0xb2: {  	s4 =	sadd.s32 @!p3 s3, s6;
	s6 =	sshll.u32 @!p3 s0, $0x7;
	_ =	strace @!p3 $0x90000049  }
0xb3: {  	s0 =	sadd.s32 @!p3 $0x3, s0;
	s6 =	sadd.s32 @!p3 $0x180, s6;
	_ =	strace @!p3 $0x8000004A  }
0xb4: {  	[tilespmem:s6], [sflag:s0] =	stream.linear.gather @!p3 [hbm4b:s4+s8], $0x80, $0x200038;
	[tilespmem:$0x8280] =	vst v63  }
0xb5: {  	_ =	strace @!p3 $0x9000004A  }
0xb6: {  	s22 =	sadd.s32 $0x1, s29;
	_ =	strace $0x8000004B  }
0xb7: {  	_ =	swait.ge [sflag:s22], $0x80  }
0xb8: {  	[sflag:s22] =	ssyncset.done $0x0  }
0xb9: {  	s23 =	sadd.s32 s28, s23;
	[sflag:s22] =	ssyncadd.s32 $0xFFFFFF80  }
0xba: {  	s24 =	sand.u32 $0x1, s23;
	_ =	strace $0x9000004B  }
0xbb: {  	s0 =	sadd.s32 $0x3, s24;
	_ =	strace $0x8000004C  }
0xbc: {  	_ =	swait.ge [sflag:s0], $0x80  }
0xbd: {  	[sflag:s0] =	ssyncset.done $0x0  }
0xbe: {  	[sflag:s0] =	ssyncadd.s32 $0xFFFFFF80  }
0xbf: {  	s25 =	sshll.u32 s21, $0x7;
	_ =	strace $0x9000004C  }
0xc0: {  	s0 =	sand.u32 $0x80, s25;
	_ =	strace $0x8000004D  }
0xc1: {  	s4 =	sshll.u32 s23, $0x7;
	v0 =	vld [tilespmem:s0+$0x80]  }
0xc2: {  	s4 =	sand.u32 $0x80, s4  }
0xc3: {  	v1 =	vld [tilespmem:s4+$0x180];
	_ =	sdelay $0x2  }
0xc4: {  	v0 =	vmul.u32 $0x9, v0;
	_ =	sdelay $0x1  }
0xc5: {  	v0 =	vadd.s32 v1, v0  }
0xc6: {  	[tilespmem:$0x0] =	vst v0  }
0xc7: {  	v0 =	vld [tilespmem:s0+$0x90];
	_ =	sdelay $0x1  }
0xc8: {  	v57 =	vld [tilespmem:s4+$0x190];
	_ =	sdelay $0x2  }
0xc9: {  	v0 =	vmul.u32 $0x9, v0;
	_ =	sdelay $0x1  }
0xca: {  	v0 =	vadd.s32 v57, v0  }
0xcb: {  	[tilespmem:$0x10] =	vst v0  }
0xcc: {  	v0 =	vld [tilespmem:s0+$0xA0];
	_ =	sdelay $0x1  }
0xcd: {  	v58 =	vld [tilespmem:s4+$0x1A0];
	_ =	sdelay $0x2  }
0xce: {  	v0 =	vmul.u32 $0x9, v0;
	_ =	sdelay $0x1  }
0xcf: {  	v0 =	vadd.s32 v58, v0  }
0xd0: {  	[tilespmem:$0x20] =	vst v0  }
0xd1: {  	v0 =	vld [tilespmem:s0+$0xB0];
	_ =	sdelay $0x1  }
0xd2: {  	v59 =	vld [tilespmem:s4+$0x1B0];
	_ =	sdelay $0x2  }
0xd3: {  	v0 =	vmul.u32 $0x9, v0;
	_ =	sdelay $0x1  }
0xd4: {  	v0 =	vadd.s32 v59, v0  }
0xd5: {  	[tilespmem:$0x30] =	vst v0  }
0xd6: {  	v0 =	vld [tilespmem:s0+$0xC0];
	_ =	sdelay $0x1  }
0xd7: {  	v60 =	vld [tilespmem:s4+$0x1C0];
	_ =	sdelay $0x2  }
0xd8: {  	v0 =	vmul.u32 $0x9, v0;
	_ =	sdelay $0x1  }
0xd9: {  	v0 =	vadd.s32 v60, v0  }
0xda: {  	[tilespmem:$0x40] =	vst v0  }
0xdb: {  	v0 =	vld [tilespmem:s0+$0xD0];
	_ =	sdelay $0x1  }
0xdc: {  	v61 =	vld [tilespmem:s4+$0x1D0];
	_ =	sdelay $0x2  }
0xdd: {  	v0 =	vmul.u32 $0x9, v0;
	_ =	sdelay $0x1  }
0xde: {  	v0 =	vadd.s32 v61, v0  }
0xdf: {  	[tilespmem:$0x50] =	vst v0  }
0xe0: {  	v0 =	vld [tilespmem:s0+$0xE0];
	_ =	sdelay $0x1  }
0xe1: {  	v62 =	vld [tilespmem:s4+$0x1E0];
	_ =	sdelay $0x2  }
0xe2: {  	v0 =	vmul.u32 $0x9, v0;
	_ =	sdelay $0x1  }
0xe3: {  	v0 =	vadd.s32 v62, v0  }
0xe4: {  	[tilespmem:$0x60] =	vst v0  }
0xe5: {  	v0 =	vld [tilespmem:s0+$0xF0];
	_ =	sdelay $0x1  }
0xe6: {  	v63 =	vld [tilespmem:s4+$0x1F0];
	_ =	sdelay $0x2  }
0xe7: {  	v0 =	vmul.u32 $0x9, v0  }
0xe8: {  	s0 =	sand.u32 $0x1, s19  }
0xe9: {  	s28 =	sshll.u32 s0, $0xE;
	v0 =	vadd.s32 v63, v0  }
0xea: {  	s26 =	rddreg [dreg:$0x2];
	s6 =	sor.u32 $0x280, s28;
	[tilespmem:$0x70] =	vst v0  }
0xeb: {  	[tilespmem:s6], [sflag:$0x7] =	stream.indirect.gather [hbm4b:s26+s9], $0x80, s1, s9, $0x2000b8;
	[tilespmem:$0x8280] =	vst v63  }
0xec: {  	_ =	swait.ge [sflag:s11], $0x4000  }
0xed: {  	[sflag:s11] =	ssyncset.done $0x0  }
0xee: {  	p1 =	sne.s32 s15, s18;
	[sflag:s11] =	ssyncadd.s32 $0xFFFFC000  }
0xef: {  	p0 =	por p0, p1;
	s4 =	sadd.s32 s5, s15;
	_ =	strace $0x9000004D  }
0xf0: {  	s4 =	sshll.u32 @p0 s4, $0xB;
	_ =	strace @p0 $0x8000004E  }
0xf1: {  	p1 =	seq.s32 s16, $0x4;
	s4 =	sand.u32 @p0 $0x1FFFF800, s4;
	s7 =	rddreg [dreg:$0x3]  }
0xf2: {  	s0 =	sadd.s32 @p0 $0x5, s0;
	s4 =	sadd.s32 @p0 s7, s4;
	s7 =	simm.s32 @p0 $0x0  }
0xf3: {  	[hbm4b:s4+s7] =	stream.linear.scatter @p0 [tilespmem:s6], [sflag:s0], $0x4000, $0x200038;
	[tilespmem:$0x8280] =	vst v63  }
0xf4: {  	s0 =	sand.u32 @!p1 $0x1, s17;
	_ =	strace @p0 $0x9000004E  }
0xf5: {  	s0 =	sadd.s32 @!p1 $0x5, s0;
	_ =	strace @!p1 $0x8000004F  }
0xf6: {  	_ =	swait.ge @!p1 [sflag:s0], $0x4000  }
0xf7: {  	[sflag:s0] =	ssyncset.done @!p1 $0x0  }
0xf8: {  	[sflag:s0] =	ssyncadd.s32 @!p1 $0xFFFFC000  }
0xf9: {  	_ =	strace @!p1 $0x9000004F  }
0xfa: {  	s29 =	simm.s32 $0x6;
	_ =	strace $0x80000050  }
0xfb: {  	_ =	swait.ge [sflag:s29], $0x4000  }
0xfc: {  	s30 =	rddreg [dreg:$0x7]  }
0xfd: {  	s31 =	rddreg [dreg:$0x6];
	s4 =	sadd.s32 $0x1, s30  }
0xfe: {  	p0 =	sne.s32 s4, s31  }
.Ltmp1:
0xff: {  	_ = 	snop;
	(pc) =	sbr.rel @p0 .LBB2_1-.Ltmp1, $4  }
0x100: {  	_ = 	snop  }
0x101: {  	[sflag:s29] =	ssyncset.done $0x0  }
0x102: {  	[sflag:s29] =	ssyncadd.s32 $0xFFFFC000  }
0x103: {  	_ =	strace $0x90000050  }
0x104: {  	_ =	sfence.sel $0x180000  }
0x105: {  	[bflag:$0x0] =	sbarrier.arrive $0xFFFF  }
0x106: {  	_ =	strace $0x90000047  }
0x107: {  	s0 =	stileid.u32;
	[bflag:$0x2] =	sbarrier.arrive $0xFFFF  }
0x108: {  	p0 =	sne.s32 s0, $0x0;
	s0 =	rddreg [dreg:$0x1]  }
0x109: {  	s0 =	sadd.s32 @!p0 $0x100000, s0  }
0x10a: {  	[sflag:s0] =	ssyncadd.tile.s32 @!p0 $0x1;
	_ =	shalt  }
.Lfunc_end2:
_tile_overlayer_lowered:
.L_overlay_start_2:
0x10b: {  	(tag) =	ssettag $0x2  }
0x10c: {  	s0 =	rddreg [dreg:$0x0];
	s2 =	stileid.u32  }
0x10d: {  	s1 =	rddreg [dreg:$0x1];
	p0 =	sne.s32 s2, $0x0  }
0x10e: {  	s3 =	rddreg [dreg:$0x2];
	[bflag:$0x3] =	sbarrier.arrive $0xFFFF;
	s2 =	simm.s32 @!p0 $0x1C01  }
0x10f: {  	[timem:s3], [sflag:s2] =	dma.local @!p0 [hbm:s0], s1  }
0x110: {  	s0 =	simm.s32 @!p0 $0x1  }
0x111: {  	_ =	swait.ge @!p0 [sflag:s0], s1  }
0x112: {  	s1 =	ssub.s32 @!p0 $0x0, s1;
	[sflag:s0] =	ssyncset.done @!p0 $0x0  }
0x113: {  	[sflag:s0] =	ssyncadd.s32 @!p0 s1  }
0x114: {  	[bflag:$0x3] =	sbarrier.arrive $0xFFFF  }
0x115: {  	_ =	shalt  }

</sc_bundles>
